<compile_context>
chip_gen: v7x
topology: tpu7x:2x2x1
jax: 0.10.2.dev20260603
libtpu: 0.0.44.dev20260713+nightly
codegen_flags: <defaults>
</compile_context>

<pallas_src>
import functools

import jax
import jax.numpy as jnp
from jax import lax
from jax.experimental import pallas as pl
from jax.experimental.pallas import tpu as pltpu
from jax.experimental.pallas import tpu_sc as plsc

N = 10000
E = 320000
DF = 128
H = 32
NG = 256
K = 60
NCLS = 4
DP = 128

NC, NS = 2, 16
NW = NC * NS
ECH = 80
EPW = 10240
ENCH = EPW // ECH
EPAD = NW * EPW
PCH = 80
NACC = 10112
NPR = NACC // NS
NPW = 320
NPAD = NW * NPW
SLOTS = NG * K
DUMP = SLOTS
SLOTS_PAD = 16000
NB = 5000
BI = 256
NBLK = 40
CJ = 512
GB = 64

_mesh = plsc.VectorSubcoreMesh(core_axis_name="c", subcore_axis_name="s")
_sc_params = pltpu.CompilerParams(use_tc_tiling_on_sc=False)


def _sc_counts(dstw):

    @functools.partial(
        pl.kernel, mesh=_mesh, compiler_params=_sc_params,
        out_type=jax.ShapeDtypeStruct((NC, NACC, 16), jnp.float32),
        scratch_types=[
            pltpu.VMEM((ENCH, ECH), jnp.int32),
            pltpu.VMEM((ECH, 16), jnp.float32),
            pltpu.VMEM((NPR, 16), jnp.float32),
            pltpu.VMEM_SHARED((NACC, 16), jnp.float32),
        ])
    def k(dst_hbm, out_hbm, dst_v, ones_v, zero_v, acc_sh):
        c = lax.axis_index("c")
        s = lax.axis_index("s")
        wid = c * NS + s
        pltpu.sync_copy(dst_hbm.at[wid], dst_v)
        z16 = jnp.zeros((16,), jnp.float32)
        o16 = jnp.full((16,), 1.0, jnp.float32)

        @pl.loop(0, ECH)
        def _(i):
            ones_v[i, pl.ds(0, 16)] = o16

        @pl.loop(0, NPR)
        def _(i):
            zero_v[i, pl.ds(0, 16)] = z16

        pltpu.sync_copy(zero_v, acc_sh.at[pl.ds(s * NPR, NPR)])
        plsc.subcore_barrier()

        @pl.loop(0, ENCH)
        def _(j):
            pltpu.sync_copy(ones_v, acc_sh.at[dst_v.at[j]], add=True)

        plsc.subcore_barrier()
        pltpu.sync_copy(acc_sh.at[pl.ds(s * NPR, NPR)],
                        out_hbm.at[c, pl.ds(s * NPR, NPR)])

    return k(dstw)


def _sc_agg(m, srcw, dstw, w):

    @functools.partial(
        pl.kernel, mesh=_mesh, compiler_params=_sc_params,
        out_type=jax.ShapeDtypeStruct((NC, NACC, w), jnp.float32),
        scratch_types=[
            pltpu.VMEM((ENCH, ECH), jnp.int32),
            pltpu.VMEM((ENCH, ECH), jnp.int32),
            pltpu.VMEM((ECH, w), jnp.float32),
            pltpu.VMEM((ECH, w), jnp.float32),
            pltpu.VMEM((ECH, w), jnp.float32),
            pltpu.VMEM((ECH, w), jnp.float32),
            pltpu.VMEM((NPR, w), jnp.float32),
            pltpu.VMEM_SHARED((NACC, w), jnp.float32),
            pltpu.VMEM_SHARED((N, w), jnp.float32),
            pltpu.SemaphoreType.DMA,
            pltpu.SemaphoreType.DMA,
            pltpu.SemaphoreType.DMA,
            pltpu.SemaphoreType.DMA,
        ])
    def k(m_hbm, src_hbm, dst_hbm, out_hbm, src_v, dst_v, r0, r1, r2, r3,
          zero_v, acc_sh, m_sh, s0, s1, s2, s3):
        c = lax.axis_index("c")
        s = lax.axis_index("s")
        wid = c * NS + s
        pltpu.sync_copy(src_hbm.at[wid], src_v)
        pltpu.sync_copy(dst_hbm.at[wid], dst_v)
        pltpu.sync_copy(m_hbm.at[pl.ds(s * (N // NS), N // NS)],
                        m_sh.at[pl.ds(s * (N // NS), N // NS)])
        z16 = jnp.zeros((16,), jnp.float32)

        def gath(j, rbuf, sem):
            pltpu.async_copy(m_sh.at[src_v.at[j]], rbuf, sem)

        def gwait(rbuf, sem):
            pltpu.make_async_copy(m_sh.at[src_v.at[0]], rbuf, sem).wait()

        @pl.loop(0, NPR)
        def _(i):
            @pl.loop(0, w, step=16)
            def _(jc):
                zero_v[i, pl.ds(jc, 16)] = z16

        pltpu.sync_copy(zero_v, acc_sh.at[pl.ds(s * NPR, NPR)])
        plsc.subcore_barrier()
        gath(0, r0, s0)
        gath(1, r1, s1)
        gath(2, r2, s2)

        @pl.loop(0, ENCH, step=4)
        def _(j):
            gath(j + 3, r3, s3)
            gwait(r0, s0)
            pltpu.sync_copy(r0, acc_sh.at[dst_v.at[j]], add=True)

            @pl.when(j + 4 < ENCH)
            def _():
                gath(j + 4, r0, s0)

            gwait(r1, s1)
            pltpu.sync_copy(r1, acc_sh.at[dst_v.at[j + 1]], add=True)

            @pl.when(j + 5 < ENCH)
            def _():
                gath(j + 5, r1, s1)

            gwait(r2, s2)
            pltpu.sync_copy(r2, acc_sh.at[dst_v.at[j + 2]], add=True)

            @pl.when(j + 6 < ENCH)
            def _():
                gath(j + 6, r2, s2)

            gwait(r3, s3)
            pltpu.sync_copy(r3, acc_sh.at[dst_v.at[j + 3]], add=True)

            @pl.when(j + 7 < ENCH)
            def _():
                gath(j + 7, r3, s3)

        plsc.subcore_barrier()
        pltpu.sync_copy(acc_sh.at[pl.ds(s * NPR, NPR)],
                        out_hbm.at[c, pl.ds(s * NPR, NPR)])

    return k(m, srcw, dstw)


def _sc_pool(featp, slotw):

    @functools.partial(
        pl.kernel, mesh=_mesh, compiler_params=_sc_params,
        out_type=jax.ShapeDtypeStruct((NC, SLOTS_PAD, DP), jnp.float32),
        scratch_types=[
            pltpu.VMEM((NPW // PCH, PCH), jnp.int32),
            pltpu.VMEM((NPW, DP), jnp.float32),
            pltpu.VMEM((200, DP), jnp.float32),
        ])
    def k(f_hbm, sl_hbm, out_hbm, sl_v, f_v, zero_v):
        c = lax.axis_index("c")
        s = lax.axis_index("s")
        wid = c * NS + s
        z16 = jnp.zeros((16,), jnp.float32)

        @pl.loop(0, 200)
        def _(i):
            @pl.loop(0, DP, step=16)
            def _(j):
                zero_v[i, pl.ds(j, 16)] = z16

        @pl.loop(0, SLOTS_PAD // NS // 200)
        def _(t):
            pltpu.sync_copy(
                zero_v,
                out_hbm.at[c, pl.ds(s * (SLOTS_PAD // NS) + t * 200, 200)])

        pltpu.sync_copy(f_hbm.at[pl.ds(wid * NPW, NPW)], f_v)
        pltpu.sync_copy(sl_hbm.at[wid], sl_v)
        plsc.subcore_barrier()

        @pl.loop(0, NPW // PCH)
        def _(t):
            pltpu.sync_copy(f_v.at[pl.ds(t * PCH, PCH)],
                            out_hbm.at[c].at[sl_v.at[t]])

    return k(featp, slotw)


def _tc_prep1(x, W1, counts):

    def body(c_ref, x_ref, w_ref, g_ref, m_ref, d_ref):
        cnt = c_ref[0, :, 0:1] + c_ref[1, :, 0:1]
        dinv = lax.rsqrt(cnt + 1.0)
        g = jnp.dot(x_ref[...], w_ref[...], preferred_element_type=jnp.float32)
        g_ref[...] = g
        m_ref[...] = g * dinv
        d_ref[...] = dinv

    return pl.pallas_call(
        body,
        grid=(N // NB,),
        in_specs=[
            pl.BlockSpec((NC, NB, 16), lambda i: (0, i, 0)),
            pl.BlockSpec((NB, DF), lambda i: (i, 0)),
            pl.BlockSpec((DF, H), lambda i: (0, 0)),
        ],
        out_specs=[
            pl.BlockSpec((NB, H), lambda i: (i, 0)),
            pl.BlockSpec((NB, H), lambda i: (i, 0)),
            pl.BlockSpec((NB, 1), lambda i: (i, 0)),
        ],
        out_shape=[
            jax.ShapeDtypeStruct((N, H), jnp.float32),
            jax.ShapeDtypeStruct((N, H), jnp.float32),
            jax.ShapeDtypeStruct((N, 1), jnp.float32),
        ],
    )(counts, x, W1)


def _tc_layer(acc, g, dinv, b, Wn):

    def body(a_ref, g_ref, d_ref, b_ref, w_ref, h_ref, gn_ref, mn_ref):
        d = d_ref[...]
        g = g_ref[...]
        agg = a_ref[0] + a_ref[1]
        h = jnp.tanh(d * agg + d * d * g + b_ref[...])
        h_ref[...] = h
        gn = jnp.dot(h, w_ref[...], preferred_element_type=jnp.float32)
        gn_ref[...] = gn
        mn_ref[...] = gn * d

    return pl.pallas_call(
        body,
        grid=(N // NB,),
        in_specs=[
            pl.BlockSpec((NC, NB, H), lambda i: (0, i, 0)),
            pl.BlockSpec((NB, H), lambda i: (i, 0)),
            pl.BlockSpec((NB, 1), lambda i: (i, 0)),
            pl.BlockSpec((1, H), lambda i: (0, 0)),
            pl.BlockSpec((H, H), lambda i: (0, 0)),
        ],
        out_specs=[
            pl.BlockSpec((NB, H), lambda i: (i, 0)),
            pl.BlockSpec((NB, H), lambda i: (i, 0)),
            pl.BlockSpec((NB, H), lambda i: (i, 0)),
        ],
        out_shape=[
            jax.ShapeDtypeStruct((N, H), jnp.float32),
            jax.ShapeDtypeStruct((N, H), jnp.float32),
            jax.ShapeDtypeStruct((N, H), jnp.float32),
        ],
    )(acc, g, dinv, b, Wn)


def _tc_layer3(acc, g, dinv, b, W4):

    def body(a_ref, g_ref, d_ref, b_ref, w_ref, h_ref, g4_ref, mn_ref):
        d = d_ref[...]
        g = g_ref[...]
        agg = a_ref[0] + a_ref[1]
        h = jnp.tanh(d * agg + d * d * g + b_ref[...])
        h_ref[...] = h
        g4 = jnp.dot(h, w_ref[...], preferred_element_type=jnp.float32)
        g4_ref[...] = g4
        mn_ref[:, 0:1] = g4 * d
        mn_ref[:, 1:16] = jnp.zeros((NB, 15), jnp.float32)

    return pl.pallas_call(
        body,
        grid=(N // NB,),
        in_specs=[
            pl.BlockSpec((NC, NB, H), lambda i: (0, i, 0)),
            pl.BlockSpec((NB, H), lambda i: (i, 0)),
            pl.BlockSpec((NB, 1), lambda i: (i, 0)),
            pl.BlockSpec((1, H), lambda i: (0, 0)),
            pl.BlockSpec((H, 1), lambda i: (0, 0)),
        ],
        out_specs=[
            pl.BlockSpec((NB, H), lambda i: (i, 0)),
            pl.BlockSpec((NB, 1), lambda i: (i, 0)),
            pl.BlockSpec((NB, 16), lambda i: (i, 0)),
        ],
        out_shape=[
            jax.ShapeDtypeStruct((N, H), jnp.float32),
            jax.ShapeDtypeStruct((N, 1), jnp.float32),
            jax.ShapeDtypeStruct((N, 16), jnp.float32),
        ],
    )(acc, g, dinv, b, W4)


def _tc_post4(acc4, h1, h2, h3, g4w, dinv, b4):

    def body(a_ref, h1_ref, h2_ref, h3_ref, g4_ref, d_ref, b4_ref,
             f_ref, kc_ref):
        d = d_ref[...]
        g4 = g4_ref[...]
        a0 = a_ref[0, :, 0:1] + a_ref[1, :, 0:1]
        h4 = jnp.tanh(d * a0 + d * d * g4 + b4_ref[...])
        f_ref[:, 0:H] = h1_ref[...]
        f_ref[:, H:2 * H] = h2_ref[...]
        f_ref[:, 2 * H:3 * H] = h3_ref[...]
        f_ref[:, 3 * H:3 * H + 1] = h4
        f_ref[:, 3 * H + 1:DP] = jnp.zeros((NB, DP - 3 * H - 1), jnp.float32)
        kc_ref[...] = h4

    return pl.pallas_call(
        body,
        grid=(N // NB,),
        in_specs=[
            pl.BlockSpec((NC, NB, 16), lambda i: (0, i, 0)),
            pl.BlockSpec((NB, H), lambda i: (i, 0)),
            pl.BlockSpec((NB, H), lambda i: (i, 0)),
            pl.BlockSpec((NB, H), lambda i: (i, 0)),
            pl.BlockSpec((NB, 1), lambda i: (i, 0)),
            pl.BlockSpec((NB, 1), lambda i: (i, 0)),
            pl.BlockSpec((1, 1), lambda i: (0, 0)),
        ],
        out_specs=[
            pl.BlockSpec((NB, DP), lambda i: (i, 0)),
            pl.BlockSpec((NB, 1), lambda i: (i, 0)),
        ],
        out_shape=[
            jax.ShapeDtypeStruct((NPAD, DP), jnp.float32),
            jax.ShapeDtypeStruct((N, 1), jnp.float32),
        ],
    )(acc4, h1, h2, h3, g4w, dinv, b4)


def _tc_bounds(batch_row, b0c, b1c):

    def body(br_ref, b0_ref, b1_ref, lo_ref, hi_ref):
        br = br_ref[...]
        lo_ref[...] = jnp.sum((br < b0_ref[...]).astype(jnp.int32),
                              axis=1, keepdims=True)
        hi_ref[...] = jnp.sum((br <= b1_ref[...]).astype(jnp.int32),
                              axis=1, keepdims=True)

    return pl.pallas_call(
        body,
        grid=(1,),
        in_specs=[
            pl.BlockSpec((1, NPAD), lambda i: (0, 0)),
            pl.BlockSpec((NBLK, 1), lambda i: (0, 0)),
            pl.BlockSpec((NBLK, 1), lambda i: (0, 0)),
        ],
        out_specs=[
            pl.BlockSpec((NBLK, 1), lambda i: (0, 0)),
            pl.BlockSpec((NBLK, 1), lambda i: (0, 0)),
        ],
        out_shape=[
            jax.ShapeDtypeStruct((NBLK, 1), jnp.int32),
            jax.ShapeDtypeStruct((NBLK, 1), jnp.int32),
        ],
    )(batch_row, b0c, b1c)


def _tc_rank(key_row, batch_row, key_col, batch_col, jlo, jhi):

    def body(kr_ref, br_ref, kc_ref, bc_ref, lo_ref, hi_ref, s_ref):
        i = pl.program_id(0)
        lo = lo_ref[i, 0]
        hi = hi_ref[i, 0]
        ki = kc_ref[...]
        bi = bc_ref[...]
        gi = i * BI + lax.broadcasted_iota(jnp.int32, (BI, 1), 0)

        def jbody(cc, cnt):
            off = pl.multiple_of(cc * CJ, CJ)
            kj = kr_ref[:, pl.ds(off, CJ)]
            bj = br_ref[:, pl.ds(off, CJ)]
            jj = off + lax.broadcasted_iota(jnp.int32, (1, CJ), 1)
            beat = (bj == bi) & ((kj > ki) | ((kj == ki) & (jj < gi)))
            return cnt + jnp.sum(beat.astype(jnp.int32), axis=1, keepdims=True)

        cnt = lax.fori_loop(lo // CJ, (hi + CJ - 1) // CJ, jbody,
                            jnp.zeros((BI, 1), jnp.int32))
        s_ref[...] = jnp.where((cnt < K) & (gi < N), bi * K + cnt, DUMP)

    return pl.pallas_call(
        body,
        grid=(NBLK,),
        in_specs=[
            pl.BlockSpec((1, NPAD), lambda i: (0, 0)),
            pl.BlockSpec((1, NPAD), lambda i: (0, 0)),
            pl.BlockSpec((BI, 1), lambda i: (i, 0)),
            pl.BlockSpec((BI, 1), lambda i: (i, 0)),
            pl.BlockSpec(memory_space=pltpu.SMEM),
            pl.BlockSpec(memory_space=pltpu.SMEM),
        ],
        out_specs=pl.BlockSpec((BI, 1), lambda i: (i, 0)),
        out_shape=jax.ShapeDtypeStruct((NPAD, 1), jnp.int32),
    )(key_row, batch_row, key_col, batch_col, jlo, jhi)


def _tc_head(pool, cw1r, cb1, w2r, cb2, lw1p, lb1, lw2, lb2):

    def body(p_ref, c1w, c1b, c2w, c2b, l1w, l1b, l2w, l2b, o_ref):
        P = (p_ref[0] + p_ref[1])[:, 0:3 * H + 1]
        c1 = jnp.dot(P, c1w[...], preferred_element_type=jnp.float32)
        c1 = jnp.maximum(c1 + c1b[...], 0.0)
        y = jnp.max(c1.reshape(GB, K // 2, 2, 16), axis=2)
        z = jnp.zeros((GB * 26, 32), jnp.float32) + c2b[...]
        for dt in range(5):
            ydt = y[:, dt:dt + 26, :].reshape(GB * 26, 16)
            z = z + jnp.dot(ydt, c2w[pl.ds(dt * 16, 16), :],
                            preferred_element_type=jnp.float32)
        z3 = jnp.maximum(z, 0.0).reshape(GB, 26, 32)
        q = l1b[...] + jnp.zeros((GB, DF), jnp.float32)
        for t in range(26):
            q = q + jnp.dot(z3[:, t, :], l1w[pl.ds(t * 32, 32), :],
                            preferred_element_type=jnp.float32)
        q = jnp.maximum(q, 0.0)
        o = jnp.dot(q, l2w[...], preferred_element_type=jnp.float32) + l2b[...]
        mo = jnp.max(o, axis=1, keepdims=True)
        e = jnp.exp(o - mo)
        o_ref[...] = e / jnp.sum(e, axis=1, keepdims=True)

    return pl.pallas_call(
        body,
        grid=(NG // GB,),
        in_specs=[
            pl.BlockSpec((NC, GB * K, DP), lambda i: (0, i, 0)),
            pl.BlockSpec((3 * H + 1, 16), lambda i: (0, 0)),
            pl.BlockSpec((1, 16), lambda i: (0, 0)),
            pl.BlockSpec((80, 32), lambda i: (0, 0)),
            pl.BlockSpec((1, 32), lambda i: (0, 0)),
            pl.BlockSpec((832, DF), lambda i: (0, 0)),
            pl.BlockSpec((1, DF), lambda i: (0, 0)),
            pl.BlockSpec((DF, NCLS), lambda i: (0, 0)),
            pl.BlockSpec((1, NCLS), lambda i: (0, 0)),
        ],
        out_specs=pl.BlockSpec((GB, NCLS), lambda i: (i, 0)),
        out_shape=jax.ShapeDtypeStruct((NG, NCLS), jnp.float32),
    )(pool, cw1r, cb1, w2r, cb2, lw1p, lb1, lw2, lb2)


def kernel(x, edge_index, batch, W1, b1, W2, b2, W3, b3, W4, b4,
           cw1, cb1, cw2, cb2, lw1, lb1, lw2, lb2):
    src = edge_index[0].astype(jnp.int32)
    dst = edge_index[1].astype(jnp.int32)
    srcw = jnp.concatenate(
        [src, jnp.zeros((EPAD - E,), jnp.int32)]).reshape(NW, ENCH, ECH)
    dstw = jnp.concatenate(
        [dst, jnp.full((EPAD - E,), NACC - 1, jnp.int32)]).reshape(NW, ENCH, ECH)

    counts = _sc_counts(dstw)

    g1, m1, dinv = _tc_prep1(x, W1, counts)

    acc1 = _sc_agg(m1, srcw, dstw, H)
    h1, g2, m2 = _tc_layer(acc1, g1, dinv, b1.reshape(1, H), W2)
    acc2 = _sc_agg(m2, srcw, dstw, H)
    h2, g3, m3 = _tc_layer(acc2, g2, dinv, b2.reshape(1, H), W3)
    acc3 = _sc_agg(m3, srcw, dstw, H)
    h3, g4w, m4n = _tc_layer3(acc3, g3, dinv, b3.reshape(1, H), W4)
    acc4 = _sc_agg(m4n, srcw, dstw, 16)
    featp, key_col = _tc_post4(acc4, h1, h2, h3, g4w, dinv, b4.reshape(1, 1))

    key_row = jnp.pad(key_col.reshape(1, N), ((0, 0), (0, NPAD - N)))
    batch32 = batch.astype(jnp.int32)
    batch_pad = jnp.concatenate([batch32, jnp.full((NPAD - N,), NG, jnp.int32)])
    key_colp = jnp.pad(key_col, ((0, NPAD - N), (0, 0)))
    batch_row = batch_pad.reshape(1, NPAD)
    batch_col = batch_pad.reshape(NPAD, 1)
    b0c = batch_pad[0::BI].reshape(NBLK, 1)
    b1c = batch_pad[BI - 1::BI].reshape(NBLK, 1)
    jlo, jhi = _tc_bounds(batch_row, b0c, b1c)
    slot = _tc_rank(key_row, batch_row, key_colp, batch_col, jlo, jhi)

    slotw = slot.reshape(NW, NPW // PCH, PCH)
    pool = _sc_pool(featp, slotw)

    cw1r = cw1[:, 0, :].T
    w2r = cw2.transpose(2, 1, 0).reshape(80, 32)
    lw1p = lw1.reshape(32, 26, DF).transpose(1, 0, 2).reshape(832, DF)
    return _tc_head(pool, cw1r, cb1.reshape(1, 16), w2r, cb2.reshape(1, 32),
                    lw1p, lb1.reshape(1, DF), lw2, lb2.reshape(1, NCLS))

# --- scband reference (transcript-rebuilt; emitter-appended) ---
"""Pipeline reference for scband-sealnet-35175782154595 (READ-ONLY COPY).

The authoritative reference and input builder live on the scoring server;
editing this copy changes nothing except your own understanding.
"""

import jax, jax.numpy as jnp
import numpy as np

N_NODES = 10000
N_EDGES = 320000
D_FEAT = 128
HIDDEN = 32
NUM_CLASSES = 4
K = 60
NUM_GRAPHS = 256
CONV1D_KW0 = HIDDEN * 3 + 1  # 97 = total_latent_dim

def gcn_conv(x, edge_index, W, b):
    n = x.shape[0]
    loops = jnp.arange(n, dtype=edge_index.dtype)
    src = jnp.concatenate([edge_index[0], loops])
    dst = jnp.concatenate([edge_index[1], loops])
    deg = jnp.zeros((n,), x.dtype).at[dst].add(1.0)
    dinv = jnp.where(deg > 0, 1.0 / jnp.sqrt(deg), 0.0)
    norm = dinv[src] * dinv[dst]
    h = x @ W
    msg = h[src] * norm[:, None]
    out = jnp.zeros((n, W.shape[1]), x.dtype).at[dst].add(msg)
    return out + b

def global_sort_pool(x, batch, k, num_graphs):
    n, d = x.shape
    counts = jnp.bincount(batch, length=num_graphs)
    starts = jnp.concatenate([jnp.zeros((1,), counts.dtype), jnp.cumsum(counts)[:-1]])
    pos = jnp.arange(n) - starts[batch]
    nmax = n
    fill = jnp.min(x) - 1.0
    dense = jnp.full((num_graphs, nmax, d), fill, x.dtype).at[batch, pos].set(x)
    perm = jnp.argsort(-dense[:, :, -1], axis=1)
    dense = jnp.take_along_axis(dense, perm[:, :, None], axis=1)
    if nmax >= k:
        dense = dense[:, :k]
    else:
        dense = jnp.concatenate([dense, jnp.full((num_graphs, k - nmax, d), fill, x.dtype)], axis=1)
    dense = jnp.where(dense == fill, 0.0, dense)
    return dense.reshape(num_graphs, k * d)

def conv1d(x, w, b, stride):
    out = jax.lax.conv_general_dilated(x, w, (stride,), 'VALID', dimension_numbers=('NCH', 'OIH', 'NCH'))
    return out + b[None, :, None]

def maxpool1d_2(x):
    return jax.lax.reduce_window(x, -jnp.inf, jax.lax.max, (1, 1, 2), (1, 1, 2), 'VALID')

def setup_inputs(seed: int = 0):
    key = jax.random.key(seed)
    ks = jax.random.split(key, 24)
    x = jax.random.normal(ks[0], (N_NODES, D_FEAT), jnp.float32)
    edge_index = jax.random.randint(ks[1], (2, N_EDGES), 0, N_NODES)
    batch = jnp.sort(jax.random.randint(ks[2], (N_NODES,), 0, NUM_GRAPHS))
    def lin(k_, fan_in, fan_out):
        s = 1.0 / np.sqrt(fan_in)
        return jax.random.uniform(k_, (fan_in, fan_out), jnp.float32, -s, s)
    return {
        'x': x, 'edge_index': edge_index, 'batch': batch,
        'W1': lin(ks[3], D_FEAT, HIDDEN), 'b1': jnp.zeros((HIDDEN,), jnp.float32),
        'W2': lin(ks[4], HIDDEN, HIDDEN), 'b2': jnp.zeros((HIDDEN,), jnp.float32),
        'W3': lin(ks[5], HIDDEN, HIDDEN), 'b3': jnp.zeros((HIDDEN,), jnp.float32),
        'W4': lin(ks[6], HIDDEN, 1), 'b4': jnp.zeros((1,), jnp.float32),
        'cw1': jax.random.normal(ks[7], (16, 1, CONV1D_KW0), jnp.float32) * 0.05,
        'cb1': jnp.zeros((16,), jnp.float32),
        'cw2': jax.random.normal(ks[8], (32, 16, 5), jnp.float32) * 0.05,
        'cb2': jnp.zeros((32,), jnp.float32),
        'lw1': lin(ks[9], 832, 128), 'lb1': jnp.zeros((128,), jnp.float32),
        'lw2': lin(ks[10], 128, NUM_CLASSES), 'lb2': jnp.zeros((NUM_CLASSES,), jnp.float32),
    }

def reference(x, edge_index, batch, W1, b1, W2, b2, W3, b3, W4, b4, cw1, cb1, cw2, cb2, lw1, lb1, lw2, lb2):
    xs = []
    h = x
    for W, b in ((W1, b1), (W2, b2), (W3, b3), (W4, b4)):
        h = jnp.tanh(gcn_conv(h, edge_index, W, b))
        xs.append(h)
    feat = jnp.concatenate(xs, axis=-1)
    p = global_sort_pool(feat, batch, K, NUM_GRAPHS)
    p = p[:, None, :]
    p = jax.nn.relu(conv1d(p, cw1, cb1, CONV1D_KW0))
    p = maxpool1d_2(p)
    p = jax.nn.relu(conv1d(p, cw2, cb2, 1))
    p = p.reshape(p.shape[0], -1)
    p = jax.nn.relu(p @ lw1 + lb1)
    p = p @ lw2 + lb2
    return jax.nn.softmax(p, axis=-1)

if __name__ == "__main__":
    import jax
    _d = setup_inputs()
    print(jax.jit(kernel)(*tuple(_d.values())))

</pallas_src>

<mosaic_0001>
#map = affine_map<(d0, d1) -> (0, 0, 0)>
module attributes {stable_mosaic.version = 14 : i64} {
  func.func @k(%arg0: i32, %arg1: i32, %arg2: memref<32x128x80xi32, #tpu.memory_space<hbm>>, %arg3: memref<2x10112x16xf32, #tpu.memory_space<hbm>>, %arg4: memref<128x80xi32, #tpu.memory_space<vmem>>, %arg5: memref<80x16xf32, #tpu.memory_space<vmem>>, %arg6: memref<632x16xf32, #tpu.memory_space<vmem>>, %arg7: memref<10112x16xf32, #tpu.memory_space<vmem_shared>>) attributes {dimension_semantics = [#tpu.dimension_semantics<core_parallel>, #tpu.dimension_semantics<subcore_parallel>], iteration_bounds = array<i64: 2, 16>, scalar_prefetch = 0 : i64, scratch_operands = 4 : i64, tpu.core_type = #tpu.core_type<sc_vector_subcore>, window_params = [{transform_indices = #map}, {transform_indices = #map}]} {
    %mul3A = arith.constant 16 : i32
    %mul3A_0 = arith.muli %arg0, %mul3A : i32
    %add3A = arith.addi %mul3A_0, %arg1 : i32
    "tpu.region"() ({
      %run_scoped3A = tpu.sem_alloc : memref<!tpu.dma_semaphore, #tpu.memory_space<semaphore_mem>>
      %dma_start3A = arith.constant 0 : i32
      %dma_start3A_25 = arith.constant 0 : i32
      %dma_start3A_26 = tpu.memref_slice %arg2[%add3A, %dma_start3A, %dma_start3A_25] : memref<32x128x80xi32, #tpu.memory_space<hbm>> -> memref<1x128x80xi32, #tpu.memory_space<hbm>>
      %dma_start3A_27 = tpu.memref_squeeze %dma_start3A_26 : memref<1x128x80xi32, #tpu.memory_space<hbm>> -> memref<128x80xi32, #tpu.memory_space<hbm>>
      %dma_start3A_28 = arith.constant 0 : i32
      %dma_start3A_29 = arith.constant 0 : i32
      %dma_start3A_30 = tpu.memref_slice %arg2[%add3A, %dma_start3A_28, %dma_start3A_29] : memref<32x128x80xi32, #tpu.memory_space<hbm>> -> memref<1x128x80xi32, #tpu.memory_space<hbm>>
      %dma_start3A_31 = tpu.memref_squeeze %dma_start3A_30 : memref<1x128x80xi32, #tpu.memory_space<hbm>> -> memref<128x80xi32, #tpu.memory_space<hbm>>
      tpu.enqueue_dma source(%dma_start3A_31 : memref<128x80xi32, #tpu.memory_space<hbm>>) target(%arg4 : memref<128x80xi32, #tpu.memory_space<vmem>>) target_semaphore(%run_scoped3A : memref<!tpu.dma_semaphore, #tpu.memory_space<semaphore_mem>>)
      %dma_wait3A = arith.constant 0 : i32
      %dma_wait3A_32 = arith.constant 0 : i32
      %dma_wait3A_33 = tpu.memref_slice %arg2[%add3A, %dma_wait3A, %dma_wait3A_32] : memref<32x128x80xi32, #tpu.memory_space<hbm>> -> memref<1x128x80xi32, #tpu.memory_space<hbm>>
      %dma_wait3A_34 = tpu.memref_squeeze %dma_wait3A_33 : memref<1x128x80xi32, #tpu.memory_space<hbm>> -> memref<128x80xi32, #tpu.memory_space<hbm>>
      %dma_wait3A_35 = arith.constant 0 : i32
      %dma_wait3A_36 = arith.constant 0 : i32
      %dma_wait3A_37 = tpu.memref_slice %arg2[%add3A, %dma_wait3A_35, %dma_wait3A_36] : memref<32x128x80xi32, #tpu.memory_space<hbm>> -> memref<1x128x80xi32, #tpu.memory_space<hbm>>
      %dma_wait3A_38 = tpu.memref_squeeze %dma_wait3A_37 : memref<1x128x80xi32, #tpu.memory_space<hbm>> -> memref<128x80xi32, #tpu.memory_space<hbm>>
      tpu.wait_dma2 semaphore(%run_scoped3A : memref<!tpu.dma_semaphore, #tpu.memory_space<semaphore_mem>>) src(%dma_wait3A_38 : memref<128x80xi32, #tpu.memory_space<hbm>>) dst(%arg4 : memref<128x80xi32, #tpu.memory_space<vmem>>)
      tpu.yield
    }) : () -> ()
    %broadcast_in_dim3A = arith.constant 0.000000e+00 : f32
    %broadcast_in_dim3A_1 = vector.broadcast %broadcast_in_dim3A : f32 to vector<16xf32>
    %broadcast_in_dim3A_2 = arith.constant 1.000000e+00 : f32
    %broadcast_in_dim3A_3 = vector.broadcast %broadcast_in_dim3A_2 : f32 to vector<16xf32>
    %scan3A = arith.constant 0 : i32
    %scan3A_4 = arith.constant 80 : i32
    %scan3A_5 = arith.addi %scan3A, %scan3A_4 : i32
    %scan3A_6 = arith.constant 1 : i32
    scf.for %scan3A_25 = %scan3A to %scan3A_5 step %scan3A_6  : i32 {
      %mul3A_26 = arith.constant 1 : i32
      %mul3A_27 = arith.muli %scan3A_25, %mul3A_26 : i32
      %add3A_28 = arith.constant 0 : i32
      %add3A_29 = arith.addi %add3A_28, %mul3A_27 : i32
      %swap3A = arith.index_cast %add3A_29 : i32 to index
      %swap3A_30 = arith.constant 0 : index
      %swap3A_31 = tpu.vector_load %arg5[%swap3A, %swap3A_30] {strides = array<i32>} : memref<80x16xf32, #tpu.memory_space<vmem>>, vector<1x16xf32>,
      %swap3A_32 = vector.shape_cast %swap3A_31 : vector<1x16xf32> to vector<16xf32>
      %swap3A_33 = vector.shape_cast %broadcast_in_dim3A_3 : vector<16xf32> to vector<1x16xf32>
      tpu.vector_store %arg5[%swap3A, %swap3A_30], %swap3A_33 {strides = array<i32>} : memref<80x16xf32, #tpu.memory_space<vmem>>, vector<1x16xf32>,
    }
    %scan3A_7 = arith.constant 80 : i32
    %scan3A_8 = arith.constant 0 : i32
    %scan3A_9 = arith.constant 632 : i32
    %scan3A_10 = arith.addi %scan3A_8, %scan3A_9 : i32
    %scan3A_11 = arith.constant 1 : i32
    scf.for %scan3A_25 = %scan3A_8 to %scan3A_10 step %scan3A_11  : i32 {
      %mul3A_26 = arith.constant 1 : i32
      %mul3A_27 = arith.muli %scan3A_25, %mul3A_26 : i32
      %add3A_28 = arith.constant 0 : i32
      %add3A_29 = arith.addi %add3A_28, %mul3A_27 : i32
      %swap3A = arith.index_cast %add3A_29 : i32 to index
      %swap3A_30 = arith.constant 0 : index
      %swap3A_31 = tpu.vector_load %arg6[%swap3A, %swap3A_30] {strides = array<i32>} : memref<632x16xf32, #tpu.memory_space<vmem>>, vector<1x16xf32>,
      %swap3A_32 = vector.shape_cast %swap3A_31 : vector<1x16xf32> to vector<16xf32>
      %swap3A_33 = vector.shape_cast %broadcast_in_dim3A_1 : vector<16xf32> to vector<1x16xf32>
      tpu.vector_store %arg6[%swap3A, %swap3A_30], %swap3A_33 {strides = array<i32>} : memref<632x16xf32, #tpu.memory_space<vmem>>, vector<1x16xf32>,
    }
    %scan3A_12 = arith.constant 632 : i32
    %mul3A_13 = arith.constant 632 : i32
    %mul3A_14 = arith.muli %arg1, %mul3A_13 : i32
    "tpu.region"() ({
      %run_scoped3A = tpu.sem_alloc : memref<!tpu.dma_semaphore, #tpu.memory_space<semaphore_mem>>
      %dma_start3A = arith.constant 0 : i32
      %dma_start3A_25 = tpu.memref_slice %arg7[%mul3A_14, %dma_start3A] : memref<10112x16xf32, #tpu.memory_space<vmem_shared>> -> memref<632x16xf32, #tpu.memory_space<vmem_shared>>
      %dma_start3A_26 = arith.constant 0 : i32
      %dma_start3A_27 = tpu.memref_slice %arg7[%mul3A_14, %dma_start3A_26] : memref<10112x16xf32, #tpu.memory_space<vmem_shared>> -> memref<632x16xf32, #tpu.memory_space<vmem_shared>>
      tpu.enqueue_dma source(%arg6 : memref<632x16xf32, #tpu.memory_space<vmem>>) target(%dma_start3A_27 : memref<632x16xf32, #tpu.memory_space<vmem_shared>>) target_semaphore(%run_scoped3A : memref<!tpu.dma_semaphore, #tpu.memory_space<semaphore_mem>>)
      %dma_wait3A = arith.constant 0 : i32
      %dma_wait3A_28 = tpu.memref_slice %arg7[%mul3A_14, %dma_wait3A] : memref<10112x16xf32, #tpu.memory_space<vmem_shared>> -> memref<632x16xf32, #tpu.memory_space<vmem_shared>>
      %dma_wait3A_29 = arith.constant 0 : i32
      %dma_wait3A_30 = tpu.memref_slice %arg7[%mul3A_14, %dma_wait3A_29] : memref<10112x16xf32, #tpu.memory_space<vmem_shared>> -> memref<632x16xf32, #tpu.memory_space<vmem_shared>>
      tpu.wait_dma2 semaphore(%run_scoped3A : memref<!tpu.dma_semaphore, #tpu.memory_space<semaphore_mem>>) src(%arg6 : memref<632x16xf32, #tpu.memory_space<vmem>>) dst(%dma_wait3A_30 : memref<632x16xf32, #tpu.memory_space<vmem_shared>>)
      tpu.yield
    }) : () -> ()
    %barrier3A = arith.constant 0 : index
    tpu.barrier barrier_id(%barrier3A)
    %scan3A_15 = arith.constant 0 : i32
    %scan3A_16 = arith.constant 128 : i32
    %scan3A_17 = arith.addi %scan3A_15, %scan3A_16 : i32
    %scan3A_18 = arith.constant 1 : i32
    scf.for %scan3A_25 = %scan3A_15 to %scan3A_17 step %scan3A_18  : i32 {
      %mul3A_26 = arith.constant 1 : i32
      %mul3A_27 = arith.muli %scan3A_25, %mul3A_26 : i32
      %add3A_28 = arith.constant 0 : i32
      %add3A_29 = arith.addi %add3A_28, %mul3A_27 : i32
      "tpu.region"() ({
        %run_scoped3A = tpu.sem_alloc : memref<!tpu.dma_semaphore, #tpu.memory_space<semaphore_mem>>
        %dma_start3A = arith.constant 0 : i32
        %dma_start3A_30 = tpu.memref_slice %arg4[%add3A_29, %dma_start3A] : memref<128x80xi32, #tpu.memory_space<vmem>> -> memref<1x80xi32, #tpu.memory_space<vmem>>
        %dma_start3A_31 = tpu.memref_squeeze %dma_start3A_30 : memref<1x80xi32, #tpu.memory_space<vmem>> -> memref<80xi32, #tpu.memory_space<vmem>>
        %dma_start3A_32 = arith.constant 0 : i32
        %dma_start3A_33 = arith.constant 0 : i32
        %dma_start3A_34 = tpu.memref_slice %arg7[%dma_start3A_32, %dma_start3A_33] : memref<10112x16xf32, #tpu.memory_space<vmem_shared>> -> memref<10112x16xf32, #tpu.memory_space<vmem_shared>>
        tpu.enqueue_indirect_dma source(%arg5 : memref<80x16xf32, #tpu.memory_space<vmem>>) target(%dma_start3A_34 : memref<10112x16xf32, #tpu.memory_space<vmem_shared>>) offsets(%dma_start3A_31 : memref<80xi32, #tpu.memory_space<vmem>>) semaphore(%run_scoped3A : memref<!tpu.dma_semaphore, #tpu.memory_space<semaphore_mem>>) {add = true}
        %dma_wait3A = arith.constant 0 : i32
        %dma_wait3A_35 = tpu.memref_slice %arg4[%add3A_29, %dma_wait3A] : memref<128x80xi32, #tpu.memory_space<vmem>> -> memref<1x80xi32, #tpu.memory_space<vmem>>
        %dma_wait3A_36 = tpu.memref_squeeze %dma_wait3A_35 : memref<1x80xi32, #tpu.memory_space<vmem>> -> memref<80xi32, #tpu.memory_space<vmem>>
        %dma_wait3A_37 = arith.constant 0 : i32
        %dma_wait3A_38 = arith.constant 0 : i32
        %dma_wait3A_39 = tpu.memref_slice %arg7[%dma_wait3A_37, %dma_wait3A_38] : memref<10112x16xf32, #tpu.memory_space<vmem_shared>> -> memref<10112x16xf32, #tpu.memory_space<vmem_shared>>
        tpu.wait_indirect_dma semaphore(%run_scoped3A : memref<!tpu.dma_semaphore, #tpu.memory_space<semaphore_mem>>) src(%arg5 : memref<80x16xf32, #tpu.memory_space<vmem>>) dst(%dma_wait3A_39 : memref<10112x16xf32, #tpu.memory_space<vmem_shared>>)
        tpu.yield
      }) : () -> ()
    }
    %scan3A_19 = arith.constant 128 : i32
    %barrier3A_20 = arith.constant 0 : index
    tpu.barrier barrier_id(%barrier3A_20)
    %mul3A_21 = arith.constant 632 : i32
    %mul3A_22 = arith.muli %arg1, %mul3A_21 : i32
    %mul3A_23 = arith.constant 632 : i32
    %mul3A_24 = arith.muli %arg1, %mul3A_23 : i32
    "tpu.region"() ({
      %run_scoped3A = tpu.sem_alloc : memref<!tpu.dma_semaphore, #tpu.memory_space<semaphore_mem>>
      %dma_start3A = arith.constant 0 : i32
      %dma_start3A_25 = tpu.memref_slice %arg3[%arg0, %mul3A_24, %dma_start3A] : memref<2x10112x16xf32, #tpu.memory_space<hbm>> -> memref<1x632x16xf32, #tpu.memory_space<hbm>>
      %dma_start3A_26 = tpu.memref_squeeze %dma_start3A_25 : memref<1x632x16xf32, #tpu.memory_space<hbm>> -> memref<632x16xf32, #tpu.memory_space<hbm>>
      %dma_start3A_27 = arith.constant 0 : i32
      %dma_start3A_28 = tpu.memref_slice %arg7[%mul3A_22, %dma_start3A_27] : memref<10112x16xf32, #tpu.memory_space<vmem_shared>> -> memref<632x16xf32, #tpu.memory_space<vmem_shared>>
      tpu.enqueue_dma source(%dma_start3A_28 : memref<632x16xf32, #tpu.memory_space<vmem_shared>>) target(%dma_start3A_26 : memref<632x16xf32, #tpu.memory_space<hbm>>) target_semaphore(%run_scoped3A : memref<!tpu.dma_semaphore, #tpu.memory_space<semaphore_mem>>)
      %dma_wait3A = arith.constant 0 : i32
      %dma_wait3A_29 = tpu.memref_slice %arg3[%arg0, %mul3A_24, %dma_wait3A] : memref<2x10112x16xf32, #tpu.memory_space<hbm>> -> memref<1x632x16xf32, #tpu.memory_space<hbm>>
      %dma_wait3A_30 = tpu.memref_squeeze %dma_wait3A_29 : memref<1x632x16xf32, #tpu.memory_space<hbm>> -> memref<632x16xf32, #tpu.memory_space<hbm>>
      %dma_wait3A_31 = arith.constant 0 : i32
      %dma_wait3A_32 = tpu.memref_slice %arg7[%mul3A_22, %dma_wait3A_31] : memref<10112x16xf32, #tpu.memory_space<vmem_shared>> -> memref<632x16xf32, #tpu.memory_space<vmem_shared>>
      tpu.wait_dma2 semaphore(%run_scoped3A : memref<!tpu.dma_semaphore, #tpu.memory_space<semaphore_mem>>) src(%dma_wait3A_32 : memref<632x16xf32, #tpu.memory_space<vmem_shared>>) dst(%dma_wait3A_30 : memref<632x16xf32, #tpu.memory_space<hbm>>)
      tpu.yield
    }) : () -> ()
    return
  }
}

#map = affine_map<(d0, d1) -> (0, 0)>
#map1 = affine_map<(d0, d1) -> (0, 0, 0)>
module attributes {stable_mosaic.version = 14 : i64} {
  func.func @k(%arg0: i32, %arg1: i32, %arg2: memref<10000x32xf32, #tpu.memory_space<hbm>>, %arg3: memref<32x128x80xi32, #tpu.memory_space<hbm>>, %arg4: memref<32x128x80xi32, #tpu.memory_space<hbm>>, %arg5: memref<2x10112x32xf32, #tpu.memory_space<hbm>>, %arg6: memref<128x80xi32, #tpu.memory_space<vmem>>, %arg7: memref<128x80xi32, #tpu.memory_space<vmem>>, %arg8: memref<80x32xf32, #tpu.memory_space<vmem>>, %arg9: memref<80x32xf32, #tpu.memory_space<vmem>>, %arg10: memref<80x32xf32, #tpu.memory_space<vmem>>, %arg11: memref<80x32xf32, #tpu.memory_space<vmem>>, %arg12: memref<632x32xf32, #tpu.memory_space<vmem>>, %arg13: memref<10112x32xf32, #tpu.memory_space<vmem_shared>>, %arg14: memref<10000x32xf32, #tpu.memory_space<vmem_shared>>, %arg15: memref<!tpu.dma_semaphore, #tpu.memory_space<semaphore_mem>>, %arg16: memref<!tpu.dma_semaphore, #tpu.memory_space<semaphore_mem>>, %arg17: memref<!tpu.dma_semaphore, #tpu.memory_space<semaphore_mem>>, %arg18: memref<!tpu.dma_semaphore, #tpu.memory_space<semaphore_mem>>) attributes {dimension_semantics = [#tpu.dimension_semantics<core_parallel>, #tpu.dimension_semantics<subcore_parallel>], iteration_bounds = array<i64: 2, 16>, scalar_prefetch = 0 : i64, scratch_operands = 13 : i64, tpu.core_type = #tpu.core_type<sc_vector_subcore>, window_params = [{transform_indices = #map}, {transform_indices = #map1}, {transform_indices = #map1}, {transform_indices = #map1}]} {
    %mul3A = arith.constant 16 : i32
    %mul3A_0 = arith.muli %arg0, %mul3A : i32
    %add3A = arith.addi %mul3A_0, %arg1 : i32
    "tpu.region"() ({
      %run_scoped3A = tpu.sem_alloc : memref<!tpu.dma_semaphore, #tpu.memory_space<semaphore_mem>>
      %dma_start3A_42 = arith.constant 0 : i32
      %dma_start3A_43 = arith.constant 0 : i32
      %dma_start3A_44 = tpu.memref_slice %arg3[%add3A, %dma_start3A_42, %dma_start3A_43] : memref<32x128x80xi32, #tpu.memory_space<hbm>> -> memref<1x128x80xi32, #tpu.memory_space<hbm>>
      %dma_start3A_45 = tpu.memref_squeeze %dma_start3A_44 : memref<1x128x80xi32, #tpu.memory_space<hbm>> -> memref<128x80xi32, #tpu.memory_space<hbm>>
      %dma_start3A_46 = arith.constant 0 : i32
      %dma_start3A_47 = arith.constant 0 : i32
      %dma_start3A_48 = tpu.memref_slice %arg3[%add3A, %dma_start3A_46, %dma_start3A_47] : memref<32x128x80xi32, #tpu.memory_space<hbm>> -> memref<1x128x80xi32, #tpu.memory_space<hbm>>
      %dma_start3A_49 = tpu.memref_squeeze %dma_start3A_48 : memref<1x128x80xi32, #tpu.memory_space<hbm>> -> memref<128x80xi32, #tpu.memory_space<hbm>>
      tpu.enqueue_dma source(%dma_start3A_49 : memref<128x80xi32, #tpu.memory_space<hbm>>) target(%arg6 : memref<128x80xi32, #tpu.memory_space<vmem>>) target_semaphore(%run_scoped3A : memref<!tpu.dma_semaphore, #tpu.memory_space<semaphore_mem>>)
      %dma_wait3A = arith.constant 0 : i32
      %dma_wait3A_50 = arith.constant 0 : i32
      %dma_wait3A_51 = tpu.memref_slice %arg3[%add3A, %dma_wait3A, %dma_wait3A_50] : memref<32x128x80xi32, #tpu.memory_space<hbm>> -> memref<1x128x80xi32, #tpu.memory_space<hbm>>
      %dma_wait3A_52 = tpu.memref_squeeze %dma_wait3A_51 : memref<1x128x80xi32, #tpu.memory_space<hbm>> -> memref<128x80xi32, #tpu.memory_space<hbm>>
      %dma_wait3A_53 = arith.constant 0 : i32
      %dma_wait3A_54 = arith.constant 0 : i32
      %dma_wait3A_55 = tpu.memref_slice %arg3[%add3A, %dma_wait3A_53, %dma_wait3A_54] : memref<32x128x80xi32, #tpu.memory_space<hbm>> -> memref<1x128x80xi32, #tpu.memory_space<hbm>>
      %dma_wait3A_56 = tpu.memref_squeeze %dma_wait3A_55 : memref<1x128x80xi32, #tpu.memory_space<hbm>> -> memref<128x80xi32, #tpu.memory_space<hbm>>
      tpu.wait_dma2 semaphore(%run_scoped3A : memref<!tpu.dma_semaphore, #tpu.memory_space<semaphore_mem>>) src(%dma_wait3A_56 : memref<128x80xi32, #tpu.memory_space<hbm>>) dst(%arg6 : memref<128x80xi32, #tpu.memory_space<vmem>>)
      tpu.yield
    }) : () -> ()
    "tpu.region"() ({
      %run_scoped3A = tpu.sem_alloc : memref<!tpu.dma_semaphore, #tpu.memory_space<semaphore_mem>>
      %dma_start3A_42 = arith.constant 0 : i32
      %dma_start3A_43 = arith.constant 0 : i32
      %dma_start3A_44 = tpu.memref_slice %arg4[%add3A, %dma_start3A_42, %dma_start3A_43] : memref<32x128x80xi32, #tpu.memory_space<hbm>> -> memref<1x128x80xi32, #tpu.memory_space<hbm>>
      %dma_start3A_45 = tpu.memref_squeeze %dma_start3A_44 : memref<1x128x80xi32, #tpu.memory_space<hbm>> -> memref<128x80xi32, #tpu.memory_space<hbm>>
      %dma_start3A_46 = arith.constant 0 : i32
      %dma_start3A_47 = arith.constant 0 : i32
      %dma_start3A_48 = tpu.memref_slice %arg4[%add3A, %dma_start3A_46, %dma_start3A_47] : memref<32x128x80xi32, #tpu.memory_space<hbm>> -> memref<1x128x80xi32, #tpu.memory_space<hbm>>
      %dma_start3A_49 = tpu.memref_squeeze %dma_start3A_48 : memref<1x128x80xi32, #tpu.memory_space<hbm>> -> memref<128x80xi32, #tpu.memory_space<hbm>>
      tpu.enqueue_dma source(%dma_start3A_49 : memref<128x80xi32, #tpu.memory_space<hbm>>) target(%arg7 : memref<128x80xi32, #tpu.memory_space<vmem>>) target_semaphore(%run_scoped3A : memref<!tpu.dma_semaphore, #tpu.memory_space<semaphore_mem>>)
      %dma_wait3A = arith.constant 0 : i32
      %dma_wait3A_50 = arith.constant 0 : i32
      %dma_wait3A_51 = tpu.memref_slice %arg4[%add3A, %dma_wait3A, %dma_wait3A_50] : memref<32x128x80xi32, #tpu.memory_space<hbm>> -> memref<1x128x80xi32, #tpu.memory_space<hbm>>
      %dma_wait3A_52 = tpu.memref_squeeze %dma_wait3A_51 : memref<1x128x80xi32, #tpu.memory_space<hbm>> -> memref<128x80xi32, #tpu.memory_space<hbm>>
      %dma_wait3A_53 = arith.constant 0 : i32
      %dma_wait3A_54 = arith.constant 0 : i32
      %dma_wait3A_55 = tpu.memref_slice %arg4[%add3A, %dma_wait3A_53, %dma_wait3A_54] : memref<32x128x80xi32, #tpu.memory_space<hbm>> -> memref<1x128x80xi32, #tpu.memory_space<hbm>>
      %dma_wait3A_56 = tpu.memref_squeeze %dma_wait3A_55 : memref<1x128x80xi32, #tpu.memory_space<hbm>> -> memref<128x80xi32, #tpu.memory_space<hbm>>
      tpu.wait_dma2 semaphore(%run_scoped3A : memref<!tpu.dma_semaphore, #tpu.memory_space<semaphore_mem>>) src(%dma_wait3A_56 : memref<128x80xi32, #tpu.memory_space<hbm>>) dst(%arg7 : memref<128x80xi32, #tpu.memory_space<vmem>>)
      tpu.yield
    }) : () -> ()
    %mul3A_1 = arith.constant 625 : i32
    %mul3A_2 = arith.muli %arg1, %mul3A_1 : i32
    %mul3A_3 = arith.constant 625 : i32
    %mul3A_4 = arith.muli %arg1, %mul3A_3 : i32
    "tpu.region"() ({
      %run_scoped3A = tpu.sem_alloc : memref<!tpu.dma_semaphore, #tpu.memory_space<semaphore_mem>>
      %dma_start3A_42 = arith.constant 0 : i32
      %dma_start3A_43 = tpu.memref_slice %arg14[%mul3A_4, %dma_start3A_42] : memref<10000x32xf32, #tpu.memory_space<vmem_shared>> -> memref<625x32xf32, #tpu.memory_space<vmem_shared>>
      %dma_start3A_44 = arith.constant 0 : i32
      %dma_start3A_45 = tpu.memref_slice %arg2[%mul3A_2, %dma_start3A_44] : memref<10000x32xf32, #tpu.memory_space<hbm>> -> memref<625x32xf32, #tpu.memory_space<hbm>>
      tpu.enqueue_dma source(%dma_start3A_45 : memref<625x32xf32, #tpu.memory_space<hbm>>) target(%dma_start3A_43 : memref<625x32xf32, #tpu.memory_space<vmem_shared>>) target_semaphore(%run_scoped3A : memref<!tpu.dma_semaphore, #tpu.memory_space<semaphore_mem>>)
      %dma_wait3A = arith.constant 0 : i32
      %dma_wait3A_46 = tpu.memref_slice %arg14[%mul3A_4, %dma_wait3A] : memref<10000x32xf32, #tpu.memory_space<vmem_shared>> -> memref<625x32xf32, #tpu.memory_space<vmem_shared>>
      %dma_wait3A_47 = arith.constant 0 : i32
      %dma_wait3A_48 = tpu.memref_slice %arg2[%mul3A_2, %dma_wait3A_47] : memref<10000x32xf32, #tpu.memory_space<hbm>> -> memref<625x32xf32, #tpu.memory_space<hbm>>
      tpu.wait_dma2 semaphore(%run_scoped3A : memref<!tpu.dma_semaphore, #tpu.memory_space<semaphore_mem>>) src(%dma_wait3A_48 : memref<625x32xf32, #tpu.memory_space<hbm>>) dst(%dma_wait3A_46 : memref<625x32xf32, #tpu.memory_space<vmem_shared>>)
      tpu.yield
    }) : () -> ()
    %broadcast_in_dim3A = arith.constant 0.000000e+00 : f32
    %broadcast_in_dim3A_5 = vector.broadcast %broadcast_in_dim3A : f32 to vector<16xf32>
    %scan3A = arith.constant 0 : i32
    %scan3A_6 = arith.constant 632 : i32
    %scan3A_7 = arith.addi %scan3A, %scan3A_6 : i32
    %scan3A_8 = arith.constant 1 : i32
    scf.for %scan3A_42 = %scan3A to %scan3A_7 step %scan3A_8  : i32 {
      %mul3A_43 = arith.constant 1 : i32
      %mul3A_44 = arith.muli %scan3A_42, %mul3A_43 : i32
      %add3A_45 = arith.constant 0 : i32
      %add3A_46 = arith.addi %add3A_45, %mul3A_44 : i32
      %scan3A_47 = arith.constant 0 : i32
      %scan3A_48 = arith.constant 2 : i32
      %scan3A_49 = arith.addi %scan3A_47, %scan3A_48 : i32
      %scan3A_50 = arith.constant 1 : i32
      scf.for %scan3A_52 = %scan3A_47 to %scan3A_49 step %scan3A_50  : i32 {
        %mul3A_53 = arith.constant 16 : i32
        %mul3A_54 = arith.muli %scan3A_52, %mul3A_53 : i32
        %add3A_55 = arith.constant 0 : i32
        %add3A_56 = arith.addi %add3A_55, %mul3A_54 : i32
        %swap3A = arith.index_cast %add3A_46 : i32 to index
        %swap3A_57 = arith.index_cast %add3A_56 : i32 to index
        %swap3A_58 = tpu.vector_load %arg12[%swap3A, %swap3A_57] {strides = array<i32>} : memref<632x32xf32, #tpu.memory_space<vmem>>, vector<1x16xf32>,
        %swap3A_59 = vector.shape_cast %swap3A_58 : vector<1x16xf32> to vector<16xf32>
        %swap3A_60 = vector.shape_cast %broadcast_in_dim3A_5 : vector<16xf32> to vector<1x16xf32>
        tpu.vector_store %arg12[%swap3A, %swap3A_57], %swap3A_60 {strides = array<i32>} : memref<632x32xf32, #tpu.memory_space<vmem>>, vector<1x16xf32>,
      }
      %scan3A_51 = arith.constant 2 : i32
    }
    %scan3A_9 = arith.constant 632 : i32
    %mul3A_10 = arith.constant 632 : i32
    %mul3A_11 = arith.muli %arg1, %mul3A_10 : i32
    "tpu.region"() ({
      %run_scoped3A = tpu.sem_alloc : memref<!tpu.dma_semaphore, #tpu.memory_space<semaphore_mem>>
      %dma_start3A_42 = arith.constant 0 : i32
      %dma_start3A_43 = tpu.memref_slice %arg13[%mul3A_11, %dma_start3A_42] : memref<10112x32xf32, #tpu.memory_space<vmem_shared>> -> memref<632x32xf32, #tpu.memory_space<vmem_shared>>
      %dma_start3A_44 = arith.constant 0 : i32
      %dma_start3A_45 = tpu.memref_slice %arg13[%mul3A_11, %dma_start3A_44] : memref<10112x32xf32, #tpu.memory_space<vmem_shared>> -> memref<632x32xf32, #tpu.memory_space<vmem_shared>>
      tpu.enqueue_dma source(%arg12 : memref<632x32xf32, #tpu.memory_space<vmem>>) target(%dma_start3A_45 : memref<632x32xf32, #tpu.memory_space<vmem_shared>>) target_semaphore(%run_scoped3A : memref<!tpu.dma_semaphore, #tpu.memory_space<semaphore_mem>>)
      %dma_wait3A = arith.constant 0 : i32
      %dma_wait3A_46 = tpu.memref_slice %arg13[%mul3A_11, %dma_wait3A] : memref<10112x32xf32, #tpu.memory_space<vmem_shared>> -> memref<632x32xf32, #tpu.memory_space<vmem_shared>>
      %dma_wait3A_47 = arith.constant 0 : i32
      %dma_wait3A_48 = tpu.memref_slice %arg13[%mul3A_11, %dma_wait3A_47] : memref<10112x32xf32, #tpu.memory_space<vmem_shared>> -> memref<632x32xf32, #tpu.memory_space<vmem_shared>>
      tpu.wait_dma2 semaphore(%run_scoped3A : memref<!tpu.dma_semaphore, #tpu.memory_space<semaphore_mem>>) src(%arg12 : memref<632x32xf32, #tpu.memory_space<vmem>>) dst(%dma_wait3A_48 : memref<632x32xf32, #tpu.memory_space<vmem_shared>>)
      tpu.yield
    }) : () -> ()
    %barrier3A = arith.constant 0 : index
    tpu.barrier barrier_id(%barrier3A)
    %dma_start3A = arith.constant 0 : i32
    %dma_start3A_12 = arith.constant 0 : i32
    %dma_start3A_13 = tpu.memref_slice %arg6[%dma_start3A, %dma_start3A_12] : memref<128x80xi32, #tpu.memory_space<vmem>> -> memref<1x80xi32, #tpu.memory_space<vmem>>
    %dma_start3A_14 = tpu.memref_squeeze %dma_start3A_13 : memref<1x80xi32, #tpu.memory_space<vmem>> -> memref<80xi32, #tpu.memory_space<vmem>>
    %dma_start3A_15 = arith.constant 0 : i32
    %dma_start3A_16 = arith.constant 0 : i32
    %dma_start3A_17 = tpu.memref_slice %arg14[%dma_start3A_15, %dma_start3A_16] : memref<10000x32xf32, #tpu.memory_space<vmem_shared>> -> memref<10000x32xf32, #tpu.memory_space<vmem_shared>>
    tpu.enqueue_indirect_dma source(%dma_start3A_17 : memref<10000x32xf32, #tpu.memory_space<vmem_shared>>) target(%arg8 : memref<80x32xf32, #tpu.memory_space<vmem>>) offsets(%dma_start3A_14 : memref<80xi32, #tpu.memory_space<vmem>>) semaphore(%arg15 : memref<!tpu.dma_semaphore, #tpu.memory_space<semaphore_mem>>)
    %dma_start3A_18 = arith.constant 1 : i32
    %dma_start3A_19 = arith.constant 0 : i32
    %dma_start3A_20 = tpu.memref_slice %arg6[%dma_start3A_18, %dma_start3A_19] : memref<128x80xi32, #tpu.memory_space<vmem>> -> memref<1x80xi32, #tpu.memory_space<vmem>>
    %dma_start3A_21 = tpu.memref_squeeze %dma_start3A_20 : memref<1x80xi32, #tpu.memory_space<vmem>> -> memref<80xi32, #tpu.memory_space<vmem>>
    %dma_start3A_22 = arith.constant 0 : i32
    %dma_start3A_23 = arith.constant 0 : i32
    %dma_start3A_24 = tpu.memref_slice %arg14[%dma_start3A_22, %dma_start3A_23] : memref<10000x32xf32, #tpu.memory_space<vmem_shared>> -> memref<10000x32xf32, #tpu.memory_space<vmem_shared>>
    tpu.enqueue_indirect_dma source(%dma_start3A_24 : memref<10000x32xf32, #tpu.memory_space<vmem_shared>>) target(%arg9 : memref<80x32xf32, #tpu.memory_space<vmem>>) offsets(%dma_start3A_21 : memref<80xi32, #tpu.memory_space<vmem>>) semaphore(%arg16 : memref<!tpu.dma_semaphore, #tpu.memory_space<semaphore_mem>>)
    %dma_start3A_25 = arith.constant 2 : i32
    %dma_start3A_26 = arith.constant 0 : i32
    %dma_start3A_27 = tpu.memref_slice %arg6[%dma_start3A_25, %dma_start3A_26] : memref<128x80xi32, #tpu.memory_space<vmem>> -> memref<1x80xi32, #tpu.memory_space<vmem>>
    %dma_start3A_28 = tpu.memref_squeeze %dma_start3A_27 : memref<1x80xi32, #tpu.memory_space<vmem>> -> memref<80xi32, #tpu.memory_space<vmem>>
    %dma_start3A_29 = arith.constant 0 : i32
    %dma_start3A_30 = arith.constant 0 : i32
    %dma_start3A_31 = tpu.memref_slice %arg14[%dma_start3A_29, %dma_start3A_30] : memref<10000x32xf32, #tpu.memory_space<vmem_shared>> -> memref<10000x32xf32, #tpu.memory_space<vmem_shared>>
    tpu.enqueue_indirect_dma source(%dma_start3A_31 : memref<10000x32xf32, #tpu.memory_space<vmem_shared>>) target(%arg10 : memref<80x32xf32, #tpu.memory_space<vmem>>) offsets(%dma_start3A_28 : memref<80xi32, #tpu.memory_space<vmem>>) semaphore(%arg17 : memref<!tpu.dma_semaphore, #tpu.memory_space<semaphore_mem>>)
    %scan3A_32 = arith.constant 0 : i32
    %scan3A_33 = arith.constant 32 : i32
    %scan3A_34 = arith.addi %scan3A_32, %scan3A_33 : i32
    %scan3A_35 = arith.constant 1 : i32
    scf.for %scan3A_42 = %scan3A_32 to %scan3A_34 step %scan3A_35  : i32 {
      %mul3A_43 = arith.constant 4 : i32
      %mul3A_44 = arith.muli %scan3A_42, %mul3A_43 : i32
      %add3A_45 = arith.constant 0 : i32
      %add3A_46 = arith.addi %add3A_45, %mul3A_44 : i32
      %add3A_47 = arith.constant 3 : i32
      %add3A_48 = arith.addi %add3A_46, %add3A_47 : i32
      %dma_start3A_49 = arith.constant 0 : i32
      %dma_start3A_50 = tpu.memref_slice %arg6[%add3A_48, %dma_start3A_49] : memref<128x80xi32, #tpu.memory_space<vmem>> -> memref<1x80xi32, #tpu.memory_space<vmem>>
      %dma_start3A_51 = tpu.memref_squeeze %dma_start3A_50 : memref<1x80xi32, #tpu.memory_space<vmem>> -> memref<80xi32, #tpu.memory_space<vmem>>
      %dma_start3A_52 = arith.constant 0 : i32
      %dma_start3A_53 = arith.constant 0 : i32
      %dma_start3A_54 = tpu.memref_slice %arg14[%dma_start3A_52, %dma_start3A_53] : memref<10000x32xf32, #tpu.memory_space<vmem_shared>> -> memref<10000x32xf32, #tpu.memory_space<vmem_shared>>
      tpu.enqueue_indirect_dma source(%dma_start3A_54 : memref<10000x32xf32, #tpu.memory_space<vmem_shared>>) target(%arg11 : memref<80x32xf32, #tpu.memory_space<vmem>>) offsets(%dma_start3A_51 : memref<80xi32, #tpu.memory_space<vmem>>) semaphore(%arg18 : memref<!tpu.dma_semaphore, #tpu.memory_space<semaphore_mem>>)
      %dma_wait3A = arith.constant 0 : i32
      %dma_wait3A_55 = arith.constant 0 : i32
      %dma_wait3A_56 = tpu.memref_slice %arg6[%dma_wait3A, %dma_wait3A_55] : memref<128x80xi32, #tpu.memory_space<vmem>> -> memref<1x80xi32, #tpu.memory_space<vmem>>
      %dma_wait3A_57 = tpu.memref_squeeze %dma_wait3A_56 : memref<1x80xi32, #tpu.memory_space<vmem>> -> memref<80xi32, #tpu.memory_space<vmem>>
      %dma_wait3A_58 = arith.constant 0 : i32
      %dma_wait3A_59 = arith.constant 0 : i32
      %dma_wait3A_60 = tpu.memref_slice %arg14[%dma_wait3A_58, %dma_wait3A_59] : memref<10000x32xf32, #tpu.memory_space<vmem_shared>> -> memref<10000x32xf32, #tpu.memory_space<vmem_shared>>
      tpu.wait_indirect_dma semaphore(%arg15 : memref<!tpu.dma_semaphore, #tpu.memory_space<semaphore_mem>>) src(%dma_wait3A_60 : memref<10000x32xf32, #tpu.memory_space<vmem_shared>>) dst(%arg8 : memref<80x32xf32, #tpu.memory_space<vmem>>)
      "tpu.region"() ({
        %run_scoped3A = tpu.sem_alloc : memref<!tpu.dma_semaphore, #tpu.memory_space<semaphore_mem>>
        %dma_start3A_113 = arith.constant 0 : i32
        %dma_start3A_114 = tpu.memref_slice %arg7[%add3A_46, %dma_start3A_113] : memref<128x80xi32, #tpu.memory_space<vmem>> -> memref<1x80xi32, #tpu.memory_space<vmem>>
        %dma_start3A_115 = tpu.memref_squeeze %dma_start3A_114 : memref<1x80xi32, #tpu.memory_space<vmem>> -> memref<80xi32, #tpu.memory_space<vmem>>
        %dma_start3A_116 = arith.constant 0 : i32
        %dma_start3A_117 = arith.constant 0 : i32
        %dma_start3A_118 = tpu.memref_slice %arg13[%dma_start3A_116, %dma_start3A_117] : memref<10112x32xf32, #tpu.memory_space<vmem_shared>> -> memref<10112x32xf32, #tpu.memory_space<vmem_shared>>
        tpu.enqueue_indirect_dma source(%arg8 : memref<80x32xf32, #tpu.memory_space<vmem>>) target(%dma_start3A_118 : memref<10112x32xf32, #tpu.memory_space<vmem_shared>>) offsets(%dma_start3A_115 : memref<80xi32, #tpu.memory_space<vmem>>) semaphore(%run_scoped3A : memref<!tpu.dma_semaphore, #tpu.memory_space<semaphore_mem>>) {add = true}
        %dma_wait3A_119 = arith.constant 0 : i32
        %dma_wait3A_120 = tpu.memref_slice %arg7[%add3A_46, %dma_wait3A_119] : memref<128x80xi32, #tpu.memory_space<vmem>> -> memref<1x80xi32, #tpu.memory_space<vmem>>
        %dma_wait3A_121 = tpu.memref_squeeze %dma_wait3A_120 : memref<1x80xi32, #tpu.memory_space<vmem>> -> memref<80xi32, #tpu.memory_space<vmem>>
        %dma_wait3A_122 = arith.constant 0 : i32
        %dma_wait3A_123 = arith.constant 0 : i32
        %dma_wait3A_124 = tpu.memref_slice %arg13[%dma_wait3A_122, %dma_wait3A_123] : memref<10112x32xf32, #tpu.memory_space<vmem_shared>> -> memref<10112x32xf32, #tpu.memory_space<vmem_shared>>
        tpu.wait_indirect_dma semaphore(%run_scoped3A : memref<!tpu.dma_semaphore, #tpu.memory_space<semaphore_mem>>) src(%arg8 : memref<80x32xf32, #tpu.memory_space<vmem>>) dst(%dma_wait3A_124 : memref<10112x32xf32, #tpu.memory_space<vmem_shared>>)
        tpu.yield
      }) : () -> ()
      %add3A_61 = arith.constant 4 : i32
      %add3A_62 = arith.addi %add3A_46, %add3A_61 : i32
      %lt3A = arith.constant 128 : i32
      %lt3A_63 = arith.cmpi slt, %add3A_62, %lt3A : i32
      %convert_element_type3A = arith.extui %lt3A_63 : i1 to i32
      %cond3A = arith.constant 0 : i32
      %cond3A_64 = arith.cmpi ne, %convert_element_type3A, %cond3A : i32
      scf.if %cond3A_64 {
        %add3A_113 = arith.constant 4 : i32
        %add3A_114 = arith.addi %add3A_46, %add3A_113 : i32
        %dma_start3A_115 = arith.constant 0 : i32
        %dma_start3A_116 = tpu.memref_slice %arg6[%add3A_114, %dma_start3A_115] : memref<128x80xi32, #tpu.memory_space<vmem>> -> memref<1x80xi32, #tpu.memory_space<vmem>>
        %dma_start3A_117 = tpu.memref_squeeze %dma_start3A_116 : memref<1x80xi32, #tpu.memory_space<vmem>> -> memref<80xi32, #tpu.memory_space<vmem>>
        %dma_start3A_118 = arith.constant 0 : i32
        %dma_start3A_119 = arith.constant 0 : i32
        %dma_start3A_120 = tpu.memref_slice %arg14[%dma_start3A_118, %dma_start3A_119] : memref<10000x32xf32, #tpu.memory_space<vmem_shared>> -> memref<10000x32xf32, #tpu.memory_space<vmem_shared>>
        tpu.enqueue_indirect_dma source(%dma_start3A_120 : memref<10000x32xf32, #tpu.memory_space<vmem_shared>>) target(%arg8 : memref<80x32xf32, #tpu.memory_space<vmem>>) offsets(%dma_start3A_117 : memref<80xi32, #tpu.memory_space<vmem>>) semaphore(%arg15 : memref<!tpu.dma_semaphore, #tpu.memory_space<semaphore_mem>>)
      } else {
      }
      %dma_wait3A_65 = arith.constant 0 : i32
      %dma_wait3A_66 = arith.constant 0 : i32
      %dma_wait3A_67 = tpu.memref_slice %arg6[%dma_wait3A_65, %dma_wait3A_66] : memref<128x80xi32, #tpu.memory_space<vmem>> -> memref<1x80xi32, #tpu.memory_space<vmem>>
      %dma_wait3A_68 = tpu.memref_squeeze %dma_wait3A_67 : memref<1x80xi32, #tpu.memory_space<vmem>> -> memref<80xi32, #tpu.memory_space<vmem>>
      %dma_wait3A_69 = arith.constant 0 : i32
      %dma_wait3A_70 = arith.constant 0 : i32
      %dma_wait3A_71 = tpu.memref_slice %arg14[%dma_wait3A_69, %dma_wait3A_70] : memref<10000x32xf32, #tpu.memory_space<vmem_shared>> -> memref<10000x32xf32, #tpu.memory_space<vmem_shared>>
      tpu.wait_indirect_dma semaphore(%arg16 : memref<!tpu.dma_semaphore, #tpu.memory_space<semaphore_mem>>) src(%dma_wait3A_71 : memref<10000x32xf32, #tpu.memory_space<vmem_shared>>) dst(%arg9 : memref<80x32xf32, #tpu.memory_space<vmem>>)
      %add3A_72 = arith.constant 1 : i32
      %add3A_73 = arith.addi %add3A_46, %add3A_72 : i32
      "tpu.region"() ({
        %run_scoped3A = tpu.sem_alloc : memref<!tpu.dma_semaphore, #tpu.memory_space<semaphore_mem>>
        %dma_start3A_113 = arith.constant 0 : i32
        %dma_start3A_114 = tpu.memref_slice %arg7[%add3A_73, %dma_start3A_113] : memref<128x80xi32, #tpu.memory_space<vmem>> -> memref<1x80xi32, #tpu.memory_space<vmem>>
        %dma_start3A_115 = tpu.memref_squeeze %dma_start3A_114 : memref<1x80xi32, #tpu.memory_space<vmem>> -> memref<80xi32, #tpu.memory_space<vmem>>
        %dma_start3A_116 = arith.constant 0 : i32
        %dma_start3A_117 = arith.constant 0 : i32
        %dma_start3A_118 = tpu.memref_slice %arg13[%dma_start3A_116, %dma_start3A_117] : memref<10112x32xf32, #tpu.memory_space<vmem_shared>> -> memref<10112x32xf32, #tpu.memory_space<vmem_shared>>
        tpu.enqueue_indirect_dma source(%arg9 : memref<80x32xf32, #tpu.memory_space<vmem>>) target(%dma_start3A_118 : memref<10112x32xf32, #tpu.memory_space<vmem_shared>>) offsets(%dma_start3A_115 : memref<80xi32, #tpu.memory_space<vmem>>) semaphore(%run_scoped3A : memref<!tpu.dma_semaphore, #tpu.memory_space<semaphore_mem>>) {add = true}
        %dma_wait3A_119 = arith.constant 0 : i32
        %dma_wait3A_120 = tpu.memref_slice %arg7[%add3A_73, %dma_wait3A_119] : memref<128x80xi32, #tpu.memory_space<vmem>> -> memref<1x80xi32, #tpu.memory_space<vmem>>
        %dma_wait3A_121 = tpu.memref_squeeze %dma_wait3A_120 : memref<1x80xi32, #tpu.memory_space<vmem>> -> memref<80xi32, #tpu.memory_space<vmem>>
        %dma_wait3A_122 = arith.constant 0 : i32
        %dma_wait3A_123 = arith.constant 0 : i32
        %dma_wait3A_124 = tpu.memref_slice %arg13[%dma_wait3A_122, %dma_wait3A_123] : memref<10112x32xf32, #tpu.memory_space<vmem_shared>> -> memref<10112x32xf32, #tpu.memory_space<vmem_shared>>
        tpu.wait_indirect_dma semaphore(%run_scoped3A : memref<!tpu.dma_semaphore, #tpu.memory_space<semaphore_mem>>) src(%arg9 : memref<80x32xf32, #tpu.memory_space<vmem>>) dst(%dma_wait3A_124 : memref<10112x32xf32, #tpu.memory_space<vmem_shared>>)
        tpu.yield
      }) : () -> ()
      %add3A_74 = arith.constant 5 : i32
      %add3A_75 = arith.addi %add3A_46, %add3A_74 : i32
      %lt3A_76 = arith.constant 128 : i32
      %lt3A_77 = arith.cmpi slt, %add3A_75, %lt3A_76 : i32
      %convert_element_type3A_78 = arith.extui %lt3A_77 : i1 to i32
      %cond3A_79 = arith.constant 0 : i32
      %cond3A_80 = arith.cmpi ne, %convert_element_type3A_78, %cond3A_79 : i32
      scf.if %cond3A_80 {
        %add3A_113 = arith.constant 5 : i32
        %add3A_114 = arith.addi %add3A_46, %add3A_113 : i32
        %dma_start3A_115 = arith.constant 0 : i32
        %dma_start3A_116 = tpu.memref_slice %arg6[%add3A_114, %dma_start3A_115] : memref<128x80xi32, #tpu.memory_space<vmem>> -> memref<1x80xi32, #tpu.memory_space<vmem>>
        %dma_start3A_117 = tpu.memref_squeeze %dma_start3A_116 : memref<1x80xi32, #tpu.memory_space<vmem>> -> memref<80xi32, #tpu.memory_space<vmem>>
        %dma_start3A_118 = arith.constant 0 : i32
        %dma_start3A_119 = arith.constant 0 : i32
        %dma_start3A_120 = tpu.memref_slice %arg14[%dma_start3A_118, %dma_start3A_119] : memref<10000x32xf32, #tpu.memory_space<vmem_shared>> -> memref<10000x32xf32, #tpu.memory_space<vmem_shared>>
        tpu.enqueue_indirect_dma source(%dma_start3A_120 : memref<10000x32xf32, #tpu.memory_space<vmem_shared>>) target(%arg9 : memref<80x32xf32, #tpu.memory_space<vmem>>) offsets(%dma_start3A_117 : memref<80xi32, #tpu.memory_space<vmem>>) semaphore(%arg16 : memref<!tpu.dma_semaphore, #tpu.memory_space<semaphore_mem>>)
      } else {
      }
      %dma_wait3A_81 = arith.constant 0 : i32
      %dma_wait3A_82 = arith.constant 0 : i32
      %dma_wait3A_83 = tpu.memref_slice %arg6[%dma_wait3A_81, %dma_wait3A_82] : memref<128x80xi32, #tpu.memory_space<vmem>> -> memref<1x80xi32, #tpu.memory_space<vmem>>
      %dma_wait3A_84 = tpu.memref_squeeze %dma_wait3A_83 : memref<1x80xi32, #tpu.memory_space<vmem>> -> memref<80xi32, #tpu.memory_space<vmem>>
      %dma_wait3A_85 = arith.constant 0 : i32
      %dma_wait3A_86 = arith.constant 0 : i32
      %dma_wait3A_87 = tpu.memref_slice %arg14[%dma_wait3A_85, %dma_wait3A_86] : memref<10000x32xf32, #tpu.memory_space<vmem_shared>> -> memref<10000x32xf32, #tpu.memory_space<vmem_shared>>
      tpu.wait_indirect_dma semaphore(%arg17 : memref<!tpu.dma_semaphore, #tpu.memory_space<semaphore_mem>>) src(%dma_wait3A_87 : memref<10000x32xf32, #tpu.memory_space<vmem_shared>>) dst(%arg10 : memref<80x32xf32, #tpu.memory_space<vmem>>)
      %add3A_88 = arith.constant 2 : i32
      %add3A_89 = arith.addi %add3A_46, %add3A_88 : i32
      "tpu.region"() ({
        %run_scoped3A = tpu.sem_alloc : memref<!tpu.dma_semaphore, #tpu.memory_space<semaphore_mem>>
        %dma_start3A_113 = arith.constant 0 : i32
        %dma_start3A_114 = tpu.memref_slice %arg7[%add3A_89, %dma_start3A_113] : memref<128x80xi32, #tpu.memory_space<vmem>> -> memref<1x80xi32, #tpu.memory_space<vmem>>
        %dma_start3A_115 = tpu.memref_squeeze %dma_start3A_114 : memref<1x80xi32, #tpu.memory_space<vmem>> -> memref<80xi32, #tpu.memory_space<vmem>>
        %dma_start3A_116 = arith.constant 0 : i32
        %dma_start3A_117 = arith.constant 0 : i32
        %dma_start3A_118 = tpu.memref_slice %arg13[%dma_start3A_116, %dma_start3A_117] : memref<10112x32xf32, #tpu.memory_space<vmem_shared>> -> memref<10112x32xf32, #tpu.memory_space<vmem_shared>>
        tpu.enqueue_indirect_dma source(%arg10 : memref<80x32xf32, #tpu.memory_space<vmem>>) target(%dma_start3A_118 : memref<10112x32xf32, #tpu.memory_space<vmem_shared>>) offsets(%dma_start3A_115 : memref<80xi32, #tpu.memory_space<vmem>>) semaphore(%run_scoped3A : memref<!tpu.dma_semaphore, #tpu.memory_space<semaphore_mem>>) {add = true}
        %dma_wait3A_119 = arith.constant 0 : i32
        %dma_wait3A_120 = tpu.memref_slice %arg7[%add3A_89, %dma_wait3A_119] : memref<128x80xi32, #tpu.memory_space<vmem>> -> memref<1x80xi32, #tpu.memory_space<vmem>>
        %dma_wait3A_121 = tpu.memref_squeeze %dma_wait3A_120 : memref<1x80xi32, #tpu.memory_space<vmem>> -> memref<80xi32, #tpu.memory_space<vmem>>
        %dma_wait3A_122 = arith.constant 0 : i32
        %dma_wait3A_123 = arith.constant 0 : i32
        %dma_wait3A_124 = tpu.memref_slice %arg13[%dma_wait3A_122, %dma_wait3A_123] : memref<10112x32xf32, #tpu.memory_space<vmem_shared>> -> memref<10112x32xf32, #tpu.memory_space<vmem_shared>>
        tpu.wait_indirect_dma semaphore(%run_scoped3A : memref<!tpu.dma_semaphore, #tpu.memory_space<semaphore_mem>>) src(%arg10 : memref<80x32xf32, #tpu.memory_space<vmem>>) dst(%dma_wait3A_124 : memref<10112x32xf32, #tpu.memory_space<vmem_shared>>)
        tpu.yield
      }) : () -> ()
      %add3A_90 = arith.constant 6 : i32
      %add3A_91 = arith.addi %add3A_46, %add3A_90 : i32
      %lt3A_92 = arith.constant 128 : i32
      %lt3A_93 = arith.cmpi slt, %add3A_91, %lt3A_92 : i32
      %convert_element_type3A_94 = arith.extui %lt3A_93 : i1 to i32
      %cond3A_95 = arith.constant 0 : i32
      %cond3A_96 = arith.cmpi ne, %convert_element_type3A_94, %cond3A_95 : i32
      scf.if %cond3A_96 {
        %add3A_113 = arith.constant 6 : i32
        %add3A_114 = arith.addi %add3A_46, %add3A_113 : i32
        %dma_start3A_115 = arith.constant 0 : i32
        %dma_start3A_116 = tpu.memref_slice %arg6[%add3A_114, %dma_start3A_115] : memref<128x80xi32, #tpu.memory_space<vmem>> -> memref<1x80xi32, #tpu.memory_space<vmem>>
        %dma_start3A_117 = tpu.memref_squeeze %dma_start3A_116 : memref<1x80xi32, #tpu.memory_space<vmem>> -> memref<80xi32, #tpu.memory_space<vmem>>
        %dma_start3A_118 = arith.constant 0 : i32
        %dma_start3A_119 = arith.constant 0 : i32
        %dma_start3A_120 = tpu.memref_slice %arg14[%dma_start3A_118, %dma_start3A_119] : memref<10000x32xf32, #tpu.memory_space<vmem_shared>> -> memref<10000x32xf32, #tpu.memory_space<vmem_shared>>
        tpu.enqueue_indirect_dma source(%dma_start3A_120 : memref<10000x32xf32, #tpu.memory_space<vmem_shared>>) target(%arg10 : memref<80x32xf32, #tpu.memory_space<vmem>>) offsets(%dma_start3A_117 : memref<80xi32, #tpu.memory_space<vmem>>) semaphore(%arg17 : memref<!tpu.dma_semaphore, #tpu.memory_space<semaphore_mem>>)
      } else {
      }
      %dma_wait3A_97 = arith.constant 0 : i32
      %dma_wait3A_98 = arith.constant 0 : i32
      %dma_wait3A_99 = tpu.memref_slice %arg6[%dma_wait3A_97, %dma_wait3A_98] : memref<128x80xi32, #tpu.memory_space<vmem>> -> memref<1x80xi32, #tpu.memory_space<vmem>>
      %dma_wait3A_100 = tpu.memref_squeeze %dma_wait3A_99 : memref<1x80xi32, #tpu.memory_space<vmem>> -> memref<80xi32, #tpu.memory_space<vmem>>
      %dma_wait3A_101 = arith.constant 0 : i32
      %dma_wait3A_102 = arith.constant 0 : i32
      %dma_wait3A_103 = tpu.memref_slice %arg14[%dma_wait3A_101, %dma_wait3A_102] : memref<10000x32xf32, #tpu.memory_space<vmem_shared>> -> memref<10000x32xf32, #tpu.memory_space<vmem_shared>>
      tpu.wait_indirect_dma semaphore(%arg18 : memref<!tpu.dma_semaphore, #tpu.memory_space<semaphore_mem>>) src(%dma_wait3A_103 : memref<10000x32xf32, #tpu.memory_space<vmem_shared>>) dst(%arg11 : memref<80x32xf32, #tpu.memory_space<vmem>>)
      %add3A_104 = arith.constant 3 : i32
      %add3A_105 = arith.addi %add3A_46, %add3A_104 : i32
      "tpu.region"() ({
        %run_scoped3A = tpu.sem_alloc : memref<!tpu.dma_semaphore, #tpu.memory_space<semaphore_mem>>
        %dma_start3A_113 = arith.constant 0 : i32
        %dma_start3A_114 = tpu.memref_slice %arg7[%add3A_105, %dma_start3A_113] : memref<128x80xi32, #tpu.memory_space<vmem>> -> memref<1x80xi32, #tpu.memory_space<vmem>>
        %dma_start3A_115 = tpu.memref_squeeze %dma_start3A_114 : memref<1x80xi32, #tpu.memory_space<vmem>> -> memref<80xi32, #tpu.memory_space<vmem>>
        %dma_start3A_116 = arith.constant 0 : i32
        %dma_start3A_117 = arith.constant 0 : i32
        %dma_start3A_118 = tpu.memref_slice %arg13[%dma_start3A_116, %dma_start3A_117] : memref<10112x32xf32, #tpu.memory_space<vmem_shared>> -> memref<10112x32xf32, #tpu.memory_space<vmem_shared>>
        tpu.enqueue_indirect_dma source(%arg11 : memref<80x32xf32, #tpu.memory_space<vmem>>) target(%dma_start3A_118 : memref<10112x32xf32, #tpu.memory_space<vmem_shared>>) offsets(%dma_start3A_115 : memref<80xi32, #tpu.memory_space<vmem>>) semaphore(%run_scoped3A : memref<!tpu.dma_semaphore, #tpu.memory_space<semaphore_mem>>) {add = true}
        %dma_wait3A_119 = arith.constant 0 : i32
        %dma_wait3A_120 = tpu.memref_slice %arg7[%add3A_105, %dma_wait3A_119] : memref<128x80xi32, #tpu.memory_space<vmem>> -> memref<1x80xi32, #tpu.memory_space<vmem>>
        %dma_wait3A_121 = tpu.memref_squeeze %dma_wait3A_120 : memref<1x80xi32, #tpu.memory_space<vmem>> -> memref<80xi32, #tpu.memory_space<vmem>>
        %dma_wait3A_122 = arith.constant 0 : i32
        %dma_wait3A_123 = arith.constant 0 : i32
        %dma_wait3A_124 = tpu.memref_slice %arg13[%dma_wait3A_122, %dma_wait3A_123] : memref<10112x32xf32, #tpu.memory_space<vmem_shared>> -> memref<10112x32xf32, #tpu.memory_space<vmem_shared>>
        tpu.wait_indirect_dma semaphore(%run_scoped3A : memref<!tpu.dma_semaphore, #tpu.memory_space<semaphore_mem>>) src(%arg11 : memref<80x32xf32, #tpu.memory_space<vmem>>) dst(%dma_wait3A_124 : memref<10112x32xf32, #tpu.memory_space<vmem_shared>>)
        tpu.yield
      }) : () -> ()
      %add3A_106 = arith.constant 7 : i32
      %add3A_107 = arith.addi %add3A_46, %add3A_106 : i32
      %lt3A_108 = arith.constant 128 : i32
      %lt3A_109 = arith.cmpi slt, %add3A_107, %lt3A_108 : i32
      %convert_element_type3A_110 = arith.extui %lt3A_109 : i1 to i32
      %cond3A_111 = arith.constant 0 : i32
      %cond3A_112 = arith.cmpi ne, %convert_element_type3A_110, %cond3A_111 : i32
      scf.if %cond3A_112 {
        %add3A_113 = arith.constant 7 : i32
        %add3A_114 = arith.addi %add3A_46, %add3A_113 : i32
        %dma_start3A_115 = arith.constant 0 : i32
        %dma_start3A_116 = tpu.memref_slice %arg6[%add3A_114, %dma_start3A_115] : memref<128x80xi32, #tpu.memory_space<vmem>> -> memref<1x80xi32, #tpu.memory_space<vmem>>
        %dma_start3A_117 = tpu.memref_squeeze %dma_start3A_116 : memref<1x80xi32, #tpu.memory_space<vmem>> -> memref<80xi32, #tpu.memory_space<vmem>>
        %dma_start3A_118 = arith.constant 0 : i32
        %dma_start3A_119 = arith.constant 0 : i32
        %dma_start3A_120 = tpu.memref_slice %arg14[%dma_start3A_118, %dma_start3A_119] : memref<10000x32xf32, #tpu.memory_space<vmem_shared>> -> memref<10000x32xf32, #tpu.memory_space<vmem_shared>>
        tpu.enqueue_indirect_dma source(%dma_start3A_120 : memref<10000x32xf32, #tpu.memory_space<vmem_shared>>) target(%arg11 : memref<80x32xf32, #tpu.memory_space<vmem>>) offsets(%dma_start3A_117 : memref<80xi32, #tpu.memory_space<vmem>>) semaphore(%arg18 : memref<!tpu.dma_semaphore, #tpu.memory_space<semaphore_mem>>)
      } else {
      }
    }
    %scan3A_36 = arith.constant 32 : i32
    %barrier3A_37 = arith.constant 0 : index
    tpu.barrier barrier_id(%barrier3A_37)
    %mul3A_38 = arith.constant 632 : i32
    %mul3A_39 = arith.muli %arg1, %mul3A_38 : i32
    %mul3A_40 = arith.constant 632 : i32
    %mul3A_41 = arith.muli %arg1, %mul3A_40 : i32
    "tpu.region"() ({
      %run_scoped3A = tpu.sem_alloc : memref<!tpu.dma_semaphore, #tpu.memory_space<semaphore_mem>>
      %dma_start3A_42 = arith.constant 0 : i32
      %dma_start3A_43 = tpu.memref_slice %arg5[%arg0, %mul3A_41, %dma_start3A_42] : memref<2x10112x32xf32, #tpu.memory_space<hbm>> -> memref<1x632x32xf32, #tpu.memory_space<hbm>>
      %dma_start3A_44 = tpu.memref_squeeze %dma_start3A_43 : memref<1x632x32xf32, #tpu.memory_space<hbm>> -> memref<632x32xf32, #tpu.memory_space<hbm>>
      %dma_start3A_45 = arith.constant 0 : i32
      %dma_start3A_46 = tpu.memref_slice %arg13[%mul3A_39, %dma_start3A_45] : memref<10112x32xf32, #tpu.memory_space<vmem_shared>> -> memref<632x32xf32, #tpu.memory_space<vmem_shared>>
      tpu.enqueue_dma source(%dma_start3A_46 : memref<632x32xf32, #tpu.memory_space<vmem_shared>>) target(%dma_start3A_44 : memref<632x32xf32, #tpu.memory_space<hbm>>) target_semaphore(%run_scoped3A : memref<!tpu.dma_semaphore, #tpu.memory_space<semaphore_mem>>)
      %dma_wait3A = arith.constant 0 : i32
      %dma_wait3A_47 = tpu.memref_slice %arg5[%arg0, %mul3A_41, %dma_wait3A] : memref<2x10112x32xf32, #tpu.memory_space<hbm>> -> memref<1x632x32xf32, #tpu.memory_space<hbm>>
      %dma_wait3A_48 = tpu.memref_squeeze %dma_wait3A_47 : memref<1x632x32xf32, #tpu.memory_space<hbm>> -> memref<632x32xf32, #tpu.memory_space<hbm>>
      %dma_wait3A_49 = arith.constant 0 : i32
      %dma_wait3A_50 = tpu.memref_slice %arg13[%mul3A_39, %dma_wait3A_49] : memref<10112x32xf32, #tpu.memory_space<vmem_shared>> -> memref<632x32xf32, #tpu.memory_space<vmem_shared>>
      tpu.wait_dma2 semaphore(%run_scoped3A : memref<!tpu.dma_semaphore, #tpu.memory_space<semaphore_mem>>) src(%dma_wait3A_50 : memref<632x32xf32, #tpu.memory_space<vmem_shared>>) dst(%dma_wait3A_48 : memref<632x32xf32, #tpu.memory_space<hbm>>)
      tpu.yield
    }) : () -> ()
    return
  }
}

#map = affine_map<(d0, d1) -> (0, 0)>
#map1 = affine_map<(d0, d1) -> (0, 0, 0)>
module attributes {stable_mosaic.version = 14 : i64} {
  func.func @k(%arg0: i32, %arg1: i32, %arg2: memref<10000x32xf32, #tpu.memory_space<hbm>>, %arg3: memref<32x128x80xi32, #tpu.memory_space<hbm>>, %arg4: memref<32x128x80xi32, #tpu.memory_space<hbm>>, %arg5: memref<2x10112x32xf32, #tpu.memory_space<hbm>>, %arg6: memref<128x80xi32, #tpu.memory_space<vmem>>, %arg7: memref<128x80xi32, #tpu.memory_space<vmem>>, %arg8: memref<80x32xf32, #tpu.memory_space<vmem>>, %arg9: memref<80x32xf32, #tpu.memory_space<vmem>>, %arg10: memref<80x32xf32, #tpu.memory_space<vmem>>, %arg11: memref<80x32xf32, #tpu.memory_space<vmem>>, %arg12: memref<632x32xf32, #tpu.memory_space<vmem>>, %arg13: memref<10112x32xf32, #tpu.memory_space<vmem_shared>>, %arg14: memref<10000x32xf32, #tpu.memory_space<vmem_shared>>, %arg15: memref<!tpu.dma_semaphore, #tpu.memory_space<semaphore_mem>>, %arg16: memref<!tpu.dma_semaphore, #tpu.memory_space<semaphore_mem>>, %arg17: memref<!tpu.dma_semaphore, #tpu.memory_space<semaphore_mem>>, %arg18: memref<!tpu.dma_semaphore, #tpu.memory_space<semaphore_mem>>) attributes {dimension_semantics = [#tpu.dimension_semantics<core_parallel>, #tpu.dimension_semantics<subcore_parallel>], iteration_bounds = array<i64: 2, 16>, scalar_prefetch = 0 : i64, scratch_operands = 13 : i64, tpu.core_type = #tpu.core_type<sc_vector_subcore>, window_params = [{transform_indices = #map}, {transform_indices = #map1}, {transform_indices = #map1}, {transform_indices = #map1}]} {
    %mul3A = arith.constant 16 : i32
    %mul3A_0 = arith.muli %arg0, %mul3A : i32
    %add3A = arith.addi %mul3A_0, %arg1 : i32
    "tpu.region"() ({
      %run_scoped3A = tpu.sem_alloc : memref<!tpu.dma_semaphore, #tpu.memory_space<semaphore_mem>>
      %dma_start3A_42 = arith.constant 0 : i32
      %dma_start3A_43 = arith.constant 0 : i32
      %dma_start3A_44 = tpu.memref_slice %arg3[%add3A, %dma_start3A_42, %dma_start3A_43] : memref<32x128x80xi32, #tpu.memory_space<hbm>> -> memref<1x128x80xi32, #tpu.memory_space<hbm>>
      %dma_start3A_45 = tpu.memref_squeeze %dma_start3A_44 : memref<1x128x80xi32, #tpu.memory_space<hbm>> -> memref<128x80xi32, #tpu.memory_space<hbm>>
      %dma_start3A_46 = arith.constant 0 : i32
      %dma_start3A_47 = arith.constant 0 : i32
      %dma_start3A_48 = tpu.memref_slice %arg3[%add3A, %dma_start3A_46, %dma_start3A_47] : memref<32x128x80xi32, #tpu.memory_space<hbm>> -> memref<1x128x80xi32, #tpu.memory_space<hbm>>
      %dma_start3A_49 = tpu.memref_squeeze %dma_start3A_48 : memref<1x128x80xi32, #tpu.memory_space<hbm>> -> memref<128x80xi32, #tpu.memory_space<hbm>>
      tpu.enqueue_dma source(%dma_start3A_49 : memref<128x80xi32, #tpu.memory_space<hbm>>) target(%arg6 : memref<128x80xi32, #tpu.memory_space<vmem>>) target_semaphore(%run_scoped3A : memref<!tpu.dma_semaphore, #tpu.memory_space<semaphore_mem>>)
      %dma_wait3A = arith.constant 0 : i32
      %dma_wait3A_50 = arith.constant 0 : i32
      %dma_wait3A_51 = tpu.memref_slice %arg3[%add3A, %dma_wait3A, %dma_wait3A_50] : memref<32x128x80xi32, #tpu.memory_space<hbm>> -> memref<1x128x80xi32, #tpu.memory_space<hbm>>
      %dma_wait3A_52 = tpu.memref_squeeze %dma_wait3A_51 : memref<1x128x80xi32, #tpu.memory_space<hbm>> -> memref<128x80xi32, #tpu.memory_space<hbm>>
      %dma_wait3A_53 = arith.constant 0 : i32
      %dma_wait3A_54 = arith.constant 0 : i32
      %dma_wait3A_55 = tpu.memref_slice %arg3[%add3A, %dma_wait3A_53, %dma_wait3A_54] : memref<32x128x80xi32, #tpu.memory_space<hbm>> -> memref<1x128x80xi32, #tpu.memory_space<hbm>>
      %dma_wait3A_56 = tpu.memref_squeeze %dma_wait3A_55 : memref<1x128x80xi32, #tpu.memory_space<hbm>> -> memref<128x80xi32, #tpu.memory_space<hbm>>
      tpu.wait_dma2 semaphore(%run_scoped3A : memref<!tpu.dma_semaphore, #tpu.memory_space<semaphore_mem>>) src(%dma_wait3A_56 : memref<128x80xi32, #tpu.memory_space<hbm>>) dst(%arg6 : memref<128x80xi32, #tpu.memory_space<vmem>>)
      tpu.yield
    }) : () -> ()
    "tpu.region"() ({
      %run_scoped3A = tpu.sem_alloc : memref<!tpu.dma_semaphore, #tpu.memory_space<semaphore_mem>>
      %dma_start3A_42 = arith.constant 0 : i32
      %dma_start3A_43 = arith.constant 0 : i32
      %dma_start3A_44 = tpu.memref_slice %arg4[%add3A, %dma_start3A_42, %dma_start3A_43] : memref<32x128x80xi32, #tpu.memory_space<hbm>> -> memref<1x128x80xi32, #tpu.memory_space<hbm>>
      %dma_start3A_45 = tpu.memref_squeeze %dma_start3A_44 : memref<1x128x80xi32, #tpu.memory_space<hbm>> -> memref<128x80xi32, #tpu.memory_space<hbm>>
      %dma_start3A_46 = arith.constant 0 : i32
      %dma_start3A_47 = arith.constant 0 : i32
      %dma_start3A_48 = tpu.memref_slice %arg4[%add3A, %dma_start3A_46, %dma_start3A_47] : memref<32x128x80xi32, #tpu.memory_space<hbm>> -> memref<1x128x80xi32, #tpu.memory_space<hbm>>
      %dma_start3A_49 = tpu.memref_squeeze %dma_start3A_48 : memref<1x128x80xi32, #tpu.memory_space<hbm>> -> memref<128x80xi32, #tpu.memory_space<hbm>>
      tpu.enqueue_dma source(%dma_start3A_49 : memref<128x80xi32, #tpu.memory_space<hbm>>) target(%arg7 : memref<128x80xi32, #tpu.memory_space<vmem>>) target_semaphore(%run_scoped3A : memref<!tpu.dma_semaphore, #tpu.memory_space<semaphore_mem>>)
      %dma_wait3A = arith.constant 0 : i32
      %dma_wait3A_50 = arith.constant 0 : i32
      %dma_wait3A_51 = tpu.memref_slice %arg4[%add3A, %dma_wait3A, %dma_wait3A_50] : memref<32x128x80xi32, #tpu.memory_space<hbm>> -> memref<1x128x80xi32, #tpu.memory_space<hbm>>
      %dma_wait3A_52 = tpu.memref_squeeze %dma_wait3A_51 : memref<1x128x80xi32, #tpu.memory_space<hbm>> -> memref<128x80xi32, #tpu.memory_space<hbm>>
      %dma_wait3A_53 = arith.constant 0 : i32
      %dma_wait3A_54 = arith.constant 0 : i32
      %dma_wait3A_55 = tpu.memref_slice %arg4[%add3A, %dma_wait3A_53, %dma_wait3A_54] : memref<32x128x80xi32, #tpu.memory_space<hbm>> -> memref<1x128x80xi32, #tpu.memory_space<hbm>>
      %dma_wait3A_56 = tpu.memref_squeeze %dma_wait3A_55 : memref<1x128x80xi32, #tpu.memory_space<hbm>> -> memref<128x80xi32, #tpu.memory_space<hbm>>
      tpu.wait_dma2 semaphore(%run_scoped3A : memref<!tpu.dma_semaphore, #tpu.memory_space<semaphore_mem>>) src(%dma_wait3A_56 : memref<128x80xi32, #tpu.memory_space<hbm>>) dst(%arg7 : memref<128x80xi32, #tpu.memory_space<vmem>>)
      tpu.yield
    }) : () -> ()
    %mul3A_1 = arith.constant 625 : i32
    %mul3A_2 = arith.muli %arg1, %mul3A_1 : i32
    %mul3A_3 = arith.constant 625 : i32
    %mul3A_4 = arith.muli %arg1, %mul3A_3 : i32
    "tpu.region"() ({
      %run_scoped3A = tpu.sem_alloc : memref<!tpu.dma_semaphore, #tpu.memory_space<semaphore_mem>>
      %dma_start3A_42 = arith.constant 0 : i32
      %dma_start3A_43 = tpu.memref_slice %arg14[%mul3A_4, %dma_start3A_42] : memref<10000x32xf32, #tpu.memory_space<vmem_shared>> -> memref<625x32xf32, #tpu.memory_space<vmem_shared>>
      %dma_start3A_44 = arith.constant 0 : i32
      %dma_start3A_45 = tpu.memref_slice %arg2[%mul3A_2, %dma_start3A_44] : memref<10000x32xf32, #tpu.memory_space<hbm>> -> memref<625x32xf32, #tpu.memory_space<hbm>>
      tpu.enqueue_dma source(%dma_start3A_45 : memref<625x32xf32, #tpu.memory_space<hbm>>) target(%dma_start3A_43 : memref<625x32xf32, #tpu.memory_space<vmem_shared>>) target_semaphore(%run_scoped3A : memref<!tpu.dma_semaphore, #tpu.memory_space<semaphore_mem>>)
      %dma_wait3A = arith.constant 0 : i32
      %dma_wait3A_46 = tpu.memref_slice %arg14[%mul3A_4, %dma_wait3A] : memref<10000x32xf32, #tpu.memory_space<vmem_shared>> -> memref<625x32xf32, #tpu.memory_space<vmem_shared>>
      %dma_wait3A_47 = arith.constant 0 : i32
      %dma_wait3A_48 = tpu.memref_slice %arg2[%mul3A_2, %dma_wait3A_47] : memref<10000x32xf32, #tpu.memory_space<hbm>> -> memref<625x32xf32, #tpu.memory_space<hbm>>
      tpu.wait_dma2 semaphore(%run_scoped3A : memref<!tpu.dma_semaphore, #tpu.memory_space<semaphore_mem>>) src(%dma_wait3A_48 : memref<625x32xf32, #tpu.memory_space<hbm>>) dst(%dma_wait3A_46 : memref<625x32xf32, #tpu.memory_space<vmem_shared>>)
      tpu.yield
    }) : () -> ()
    %broadcast_in_dim3A = arith.constant 0.000000e+00 : f32
    %broadcast_in_dim3A_5 = vector.broadcast %broadcast_in_dim3A : f32 to vector<16xf32>
    %scan3A = arith.constant 0 : i32
    %scan3A_6 = arith.constant 632 : i32
    %scan3A_7 = arith.addi %scan3A, %scan3A_6 : i32
    %scan3A_8 = arith.constant 1 : i32
    scf.for %scan3A_42 = %scan3A to %scan3A_7 step %scan3A_8  : i32 {
      %mul3A_43 = arith.constant 1 : i32
      %mul3A_44 = arith.muli %scan3A_42, %mul3A_43 : i32
      %add3A_45 = arith.constant 0 : i32
      %add3A_46 = arith.addi %add3A_45, %mul3A_44 : i32
      %scan3A_47 = arith.constant 0 : i32
      %scan3A_48 = arith.constant 2 : i32
      %scan3A_49 = arith.addi %scan3A_47, %scan3A_48 : i32
      %scan3A_50 = arith.constant 1 : i32
      scf.for %scan3A_52 = %scan3A_47 to %scan3A_49 step %scan3A_50  : i32 {
        %mul3A_53 = arith.constant 16 : i32
        %mul3A_54 = arith.muli %scan3A_52, %mul3A_53 : i32
        %add3A_55 = arith.constant 0 : i32
        %add3A_56 = arith.addi %add3A_55, %mul3A_54 : i32
        %swap3A = arith.index_cast %add3A_46 : i32 to index
        %swap3A_57 = arith.index_cast %add3A_56 : i32 to index
        %swap3A_58 = tpu.vector_load %arg12[%swap3A, %swap3A_57] {strides = array<i32>} : memref<632x32xf32, #tpu.memory_space<vmem>>, vector<1x16xf32>,
        %swap3A_59 = vector.shape_cast %swap3A_58 : vector<1x16xf32> to vector<16xf32>
        %swap3A_60 = vector.shape_cast %broadcast_in_dim3A_5 : vector<16xf32> to vector<1x16xf32>
        tpu.vector_store %arg12[%swap3A, %swap3A_57], %swap3A_60 {strides = array<i32>} : memref<632x32xf32, #tpu.memory_space<vmem>>, vector<1x16xf32>,
      }
      %scan3A_51 = arith.constant 2 : i32
    }
    %scan3A_9 = arith.constant 632 : i32
    %mul3A_10 = arith.constant 632 : i32
    %mul3A_11 = arith.muli %arg1, %mul3A_10 : i32
    "tpu.region"() ({
      %run_scoped3A = tpu.sem_alloc : memref<!tpu.dma_semaphore, #tpu.memory_space<semaphore_mem>>
      %dma_start3A_42 = arith.constant 0 : i32
      %dma_start3A_43 = tpu.memref_slice %arg13[%mul3A_11, %dma_start3A_42] : memref<10112x32xf32, #tpu.memory_space<vmem_shared>> -> memref<632x32xf32, #tpu.memory_space<vmem_shared>>
      %dma_start3A_44 = arith.constant 0 : i32
      %dma_start3A_45 = tpu.memref_slice %arg13[%mul3A_11, %dma_start3A_44] : memref<10112x32xf32, #tpu.memory_space<vmem_shared>> -> memref<632x32xf32, #tpu.memory_space<vmem_shared>>
      tpu.enqueue_dma source(%arg12 : memref<632x32xf32, #tpu.memory_space<vmem>>) target(%dma_start3A_45 : memref<632x32xf32, #tpu.memory_space<vmem_shared>>) target_semaphore(%run_scoped3A : memref<!tpu.dma_semaphore, #tpu.memory_space<semaphore_mem>>)
      %dma_wait3A = arith.constant 0 : i32
      %dma_wait3A_46 = tpu.memref_slice %arg13[%mul3A_11, %dma_wait3A] : memref<10112x32xf32, #tpu.memory_space<vmem_shared>> -> memref<632x32xf32, #tpu.memory_space<vmem_shared>>
      %dma_wait3A_47 = arith.constant 0 : i32
      %dma_wait3A_48 = tpu.memref_slice %arg13[%mul3A_11, %dma_wait3A_47] : memref<10112x32xf32, #tpu.memory_space<vmem_shared>> -> memref<632x32xf32, #tpu.memory_space<vmem_shared>>
      tpu.wait_dma2 semaphore(%run_scoped3A : memref<!tpu.dma_semaphore, #tpu.memory_space<semaphore_mem>>) src(%arg12 : memref<632x32xf32, #tpu.memory_space<vmem>>) dst(%dma_wait3A_48 : memref<632x32xf32, #tpu.memory_space<vmem_shared>>)
      tpu.yield
    }) : () -> ()
    %barrier3A = arith.constant 0 : index
    tpu.barrier barrier_id(%barrier3A)
    %dma_start3A = arith.constant 0 : i32
    %dma_start3A_12 = arith.constant 0 : i32
    %dma_start3A_13 = tpu.memref_slice %arg6[%dma_start3A, %dma_start3A_12] : memref<128x80xi32, #tpu.memory_space<vmem>> -> memref<1x80xi32, #tpu.memory_space<vmem>>
    %dma_start3A_14 = tpu.memref_squeeze %dma_start3A_13 : memref<1x80xi32, #tpu.memory_space<vmem>> -> memref<80xi32, #tpu.memory_space<vmem>>
    %dma_start3A_15 = arith.constant 0 : i32
    %dma_start3A_16 = arith.constant 0 : i32
    %dma_start3A_17 = tpu.memref_slice %arg14[%dma_start3A_15, %dma_start3A_16] : memref<10000x32xf32, #tpu.memory_space<vmem_shared>> -> memref<10000x32xf32, #tpu.memory_space<vmem_shared>>
    tpu.enqueue_indirect_dma source(%dma_start3A_17 : memref<10000x32xf32, #tpu.memory_space<vmem_shared>>) target(%arg8 : memref<80x32xf32, #tpu.memory_space<vmem>>) offsets(%dma_start3A_14 : memref<80xi32, #tpu.memory_space<vmem>>) semaphore(%arg15 : memref<!tpu.dma_semaphore, #tpu.memory_space<semaphore_mem>>)
    %dma_start3A_18 = arith.constant 1 : i32
    %dma_start3A_19 = arith.constant 0 : i32
    %dma_start3A_20 = tpu.memref_slice %arg6[%dma_start3A_18, %dma_start3A_19] : memref<128x80xi32, #tpu.memory_space<vmem>> -> memref<1x80xi32, #tpu.memory_space<vmem>>
    %dma_start3A_21 = tpu.memref_squeeze %dma_start3A_20 : memref<1x80xi32, #tpu.memory_space<vmem>> -> memref<80xi32, #tpu.memory_space<vmem>>
    %dma_start3A_22 = arith.constant 0 : i32
    %dma_start3A_23 = arith.constant 0 : i32
    %dma_start3A_24 = tpu.memref_slice %arg14[%dma_start3A_22, %dma_start3A_23] : memref<10000x32xf32, #tpu.memory_space<vmem_shared>> -> memref<10000x32xf32, #tpu.memory_space<vmem_shared>>
    tpu.enqueue_indirect_dma source(%dma_start3A_24 : memref<10000x32xf32, #tpu.memory_space<vmem_shared>>) target(%arg9 : memref<80x32xf32, #tpu.memory_space<vmem>>) offsets(%dma_start3A_21 : memref<80xi32, #tpu.memory_space<vmem>>) semaphore(%arg16 : memref<!tpu.dma_semaphore, #tpu.memory_space<semaphore_mem>>)
    %dma_start3A_25 = arith.constant 2 : i32
    %dma_start3A_26 = arith.constant 0 : i32
    %dma_start3A_27 = tpu.memref_slice %arg6[%dma_start3A_25, %dma_start3A_26] : memref<128x80xi32, #tpu.memory_space<vmem>> -> memref<1x80xi32, #tpu.memory_space<vmem>>
    %dma_start3A_28 = tpu.memref_squeeze %dma_start3A_27 : memref<1x80xi32, #tpu.memory_space<vmem>> -> memref<80xi32, #tpu.memory_space<vmem>>
    %dma_start3A_29 = arith.constant 0 : i32
    %dma_start3A_30 = arith.constant 0 : i32
    %dma_start3A_31 = tpu.memref_slice %arg14[%dma_start3A_29, %dma_start3A_30] : memref<10000x32xf32, #tpu.memory_space<vmem_shared>> -> memref<10000x32xf32, #tpu.memory_space<vmem_shared>>
    tpu.enqueue_indirect_dma source(%dma_start3A_31 : memref<10000x32xf32, #tpu.memory_space<vmem_shared>>) target(%arg10 : memref<80x32xf32, #tpu.memory_space<vmem>>) offsets(%dma_start3A_28 : memref<80xi32, #tpu.memory_space<vmem>>) semaphore(%arg17 : memref<!tpu.dma_semaphore, #tpu.memory_space<semaphore_mem>>)
    %scan3A_32 = arith.constant 0 : i32
    %scan3A_33 = arith.constant 32 : i32
    %scan3A_34 = arith.addi %scan3A_32, %scan3A_33 : i32
    %scan3A_35 = arith.constant 1 : i32
    scf.for %scan3A_42 = %scan3A_32 to %scan3A_34 step %scan3A_35  : i32 {
      %mul3A_43 = arith.constant 4 : i32
      %mul3A_44 = arith.muli %scan3A_42, %mul3A_43 : i32
      %add3A_45 = arith.constant 0 : i32
      %add3A_46 = arith.addi %add3A_45, %mul3A_44 : i32
      %add3A_47 = arith.constant 3 : i32
      %add3A_48 = arith.addi %add3A_46, %add3A_47 : i32
      %dma_start3A_49 = arith.constant 0 : i32
      %dma_start3A_50 = tpu.memref_slice %arg6[%add3A_48, %dma_start3A_49] : memref<128x80xi32, #tpu.memory_space<vmem>> -> memref<1x80xi32, #tpu.memory_space<vmem>>
      %dma_start3A_51 = tpu.memref_squeeze %dma_start3A_50 : memref<1x80xi32, #tpu.memory_space<vmem>> -> memref<80xi32, #tpu.memory_space<vmem>>
      %dma_start3A_52 = arith.constant 0 : i32
      %dma_start3A_53 = arith.constant 0 : i32
      %dma_start3A_54 = tpu.memref_slice %arg14[%dma_start3A_52, %dma_start3A_53] : memref<10000x32xf32, #tpu.memory_space<vmem_shared>> -> memref<10000x32xf32, #tpu.memory_space<vmem_shared>>
      tpu.enqueue_indirect_dma source(%dma_start3A_54 : memref<10000x32xf32, #tpu.memory_space<vmem_shared>>) target(%arg11 : memref<80x32xf32, #tpu.memory_space<vmem>>) offsets(%dma_start3A_51 : memref<80xi32, #tpu.memory_space<vmem>>) semaphore(%arg18 : memref<!tpu.dma_semaphore, #tpu.memory_space<semaphore_mem>>)
      %dma_wait3A = arith.constant 0 : i32
      %dma_wait3A_55 = arith.constant 0 : i32
      %dma_wait3A_56 = tpu.memref_slice %arg6[%dma_wait3A, %dma_wait3A_55] : memref<128x80xi32, #tpu.memory_space<vmem>> -> memref<1x80xi32, #tpu.memory_space<vmem>>
      %dma_wait3A_57 = tpu.memref_squeeze %dma_wait3A_56 : memref<1x80xi32, #tpu.memory_space<vmem>> -> memref<80xi32, #tpu.memory_space<vmem>>
      %dma_wait3A_58 = arith.constant 0 : i32
      %dma_wait3A_59 = arith.constant 0 : i32
      %dma_wait3A_60 = tpu.memref_slice %arg14[%dma_wait3A_58, %dma_wait3A_59] : memref<10000x32xf32, #tpu.memory_space<vmem_shared>> -> memref<10000x32xf32, #tpu.memory_space<vmem_shared>>
      tpu.wait_indirect_dma semaphore(%arg15 : memref<!tpu.dma_semaphore, #tpu.memory_space<semaphore_mem>>) src(%dma_wait3A_60 : memref<10000x32xf32, #tpu.memory_space<vmem_shared>>) dst(%arg8 : memref<80x32xf32, #tpu.memory_space<vmem>>)
      "tpu.region"() ({
        %run_scoped3A = tpu.sem_alloc : memref<!tpu.dma_semaphore, #tpu.memory_space<semaphore_mem>>
        %dma_start3A_113 = arith.constant 0 : i32
        %dma_start3A_114 = tpu.memref_slice %arg7[%add3A_46, %dma_start3A_113] : memref<128x80xi32, #tpu.memory_space<vmem>> -> memref<1x80xi32, #tpu.memory_space<vmem>>
        %dma_start3A_115 = tpu.memref_squeeze %dma_start3A_114 : memref<1x80xi32, #tpu.memory_space<vmem>> -> memref<80xi32, #tpu.memory_space<vmem>>
        %dma_start3A_116 = arith.constant 0 : i32
        %dma_start3A_117 = arith.constant 0 : i32
        %dma_start3A_118 = tpu.memref_slice %arg13[%dma_start3A_116, %dma_start3A_117] : memref<10112x32xf32, #tpu.memory_space<vmem_shared>> -> memref<10112x32xf32, #tpu.memory_space<vmem_shared>>
        tpu.enqueue_indirect_dma source(%arg8 : memref<80x32xf32, #tpu.memory_space<vmem>>) target(%dma_start3A_118 : memref<10112x32xf32, #tpu.memory_space<vmem_shared>>) offsets(%dma_start3A_115 : memref<80xi32, #tpu.memory_space<vmem>>) semaphore(%run_scoped3A : memref<!tpu.dma_semaphore, #tpu.memory_space<semaphore_mem>>) {add = true}
        %dma_wait3A_119 = arith.constant 0 : i32
        %dma_wait3A_120 = tpu.memref_slice %arg7[%add3A_46, %dma_wait3A_119] : memref<128x80xi32, #tpu.memory_space<vmem>> -> memref<1x80xi32, #tpu.memory_space<vmem>>
        %dma_wait3A_121 = tpu.memref_squeeze %dma_wait3A_120 : memref<1x80xi32, #tpu.memory_space<vmem>> -> memref<80xi32, #tpu.memory_space<vmem>>
        %dma_wait3A_122 = arith.constant 0 : i32
        %dma_wait3A_123 = arith.constant 0 : i32
        %dma_wait3A_124 = tpu.memref_slice %arg13[%dma_wait3A_122, %dma_wait3A_123] : memref<10112x32xf32, #tpu.memory_space<vmem_shared>> -> memref<10112x32xf32, #tpu.memory_space<vmem_shared>>
        tpu.wait_indirect_dma semaphore(%run_scoped3A : memref<!tpu.dma_semaphore, #tpu.memory_space<semaphore_mem>>) src(%arg8 : memref<80x32xf32, #tpu.memory_space<vmem>>) dst(%dma_wait3A_124 : memref<10112x32xf32, #tpu.memory_space<vmem_shared>>)
        tpu.yield
      }) : () -> ()
      %add3A_61 = arith.constant 4 : i32
      %add3A_62 = arith.addi %add3A_46, %add3A_61 : i32
      %lt3A = arith.constant 128 : i32
      %lt3A_63 = arith.cmpi slt, %add3A_62, %lt3A : i32
      %convert_element_type3A = arith.extui %lt3A_63 : i1 to i32
      %cond3A = arith.constant 0 : i32
      %cond3A_64 = arith.cmpi ne, %convert_element_type3A, %cond3A : i32
      scf.if %cond3A_64 {
        %add3A_113 = arith.constant 4 : i32
        %add3A_114 = arith.addi %add3A_46, %add3A_113 : i32
        %dma_start3A_115 = arith.constant 0 : i32
        %dma_start3A_116 = tpu.memref_slice %arg6[%add3A_114, %dma_start3A_115] : memref<128x80xi32, #tpu.memory_space<vmem>> -> memref<1x80xi32, #tpu.memory_space<vmem>>
        %dma_start3A_117 = tpu.memref_squeeze %dma_start3A_116 : memref<1x80xi32, #tpu.memory_space<vmem>> -> memref<80xi32, #tpu.memory_space<vmem>>
        %dma_start3A_118 = arith.constant 0 : i32
        %dma_start3A_119 = arith.constant 0 : i32
        %dma_start3A_120 = tpu.memref_slice %arg14[%dma_start3A_118, %dma_start3A_119] : memref<10000x32xf32, #tpu.memory_space<vmem_shared>> -> memref<10000x32xf32, #tpu.memory_space<vmem_shared>>
        tpu.enqueue_indirect_dma source(%dma_start3A_120 : memref<10000x32xf32, #tpu.memory_space<vmem_shared>>) target(%arg8 : memref<80x32xf32, #tpu.memory_space<vmem>>) offsets(%dma_start3A_117 : memref<80xi32, #tpu.memory_space<vmem>>) semaphore(%arg15 : memref<!tpu.dma_semaphore, #tpu.memory_space<semaphore_mem>>)
      } else {
      }
      %dma_wait3A_65 = arith.constant 0 : i32
      %dma_wait3A_66 = arith.constant 0 : i32
      %dma_wait3A_67 = tpu.memref_slice %arg6[%dma_wait3A_65, %dma_wait3A_66] : memref<128x80xi32, #tpu.memory_space<vmem>> -> memref<1x80xi32, #tpu.memory_space<vmem>>
      %dma_wait3A_68 = tpu.memref_squeeze %dma_wait3A_67 : memref<1x80xi32, #tpu.memory_space<vmem>> -> memref<80xi32, #tpu.memory_space<vmem>>
      %dma_wait3A_69 = arith.constant 0 : i32
      %dma_wait3A_70 = arith.constant 0 : i32
      %dma_wait3A_71 = tpu.memref_slice %arg14[%dma_wait3A_69, %dma_wait3A_70] : memref<10000x32xf32, #tpu.memory_space<vmem_shared>> -> memref<10000x32xf32, #tpu.memory_space<vmem_shared>>
      tpu.wait_indirect_dma semaphore(%arg16 : memref<!tpu.dma_semaphore, #tpu.memory_space<semaphore_mem>>) src(%dma_wait3A_71 : memref<10000x32xf32, #tpu.memory_space<vmem_shared>>) dst(%arg9 : memref<80x32xf32, #tpu.memory_space<vmem>>)
      %add3A_72 = arith.constant 1 : i32
      %add3A_73 = arith.addi %add3A_46, %add3A_72 : i32
      "tpu.region"() ({
        %run_scoped3A = tpu.sem_alloc : memref<!tpu.dma_semaphore, #tpu.memory_space<semaphore_mem>>
        %dma_start3A_113 = arith.constant 0 : i32
        %dma_start3A_114 = tpu.memref_slice %arg7[%add3A_73, %dma_start3A_113] : memref<128x80xi32, #tpu.memory_space<vmem>> -> memref<1x80xi32, #tpu.memory_space<vmem>>
        %dma_start3A_115 = tpu.memref_squeeze %dma_start3A_114 : memref<1x80xi32, #tpu.memory_space<vmem>> -> memref<80xi32, #tpu.memory_space<vmem>>
        %dma_start3A_116 = arith.constant 0 : i32
        %dma_start3A_117 = arith.constant 0 : i32
        %dma_start3A_118 = tpu.memref_slice %arg13[%dma_start3A_116, %dma_start3A_117] : memref<10112x32xf32, #tpu.memory_space<vmem_shared>> -> memref<10112x32xf32, #tpu.memory_space<vmem_shared>>
        tpu.enqueue_indirect_dma source(%arg9 : memref<80x32xf32, #tpu.memory_space<vmem>>) target(%dma_start3A_118 : memref<10112x32xf32, #tpu.memory_space<vmem_shared>>) offsets(%dma_start3A_115 : memref<80xi32, #tpu.memory_space<vmem>>) semaphore(%run_scoped3A : memref<!tpu.dma_semaphore, #tpu.memory_space<semaphore_mem>>) {add = true}
        %dma_wait3A_119 = arith.constant 0 : i32
        %dma_wait3A_120 = tpu.memref_slice %arg7[%add3A_73, %dma_wait3A_119] : memref<128x80xi32, #tpu.memory_space<vmem>> -> memref<1x80xi32, #tpu.memory_space<vmem>>
        %dma_wait3A_121 = tpu.memref_squeeze %dma_wait3A_120 : memref<1x80xi32, #tpu.memory_space<vmem>> -> memref<80xi32, #tpu.memory_space<vmem>>
        %dma_wait3A_122 = arith.constant 0 : i32
        %dma_wait3A_123 = arith.constant 0 : i32
        %dma_wait3A_124 = tpu.memref_slice %arg13[%dma_wait3A_122, %dma_wait3A_123] : memref<10112x32xf32, #tpu.memory_space<vmem_shared>> -> memref<10112x32xf32, #tpu.memory_space<vmem_shared>>
        tpu.wait_indirect_dma semaphore(%run_scoped3A : memref<!tpu.dma_semaphore, #tpu.memory_space<semaphore_mem>>) src(%arg9 : memref<80x32xf32, #tpu.memory_space<vmem>>) dst(%dma_wait3A_124 : memref<10112x32xf32, #tpu.memory_space<vmem_shared>>)
        tpu.yield
      }) : () -> ()
      %add3A_74 = arith.constant 5 : i32
      %add3A_75 = arith.addi %add3A_46, %add3A_74 : i32
      %lt3A_76 = arith.constant 128 : i32
      %lt3A_77 = arith.cmpi slt, %add3A_75, %lt3A_76 : i32
      %convert_element_type3A_78 = arith.extui %lt3A_77 : i1 to i32
      %cond3A_79 = arith.constant 0 : i32
      %cond3A_80 = arith.cmpi ne, %convert_element_type3A_78, %cond3A_79 : i32
      scf.if %cond3A_80 {
        %add3A_113 = arith.constant 5 : i32
        %add3A_114 = arith.addi %add3A_46, %add3A_113 : i32
        %dma_start3A_115 = arith.constant 0 : i32
        %dma_start3A_116 = tpu.memref_slice %arg6[%add3A_114, %dma_start3A_115] : memref<128x80xi32, #tpu.memory_space<vmem>> -> memref<1x80xi32, #tpu.memory_space<vmem>>
        %dma_start3A_117 = tpu.memref_squeeze %dma_start3A_116 : memref<1x80xi32, #tpu.memory_space<vmem>> -> memref<80xi32, #tpu.memory_space<vmem>>
        %dma_start3A_118 = arith.constant 0 : i32
        %dma_start3A_119 = arith.constant 0 : i32
        %dma_start3A_120 = tpu.memref_slice %arg14[%dma_start3A_118, %dma_start3A_119] : memref<10000x32xf32, #tpu.memory_space<vmem_shared>> -> memref<10000x32xf32, #tpu.memory_space<vmem_shared>>
        tpu.enqueue_indirect_dma source(%dma_start3A_120 : memref<10000x32xf32, #tpu.memory_space<vmem_shared>>) target(%arg9 : memref<80x32xf32, #tpu.memory_space<vmem>>) offsets(%dma_start3A_117 : memref<80xi32, #tpu.memory_space<vmem>>) semaphore(%arg16 : memref<!tpu.dma_semaphore, #tpu.memory_space<semaphore_mem>>)
      } else {
      }
      %dma_wait3A_81 = arith.constant 0 : i32
      %dma_wait3A_82 = arith.constant 0 : i32
      %dma_wait3A_83 = tpu.memref_slice %arg6[%dma_wait3A_81, %dma_wait3A_82] : memref<128x80xi32, #tpu.memory_space<vmem>> -> memref<1x80xi32, #tpu.memory_space<vmem>>
      %dma_wait3A_84 = tpu.memref_squeeze %dma_wait3A_83 : memref<1x80xi32, #tpu.memory_space<vmem>> -> memref<80xi32, #tpu.memory_space<vmem>>
      %dma_wait3A_85 = arith.constant 0 : i32
      %dma_wait3A_86 = arith.constant 0 : i32
      %dma_wait3A_87 = tpu.memref_slice %arg14[%dma_wait3A_85, %dma_wait3A_86] : memref<10000x32xf32, #tpu.memory_space<vmem_shared>> -> memref<10000x32xf32, #tpu.memory_space<vmem_shared>>
      tpu.wait_indirect_dma semaphore(%arg17 : memref<!tpu.dma_semaphore, #tpu.memory_space<semaphore_mem>>) src(%dma_wait3A_87 : memref<10000x32xf32, #tpu.memory_space<vmem_shared>>) dst(%arg10 : memref<80x32xf32, #tpu.memory_space<vmem>>)
      %add3A_88 = arith.constant 2 : i32
      %add3A_89 = arith.addi %add3A_46, %add3A_88 : i32
      "tpu.region"() ({
        %run_scoped3A = tpu.sem_alloc : memref<!tpu.dma_semaphore, #tpu.memory_space<semaphore_mem>>
        %dma_start3A_113 = arith.constant 0 : i32
        %dma_start3A_114 = tpu.memref_slice %arg7[%add3A_89, %dma_start3A_113] : memref<128x80xi32, #tpu.memory_space<vmem>> -> memref<1x80xi32, #tpu.memory_space<vmem>>
        %dma_start3A_115 = tpu.memref_squeeze %dma_start3A_114 : memref<1x80xi32, #tpu.memory_space<vmem>> -> memref<80xi32, #tpu.memory_space<vmem>>
        %dma_start3A_116 = arith.constant 0 : i32
        %dma_start3A_117 = arith.constant 0 : i32
        %dma_start3A_118 = tpu.memref_slice %arg13[%dma_start3A_116, %dma_start3A_117] : memref<10112x32xf32, #tpu.memory_space<vmem_shared>> -> memref<10112x32xf32, #tpu.memory_space<vmem_shared>>
        tpu.enqueue_indirect_dma source(%arg10 : memref<80x32xf32, #tpu.memory_space<vmem>>) target(%dma_start3A_118 : memref<10112x32xf32, #tpu.memory_space<vmem_shared>>) offsets(%dma_start3A_115 : memref<80xi32, #tpu.memory_space<vmem>>) semaphore(%run_scoped3A : memref<!tpu.dma_semaphore, #tpu.memory_space<semaphore_mem>>) {add = true}
        %dma_wait3A_119 = arith.constant 0 : i32
        %dma_wait3A_120 = tpu.memref_slice %arg7[%add3A_89, %dma_wait3A_119] : memref<128x80xi32, #tpu.memory_space<vmem>> -> memref<1x80xi32, #tpu.memory_space<vmem>>
        %dma_wait3A_121 = tpu.memref_squeeze %dma_wait3A_120 : memref<1x80xi32, #tpu.memory_space<vmem>> -> memref<80xi32, #tpu.memory_space<vmem>>
        %dma_wait3A_122 = arith.constant 0 : i32
        %dma_wait3A_123 = arith.constant 0 : i32
        %dma_wait3A_124 = tpu.memref_slice %arg13[%dma_wait3A_122, %dma_wait3A_123] : memref<10112x32xf32, #tpu.memory_space<vmem_shared>> -> memref<10112x32xf32, #tpu.memory_space<vmem_shared>>
        tpu.wait_indirect_dma semaphore(%run_scoped3A : memref<!tpu.dma_semaphore, #tpu.memory_space<semaphore_mem>>) src(%arg10 : memref<80x32xf32, #tpu.memory_space<vmem>>) dst(%dma_wait3A_124 : memref<10112x32xf32, #tpu.memory_space<vmem_shared>>)
        tpu.yield
      }) : () -> ()
      %add3A_90 = arith.constant 6 : i32
      %add3A_91 = arith.addi %add3A_46, %add3A_90 : i32
      %lt3A_92 = arith.constant 128 : i32
      %lt3A_93 = arith.cmpi slt, %add3A_91, %lt3A_92 : i32
      %convert_element_type3A_94 = arith.extui %lt3A_93 : i1 to i32
      %cond3A_95 = arith.constant 0 : i32
      %cond3A_96 = arith.cmpi ne, %convert_element_type3A_94, %cond3A_95 : i32
      scf.if %cond3A_96 {
        %add3A_113 = arith.constant 6 : i32
        %add3A_114 = arith.addi %add3A_46, %add3A_113 : i32
        %dma_start3A_115 = arith.constant 0 : i32
        %dma_start3A_116 = tpu.memref_slice %arg6[%add3A_114, %dma_start3A_115] : memref<128x80xi32, #tpu.memory_space<vmem>> -> memref<1x80xi32, #tpu.memory_space<vmem>>
        %dma_start3A_117 = tpu.memref_squeeze %dma_start3A_116 : memref<1x80xi32, #tpu.memory_space<vmem>> -> memref<80xi32, #tpu.memory_space<vmem>>
        %dma_start3A_118 = arith.constant 0 : i32
        %dma_start3A_119 = arith.constant 0 : i32
        %dma_start3A_120 = tpu.memref_slice %arg14[%dma_start3A_118, %dma_start3A_119] : memref<10000x32xf32, #tpu.memory_space<vmem_shared>> -> memref<10000x32xf32, #tpu.memory_space<vmem_shared>>
        tpu.enqueue_indirect_dma source(%dma_start3A_120 : memref<10000x32xf32, #tpu.memory_space<vmem_shared>>) target(%arg10 : memref<80x32xf32, #tpu.memory_space<vmem>>) offsets(%dma_start3A_117 : memref<80xi32, #tpu.memory_space<vmem>>) semaphore(%arg17 : memref<!tpu.dma_semaphore, #tpu.memory_space<semaphore_mem>>)
      } else {
      }
      %dma_wait3A_97 = arith.constant 0 : i32
      %dma_wait3A_98 = arith.constant 0 : i32
      %dma_wait3A_99 = tpu.memref_slice %arg6[%dma_wait3A_97, %dma_wait3A_98] : memref<128x80xi32, #tpu.memory_space<vmem>> -> memref<1x80xi32, #tpu.memory_space<vmem>>
      %dma_wait3A_100 = tpu.memref_squeeze %dma_wait3A_99 : memref<1x80xi32, #tpu.memory_space<vmem>> -> memref<80xi32, #tpu.memory_space<vmem>>
      %dma_wait3A_101 = arith.constant 0 : i32
      %dma_wait3A_102 = arith.constant 0 : i32
      %dma_wait3A_103 = tpu.memref_slice %arg14[%dma_wait3A_101, %dma_wait3A_102] : memref<10000x32xf32, #tpu.memory_space<vmem_shared>> -> memref<10000x32xf32, #tpu.memory_space<vmem_shared>>
      tpu.wait_indirect_dma semaphore(%arg18 : memref<!tpu.dma_semaphore, #tpu.memory_space<semaphore_mem>>) src(%dma_wait3A_103 : memref<10000x32xf32, #tpu.memory_space<vmem_shared>>) dst(%arg11 : memref<80x32xf32, #tpu.memory_space<vmem>>)
      %add3A_104 = arith.constant 3 : i32
      %add3A_105 = arith.addi %add3A_46, %add3A_104 : i32
      "tpu.region"() ({
        %run_scoped3A = tpu.sem_alloc : memref<!tpu.dma_semaphore, #tpu.memory_space<semaphore_mem>>
        %dma_start3A_113 = arith.constant 0 : i32
        %dma_start3A_114 = tpu.memref_slice %arg7[%add3A_105, %dma_start3A_113] : memref<128x80xi32, #tpu.memory_space<vmem>> -> memref<1x80xi32, #tpu.memory_space<vmem>>
        %dma_start3A_115 = tpu.memref_squeeze %dma_start3A_114 : memref<1x80xi32, #tpu.memory_space<vmem>> -> memref<80xi32, #tpu.memory_space<vmem>>
        %dma_start3A_116 = arith.constant 0 : i32
        %dma_start3A_117 = arith.constant 0 : i32
        %dma_start3A_118 = tpu.memref_slice %arg13[%dma_start3A_116, %dma_start3A_117] : memref<10112x32xf32, #tpu.memory_space<vmem_shared>> -> memref<10112x32xf32, #tpu.memory_space<vmem_shared>>
        tpu.enqueue_indirect_dma source(%arg11 : memref<80x32xf32, #tpu.memory_space<vmem>>) target(%dma_start3A_118 : memref<10112x32xf32, #tpu.memory_space<vmem_shared>>) offsets(%dma_start3A_115 : memref<80xi32, #tpu.memory_space<vmem>>) semaphore(%run_scoped3A : memref<!tpu.dma_semaphore, #tpu.memory_space<semaphore_mem>>) {add = true}
        %dma_wait3A_119 = arith.constant 0 : i32
        %dma_wait3A_120 = tpu.memref_slice %arg7[%add3A_105, %dma_wait3A_119] : memref<128x80xi32, #tpu.memory_space<vmem>> -> memref<1x80xi32, #tpu.memory_space<vmem>>
        %dma_wait3A_121 = tpu.memref_squeeze %dma_wait3A_120 : memref<1x80xi32, #tpu.memory_space<vmem>> -> memref<80xi32, #tpu.memory_space<vmem>>
        %dma_wait3A_122 = arith.constant 0 : i32
        %dma_wait3A_123 = arith.constant 0 : i32
        %dma_wait3A_124 = tpu.memref_slice %arg13[%dma_wait3A_122, %dma_wait3A_123] : memref<10112x32xf32, #tpu.memory_space<vmem_shared>> -> memref<10112x32xf32, #tpu.memory_space<vmem_shared>>
        tpu.wait_indirect_dma semaphore(%run_scoped3A : memref<!tpu.dma_semaphore, #tpu.memory_space<semaphore_mem>>) src(%arg11 : memref<80x32xf32, #tpu.memory_space<vmem>>) dst(%dma_wait3A_124 : memref<10112x32xf32, #tpu.memory_space<vmem_shared>>)
        tpu.yield
      }) : () -> ()
      %add3A_106 = arith.constant 7 : i32
      %add3A_107 = arith.addi %add3A_46, %add3A_106 : i32
      %lt3A_108 = arith.constant 128 : i32
      %lt3A_109 = arith.cmpi slt, %add3A_107, %lt3A_108 : i32
      %convert_element_type3A_110 = arith.extui %lt3A_109 : i1 to i32
      %cond3A_111 = arith.constant 0 : i32
      %cond3A_112 = arith.cmpi ne, %convert_element_type3A_110, %cond3A_111 : i32
      scf.if %cond3A_112 {
        %add3A_113 = arith.constant 7 : i32
        %add3A_114 = arith.addi %add3A_46, %add3A_113 : i32
        %dma_start3A_115 = arith.constant 0 : i32
        %dma_start3A_116 = tpu.memref_slice %arg6[%add3A_114, %dma_start3A_115] : memref<128x80xi32, #tpu.memory_space<vmem>> -> memref<1x80xi32, #tpu.memory_space<vmem>>
        %dma_start3A_117 = tpu.memref_squeeze %dma_start3A_116 : memref<1x80xi32, #tpu.memory_space<vmem>> -> memref<80xi32, #tpu.memory_space<vmem>>
        %dma_start3A_118 = arith.constant 0 : i32
        %dma_start3A_119 = arith.constant 0 : i32
        %dma_start3A_120 = tpu.memref_slice %arg14[%dma_start3A_118, %dma_start3A_119] : memref<10000x32xf32, #tpu.memory_space<vmem_shared>> -> memref<10000x32xf32, #tpu.memory_space<vmem_shared>>
        tpu.enqueue_indirect_dma source(%dma_start3A_120 : memref<10000x32xf32, #tpu.memory_space<vmem_shared>>) target(%arg11 : memref<80x32xf32, #tpu.memory_space<vmem>>) offsets(%dma_start3A_117 : memref<80xi32, #tpu.memory_space<vmem>>) semaphore(%arg18 : memref<!tpu.dma_semaphore, #tpu.memory_space<semaphore_mem>>)
      } else {
      }
    }
    %scan3A_36 = arith.constant 32 : i32
    %barrier3A_37 = arith.constant 0 : index
    tpu.barrier barrier_id(%barrier3A_37)
    %mul3A_38 = arith.constant 632 : i32
    %mul3A_39 = arith.muli %arg1, %mul3A_38 : i32
    %mul3A_40 = arith.constant 632 : i32
    %mul3A_41 = arith.muli %arg1, %mul3A_40 : i32
    "tpu.region"() ({
      %run_scoped3A = tpu.sem_alloc : memref<!tpu.dma_semaphore, #tpu.memory_space<semaphore_mem>>
      %dma_start3A_42 = arith.constant 0 : i32
      %dma_start3A_43 = tpu.memref_slice %arg5[%arg0, %mul3A_41, %dma_start3A_42] : memref<2x10112x32xf32, #tpu.memory_space<hbm>> -> memref<1x632x32xf32, #tpu.memory_space<hbm>>
      %dma_start3A_44 = tpu.memref_squeeze %dma_start3A_43 : memref<1x632x32xf32, #tpu.memory_space<hbm>> -> memref<632x32xf32, #tpu.memory_space<hbm>>
      %dma_start3A_45 = arith.constant 0 : i32
      %dma_start3A_46 = tpu.memref_slice %arg13[%mul3A_39, %dma_start3A_45] : memref<10112x32xf32, #tpu.memory_space<vmem_shared>> -> memref<632x32xf32, #tpu.memory_space<vmem_shared>>
      tpu.enqueue_dma source(%dma_start3A_46 : memref<632x32xf32, #tpu.memory_space<vmem_shared>>) target(%dma_start3A_44 : memref<632x32xf32, #tpu.memory_space<hbm>>) target_semaphore(%run_scoped3A : memref<!tpu.dma_semaphore, #tpu.memory_space<semaphore_mem>>)
      %dma_wait3A = arith.constant 0 : i32
      %dma_wait3A_47 = tpu.memref_slice %arg5[%arg0, %mul3A_41, %dma_wait3A] : memref<2x10112x32xf32, #tpu.memory_space<hbm>> -> memref<1x632x32xf32, #tpu.memory_space<hbm>>
      %dma_wait3A_48 = tpu.memref_squeeze %dma_wait3A_47 : memref<1x632x32xf32, #tpu.memory_space<hbm>> -> memref<632x32xf32, #tpu.memory_space<hbm>>
      %dma_wait3A_49 = arith.constant 0 : i32
      %dma_wait3A_50 = tpu.memref_slice %arg13[%mul3A_39, %dma_wait3A_49] : memref<10112x32xf32, #tpu.memory_space<vmem_shared>> -> memref<632x32xf32, #tpu.memory_space<vmem_shared>>
      tpu.wait_dma2 semaphore(%run_scoped3A : memref<!tpu.dma_semaphore, #tpu.memory_space<semaphore_mem>>) src(%dma_wait3A_50 : memref<632x32xf32, #tpu.memory_space<vmem_shared>>) dst(%dma_wait3A_48 : memref<632x32xf32, #tpu.memory_space<hbm>>)
      tpu.yield
    }) : () -> ()
    return
  }
}

#map = affine_map<(d0, d1) -> (0, 0)>
#map1 = affine_map<(d0, d1) -> (0, 0, 0)>
module attributes {stable_mosaic.version = 14 : i64} {
  func.func @k(%arg0: i32, %arg1: i32, %arg2: memref<10000x32xf32, #tpu.memory_space<hbm>>, %arg3: memref<32x128x80xi32, #tpu.memory_space<hbm>>, %arg4: memref<32x128x80xi32, #tpu.memory_space<hbm>>, %arg5: memref<2x10112x32xf32, #tpu.memory_space<hbm>>, %arg6: memref<128x80xi32, #tpu.memory_space<vmem>>, %arg7: memref<128x80xi32, #tpu.memory_space<vmem>>, %arg8: memref<80x32xf32, #tpu.memory_space<vmem>>, %arg9: memref<80x32xf32, #tpu.memory_space<vmem>>, %arg10: memref<80x32xf32, #tpu.memory_space<vmem>>, %arg11: memref<80x32xf32, #tpu.memory_space<vmem>>, %arg12: memref<632x32xf32, #tpu.memory_space<vmem>>, %arg13: memref<10112x32xf32, #tpu.memory_space<vmem_shared>>, %arg14: memref<10000x32xf32, #tpu.memory_space<vmem_shared>>, %arg15: memref<!tpu.dma_semaphore, #tpu.memory_space<semaphore_mem>>, %arg16: memref<!tpu.dma_semaphore, #tpu.memory_space<semaphore_mem>>, %arg17: memref<!tpu.dma_semaphore, #tpu.memory_space<semaphore_mem>>, %arg18: memref<!tpu.dma_semaphore, #tpu.memory_space<semaphore_mem>>) attributes {dimension_semantics = [#tpu.dimension_semantics<core_parallel>, #tpu.dimension_semantics<subcore_parallel>], iteration_bounds = array<i64: 2, 16>, scalar_prefetch = 0 : i64, scratch_operands = 13 : i64, tpu.core_type = #tpu.core_type<sc_vector_subcore>, window_params = [{transform_indices = #map}, {transform_indices = #map1}, {transform_indices = #map1}, {transform_indices = #map1}]} {
    %mul3A = arith.constant 16 : i32
    %mul3A_0 = arith.muli %arg0, %mul3A : i32
    %add3A = arith.addi %mul3A_0, %arg1 : i32
    "tpu.region"() ({
      %run_scoped3A = tpu.sem_alloc : memref<!tpu.dma_semaphore, #tpu.memory_space<semaphore_mem>>
      %dma_start3A_42 = arith.constant 0 : i32
      %dma_start3A_43 = arith.constant 0 : i32
      %dma_start3A_44 = tpu.memref_slice %arg3[%add3A, %dma_start3A_42, %dma_start3A_43] : memref<32x128x80xi32, #tpu.memory_space<hbm>> -> memref<1x128x80xi32, #tpu.memory_space<hbm>>
      %dma_start3A_45 = tpu.memref_squeeze %dma_start3A_44 : memref<1x128x80xi32, #tpu.memory_space<hbm>> -> memref<128x80xi32, #tpu.memory_space<hbm>>
      %dma_start3A_46 = arith.constant 0 : i32
      %dma_start3A_47 = arith.constant 0 : i32
      %dma_start3A_48 = tpu.memref_slice %arg3[%add3A, %dma_start3A_46, %dma_start3A_47] : memref<32x128x80xi32, #tpu.memory_space<hbm>> -> memref<1x128x80xi32, #tpu.memory_space<hbm>>
      %dma_start3A_49 = tpu.memref_squeeze %dma_start3A_48 : memref<1x128x80xi32, #tpu.memory_space<hbm>> -> memref<128x80xi32, #tpu.memory_space<hbm>>
      tpu.enqueue_dma source(%dma_start3A_49 : memref<128x80xi32, #tpu.memory_space<hbm>>) target(%arg6 : memref<128x80xi32, #tpu.memory_space<vmem>>) target_semaphore(%run_scoped3A : memref<!tpu.dma_semaphore, #tpu.memory_space<semaphore_mem>>)
      %dma_wait3A = arith.constant 0 : i32
      %dma_wait3A_50 = arith.constant 0 : i32
      %dma_wait3A_51 = tpu.memref_slice %arg3[%add3A, %dma_wait3A, %dma_wait3A_50] : memref<32x128x80xi32, #tpu.memory_space<hbm>> -> memref<1x128x80xi32, #tpu.memory_space<hbm>>
      %dma_wait3A_52 = tpu.memref_squeeze %dma_wait3A_51 : memref<1x128x80xi32, #tpu.memory_space<hbm>> -> memref<128x80xi32, #tpu.memory_space<hbm>>
      %dma_wait3A_53 = arith.constant 0 : i32
      %dma_wait3A_54 = arith.constant 0 : i32
      %dma_wait3A_55 = tpu.memref_slice %arg3[%add3A, %dma_wait3A_53, %dma_wait3A_54] : memref<32x128x80xi32, #tpu.memory_space<hbm>> -> memref<1x128x80xi32, #tpu.memory_space<hbm>>
      %dma_wait3A_56 = tpu.memref_squeeze %dma_wait3A_55 : memref<1x128x80xi32, #tpu.memory_space<hbm>> -> memref<128x80xi32, #tpu.memory_space<hbm>>
      tpu.wait_dma2 semaphore(%run_scoped3A : memref<!tpu.dma_semaphore, #tpu.memory_space<semaphore_mem>>) src(%dma_wait3A_56 : memref<128x80xi32, #tpu.memory_space<hbm>>) dst(%arg6 : memref<128x80xi32, #tpu.memory_space<vmem>>)
      tpu.yield
    }) : () -> ()
    "tpu.region"() ({
      %run_scoped3A = tpu.sem_alloc : memref<!tpu.dma_semaphore, #tpu.memory_space<semaphore_mem>>
      %dma_start3A_42 = arith.constant 0 : i32
      %dma_start3A_43 = arith.constant 0 : i32
      %dma_start3A_44 = tpu.memref_slice %arg4[%add3A, %dma_start3A_42, %dma_start3A_43] : memref<32x128x80xi32, #tpu.memory_space<hbm>> -> memref<1x128x80xi32, #tpu.memory_space<hbm>>
      %dma_start3A_45 = tpu.memref_squeeze %dma_start3A_44 : memref<1x128x80xi32, #tpu.memory_space<hbm>> -> memref<128x80xi32, #tpu.memory_space<hbm>>
      %dma_start3A_46 = arith.constant 0 : i32
      %dma_start3A_47 = arith.constant 0 : i32
      %dma_start3A_48 = tpu.memref_slice %arg4[%add3A, %dma_start3A_46, %dma_start3A_47] : memref<32x128x80xi32, #tpu.memory_space<hbm>> -> memref<1x128x80xi32, #tpu.memory_space<hbm>>
      %dma_start3A_49 = tpu.memref_squeeze %dma_start3A_48 : memref<1x128x80xi32, #tpu.memory_space<hbm>> -> memref<128x80xi32, #tpu.memory_space<hbm>>
      tpu.enqueue_dma source(%dma_start3A_49 : memref<128x80xi32, #tpu.memory_space<hbm>>) target(%arg7 : memref<128x80xi32, #tpu.memory_space<vmem>>) target_semaphore(%run_scoped3A : memref<!tpu.dma_semaphore, #tpu.memory_space<semaphore_mem>>)
      %dma_wait3A = arith.constant 0 : i32
      %dma_wait3A_50 = arith.constant 0 : i32
      %dma_wait3A_51 = tpu.memref_slice %arg4[%add3A, %dma_wait3A, %dma_wait3A_50] : memref<32x128x80xi32, #tpu.memory_space<hbm>> -> memref<1x128x80xi32, #tpu.memory_space<hbm>>
      %dma_wait3A_52 = tpu.memref_squeeze %dma_wait3A_51 : memref<1x128x80xi32, #tpu.memory_space<hbm>> -> memref<128x80xi32, #tpu.memory_space<hbm>>
      %dma_wait3A_53 = arith.constant 0 : i32
      %dma_wait3A_54 = arith.constant 0 : i32
      %dma_wait3A_55 = tpu.memref_slice %arg4[%add3A, %dma_wait3A_53, %dma_wait3A_54] : memref<32x128x80xi32, #tpu.memory_space<hbm>> -> memref<1x128x80xi32, #tpu.memory_space<hbm>>
      %dma_wait3A_56 = tpu.memref_squeeze %dma_wait3A_55 : memref<1x128x80xi32, #tpu.memory_space<hbm>> -> memref<128x80xi32, #tpu.memory_space<hbm>>
      tpu.wait_dma2 semaphore(%run_scoped3A : memref<!tpu.dma_semaphore, #tpu.memory_space<semaphore_mem>>) src(%dma_wait3A_56 : memref<128x80xi32, #tpu.memory_space<hbm>>) dst(%arg7 : memref<128x80xi32, #tpu.memory_space<vmem>>)
      tpu.yield
    }) : () -> ()
    %mul3A_1 = arith.constant 625 : i32
    %mul3A_2 = arith.muli %arg1, %mul3A_1 : i32
    %mul3A_3 = arith.constant 625 : i32
    %mul3A_4 = arith.muli %arg1, %mul3A_3 : i32
    "tpu.region"() ({
      %run_scoped3A = tpu.sem_alloc : memref<!tpu.dma_semaphore, #tpu.memory_space<semaphore_mem>>
      %dma_start3A_42 = arith.constant 0 : i32
      %dma_start3A_43 = tpu.memref_slice %arg14[%mul3A_4, %dma_start3A_42] : memref<10000x32xf32, #tpu.memory_space<vmem_shared>> -> memref<625x32xf32, #tpu.memory_space<vmem_shared>>
      %dma_start3A_44 = arith.constant 0 : i32
      %dma_start3A_45 = tpu.memref_slice %arg2[%mul3A_2, %dma_start3A_44] : memref<10000x32xf32, #tpu.memory_space<hbm>> -> memref<625x32xf32, #tpu.memory_space<hbm>>
      tpu.enqueue_dma source(%dma_start3A_45 : memref<625x32xf32, #tpu.memory_space<hbm>>) target(%dma_start3A_43 : memref<625x32xf32, #tpu.memory_space<vmem_shared>>) target_semaphore(%run_scoped3A : memref<!tpu.dma_semaphore, #tpu.memory_space<semaphore_mem>>)
      %dma_wait3A = arith.constant 0 : i32
      %dma_wait3A_46 = tpu.memref_slice %arg14[%mul3A_4, %dma_wait3A] : memref<10000x32xf32, #tpu.memory_space<vmem_shared>> -> memref<625x32xf32, #tpu.memory_space<vmem_shared>>
      %dma_wait3A_47 = arith.constant 0 : i32
      %dma_wait3A_48 = tpu.memref_slice %arg2[%mul3A_2, %dma_wait3A_47] : memref<10000x32xf32, #tpu.memory_space<hbm>> -> memref<625x32xf32, #tpu.memory_space<hbm>>
      tpu.wait_dma2 semaphore(%run_scoped3A : memref<!tpu.dma_semaphore, #tpu.memory_space<semaphore_mem>>) src(%dma_wait3A_48 : memref<625x32xf32, #tpu.memory_space<hbm>>) dst(%dma_wait3A_46 : memref<625x32xf32, #tpu.memory_space<vmem_shared>>)
      tpu.yield
    }) : () -> ()
    %broadcast_in_dim3A = arith.constant 0.000000e+00 : f32
    %broadcast_in_dim3A_5 = vector.broadcast %broadcast_in_dim3A : f32 to vector<16xf32>
    %scan3A = arith.constant 0 : i32
    %scan3A_6 = arith.constant 632 : i32
    %scan3A_7 = arith.addi %scan3A, %scan3A_6 : i32
    %scan3A_8 = arith.constant 1 : i32
    scf.for %scan3A_42 = %scan3A to %scan3A_7 step %scan3A_8  : i32 {
      %mul3A_43 = arith.constant 1 : i32
      %mul3A_44 = arith.muli %scan3A_42, %mul3A_43 : i32
      %add3A_45 = arith.constant 0 : i32
      %add3A_46 = arith.addi %add3A_45, %mul3A_44 : i32
      %scan3A_47 = arith.constant 0 : i32
      %scan3A_48 = arith.constant 2 : i32
      %scan3A_49 = arith.addi %scan3A_47, %scan3A_48 : i32
      %scan3A_50 = arith.constant 1 : i32
      scf.for %scan3A_52 = %scan3A_47 to %scan3A_49 step %scan3A_50  : i32 {
        %mul3A_53 = arith.constant 16 : i32
        %mul3A_54 = arith.muli %scan3A_52, %mul3A_53 : i32
        %add3A_55 = arith.constant 0 : i32
        %add3A_56 = arith.addi %add3A_55, %mul3A_54 : i32
        %swap3A = arith.index_cast %add3A_46 : i32 to index
        %swap3A_57 = arith.index_cast %add3A_56 : i32 to index
        %swap3A_58 = tpu.vector_load %arg12[%swap3A, %swap3A_57] {strides = array<i32>} : memref<632x32xf32, #tpu.memory_space<vmem>>, vector<1x16xf32>,
        %swap3A_59 = vector.shape_cast %swap3A_58 : vector<1x16xf32> to vector<16xf32>
        %swap3A_60 = vector.shape_cast %broadcast_in_dim3A_5 : vector<16xf32> to vector<1x16xf32>
        tpu.vector_store %arg12[%swap3A, %swap3A_57], %swap3A_60 {strides = array<i32>} : memref<632x32xf32, #tpu.memory_space<vmem>>, vector<1x16xf32>,
      }
      %scan3A_51 = arith.constant 2 : i32
    }
    %scan3A_9 = arith.constant 632 : i32
    %mul3A_10 = arith.constant 632 : i32
    %mul3A_11 = arith.muli %arg1, %mul3A_10 : i32
    "tpu.region"() ({
      %run_scoped3A = tpu.sem_alloc : memref<!tpu.dma_semaphore, #tpu.memory_space<semaphore_mem>>
      %dma_start3A_42 = arith.constant 0 : i32
      %dma_start3A_43 = tpu.memref_slice %arg13[%mul3A_11, %dma_start3A_42] : memref<10112x32xf32, #tpu.memory_space<vmem_shared>> -> memref<632x32xf32, #tpu.memory_space<vmem_shared>>
      %dma_start3A_44 = arith.constant 0 : i32
      %dma_start3A_45 = tpu.memref_slice %arg13[%mul3A_11, %dma_start3A_44] : memref<10112x32xf32, #tpu.memory_space<vmem_shared>> -> memref<632x32xf32, #tpu.memory_space<vmem_shared>>
      tpu.enqueue_dma source(%arg12 : memref<632x32xf32, #tpu.memory_space<vmem>>) target(%dma_start3A_45 : memref<632x32xf32, #tpu.memory_space<vmem_shared>>) target_semaphore(%run_scoped3A : memref<!tpu.dma_semaphore, #tpu.memory_space<semaphore_mem>>)
      %dma_wait3A = arith.constant 0 : i32
      %dma_wait3A_46 = tpu.memref_slice %arg13[%mul3A_11, %dma_wait3A] : memref<10112x32xf32, #tpu.memory_space<vmem_shared>> -> memref<632x32xf32, #tpu.memory_space<vmem_shared>>
      %dma_wait3A_47 = arith.constant 0 : i32
      %dma_wait3A_48 = tpu.memref_slice %arg13[%mul3A_11, %dma_wait3A_47] : memref<10112x32xf32, #tpu.memory_space<vmem_shared>> -> memref<632x32xf32, #tpu.memory_space<vmem_shared>>
      tpu.wait_dma2 semaphore(%run_scoped3A : memref<!tpu.dma_semaphore, #tpu.memory_space<semaphore_mem>>) src(%arg12 : memref<632x32xf32, #tpu.memory_space<vmem>>) dst(%dma_wait3A_48 : memref<632x32xf32, #tpu.memory_space<vmem_shared>>)
      tpu.yield
    }) : () -> ()
    %barrier3A = arith.constant 0 : index
    tpu.barrier barrier_id(%barrier3A)
    %dma_start3A = arith.constant 0 : i32
    %dma_start3A_12 = arith.constant 0 : i32
    %dma_start3A_13 = tpu.memref_slice %arg6[%dma_start3A, %dma_start3A_12] : memref<128x80xi32, #tpu.memory_space<vmem>> -> memref<1x80xi32, #tpu.memory_space<vmem>>
    %dma_start3A_14 = tpu.memref_squeeze %dma_start3A_13 : memref<1x80xi32, #tpu.memory_space<vmem>> -> memref<80xi32, #tpu.memory_space<vmem>>
    %dma_start3A_15 = arith.constant 0 : i32
    %dma_start3A_16 = arith.constant 0 : i32
    %dma_start3A_17 = tpu.memref_slice %arg14[%dma_start3A_15, %dma_start3A_16] : memref<10000x32xf32, #tpu.memory_space<vmem_shared>> -> memref<10000x32xf32, #tpu.memory_space<vmem_shared>>
    tpu.enqueue_indirect_dma source(%dma_start3A_17 : memref<10000x32xf32, #tpu.memory_space<vmem_shared>>) target(%arg8 : memref<80x32xf32, #tpu.memory_space<vmem>>) offsets(%dma_start3A_14 : memref<80xi32, #tpu.memory_space<vmem>>) semaphore(%arg15 : memref<!tpu.dma_semaphore, #tpu.memory_space<semaphore_mem>>)
    %dma_start3A_18 = arith.constant 1 : i32
    %dma_start3A_19 = arith.constant 0 : i32
    %dma_start3A_20 = tpu.memref_slice %arg6[%dma_start3A_18, %dma_start3A_19] : memref<128x80xi32, #tpu.memory_space<vmem>> -> memref<1x80xi32, #tpu.memory_space<vmem>>
    %dma_start3A_21 = tpu.memref_squeeze %dma_start3A_20 : memref<1x80xi32, #tpu.memory_space<vmem>> -> memref<80xi32, #tpu.memory_space<vmem>>
    %dma_start3A_22 = arith.constant 0 : i32
    %dma_start3A_23 = arith.constant 0 : i32
    %dma_start3A_24 = tpu.memref_slice %arg14[%dma_start3A_22, %dma_start3A_23] : memref<10000x32xf32, #tpu.memory_space<vmem_shared>> -> memref<10000x32xf32, #tpu.memory_space<vmem_shared>>
    tpu.enqueue_indirect_dma source(%dma_start3A_24 : memref<10000x32xf32, #tpu.memory_space<vmem_shared>>) target(%arg9 : memref<80x32xf32, #tpu.memory_space<vmem>>) offsets(%dma_start3A_21 : memref<80xi32, #tpu.memory_space<vmem>>) semaphore(%arg16 : memref<!tpu.dma_semaphore, #tpu.memory_space<semaphore_mem>>)
    %dma_start3A_25 = arith.constant 2 : i32
    %dma_start3A_26 = arith.constant 0 : i32
    %dma_start3A_27 = tpu.memref_slice %arg6[%dma_start3A_25, %dma_start3A_26] : memref<128x80xi32, #tpu.memory_space<vmem>> -> memref<1x80xi32, #tpu.memory_space<vmem>>
    %dma_start3A_28 = tpu.memref_squeeze %dma_start3A_27 : memref<1x80xi32, #tpu.memory_space<vmem>> -> memref<80xi32, #tpu.memory_space<vmem>>
    %dma_start3A_29 = arith.constant 0 : i32
    %dma_start3A_30 = arith.constant 0 : i32
    %dma_start3A_31 = tpu.memref_slice %arg14[%dma_start3A_29, %dma_start3A_30] : memref<10000x32xf32, #tpu.memory_space<vmem_shared>> -> memref<10000x32xf32, #tpu.memory_space<vmem_shared>>
    tpu.enqueue_indirect_dma source(%dma_start3A_31 : memref<10000x32xf32, #tpu.memory_space<vmem_shared>>) target(%arg10 : memref<80x32xf32, #tpu.memory_space<vmem>>) offsets(%dma_start3A_28 : memref<80xi32, #tpu.memory_space<vmem>>) semaphore(%arg17 : memref<!tpu.dma_semaphore, #tpu.memory_space<semaphore_mem>>)
    %scan3A_32 = arith.constant 0 : i32
    %scan3A_33 = arith.constant 32 : i32
    %scan3A_34 = arith.addi %scan3A_32, %scan3A_33 : i32
    %scan3A_35 = arith.constant 1 : i32
    scf.for %scan3A_42 = %scan3A_32 to %scan3A_34 step %scan3A_35  : i32 {
      %mul3A_43 = arith.constant 4 : i32
      %mul3A_44 = arith.muli %scan3A_42, %mul3A_43 : i32
      %add3A_45 = arith.constant 0 : i32
      %add3A_46 = arith.addi %add3A_45, %mul3A_44 : i32
      %add3A_47 = arith.constant 3 : i32
      %add3A_48 = arith.addi %add3A_46, %add3A_47 : i32
      %dma_start3A_49 = arith.constant 0 : i32
      %dma_start3A_50 = tpu.memref_slice %arg6[%add3A_48, %dma_start3A_49] : memref<128x80xi32, #tpu.memory_space<vmem>> -> memref<1x80xi32, #tpu.memory_space<vmem>>
      %dma_start3A_51 = tpu.memref_squeeze %dma_start3A_50 : memref<1x80xi32, #tpu.memory_space<vmem>> -> memref<80xi32, #tpu.memory_space<vmem>>
      %dma_start3A_52 = arith.constant 0 : i32
      %dma_start3A_53 = arith.constant 0 : i32
      %dma_start3A_54 = tpu.memref_slice %arg14[%dma_start3A_52, %dma_start3A_53] : memref<10000x32xf32, #tpu.memory_space<vmem_shared>> -> memref<10000x32xf32, #tpu.memory_space<vmem_shared>>
      tpu.enqueue_indirect_dma source(%dma_start3A_54 : memref<10000x32xf32, #tpu.memory_space<vmem_shared>>) target(%arg11 : memref<80x32xf32, #tpu.memory_space<vmem>>) offsets(%dma_start3A_51 : memref<80xi32, #tpu.memory_space<vmem>>) semaphore(%arg18 : memref<!tpu.dma_semaphore, #tpu.memory_space<semaphore_mem>>)
      %dma_wait3A = arith.constant 0 : i32
      %dma_wait3A_55 = arith.constant 0 : i32
      %dma_wait3A_56 = tpu.memref_slice %arg6[%dma_wait3A, %dma_wait3A_55] : memref<128x80xi32, #tpu.memory_space<vmem>> -> memref<1x80xi32, #tpu.memory_space<vmem>>
      %dma_wait3A_57 = tpu.memref_squeeze %dma_wait3A_56 : memref<1x80xi32, #tpu.memory_space<vmem>> -> memref<80xi32, #tpu.memory_space<vmem>>
      %dma_wait3A_58 = arith.constant 0 : i32
      %dma_wait3A_59 = arith.constant 0 : i32
      %dma_wait3A_60 = tpu.memref_slice %arg14[%dma_wait3A_58, %dma_wait3A_59] : memref<10000x32xf32, #tpu.memory_space<vmem_shared>> -> memref<10000x32xf32, #tpu.memory_space<vmem_shared>>
      tpu.wait_indirect_dma semaphore(%arg15 : memref<!tpu.dma_semaphore, #tpu.memory_space<semaphore_mem>>) src(%dma_wait3A_60 : memref<10000x32xf32, #tpu.memory_space<vmem_shared>>) dst(%arg8 : memref<80x32xf32, #tpu.memory_space<vmem>>)
      "tpu.region"() ({
        %run_scoped3A = tpu.sem_alloc : memref<!tpu.dma_semaphore, #tpu.memory_space<semaphore_mem>>
        %dma_start3A_113 = arith.constant 0 : i32
        %dma_start3A_114 = tpu.memref_slice %arg7[%add3A_46, %dma_start3A_113] : memref<128x80xi32, #tpu.memory_space<vmem>> -> memref<1x80xi32, #tpu.memory_space<vmem>>
        %dma_start3A_115 = tpu.memref_squeeze %dma_start3A_114 : memref<1x80xi32, #tpu.memory_space<vmem>> -> memref<80xi32, #tpu.memory_space<vmem>>
        %dma_start3A_116 = arith.constant 0 : i32
        %dma_start3A_117 = arith.constant 0 : i32
        %dma_start3A_118 = tpu.memref_slice %arg13[%dma_start3A_116, %dma_start3A_117] : memref<10112x32xf32, #tpu.memory_space<vmem_shared>> -> memref<10112x32xf32, #tpu.memory_space<vmem_shared>>
        tpu.enqueue_indirect_dma source(%arg8 : memref<80x32xf32, #tpu.memory_space<vmem>>) target(%dma_start3A_118 : memref<10112x32xf32, #tpu.memory_space<vmem_shared>>) offsets(%dma_start3A_115 : memref<80xi32, #tpu.memory_space<vmem>>) semaphore(%run_scoped3A : memref<!tpu.dma_semaphore, #tpu.memory_space<semaphore_mem>>) {add = true}
        %dma_wait3A_119 = arith.constant 0 : i32
        %dma_wait3A_120 = tpu.memref_slice %arg7[%add3A_46, %dma_wait3A_119] : memref<128x80xi32, #tpu.memory_space<vmem>> -> memref<1x80xi32, #tpu.memory_space<vmem>>
        %dma_wait3A_121 = tpu.memref_squeeze %dma_wait3A_120 : memref<1x80xi32, #tpu.memory_space<vmem>> -> memref<80xi32, #tpu.memory_space<vmem>>
        %dma_wait3A_122 = arith.constant 0 : i32
        %dma_wait3A_123 = arith.constant 0 : i32
        %dma_wait3A_124 = tpu.memref_slice %arg13[%dma_wait3A_122, %dma_wait3A_123] : memref<10112x32xf32, #tpu.memory_space<vmem_shared>> -> memref<10112x32xf32, #tpu.memory_space<vmem_shared>>
        tpu.wait_indirect_dma semaphore(%run_scoped3A : memref<!tpu.dma_semaphore, #tpu.memory_space<semaphore_mem>>) src(%arg8 : memref<80x32xf32, #tpu.memory_space<vmem>>) dst(%dma_wait3A_124 : memref<10112x32xf32, #tpu.memory_space<vmem_shared>>)
        tpu.yield
      }) : () -> ()
      %add3A_61 = arith.constant 4 : i32
      %add3A_62 = arith.addi %add3A_46, %add3A_61 : i32
      %lt3A = arith.constant 128 : i32
      %lt3A_63 = arith.cmpi slt, %add3A_62, %lt3A : i32
      %convert_element_type3A = arith.extui %lt3A_63 : i1 to i32
      %cond3A = arith.constant 0 : i32
      %cond3A_64 = arith.cmpi ne, %convert_element_type3A, %cond3A : i32
      scf.if %cond3A_64 {
        %add3A_113 = arith.constant 4 : i32
        %add3A_114 = arith.addi %add3A_46, %add3A_113 : i32
        %dma_start3A_115 = arith.constant 0 : i32
        %dma_start3A_116 = tpu.memref_slice %arg6[%add3A_114, %dma_start3A_115] : memref<128x80xi32, #tpu.memory_space<vmem>> -> memref<1x80xi32, #tpu.memory_space<vmem>>
        %dma_start3A_117 = tpu.memref_squeeze %dma_start3A_116 : memref<1x80xi32, #tpu.memory_space<vmem>> -> memref<80xi32, #tpu.memory_space<vmem>>
        %dma_start3A_118 = arith.constant 0 : i32
        %dma_start3A_119 = arith.constant 0 : i32
        %dma_start3A_120 = tpu.memref_slice %arg14[%dma_start3A_118, %dma_start3A_119] : memref<10000x32xf32, #tpu.memory_space<vmem_shared>> -> memref<10000x32xf32, #tpu.memory_space<vmem_shared>>
        tpu.enqueue_indirect_dma source(%dma_start3A_120 : memref<10000x32xf32, #tpu.memory_space<vmem_shared>>) target(%arg8 : memref<80x32xf32, #tpu.memory_space<vmem>>) offsets(%dma_start3A_117 : memref<80xi32, #tpu.memory_space<vmem>>) semaphore(%arg15 : memref<!tpu.dma_semaphore, #tpu.memory_space<semaphore_mem>>)
      } else {
      }
      %dma_wait3A_65 = arith.constant 0 : i32
      %dma_wait3A_66 = arith.constant 0 : i32
      %dma_wait3A_67 = tpu.memref_slice %arg6[%dma_wait3A_65, %dma_wait3A_66] : memref<128x80xi32, #tpu.memory_space<vmem>> -> memref<1x80xi32, #tpu.memory_space<vmem>>
      %dma_wait3A_68 = tpu.memref_squeeze %dma_wait3A_67 : memref<1x80xi32, #tpu.memory_space<vmem>> -> memref<80xi32, #tpu.memory_space<vmem>>
      %dma_wait3A_69 = arith.constant 0 : i32
      %dma_wait3A_70 = arith.constant 0 : i32
      %dma_wait3A_71 = tpu.memref_slice %arg14[%dma_wait3A_69, %dma_wait3A_70] : memref<10000x32xf32, #tpu.memory_space<vmem_shared>> -> memref<10000x32xf32, #tpu.memory_space<vmem_shared>>
      tpu.wait_indirect_dma semaphore(%arg16 : memref<!tpu.dma_semaphore, #tpu.memory_space<semaphore_mem>>) src(%dma_wait3A_71 : memref<10000x32xf32, #tpu.memory_space<vmem_shared>>) dst(%arg9 : memref<80x32xf32, #tpu.memory_space<vmem>>)
      %add3A_72 = arith.constant 1 : i32
      %add3A_73 = arith.addi %add3A_46, %add3A_72 : i32
      "tpu.region"() ({
        %run_scoped3A = tpu.sem_alloc : memref<!tpu.dma_semaphore, #tpu.memory_space<semaphore_mem>>
        %dma_start3A_113 = arith.constant 0 : i32
        %dma_start3A_114 = tpu.memref_slice %arg7[%add3A_73, %dma_start3A_113] : memref<128x80xi32, #tpu.memory_space<vmem>> -> memref<1x80xi32, #tpu.memory_space<vmem>>
        %dma_start3A_115 = tpu.memref_squeeze %dma_start3A_114 : memref<1x80xi32, #tpu.memory_space<vmem>> -> memref<80xi32, #tpu.memory_space<vmem>>
        %dma_start3A_116 = arith.constant 0 : i32
        %dma_start3A_117 = arith.constant 0 : i32
        %dma_start3A_118 = tpu.memref_slice %arg13[%dma_start3A_116, %dma_start3A_117] : memref<10112x32xf32, #tpu.memory_space<vmem_shared>> -> memref<10112x32xf32, #tpu.memory_space<vmem_shared>>
        tpu.enqueue_indirect_dma source(%arg9 : memref<80x32xf32, #tpu.memory_space<vmem>>) target(%dma_start3A_118 : memref<10112x32xf32, #tpu.memory_space<vmem_shared>>) offsets(%dma_start3A_115 : memref<80xi32, #tpu.memory_space<vmem>>) semaphore(%run_scoped3A : memref<!tpu.dma_semaphore, #tpu.memory_space<semaphore_mem>>) {add = true}
        %dma_wait3A_119 = arith.constant 0 : i32
        %dma_wait3A_120 = tpu.memref_slice %arg7[%add3A_73, %dma_wait3A_119] : memref<128x80xi32, #tpu.memory_space<vmem>> -> memref<1x80xi32, #tpu.memory_space<vmem>>
        %dma_wait3A_121 = tpu.memref_squeeze %dma_wait3A_120 : memref<1x80xi32, #tpu.memory_space<vmem>> -> memref<80xi32, #tpu.memory_space<vmem>>
        %dma_wait3A_122 = arith.constant 0 : i32
        %dma_wait3A_123 = arith.constant 0 : i32
        %dma_wait3A_124 = tpu.memref_slice %arg13[%dma_wait3A_122, %dma_wait3A_123] : memref<10112x32xf32, #tpu.memory_space<vmem_shared>> -> memref<10112x32xf32, #tpu.memory_space<vmem_shared>>
        tpu.wait_indirect_dma semaphore(%run_scoped3A : memref<!tpu.dma_semaphore, #tpu.memory_space<semaphore_mem>>) src(%arg9 : memref<80x32xf32, #tpu.memory_space<vmem>>) dst(%dma_wait3A_124 : memref<10112x32xf32, #tpu.memory_space<vmem_shared>>)
        tpu.yield
      }) : () -> ()
      %add3A_74 = arith.constant 5 : i32
      %add3A_75 = arith.addi %add3A_46, %add3A_74 : i32
      %lt3A_76 = arith.constant 128 : i32
      %lt3A_77 = arith.cmpi slt, %add3A_75, %lt3A_76 : i32
      %convert_element_type3A_78 = arith.extui %lt3A_77 : i1 to i32
      %cond3A_79 = arith.constant 0 : i32
      %cond3A_80 = arith.cmpi ne, %convert_element_type3A_78, %cond3A_79 : i32
      scf.if %cond3A_80 {
        %add3A_113 = arith.constant 5 : i32
        %add3A_114 = arith.addi %add3A_46, %add3A_113 : i32
        %dma_start3A_115 = arith.constant 0 : i32
        %dma_start3A_116 = tpu.memref_slice %arg6[%add3A_114, %dma_start3A_115] : memref<128x80xi32, #tpu.memory_space<vmem>> -> memref<1x80xi32, #tpu.memory_space<vmem>>
        %dma_start3A_117 = tpu.memref_squeeze %dma_start3A_116 : memref<1x80xi32, #tpu.memory_space<vmem>> -> memref<80xi32, #tpu.memory_space<vmem>>
        %dma_start3A_118 = arith.constant 0 : i32
        %dma_start3A_119 = arith.constant 0 : i32
        %dma_start3A_120 = tpu.memref_slice %arg14[%dma_start3A_118, %dma_start3A_119] : memref<10000x32xf32, #tpu.memory_space<vmem_shared>> -> memref<10000x32xf32, #tpu.memory_space<vmem_shared>>
        tpu.enqueue_indirect_dma source(%dma_start3A_120 : memref<10000x32xf32, #tpu.memory_space<vmem_shared>>) target(%arg9 : memref<80x32xf32, #tpu.memory_space<vmem>>) offsets(%dma_start3A_117 : memref<80xi32, #tpu.memory_space<vmem>>) semaphore(%arg16 : memref<!tpu.dma_semaphore, #tpu.memory_space<semaphore_mem>>)
      } else {
      }
      %dma_wait3A_81 = arith.constant 0 : i32
      %dma_wait3A_82 = arith.constant 0 : i32
      %dma_wait3A_83 = tpu.memref_slice %arg6[%dma_wait3A_81, %dma_wait3A_82] : memref<128x80xi32, #tpu.memory_space<vmem>> -> memref<1x80xi32, #tpu.memory_space<vmem>>
      %dma_wait3A_84 = tpu.memref_squeeze %dma_wait3A_83 : memref<1x80xi32, #tpu.memory_space<vmem>> -> memref<80xi32, #tpu.memory_space<vmem>>
      %dma_wait3A_85 = arith.constant 0 : i32
      %dma_wait3A_86 = arith.constant 0 : i32
      %dma_wait3A_87 = tpu.memref_slice %arg14[%dma_wait3A_85, %dma_wait3A_86] : memref<10000x32xf32, #tpu.memory_space<vmem_shared>> -> memref<10000x32xf32, #tpu.memory_space<vmem_shared>>
      tpu.wait_indirect_dma semaphore(%arg17 : memref<!tpu.dma_semaphore, #tpu.memory_space<semaphore_mem>>) src(%dma_wait3A_87 : memref<10000x32xf32, #tpu.memory_space<vmem_shared>>) dst(%arg10 : memref<80x32xf32, #tpu.memory_space<vmem>>)
      %add3A_88 = arith.constant 2 : i32
      %add3A_89 = arith.addi %add3A_46, %add3A_88 : i32
      "tpu.region"() ({
        %run_scoped3A = tpu.sem_alloc : memref<!tpu.dma_semaphore, #tpu.memory_space<semaphore_mem>>
        %dma_start3A_113 = arith.constant 0 : i32
        %dma_start3A_114 = tpu.memref_slice %arg7[%add3A_89, %dma_start3A_113] : memref<128x80xi32, #tpu.memory_space<vmem>> -> memref<1x80xi32, #tpu.memory_space<vmem>>
        %dma_start3A_115 = tpu.memref_squeeze %dma_start3A_114 : memref<1x80xi32, #tpu.memory_space<vmem>> -> memref<80xi32, #tpu.memory_space<vmem>>
        %dma_start3A_116 = arith.constant 0 : i32
        %dma_start3A_117 = arith.constant 0 : i32
        %dma_start3A_118 = tpu.memref_slice %arg13[%dma_start3A_116, %dma_start3A_117] : memref<10112x32xf32, #tpu.memory_space<vmem_shared>> -> memref<10112x32xf32, #tpu.memory_space<vmem_shared>>
        tpu.enqueue_indirect_dma source(%arg10 : memref<80x32xf32, #tpu.memory_space<vmem>>) target(%dma_start3A_118 : memref<10112x32xf32, #tpu.memory_space<vmem_shared>>) offsets(%dma_start3A_115 : memref<80xi32, #tpu.memory_space<vmem>>) semaphore(%run_scoped3A : memref<!tpu.dma_semaphore, #tpu.memory_space<semaphore_mem>>) {add = true}
        %dma_wait3A_119 = arith.constant 0 : i32
        %dma_wait3A_120 = tpu.memref_slice %arg7[%add3A_89, %dma_wait3A_119] : memref<128x80xi32, #tpu.memory_space<vmem>> -> memref<1x80xi32, #tpu.memory_space<vmem>>
        %dma_wait3A_121 = tpu.memref_squeeze %dma_wait3A_120 : memref<1x80xi32, #tpu.memory_space<vmem>> -> memref<80xi32, #tpu.memory_space<vmem>>
        %dma_wait3A_122 = arith.constant 0 : i32
        %dma_wait3A_123 = arith.constant 0 : i32
        %dma_wait3A_124 = tpu.memref_slice %arg13[%dma_wait3A_122, %dma_wait3A_123] : memref<10112x32xf32, #tpu.memory_space<vmem_shared>> -> memref<10112x32xf32, #tpu.memory_space<vmem_shared>>
        tpu.wait_indirect_dma semaphore(%run_scoped3A : memref<!tpu.dma_semaphore, #tpu.memory_space<semaphore_mem>>) src(%arg10 : memref<80x32xf32, #tpu.memory_space<vmem>>) dst(%dma_wait3A_124 : memref<10112x32xf32, #tpu.memory_space<vmem_shared>>)
        tpu.yield
      }) : () -> ()
      %add3A_90 = arith.constant 6 : i32
      %add3A_91 = arith.addi %add3A_46, %add3A_90 : i32
      %lt3A_92 = arith.constant 128 : i32
      %lt3A_93 = arith.cmpi slt, %add3A_91, %lt3A_92 : i32
      %convert_element_type3A_94 = arith.extui %lt3A_93 : i1 to i32
      %cond3A_95 = arith.constant 0 : i32
      %cond3A_96 = arith.cmpi ne, %convert_element_type3A_94, %cond3A_95 : i32
      scf.if %cond3A_96 {
        %add3A_113 = arith.constant 6 : i32
        %add3A_114 = arith.addi %add3A_46, %add3A_113 : i32
        %dma_start3A_115 = arith.constant 0 : i32
        %dma_start3A_116 = tpu.memref_slice %arg6[%add3A_114, %dma_start3A_115] : memref<128x80xi32, #tpu.memory_space<vmem>> -> memref<1x80xi32, #tpu.memory_space<vmem>>
        %dma_start3A_117 = tpu.memref_squeeze %dma_start3A_116 : memref<1x80xi32, #tpu.memory_space<vmem>> -> memref<80xi32, #tpu.memory_space<vmem>>
        %dma_start3A_118 = arith.constant 0 : i32
        %dma_start3A_119 = arith.constant 0 : i32
        %dma_start3A_120 = tpu.memref_slice %arg14[%dma_start3A_118, %dma_start3A_119] : memref<10000x32xf32, #tpu.memory_space<vmem_shared>> -> memref<10000x32xf32, #tpu.memory_space<vmem_shared>>
        tpu.enqueue_indirect_dma source(%dma_start3A_120 : memref<10000x32xf32, #tpu.memory_space<vmem_shared>>) target(%arg10 : memref<80x32xf32, #tpu.memory_space<vmem>>) offsets(%dma_start3A_117 : memref<80xi32, #tpu.memory_space<vmem>>) semaphore(%arg17 : memref<!tpu.dma_semaphore, #tpu.memory_space<semaphore_mem>>)
      } else {
      }
      %dma_wait3A_97 = arith.constant 0 : i32
      %dma_wait3A_98 = arith.constant 0 : i32
      %dma_wait3A_99 = tpu.memref_slice %arg6[%dma_wait3A_97, %dma_wait3A_98] : memref<128x80xi32, #tpu.memory_space<vmem>> -> memref<1x80xi32, #tpu.memory_space<vmem>>
      %dma_wait3A_100 = tpu.memref_squeeze %dma_wait3A_99 : memref<1x80xi32, #tpu.memory_space<vmem>> -> memref<80xi32, #tpu.memory_space<vmem>>
      %dma_wait3A_101 = arith.constant 0 : i32
      %dma_wait3A_102 = arith.constant 0 : i32
      %dma_wait3A_103 = tpu.memref_slice %arg14[%dma_wait3A_101, %dma_wait3A_102] : memref<10000x32xf32, #tpu.memory_space<vmem_shared>> -> memref<10000x32xf32, #tpu.memory_space<vmem_shared>>
      tpu.wait_indirect_dma semaphore(%arg18 : memref<!tpu.dma_semaphore, #tpu.memory_space<semaphore_mem>>) src(%dma_wait3A_103 : memref<10000x32xf32, #tpu.memory_space<vmem_shared>>) dst(%arg11 : memref<80x32xf32, #tpu.memory_space<vmem>>)
      %add3A_104 = arith.constant 3 : i32
      %add3A_105 = arith.addi %add3A_46, %add3A_104 : i32
      "tpu.region"() ({
        %run_scoped3A = tpu.sem_alloc : memref<!tpu.dma_semaphore, #tpu.memory_space<semaphore_mem>>
        %dma_start3A_113 = arith.constant 0 : i32
        %dma_start3A_114 = tpu.memref_slice %arg7[%add3A_105, %dma_start3A_113] : memref<128x80xi32, #tpu.memory_space<vmem>> -> memref<1x80xi32, #tpu.memory_space<vmem>>
        %dma_start3A_115 = tpu.memref_squeeze %dma_start3A_114 : memref<1x80xi32, #tpu.memory_space<vmem>> -> memref<80xi32, #tpu.memory_space<vmem>>
        %dma_start3A_116 = arith.constant 0 : i32
        %dma_start3A_117 = arith.constant 0 : i32
        %dma_start3A_118 = tpu.memref_slice %arg13[%dma_start3A_116, %dma_start3A_117] : memref<10112x32xf32, #tpu.memory_space<vmem_shared>> -> memref<10112x32xf32, #tpu.memory_space<vmem_shared>>
        tpu.enqueue_indirect_dma source(%arg11 : memref<80x32xf32, #tpu.memory_space<vmem>>) target(%dma_start3A_118 : memref<10112x32xf32, #tpu.memory_space<vmem_shared>>) offsets(%dma_start3A_115 : memref<80xi32, #tpu.memory_space<vmem>>) semaphore(%run_scoped3A : memref<!tpu.dma_semaphore, #tpu.memory_space<semaphore_mem>>) {add = true}
        %dma_wait3A_119 = arith.constant 0 : i32
        %dma_wait3A_120 = tpu.memref_slice %arg7[%add3A_105, %dma_wait3A_119] : memref<128x80xi32, #tpu.memory_space<vmem>> -> memref<1x80xi32, #tpu.memory_space<vmem>>
        %dma_wait3A_121 = tpu.memref_squeeze %dma_wait3A_120 : memref<1x80xi32, #tpu.memory_space<vmem>> -> memref<80xi32, #tpu.memory_space<vmem>>
        %dma_wait3A_122 = arith.constant 0 : i32
        %dma_wait3A_123 = arith.constant 0 : i32
        %dma_wait3A_124 = tpu.memref_slice %arg13[%dma_wait3A_122, %dma_wait3A_123] : memref<10112x32xf32, #tpu.memory_space<vmem_shared>> -> memref<10112x32xf32, #tpu.memory_space<vmem_shared>>
        tpu.wait_indirect_dma semaphore(%run_scoped3A : memref<!tpu.dma_semaphore, #tpu.memory_space<semaphore_mem>>) src(%arg11 : memref<80x32xf32, #tpu.memory_space<vmem>>) dst(%dma_wait3A_124 : memref<10112x32xf32, #tpu.memory_space<vmem_shared>>)
        tpu.yield
      }) : () -> ()
      %add3A_106 = arith.constant 7 : i32
      %add3A_107 = arith.addi %add3A_46, %add3A_106 : i32
      %lt3A_108 = arith.constant 128 : i32
      %lt3A_109 = arith.cmpi slt, %add3A_107, %lt3A_108 : i32
      %convert_element_type3A_110 = arith.extui %lt3A_109 : i1 to i32
      %cond3A_111 = arith.constant 0 : i32
      %cond3A_112 = arith.cmpi ne, %convert_element_type3A_110, %cond3A_111 : i32
      scf.if %cond3A_112 {
        %add3A_113 = arith.constant 7 : i32
        %add3A_114 = arith.addi %add3A_46, %add3A_113 : i32
        %dma_start3A_115 = arith.constant 0 : i32
        %dma_start3A_116 = tpu.memref_slice %arg6[%add3A_114, %dma_start3A_115] : memref<128x80xi32, #tpu.memory_space<vmem>> -> memref<1x80xi32, #tpu.memory_space<vmem>>
        %dma_start3A_117 = tpu.memref_squeeze %dma_start3A_116 : memref<1x80xi32, #tpu.memory_space<vmem>> -> memref<80xi32, #tpu.memory_space<vmem>>
        %dma_start3A_118 = arith.constant 0 : i32
        %dma_start3A_119 = arith.constant 0 : i32
        %dma_start3A_120 = tpu.memref_slice %arg14[%dma_start3A_118, %dma_start3A_119] : memref<10000x32xf32, #tpu.memory_space<vmem_shared>> -> memref<10000x32xf32, #tpu.memory_space<vmem_shared>>
        tpu.enqueue_indirect_dma source(%dma_start3A_120 : memref<10000x32xf32, #tpu.memory_space<vmem_shared>>) target(%arg11 : memref<80x32xf32, #tpu.memory_space<vmem>>) offsets(%dma_start3A_117 : memref<80xi32, #tpu.memory_space<vmem>>) semaphore(%arg18 : memref<!tpu.dma_semaphore, #tpu.memory_space<semaphore_mem>>)
      } else {
      }
    }
    %scan3A_36 = arith.constant 32 : i32
    %barrier3A_37 = arith.constant 0 : index
    tpu.barrier barrier_id(%barrier3A_37)
    %mul3A_38 = arith.constant 632 : i32
    %mul3A_39 = arith.muli %arg1, %mul3A_38 : i32
    %mul3A_40 = arith.constant 632 : i32
    %mul3A_41 = arith.muli %arg1, %mul3A_40 : i32
    "tpu.region"() ({
      %run_scoped3A = tpu.sem_alloc : memref<!tpu.dma_semaphore, #tpu.memory_space<semaphore_mem>>
      %dma_start3A_42 = arith.constant 0 : i32
      %dma_start3A_43 = tpu.memref_slice %arg5[%arg0, %mul3A_41, %dma_start3A_42] : memref<2x10112x32xf32, #tpu.memory_space<hbm>> -> memref<1x632x32xf32, #tpu.memory_space<hbm>>
      %dma_start3A_44 = tpu.memref_squeeze %dma_start3A_43 : memref<1x632x32xf32, #tpu.memory_space<hbm>> -> memref<632x32xf32, #tpu.memory_space<hbm>>
      %dma_start3A_45 = arith.constant 0 : i32
      %dma_start3A_46 = tpu.memref_slice %arg13[%mul3A_39, %dma_start3A_45] : memref<10112x32xf32, #tpu.memory_space<vmem_shared>> -> memref<632x32xf32, #tpu.memory_space<vmem_shared>>
      tpu.enqueue_dma source(%dma_start3A_46 : memref<632x32xf32, #tpu.memory_space<vmem_shared>>) target(%dma_start3A_44 : memref<632x32xf32, #tpu.memory_space<hbm>>) target_semaphore(%run_scoped3A : memref<!tpu.dma_semaphore, #tpu.memory_space<semaphore_mem>>)
      %dma_wait3A = arith.constant 0 : i32
      %dma_wait3A_47 = tpu.memref_slice %arg5[%arg0, %mul3A_41, %dma_wait3A] : memref<2x10112x32xf32, #tpu.memory_space<hbm>> -> memref<1x632x32xf32, #tpu.memory_space<hbm>>
      %dma_wait3A_48 = tpu.memref_squeeze %dma_wait3A_47 : memref<1x632x32xf32, #tpu.memory_space<hbm>> -> memref<632x32xf32, #tpu.memory_space<hbm>>
      %dma_wait3A_49 = arith.constant 0 : i32
      %dma_wait3A_50 = tpu.memref_slice %arg13[%mul3A_39, %dma_wait3A_49] : memref<10112x32xf32, #tpu.memory_space<vmem_shared>> -> memref<632x32xf32, #tpu.memory_space<vmem_shared>>
      tpu.wait_dma2 semaphore(%run_scoped3A : memref<!tpu.dma_semaphore, #tpu.memory_space<semaphore_mem>>) src(%dma_wait3A_50 : memref<632x32xf32, #tpu.memory_space<vmem_shared>>) dst(%dma_wait3A_48 : memref<632x32xf32, #tpu.memory_space<hbm>>)
      tpu.yield
    }) : () -> ()
    return
  }
}

#map = affine_map<(d0, d1) -> (0, 0)>
#map1 = affine_map<(d0, d1) -> (0, 0, 0)>
module attributes {stable_mosaic.version = 14 : i64} {
  func.func @k(%arg0: i32, %arg1: i32, %arg2: memref<10000x16xf32, #tpu.memory_space<hbm>>, %arg3: memref<32x128x80xi32, #tpu.memory_space<hbm>>, %arg4: memref<32x128x80xi32, #tpu.memory_space<hbm>>, %arg5: memref<2x10112x16xf32, #tpu.memory_space<hbm>>, %arg6: memref<128x80xi32, #tpu.memory_space<vmem>>, %arg7: memref<128x80xi32, #tpu.memory_space<vmem>>, %arg8: memref<80x16xf32, #tpu.memory_space<vmem>>, %arg9: memref<80x16xf32, #tpu.memory_space<vmem>>, %arg10: memref<80x16xf32, #tpu.memory_space<vmem>>, %arg11: memref<80x16xf32, #tpu.memory_space<vmem>>, %arg12: memref<632x16xf32, #tpu.memory_space<vmem>>, %arg13: memref<10112x16xf32, #tpu.memory_space<vmem_shared>>, %arg14: memref<10000x16xf32, #tpu.memory_space<vmem_shared>>, %arg15: memref<!tpu.dma_semaphore, #tpu.memory_space<semaphore_mem>>, %arg16: memref<!tpu.dma_semaphore, #tpu.memory_space<semaphore_mem>>, %arg17: memref<!tpu.dma_semaphore, #tpu.memory_space<semaphore_mem>>, %arg18: memref<!tpu.dma_semaphore, #tpu.memory_space<semaphore_mem>>) attributes {dimension_semantics = [#tpu.dimension_semantics<core_parallel>, #tpu.dimension_semantics<subcore_parallel>], iteration_bounds = array<i64: 2, 16>, scalar_prefetch = 0 : i64, scratch_operands = 13 : i64, tpu.core_type = #tpu.core_type<sc_vector_subcore>, window_params = [{transform_indices = #map}, {transform_indices = #map1}, {transform_indices = #map1}, {transform_indices = #map1}]} {
    %mul3A = arith.constant 16 : i32
    %mul3A_0 = arith.muli %arg0, %mul3A : i32
    %add3A = arith.addi %mul3A_0, %arg1 : i32
    "tpu.region"() ({
      %run_scoped3A = tpu.sem_alloc : memref<!tpu.dma_semaphore, #tpu.memory_space<semaphore_mem>>
      %dma_start3A_42 = arith.constant 0 : i32
      %dma_start3A_43 = arith.constant 0 : i32
      %dma_start3A_44 = tpu.memref_slice %arg3[%add3A, %dma_start3A_42, %dma_start3A_43] : memref<32x128x80xi32, #tpu.memory_space<hbm>> -> memref<1x128x80xi32, #tpu.memory_space<hbm>>
      %dma_start3A_45 = tpu.memref_squeeze %dma_start3A_44 : memref<1x128x80xi32, #tpu.memory_space<hbm>> -> memref<128x80xi32, #tpu.memory_space<hbm>>
      %dma_start3A_46 = arith.constant 0 : i32
      %dma_start3A_47 = arith.constant 0 : i32
      %dma_start3A_48 = tpu.memref_slice %arg3[%add3A, %dma_start3A_46, %dma_start3A_47] : memref<32x128x80xi32, #tpu.memory_space<hbm>> -> memref<1x128x80xi32, #tpu.memory_space<hbm>>
      %dma_start3A_49 = tpu.memref_squeeze %dma_start3A_48 : memref<1x128x80xi32, #tpu.memory_space<hbm>> -> memref<128x80xi32, #tpu.memory_space<hbm>>
      tpu.enqueue_dma source(%dma_start3A_49 : memref<128x80xi32, #tpu.memory_space<hbm>>) target(%arg6 : memref<128x80xi32, #tpu.memory_space<vmem>>) target_semaphore(%run_scoped3A : memref<!tpu.dma_semaphore, #tpu.memory_space<semaphore_mem>>)
      %dma_wait3A = arith.constant 0 : i32
      %dma_wait3A_50 = arith.constant 0 : i32
      %dma_wait3A_51 = tpu.memref_slice %arg3[%add3A, %dma_wait3A, %dma_wait3A_50] : memref<32x128x80xi32, #tpu.memory_space<hbm>> -> memref<1x128x80xi32, #tpu.memory_space<hbm>>
      %dma_wait3A_52 = tpu.memref_squeeze %dma_wait3A_51 : memref<1x128x80xi32, #tpu.memory_space<hbm>> -> memref<128x80xi32, #tpu.memory_space<hbm>>
      %dma_wait3A_53 = arith.constant 0 : i32
      %dma_wait3A_54 = arith.constant 0 : i32
      %dma_wait3A_55 = tpu.memref_slice %arg3[%add3A, %dma_wait3A_53, %dma_wait3A_54] : memref<32x128x80xi32, #tpu.memory_space<hbm>> -> memref<1x128x80xi32, #tpu.memory_space<hbm>>
      %dma_wait3A_56 = tpu.memref_squeeze %dma_wait3A_55 : memref<1x128x80xi32, #tpu.memory_space<hbm>> -> memref<128x80xi32, #tpu.memory_space<hbm>>
      tpu.wait_dma2 semaphore(%run_scoped3A : memref<!tpu.dma_semaphore, #tpu.memory_space<semaphore_mem>>) src(%dma_wait3A_56 : memref<128x80xi32, #tpu.memory_space<hbm>>) dst(%arg6 : memref<128x80xi32, #tpu.memory_space<vmem>>)
      tpu.yield
    }) : () -> ()
    "tpu.region"() ({
      %run_scoped3A = tpu.sem_alloc : memref<!tpu.dma_semaphore, #tpu.memory_space<semaphore_mem>>
      %dma_start3A_42 = arith.constant 0 : i32
      %dma_start3A_43 = arith.constant 0 : i32
      %dma_start3A_44 = tpu.memref_slice %arg4[%add3A, %dma_start3A_42, %dma_start3A_43] : memref<32x128x80xi32, #tpu.memory_space<hbm>> -> memref<1x128x80xi32, #tpu.memory_space<hbm>>
      %dma_start3A_45 = tpu.memref_squeeze %dma_start3A_44 : memref<1x128x80xi32, #tpu.memory_space<hbm>> -> memref<128x80xi32, #tpu.memory_space<hbm>>
      %dma_start3A_46 = arith.constant 0 : i32
      %dma_start3A_47 = arith.constant 0 : i32
      %dma_start3A_48 = tpu.memref_slice %arg4[%add3A, %dma_start3A_46, %dma_start3A_47] : memref<32x128x80xi32, #tpu.memory_space<hbm>> -> memref<1x128x80xi32, #tpu.memory_space<hbm>>
      %dma_start3A_49 = tpu.memref_squeeze %dma_start3A_48 : memref<1x128x80xi32, #tpu.memory_space<hbm>> -> memref<128x80xi32, #tpu.memory_space<hbm>>
      tpu.enqueue_dma source(%dma_start3A_49 : memref<128x80xi32, #tpu.memory_space<hbm>>) target(%arg7 : memref<128x80xi32, #tpu.memory_space<vmem>>) target_semaphore(%run_scoped3A : memref<!tpu.dma_semaphore, #tpu.memory_space<semaphore_mem>>)
      %dma_wait3A = arith.constant 0 : i32
      %dma_wait3A_50 = arith.constant 0 : i32
      %dma_wait3A_51 = tpu.memref_slice %arg4[%add3A, %dma_wait3A, %dma_wait3A_50] : memref<32x128x80xi32, #tpu.memory_space<hbm>> -> memref<1x128x80xi32, #tpu.memory_space<hbm>>
      %dma_wait3A_52 = tpu.memref_squeeze %dma_wait3A_51 : memref<1x128x80xi32, #tpu.memory_space<hbm>> -> memref<128x80xi32, #tpu.memory_space<hbm>>
      %dma_wait3A_53 = arith.constant 0 : i32
      %dma_wait3A_54 = arith.constant 0 : i32
      %dma_wait3A_55 = tpu.memref_slice %arg4[%add3A, %dma_wait3A_53, %dma_wait3A_54] : memref<32x128x80xi32, #tpu.memory_space<hbm>> -> memref<1x128x80xi32, #tpu.memory_space<hbm>>
      %dma_wait3A_56 = tpu.memref_squeeze %dma_wait3A_55 : memref<1x128x80xi32, #tpu.memory_space<hbm>> -> memref<128x80xi32, #tpu.memory_space<hbm>>
      tpu.wait_dma2 semaphore(%run_scoped3A : memref<!tpu.dma_semaphore, #tpu.memory_space<semaphore_mem>>) src(%dma_wait3A_56 : memref<128x80xi32, #tpu.memory_space<hbm>>) dst(%arg7 : memref<128x80xi32, #tpu.memory_space<vmem>>)
      tpu.yield
    }) : () -> ()
    %mul3A_1 = arith.constant 625 : i32
    %mul3A_2 = arith.muli %arg1, %mul3A_1 : i32
    %mul3A_3 = arith.constant 625 : i32
    %mul3A_4 = arith.muli %arg1, %mul3A_3 : i32
    "tpu.region"() ({
      %run_scoped3A = tpu.sem_alloc : memref<!tpu.dma_semaphore, #tpu.memory_space<semaphore_mem>>
      %dma_start3A_42 = arith.constant 0 : i32
      %dma_start3A_43 = tpu.memref_slice %arg14[%mul3A_4, %dma_start3A_42] : memref<10000x16xf32, #tpu.memory_space<vmem_shared>> -> memref<625x16xf32, #tpu.memory_space<vmem_shared>>
      %dma_start3A_44 = arith.constant 0 : i32
      %dma_start3A_45 = tpu.memref_slice %arg2[%mul3A_2, %dma_start3A_44] : memref<10000x16xf32, #tpu.memory_space<hbm>> -> memref<625x16xf32, #tpu.memory_space<hbm>>
      tpu.enqueue_dma source(%dma_start3A_45 : memref<625x16xf32, #tpu.memory_space<hbm>>) target(%dma_start3A_43 : memref<625x16xf32, #tpu.memory_space<vmem_shared>>) target_semaphore(%run_scoped3A : memref<!tpu.dma_semaphore, #tpu.memory_space<semaphore_mem>>)
      %dma_wait3A = arith.constant 0 : i32
      %dma_wait3A_46 = tpu.memref_slice %arg14[%mul3A_4, %dma_wait3A] : memref<10000x16xf32, #tpu.memory_space<vmem_shared>> -> memref<625x16xf32, #tpu.memory_space<vmem_shared>>
      %dma_wait3A_47 = arith.constant 0 : i32
      %dma_wait3A_48 = tpu.memref_slice %arg2[%mul3A_2, %dma_wait3A_47] : memref<10000x16xf32, #tpu.memory_space<hbm>> -> memref<625x16xf32, #tpu.memory_space<hbm>>
      tpu.wait_dma2 semaphore(%run_scoped3A : memref<!tpu.dma_semaphore, #tpu.memory_space<semaphore_mem>>) src(%dma_wait3A_48 : memref<625x16xf32, #tpu.memory_space<hbm>>) dst(%dma_wait3A_46 : memref<625x16xf32, #tpu.memory_space<vmem_shared>>)
      tpu.yield
    }) : () -> ()
    %broadcast_in_dim3A = arith.constant 0.000000e+00 : f32
    %broadcast_in_dim3A_5 = vector.broadcast %broadcast_in_dim3A : f32 to vector<16xf32>
    %scan3A = arith.constant 0 : i32
    %scan3A_6 = arith.constant 632 : i32
    %scan3A_7 = arith.addi %scan3A, %scan3A_6 : i32
    %scan3A_8 = arith.constant 1 : i32
    scf.for %scan3A_42 = %scan3A to %scan3A_7 step %scan3A_8  : i32 {
      %mul3A_43 = arith.constant 1 : i32
      %mul3A_44 = arith.muli %scan3A_42, %mul3A_43 : i32
      %add3A_45 = arith.constant 0 : i32
      %add3A_46 = arith.addi %add3A_45, %mul3A_44 : i32
      %scan3A_47 = arith.constant 0 : i32
      %mul3A_48 = arith.constant 16 : i32
      %mul3A_49 = arith.muli %scan3A_47, %mul3A_48 : i32
      %add3A_50 = arith.constant 0 : i32
      %add3A_51 = arith.addi %add3A_50, %mul3A_49 : i32
      %swap3A = arith.index_cast %add3A_46 : i32 to index
      %swap3A_52 = arith.index_cast %add3A_51 : i32 to index
      %swap3A_53 = tpu.vector_load %arg12[%swap3A, %swap3A_52] {strides = array<i32>} : memref<632x16xf32, #tpu.memory_space<vmem>>, vector<1x16xf32>,
      %swap3A_54 = vector.shape_cast %swap3A_53 : vector<1x16xf32> to vector<16xf32>
      %swap3A_55 = vector.shape_cast %broadcast_in_dim3A_5 : vector<16xf32> to vector<1x16xf32>
      tpu.vector_store %arg12[%swap3A, %swap3A_52], %swap3A_55 {strides = array<i32>} : memref<632x16xf32, #tpu.memory_space<vmem>>, vector<1x16xf32>,
      %scan3A_56 = arith.constant 1 : i32
    }
    %scan3A_9 = arith.constant 632 : i32
    %mul3A_10 = arith.constant 632 : i32
    %mul3A_11 = arith.muli %arg1, %mul3A_10 : i32
    "tpu.region"() ({
      %run_scoped3A = tpu.sem_alloc : memref<!tpu.dma_semaphore, #tpu.memory_space<semaphore_mem>>
      %dma_start3A_42 = arith.constant 0 : i32
      %dma_start3A_43 = tpu.memref_slice %arg13[%mul3A_11, %dma_start3A_42] : memref<10112x16xf32, #tpu.memory_space<vmem_shared>> -> memref<632x16xf32, #tpu.memory_space<vmem_shared>>
      %dma_start3A_44 = arith.constant 0 : i32
      %dma_start3A_45 = tpu.memref_slice %arg13[%mul3A_11, %dma_start3A_44] : memref<10112x16xf32, #tpu.memory_space<vmem_shared>> -> memref<632x16xf32, #tpu.memory_space<vmem_shared>>
      tpu.enqueue_dma source(%arg12 : memref<632x16xf32, #tpu.memory_space<vmem>>) target(%dma_start3A_45 : memref<632x16xf32, #tpu.memory_space<vmem_shared>>) target_semaphore(%run_scoped3A : memref<!tpu.dma_semaphore, #tpu.memory_space<semaphore_mem>>)
      %dma_wait3A = arith.constant 0 : i32
      %dma_wait3A_46 = tpu.memref_slice %arg13[%mul3A_11, %dma_wait3A] : memref<10112x16xf32, #tpu.memory_space<vmem_shared>> -> memref<632x16xf32, #tpu.memory_space<vmem_shared>>
      %dma_wait3A_47 = arith.constant 0 : i32
      %dma_wait3A_48 = tpu.memref_slice %arg13[%mul3A_11, %dma_wait3A_47] : memref<10112x16xf32, #tpu.memory_space<vmem_shared>> -> memref<632x16xf32, #tpu.memory_space<vmem_shared>>
      tpu.wait_dma2 semaphore(%run_scoped3A : memref<!tpu.dma_semaphore, #tpu.memory_space<semaphore_mem>>) src(%arg12 : memref<632x16xf32, #tpu.memory_space<vmem>>) dst(%dma_wait3A_48 : memref<632x16xf32, #tpu.memory_space<vmem_shared>>)
      tpu.yield
    }) : () -> ()
    %barrier3A = arith.constant 0 : index
    tpu.barrier barrier_id(%barrier3A)
    %dma_start3A = arith.constant 0 : i32
    %dma_start3A_12 = arith.constant 0 : i32
    %dma_start3A_13 = tpu.memref_slice %arg6[%dma_start3A, %dma_start3A_12] : memref<128x80xi32, #tpu.memory_space<vmem>> -> memref<1x80xi32, #tpu.memory_space<vmem>>
    %dma_start3A_14 = tpu.memref_squeeze %dma_start3A_13 : memref<1x80xi32, #tpu.memory_space<vmem>> -> memref<80xi32, #tpu.memory_space<vmem>>
    %dma_start3A_15 = arith.constant 0 : i32
    %dma_start3A_16 = arith.constant 0 : i32
    %dma_start3A_17 = tpu.memref_slice %arg14[%dma_start3A_15, %dma_start3A_16] : memref<10000x16xf32, #tpu.memory_space<vmem_shared>> -> memref<10000x16xf32, #tpu.memory_space<vmem_shared>>
    tpu.enqueue_indirect_dma source(%dma_start3A_17 : memref<10000x16xf32, #tpu.memory_space<vmem_shared>>) target(%arg8 : memref<80x16xf32, #tpu.memory_space<vmem>>) offsets(%dma_start3A_14 : memref<80xi32, #tpu.memory_space<vmem>>) semaphore(%arg15 : memref<!tpu.dma_semaphore, #tpu.memory_space<semaphore_mem>>)
    %dma_start3A_18 = arith.constant 1 : i32
    %dma_start3A_19 = arith.constant 0 : i32
    %dma_start3A_20 = tpu.memref_slice %arg6[%dma_start3A_18, %dma_start3A_19] : memref<128x80xi32, #tpu.memory_space<vmem>> -> memref<1x80xi32, #tpu.memory_space<vmem>>
    %dma_start3A_21 = tpu.memref_squeeze %dma_start3A_20 : memref<1x80xi32, #tpu.memory_space<vmem>> -> memref<80xi32, #tpu.memory_space<vmem>>
    %dma_start3A_22 = arith.constant 0 : i32
    %dma_start3A_23 = arith.constant 0 : i32
    %dma_start3A_24 = tpu.memref_slice %arg14[%dma_start3A_22, %dma_start3A_23] : memref<10000x16xf32, #tpu.memory_space<vmem_shared>> -> memref<10000x16xf32, #tpu.memory_space<vmem_shared>>
    tpu.enqueue_indirect_dma source(%dma_start3A_24 : memref<10000x16xf32, #tpu.memory_space<vmem_shared>>) target(%arg9 : memref<80x16xf32, #tpu.memory_space<vmem>>) offsets(%dma_start3A_21 : memref<80xi32, #tpu.memory_space<vmem>>) semaphore(%arg16 : memref<!tpu.dma_semaphore, #tpu.memory_space<semaphore_mem>>)
    %dma_start3A_25 = arith.constant 2 : i32
    %dma_start3A_26 = arith.constant 0 : i32
    %dma_start3A_27 = tpu.memref_slice %arg6[%dma_start3A_25, %dma_start3A_26] : memref<128x80xi32, #tpu.memory_space<vmem>> -> memref<1x80xi32, #tpu.memory_space<vmem>>
    %dma_start3A_28 = tpu.memref_squeeze %dma_start3A_27 : memref<1x80xi32, #tpu.memory_space<vmem>> -> memref<80xi32, #tpu.memory_space<vmem>>
    %dma_start3A_29 = arith.constant 0 : i32
    %dma_start3A_30 = arith.constant 0 : i32
    %dma_start3A_31 = tpu.memref_slice %arg14[%dma_start3A_29, %dma_start3A_30] : memref<10000x16xf32, #tpu.memory_space<vmem_shared>> -> memref<10000x16xf32, #tpu.memory_space<vmem_shared>>
    tpu.enqueue_indirect_dma source(%dma_start3A_31 : memref<10000x16xf32, #tpu.memory_space<vmem_shared>>) target(%arg10 : memref<80x16xf32, #tpu.memory_space<vmem>>) offsets(%dma_start3A_28 : memref<80xi32, #tpu.memory_space<vmem>>) semaphore(%arg17 : memref<!tpu.dma_semaphore, #tpu.memory_space<semaphore_mem>>)
    %scan3A_32 = arith.constant 0 : i32
    %scan3A_33 = arith.constant 32 : i32
    %scan3A_34 = arith.addi %scan3A_32, %scan3A_33 : i32
    %scan3A_35 = arith.constant 1 : i32
    scf.for %scan3A_42 = %scan3A_32 to %scan3A_34 step %scan3A_35  : i32 {
      %mul3A_43 = arith.constant 4 : i32
      %mul3A_44 = arith.muli %scan3A_42, %mul3A_43 : i32
      %add3A_45 = arith.constant 0 : i32
      %add3A_46 = arith.addi %add3A_45, %mul3A_44 : i32
      %add3A_47 = arith.constant 3 : i32
      %add3A_48 = arith.addi %add3A_46, %add3A_47 : i32
      %dma_start3A_49 = arith.constant 0 : i32
      %dma_start3A_50 = tpu.memref_slice %arg6[%add3A_48, %dma_start3A_49] : memref<128x80xi32, #tpu.memory_space<vmem>> -> memref<1x80xi32, #tpu.memory_space<vmem>>
      %dma_start3A_51 = tpu.memref_squeeze %dma_start3A_50 : memref<1x80xi32, #tpu.memory_space<vmem>> -> memref<80xi32, #tpu.memory_space<vmem>>
      %dma_start3A_52 = arith.constant 0 : i32
      %dma_start3A_53 = arith.constant 0 : i32
      %dma_start3A_54 = tpu.memref_slice %arg14[%dma_start3A_52, %dma_start3A_53] : memref<10000x16xf32, #tpu.memory_space<vmem_shared>> -> memref<10000x16xf32, #tpu.memory_space<vmem_shared>>
      tpu.enqueue_indirect_dma source(%dma_start3A_54 : memref<10000x16xf32, #tpu.memory_space<vmem_shared>>) target(%arg11 : memref<80x16xf32, #tpu.memory_space<vmem>>) offsets(%dma_start3A_51 : memref<80xi32, #tpu.memory_space<vmem>>) semaphore(%arg18 : memref<!tpu.dma_semaphore, #tpu.memory_space<semaphore_mem>>)
      %dma_wait3A = arith.constant 0 : i32
      %dma_wait3A_55 = arith.constant 0 : i32
      %dma_wait3A_56 = tpu.memref_slice %arg6[%dma_wait3A, %dma_wait3A_55] : memref<128x80xi32, #tpu.memory_space<vmem>> -> memref<1x80xi32, #tpu.memory_space<vmem>>
      %dma_wait3A_57 = tpu.memref_squeeze %dma_wait3A_56 : memref<1x80xi32, #tpu.memory_space<vmem>> -> memref<80xi32, #tpu.memory_space<vmem>>
      %dma_wait3A_58 = arith.constant 0 : i32
      %dma_wait3A_59 = arith.constant 0 : i32
      %dma_wait3A_60 = tpu.memref_slice %arg14[%dma_wait3A_58, %dma_wait3A_59] : memref<10000x16xf32, #tpu.memory_space<vmem_shared>> -> memref<10000x16xf32, #tpu.memory_space<vmem_shared>>
      tpu.wait_indirect_dma semaphore(%arg15 : memref<!tpu.dma_semaphore, #tpu.memory_space<semaphore_mem>>) src(%dma_wait3A_60 : memref<10000x16xf32, #tpu.memory_space<vmem_shared>>) dst(%arg8 : memref<80x16xf32, #tpu.memory_space<vmem>>)
      "tpu.region"() ({
        %run_scoped3A = tpu.sem_alloc : memref<!tpu.dma_semaphore, #tpu.memory_space<semaphore_mem>>
        %dma_start3A_113 = arith.constant 0 : i32
        %dma_start3A_114 = tpu.memref_slice %arg7[%add3A_46, %dma_start3A_113] : memref<128x80xi32, #tpu.memory_space<vmem>> -> memref<1x80xi32, #tpu.memory_space<vmem>>
        %dma_start3A_115 = tpu.memref_squeeze %dma_start3A_114 : memref<1x80xi32, #tpu.memory_space<vmem>> -> memref<80xi32, #tpu.memory_space<vmem>>
        %dma_start3A_116 = arith.constant 0 : i32
        %dma_start3A_117 = arith.constant 0 : i32
        %dma_start3A_118 = tpu.memref_slice %arg13[%dma_start3A_116, %dma_start3A_117] : memref<10112x16xf32, #tpu.memory_space<vmem_shared>> -> memref<10112x16xf32, #tpu.memory_space<vmem_shared>>
        tpu.enqueue_indirect_dma source(%arg8 : memref<80x16xf32, #tpu.memory_space<vmem>>) target(%dma_start3A_118 : memref<10112x16xf32, #tpu.memory_space<vmem_shared>>) offsets(%dma_start3A_115 : memref<80xi32, #tpu.memory_space<vmem>>) semaphore(%run_scoped3A : memref<!tpu.dma_semaphore, #tpu.memory_space<semaphore_mem>>) {add = true}
        %dma_wait3A_119 = arith.constant 0 : i32
        %dma_wait3A_120 = tpu.memref_slice %arg7[%add3A_46, %dma_wait3A_119] : memref<128x80xi32, #tpu.memory_space<vmem>> -> memref<1x80xi32, #tpu.memory_space<vmem>>
        %dma_wait3A_121 = tpu.memref_squeeze %dma_wait3A_120 : memref<1x80xi32, #tpu.memory_space<vmem>> -> memref<80xi32, #tpu.memory_space<vmem>>
        %dma_wait3A_122 = arith.constant 0 : i32
        %dma_wait3A_123 = arith.constant 0 : i32
        %dma_wait3A_124 = tpu.memref_slice %arg13[%dma_wait3A_122, %dma_wait3A_123] : memref<10112x16xf32, #tpu.memory_space<vmem_shared>> -> memref<10112x16xf32, #tpu.memory_space<vmem_shared>>
        tpu.wait_indirect_dma semaphore(%run_scoped3A : memref<!tpu.dma_semaphore, #tpu.memory_space<semaphore_mem>>) src(%arg8 : memref<80x16xf32, #tpu.memory_space<vmem>>) dst(%dma_wait3A_124 : memref<10112x16xf32, #tpu.memory_space<vmem_shared>>)
        tpu.yield
      }) : () -> ()
      %add3A_61 = arith.constant 4 : i32
      %add3A_62 = arith.addi %add3A_46, %add3A_61 : i32
      %lt3A = arith.constant 128 : i32
      %lt3A_63 = arith.cmpi slt, %add3A_62, %lt3A : i32
      %convert_element_type3A = arith.extui %lt3A_63 : i1 to i32
      %cond3A = arith.constant 0 : i32
      %cond3A_64 = arith.cmpi ne, %convert_element_type3A, %cond3A : i32
      scf.if %cond3A_64 {
        %add3A_113 = arith.constant 4 : i32
        %add3A_114 = arith.addi %add3A_46, %add3A_113 : i32
        %dma_start3A_115 = arith.constant 0 : i32
        %dma_start3A_116 = tpu.memref_slice %arg6[%add3A_114, %dma_start3A_115] : memref<128x80xi32, #tpu.memory_space<vmem>> -> memref<1x80xi32, #tpu.memory_space<vmem>>
        %dma_start3A_117 = tpu.memref_squeeze %dma_start3A_116 : memref<1x80xi32, #tpu.memory_space<vmem>> -> memref<80xi32, #tpu.memory_space<vmem>>
        %dma_start3A_118 = arith.constant 0 : i32
        %dma_start3A_119 = arith.constant 0 : i32
        %dma_start3A_120 = tpu.memref_slice %arg14[%dma_start3A_118, %dma_start3A_119] : memref<10000x16xf32, #tpu.memory_space<vmem_shared>> -> memref<10000x16xf32, #tpu.memory_space<vmem_shared>>
        tpu.enqueue_indirect_dma source(%dma_start3A_120 : memref<10000x16xf32, #tpu.memory_space<vmem_shared>>) target(%arg8 : memref<80x16xf32, #tpu.memory_space<vmem>>) offsets(%dma_start3A_117 : memref<80xi32, #tpu.memory_space<vmem>>) semaphore(%arg15 : memref<!tpu.dma_semaphore, #tpu.memory_space<semaphore_mem>>)
      } else {
      }
      %dma_wait3A_65 = arith.constant 0 : i32
      %dma_wait3A_66 = arith.constant 0 : i32
      %dma_wait3A_67 = tpu.memref_slice %arg6[%dma_wait3A_65, %dma_wait3A_66] : memref<128x80xi32, #tpu.memory_space<vmem>> -> memref<1x80xi32, #tpu.memory_space<vmem>>
      %dma_wait3A_68 = tpu.memref_squeeze %dma_wait3A_67 : memref<1x80xi32, #tpu.memory_space<vmem>> -> memref<80xi32, #tpu.memory_space<vmem>>
      %dma_wait3A_69 = arith.constant 0 : i32
      %dma_wait3A_70 = arith.constant 0 : i32
      %dma_wait3A_71 = tpu.memref_slice %arg14[%dma_wait3A_69, %dma_wait3A_70] : memref<10000x16xf32, #tpu.memory_space<vmem_shared>> -> memref<10000x16xf32, #tpu.memory_space<vmem_shared>>
      tpu.wait_indirect_dma semaphore(%arg16 : memref<!tpu.dma_semaphore, #tpu.memory_space<semaphore_mem>>) src(%dma_wait3A_71 : memref<10000x16xf32, #tpu.memory_space<vmem_shared>>) dst(%arg9 : memref<80x16xf32, #tpu.memory_space<vmem>>)
      %add3A_72 = arith.constant 1 : i32
      %add3A_73 = arith.addi %add3A_46, %add3A_72 : i32
      "tpu.region"() ({
        %run_scoped3A = tpu.sem_alloc : memref<!tpu.dma_semaphore, #tpu.memory_space<semaphore_mem>>
        %dma_start3A_113 = arith.constant 0 : i32
        %dma_start3A_114 = tpu.memref_slice %arg7[%add3A_73, %dma_start3A_113] : memref<128x80xi32, #tpu.memory_space<vmem>> -> memref<1x80xi32, #tpu.memory_space<vmem>>
        %dma_start3A_115 = tpu.memref_squeeze %dma_start3A_114 : memref<1x80xi32, #tpu.memory_space<vmem>> -> memref<80xi32, #tpu.memory_space<vmem>>
        %dma_start3A_116 = arith.constant 0 : i32
        %dma_start3A_117 = arith.constant 0 : i32
        %dma_start3A_118 = tpu.memref_slice %arg13[%dma_start3A_116, %dma_start3A_117] : memref<10112x16xf32, #tpu.memory_space<vmem_shared>> -> memref<10112x16xf32, #tpu.memory_space<vmem_shared>>
        tpu.enqueue_indirect_dma source(%arg9 : memref<80x16xf32, #tpu.memory_space<vmem>>) target(%dma_start3A_118 : memref<10112x16xf32, #tpu.memory_space<vmem_shared>>) offsets(%dma_start3A_115 : memref<80xi32, #tpu.memory_space<vmem>>) semaphore(%run_scoped3A : memref<!tpu.dma_semaphore, #tpu.memory_space<semaphore_mem>>) {add = true}
        %dma_wait3A_119 = arith.constant 0 : i32
        %dma_wait3A_120 = tpu.memref_slice %arg7[%add3A_73, %dma_wait3A_119] : memref<128x80xi32, #tpu.memory_space<vmem>> -> memref<1x80xi32, #tpu.memory_space<vmem>>
        %dma_wait3A_121 = tpu.memref_squeeze %dma_wait3A_120 : memref<1x80xi32, #tpu.memory_space<vmem>> -> memref<80xi32, #tpu.memory_space<vmem>>
        %dma_wait3A_122 = arith.constant 0 : i32
        %dma_wait3A_123 = arith.constant 0 : i32
        %dma_wait3A_124 = tpu.memref_slice %arg13[%dma_wait3A_122, %dma_wait3A_123] : memref<10112x16xf32, #tpu.memory_space<vmem_shared>> -> memref<10112x16xf32, #tpu.memory_space<vmem_shared>>
        tpu.wait_indirect_dma semaphore(%run_scoped3A : memref<!tpu.dma_semaphore, #tpu.memory_space<semaphore_mem>>) src(%arg9 : memref<80x16xf32, #tpu.memory_space<vmem>>) dst(%dma_wait3A_124 : memref<10112x16xf32, #tpu.memory_space<vmem_shared>>)
        tpu.yield
      }) : () -> ()
      %add3A_74 = arith.constant 5 : i32
      %add3A_75 = arith.addi %add3A_46, %add3A_74 : i32
      %lt3A_76 = arith.constant 128 : i32
      %lt3A_77 = arith.cmpi slt, %add3A_75, %lt3A_76 : i32
      %convert_element_type3A_78 = arith.extui %lt3A_77 : i1 to i32
      %cond3A_79 = arith.constant 0 : i32
      %cond3A_80 = arith.cmpi ne, %convert_element_type3A_78, %cond3A_79 : i32
      scf.if %cond3A_80 {
        %add3A_113 = arith.constant 5 : i32
        %add3A_114 = arith.addi %add3A_46, %add3A_113 : i32
        %dma_start3A_115 = arith.constant 0 : i32
        %dma_start3A_116 = tpu.memref_slice %arg6[%add3A_114, %dma_start3A_115] : memref<128x80xi32, #tpu.memory_space<vmem>> -> memref<1x80xi32, #tpu.memory_space<vmem>>
        %dma_start3A_117 = tpu.memref_squeeze %dma_start3A_116 : memref<1x80xi32, #tpu.memory_space<vmem>> -> memref<80xi32, #tpu.memory_space<vmem>>
        %dma_start3A_118 = arith.constant 0 : i32
        %dma_start3A_119 = arith.constant 0 : i32
        %dma_start3A_120 = tpu.memref_slice %arg14[%dma_start3A_118, %dma_start3A_119] : memref<10000x16xf32, #tpu.memory_space<vmem_shared>> -> memref<10000x16xf32, #tpu.memory_space<vmem_shared>>
        tpu.enqueue_indirect_dma source(%dma_start3A_120 : memref<10000x16xf32, #tpu.memory_space<vmem_shared>>) target(%arg9 : memref<80x16xf32, #tpu.memory_space<vmem>>) offsets(%dma_start3A_117 : memref<80xi32, #tpu.memory_space<vmem>>) semaphore(%arg16 : memref<!tpu.dma_semaphore, #tpu.memory_space<semaphore_mem>>)
      } else {
      }
      %dma_wait3A_81 = arith.constant 0 : i32
      %dma_wait3A_82 = arith.constant 0 : i32
      %dma_wait3A_83 = tpu.memref_slice %arg6[%dma_wait3A_81, %dma_wait3A_82] : memref<128x80xi32, #tpu.memory_space<vmem>> -> memref<1x80xi32, #tpu.memory_space<vmem>>
      %dma_wait3A_84 = tpu.memref_squeeze %dma_wait3A_83 : memref<1x80xi32, #tpu.memory_space<vmem>> -> memref<80xi32, #tpu.memory_space<vmem>>
      %dma_wait3A_85 = arith.constant 0 : i32
      %dma_wait3A_86 = arith.constant 0 : i32
      %dma_wait3A_87 = tpu.memref_slice %arg14[%dma_wait3A_85, %dma_wait3A_86] : memref<10000x16xf32, #tpu.memory_space<vmem_shared>> -> memref<10000x16xf32, #tpu.memory_space<vmem_shared>>
      tpu.wait_indirect_dma semaphore(%arg17 : memref<!tpu.dma_semaphore, #tpu.memory_space<semaphore_mem>>) src(%dma_wait3A_87 : memref<10000x16xf32, #tpu.memory_space<vmem_shared>>) dst(%arg10 : memref<80x16xf32, #tpu.memory_space<vmem>>)
      %add3A_88 = arith.constant 2 : i32
      %add3A_89 = arith.addi %add3A_46, %add3A_88 : i32
      "tpu.region"() ({
        %run_scoped3A = tpu.sem_alloc : memref<!tpu.dma_semaphore, #tpu.memory_space<semaphore_mem>>
        %dma_start3A_113 = arith.constant 0 : i32
        %dma_start3A_114 = tpu.memref_slice %arg7[%add3A_89, %dma_start3A_113] : memref<128x80xi32, #tpu.memory_space<vmem>> -> memref<1x80xi32, #tpu.memory_space<vmem>>
        %dma_start3A_115 = tpu.memref_squeeze %dma_start3A_114 : memref<1x80xi32, #tpu.memory_space<vmem>> -> memref<80xi32, #tpu.memory_space<vmem>>
        %dma_start3A_116 = arith.constant 0 : i32
        %dma_start3A_117 = arith.constant 0 : i32
        %dma_start3A_118 = tpu.memref_slice %arg13[%dma_start3A_116, %dma_start3A_117] : memref<10112x16xf32, #tpu.memory_space<vmem_shared>> -> memref<10112x16xf32, #tpu.memory_space<vmem_shared>>
        tpu.enqueue_indirect_dma source(%arg10 : memref<80x16xf32, #tpu.memory_space<vmem>>) target(%dma_start3A_118 : memref<10112x16xf32, #tpu.memory_space<vmem_shared>>) offsets(%dma_start3A_115 : memref<80xi32, #tpu.memory_space<vmem>>) semaphore(%run_scoped3A : memref<!tpu.dma_semaphore, #tpu.memory_space<semaphore_mem>>) {add = true}
        %dma_wait3A_119 = arith.constant 0 : i32
        %dma_wait3A_120 = tpu.memref_slice %arg7[%add3A_89, %dma_wait3A_119] : memref<128x80xi32, #tpu.memory_space<vmem>> -> memref<1x80xi32, #tpu.memory_space<vmem>>
        %dma_wait3A_121 = tpu.memref_squeeze %dma_wait3A_120 : memref<1x80xi32, #tpu.memory_space<vmem>> -> memref<80xi32, #tpu.memory_space<vmem>>
        %dma_wait3A_122 = arith.constant 0 : i32
        %dma_wait3A_123 = arith.constant 0 : i32
        %dma_wait3A_124 = tpu.memref_slice %arg13[%dma_wait3A_122, %dma_wait3A_123] : memref<10112x16xf32, #tpu.memory_space<vmem_shared>> -> memref<10112x16xf32, #tpu.memory_space<vmem_shared>>
        tpu.wait_indirect_dma semaphore(%run_scoped3A : memref<!tpu.dma_semaphore, #tpu.memory_space<semaphore_mem>>) src(%arg10 : memref<80x16xf32, #tpu.memory_space<vmem>>) dst(%dma_wait3A_124 : memref<10112x16xf32, #tpu.memory_space<vmem_shared>>)
        tpu.yield
      }) : () -> ()
      %add3A_90 = arith.constant 6 : i32
      %add3A_91 = arith.addi %add3A_46, %add3A_90 : i32
      %lt3A_92 = arith.constant 128 : i32
      %lt3A_93 = arith.cmpi slt, %add3A_91, %lt3A_92 : i32
      %convert_element_type3A_94 = arith.extui %lt3A_93 : i1 to i32
      %cond3A_95 = arith.constant 0 : i32
      %cond3A_96 = arith.cmpi ne, %convert_element_type3A_94, %cond3A_95 : i32
      scf.if %cond3A_96 {
        %add3A_113 = arith.constant 6 : i32
        %add3A_114 = arith.addi %add3A_46, %add3A_113 : i32
        %dma_start3A_115 = arith.constant 0 : i32
        %dma_start3A_116 = tpu.memref_slice %arg6[%add3A_114, %dma_start3A_115] : memref<128x80xi32, #tpu.memory_space<vmem>> -> memref<1x80xi32, #tpu.memory_space<vmem>>
        %dma_start3A_117 = tpu.memref_squeeze %dma_start3A_116 : memref<1x80xi32, #tpu.memory_space<vmem>> -> memref<80xi32, #tpu.memory_space<vmem>>
        %dma_start3A_118 = arith.constant 0 : i32
        %dma_start3A_119 = arith.constant 0 : i32
        %dma_start3A_120 = tpu.memref_slice %arg14[%dma_start3A_118, %dma_start3A_119] : memref<10000x16xf32, #tpu.memory_space<vmem_shared>> -> memref<10000x16xf32, #tpu.memory_space<vmem_shared>>
        tpu.enqueue_indirect_dma source(%dma_start3A_120 : memref<10000x16xf32, #tpu.memory_space<vmem_shared>>) target(%arg10 : memref<80x16xf32, #tpu.memory_space<vmem>>) offsets(%dma_start3A_117 : memref<80xi32, #tpu.memory_space<vmem>>) semaphore(%arg17 : memref<!tpu.dma_semaphore, #tpu.memory_space<semaphore_mem>>)
      } else {
      }
      %dma_wait3A_97 = arith.constant 0 : i32
      %dma_wait3A_98 = arith.constant 0 : i32
      %dma_wait3A_99 = tpu.memref_slice %arg6[%dma_wait3A_97, %dma_wait3A_98] : memref<128x80xi32, #tpu.memory_space<vmem>> -> memref<1x80xi32, #tpu.memory_space<vmem>>
      %dma_wait3A_100 = tpu.memref_squeeze %dma_wait3A_99 : memref<1x80xi32, #tpu.memory_space<vmem>> -> memref<80xi32, #tpu.memory_space<vmem>>
      %dma_wait3A_101 = arith.constant 0 : i32
      %dma_wait3A_102 = arith.constant 0 : i32
      %dma_wait3A_103 = tpu.memref_slice %arg14[%dma_wait3A_101, %dma_wait3A_102] : memref<10000x16xf32, #tpu.memory_space<vmem_shared>> -> memref<10000x16xf32, #tpu.memory_space<vmem_shared>>
      tpu.wait_indirect_dma semaphore(%arg18 : memref<!tpu.dma_semaphore, #tpu.memory_space<semaphore_mem>>) src(%dma_wait3A_103 : memref<10000x16xf32, #tpu.memory_space<vmem_shared>>) dst(%arg11 : memref<80x16xf32, #tpu.memory_space<vmem>>)
      %add3A_104 = arith.constant 3 : i32
      %add3A_105 = arith.addi %add3A_46, %add3A_104 : i32
      "tpu.region"() ({
        %run_scoped3A = tpu.sem_alloc : memref<!tpu.dma_semaphore, #tpu.memory_space<semaphore_mem>>
        %dma_start3A_113 = arith.constant 0 : i32
        %dma_start3A_114 = tpu.memref_slice %arg7[%add3A_105, %dma_start3A_113] : memref<128x80xi32, #tpu.memory_space<vmem>> -> memref<1x80xi32, #tpu.memory_space<vmem>>
        %dma_start3A_115 = tpu.memref_squeeze %dma_start3A_114 : memref<1x80xi32, #tpu.memory_space<vmem>> -> memref<80xi32, #tpu.memory_space<vmem>>
        %dma_start3A_116 = arith.constant 0 : i32
        %dma_start3A_117 = arith.constant 0 : i32
        %dma_start3A_118 = tpu.memref_slice %arg13[%dma_start3A_116, %dma_start3A_117] : memref<10112x16xf32, #tpu.memory_space<vmem_shared>> -> memref<10112x16xf32, #tpu.memory_space<vmem_shared>>
        tpu.enqueue_indirect_dma source(%arg11 : memref<80x16xf32, #tpu.memory_space<vmem>>) target(%dma_start3A_118 : memref<10112x16xf32, #tpu.memory_space<vmem_shared>>) offsets(%dma_start3A_115 : memref<80xi32, #tpu.memory_space<vmem>>) semaphore(%run_scoped3A : memref<!tpu.dma_semaphore, #tpu.memory_space<semaphore_mem>>) {add = true}
        %dma_wait3A_119 = arith.constant 0 : i32
        %dma_wait3A_120 = tpu.memref_slice %arg7[%add3A_105, %dma_wait3A_119] : memref<128x80xi32, #tpu.memory_space<vmem>> -> memref<1x80xi32, #tpu.memory_space<vmem>>
        %dma_wait3A_121 = tpu.memref_squeeze %dma_wait3A_120 : memref<1x80xi32, #tpu.memory_space<vmem>> -> memref<80xi32, #tpu.memory_space<vmem>>
        %dma_wait3A_122 = arith.constant 0 : i32
        %dma_wait3A_123 = arith.constant 0 : i32
        %dma_wait3A_124 = tpu.memref_slice %arg13[%dma_wait3A_122, %dma_wait3A_123] : memref<10112x16xf32, #tpu.memory_space<vmem_shared>> -> memref<10112x16xf32, #tpu.memory_space<vmem_shared>>
        tpu.wait_indirect_dma semaphore(%run_scoped3A : memref<!tpu.dma_semaphore, #tpu.memory_space<semaphore_mem>>) src(%arg11 : memref<80x16xf32, #tpu.memory_space<vmem>>) dst(%dma_wait3A_124 : memref<10112x16xf32, #tpu.memory_space<vmem_shared>>)
        tpu.yield
      }) : () -> ()
      %add3A_106 = arith.constant 7 : i32
      %add3A_107 = arith.addi %add3A_46, %add3A_106 : i32
      %lt3A_108 = arith.constant 128 : i32
      %lt3A_109 = arith.cmpi slt, %add3A_107, %lt3A_108 : i32
      %convert_element_type3A_110 = arith.extui %lt3A_109 : i1 to i32
      %cond3A_111 = arith.constant 0 : i32
      %cond3A_112 = arith.cmpi ne, %convert_element_type3A_110, %cond3A_111 : i32
      scf.if %cond3A_112 {
        %add3A_113 = arith.constant 7 : i32
        %add3A_114 = arith.addi %add3A_46, %add3A_113 : i32
        %dma_start3A_115 = arith.constant 0 : i32
        %dma_start3A_116 = tpu.memref_slice %arg6[%add3A_114, %dma_start3A_115] : memref<128x80xi32, #tpu.memory_space<vmem>> -> memref<1x80xi32, #tpu.memory_space<vmem>>
        %dma_start3A_117 = tpu.memref_squeeze %dma_start3A_116 : memref<1x80xi32, #tpu.memory_space<vmem>> -> memref<80xi32, #tpu.memory_space<vmem>>
        %dma_start3A_118 = arith.constant 0 : i32
        %dma_start3A_119 = arith.constant 0 : i32
        %dma_start3A_120 = tpu.memref_slice %arg14[%dma_start3A_118, %dma_start3A_119] : memref<10000x16xf32, #tpu.memory_space<vmem_shared>> -> memref<10000x16xf32, #tpu.memory_space<vmem_shared>>
        tpu.enqueue_indirect_dma source(%dma_start3A_120 : memref<10000x16xf32, #tpu.memory_space<vmem_shared>>) target(%arg11 : memref<80x16xf32, #tpu.memory_space<vmem>>) offsets(%dma_start3A_117 : memref<80xi32, #tpu.memory_space<vmem>>) semaphore(%arg18 : memref<!tpu.dma_semaphore, #tpu.memory_space<semaphore_mem>>)
      } else {
      }
    }
    %scan3A_36 = arith.constant 32 : i32
    %barrier3A_37 = arith.constant 0 : index
    tpu.barrier barrier_id(%barrier3A_37)
    %mul3A_38 = arith.constant 632 : i32
    %mul3A_39 = arith.muli %arg1, %mul3A_38 : i32
    %mul3A_40 = arith.constant 632 : i32
    %mul3A_41 = arith.muli %arg1, %mul3A_40 : i32
    "tpu.region"() ({
      %run_scoped3A = tpu.sem_alloc : memref<!tpu.dma_semaphore, #tpu.memory_space<semaphore_mem>>
      %dma_start3A_42 = arith.constant 0 : i32
      %dma_start3A_43 = tpu.memref_slice %arg5[%arg0, %mul3A_41, %dma_start3A_42] : memref<2x10112x16xf32, #tpu.memory_space<hbm>> -> memref<1x632x16xf32, #tpu.memory_space<hbm>>
      %dma_start3A_44 = tpu.memref_squeeze %dma_start3A_43 : memref<1x632x16xf32, #tpu.memory_space<hbm>> -> memref<632x16xf32, #tpu.memory_space<hbm>>
      %dma_start3A_45 = arith.constant 0 : i32
      %dma_start3A_46 = tpu.memref_slice %arg13[%mul3A_39, %dma_start3A_45] : memref<10112x16xf32, #tpu.memory_space<vmem_shared>> -> memref<632x16xf32, #tpu.memory_space<vmem_shared>>
      tpu.enqueue_dma source(%dma_start3A_46 : memref<632x16xf32, #tpu.memory_space<vmem_shared>>) target(%dma_start3A_44 : memref<632x16xf32, #tpu.memory_space<hbm>>) target_semaphore(%run_scoped3A : memref<!tpu.dma_semaphore, #tpu.memory_space<semaphore_mem>>)
      %dma_wait3A = arith.constant 0 : i32
      %dma_wait3A_47 = tpu.memref_slice %arg5[%arg0, %mul3A_41, %dma_wait3A] : memref<2x10112x16xf32, #tpu.memory_space<hbm>> -> memref<1x632x16xf32, #tpu.memory_space<hbm>>
      %dma_wait3A_48 = tpu.memref_squeeze %dma_wait3A_47 : memref<1x632x16xf32, #tpu.memory_space<hbm>> -> memref<632x16xf32, #tpu.memory_space<hbm>>
      %dma_wait3A_49 = arith.constant 0 : i32
      %dma_wait3A_50 = tpu.memref_slice %arg13[%mul3A_39, %dma_wait3A_49] : memref<10112x16xf32, #tpu.memory_space<vmem_shared>> -> memref<632x16xf32, #tpu.memory_space<vmem_shared>>
      tpu.wait_dma2 semaphore(%run_scoped3A : memref<!tpu.dma_semaphore, #tpu.memory_space<semaphore_mem>>) src(%dma_wait3A_50 : memref<632x16xf32, #tpu.memory_space<vmem_shared>>) dst(%dma_wait3A_48 : memref<632x16xf32, #tpu.memory_space<hbm>>)
      tpu.yield
    }) : () -> ()
    return
  }
}

#map = affine_map<(d0, d1) -> (0, 0)>
#map1 = affine_map<(d0, d1) -> (0, 0, 0)>
module attributes {stable_mosaic.version = 14 : i64} {
  func.func @k(%arg0: i32, %arg1: i32, %arg2: memref<10240x128xf32, #tpu.memory_space<hbm>>, %arg3: memref<32x4x80xi32, #tpu.memory_space<hbm>>, %arg4: memref<2x16000x128xf32, #tpu.memory_space<hbm>>, %arg5: memref<4x80xi32, #tpu.memory_space<vmem>>, %arg6: memref<320x128xf32, #tpu.memory_space<vmem>>, %arg7: memref<200x128xf32, #tpu.memory_space<vmem>>) attributes {dimension_semantics = [#tpu.dimension_semantics<core_parallel>, #tpu.dimension_semantics<subcore_parallel>], iteration_bounds = array<i64: 2, 16>, scalar_prefetch = 0 : i64, scratch_operands = 3 : i64, tpu.core_type = #tpu.core_type<sc_vector_subcore>, window_params = [{transform_indices = #map}, {transform_indices = #map1}, {transform_indices = #map1}]} {
    %mul3A = arith.constant 16 : i32
    %mul3A_0 = arith.muli %arg0, %mul3A : i32
    %add3A = arith.addi %mul3A_0, %arg1 : i32
    %broadcast_in_dim3A = arith.constant 0.000000e+00 : f32
    %broadcast_in_dim3A_1 = vector.broadcast %broadcast_in_dim3A : f32 to vector<16xf32>
    %scan3A = arith.constant 0 : i32
    %scan3A_2 = arith.constant 200 : i32
    %scan3A_3 = arith.addi %scan3A, %scan3A_2 : i32
    %scan3A_4 = arith.constant 1 : i32
    scf.for %scan3A_18 = %scan3A to %scan3A_3 step %scan3A_4  : i32 {
      %mul3A_19 = arith.constant 1 : i32
      %mul3A_20 = arith.muli %scan3A_18, %mul3A_19 : i32
      %add3A_21 = arith.constant 0 : i32
      %add3A_22 = arith.addi %add3A_21, %mul3A_20 : i32
      %scan3A_23 = arith.constant 0 : i32
      %scan3A_24 = arith.constant 8 : i32
      %scan3A_25 = arith.addi %scan3A_23, %scan3A_24 : i32
      %scan3A_26 = arith.constant 1 : i32
      scf.for %scan3A_28 = %scan3A_23 to %scan3A_25 step %scan3A_26  : i32 {
        %mul3A_29 = arith.constant 16 : i32
        %mul3A_30 = arith.muli %scan3A_28, %mul3A_29 : i32
        %add3A_31 = arith.constant 0 : i32
        %add3A_32 = arith.addi %add3A_31, %mul3A_30 : i32
        %swap3A = arith.index_cast %add3A_22 : i32 to index
        %swap3A_33 = arith.index_cast %add3A_32 : i32 to index
        %swap3A_34 = tpu.vector_load %arg7[%swap3A, %swap3A_33] {strides = array<i32>} : memref<200x128xf32, #tpu.memory_space<vmem>>, vector<1x16xf32>,
        %swap3A_35 = vector.shape_cast %swap3A_34 : vector<1x16xf32> to vector<16xf32>
        %swap3A_36 = vector.shape_cast %broadcast_in_dim3A_1 : vector<16xf32> to vector<1x16xf32>
        tpu.vector_store %arg7[%swap3A, %swap3A_33], %swap3A_36 {strides = array<i32>} : memref<200x128xf32, #tpu.memory_space<vmem>>, vector<1x16xf32>,
      }
      %scan3A_27 = arith.constant 8 : i32
    }
    %scan3A_5 = arith.constant 200 : i32
    %scan3A_6 = arith.constant 0 : i32
    %scan3A_7 = arith.constant 5 : i32
    %scan3A_8 = arith.addi %scan3A_6, %scan3A_7 : i32
    %scan3A_9 = arith.constant 1 : i32
    scf.for %scan3A_18 = %scan3A_6 to %scan3A_8 step %scan3A_9  : i32 {
      %mul3A_19 = arith.constant 1 : i32
      %mul3A_20 = arith.muli %scan3A_18, %mul3A_19 : i32
      %add3A_21 = arith.constant 0 : i32
      %add3A_22 = arith.addi %add3A_21, %mul3A_20 : i32
      %mul3A_23 = arith.constant 1000 : i32
      %mul3A_24 = arith.muli %arg1, %mul3A_23 : i32
      %mul3A_25 = arith.constant 200 : i32
      %mul3A_26 = arith.muli %add3A_22, %mul3A_25 : i32
      %add3A_27 = arith.addi %mul3A_24, %mul3A_26 : i32
      "tpu.region"() ({
        %run_scoped3A = tpu.sem_alloc : memref<!tpu.dma_semaphore, #tpu.memory_space<semaphore_mem>>
        %dma_start3A = arith.constant 0 : i32
        %dma_start3A_28 = tpu.memref_slice %arg4[%arg0, %add3A_27, %dma_start3A] : memref<2x16000x128xf32, #tpu.memory_space<hbm>> -> memref<1x200x128xf32, #tpu.memory_space<hbm>>
        %dma_start3A_29 = tpu.memref_squeeze %dma_start3A_28 : memref<1x200x128xf32, #tpu.memory_space<hbm>> -> memref<200x128xf32, #tpu.memory_space<hbm>>
        %dma_start3A_30 = arith.constant 0 : i32
        %dma_start3A_31 = tpu.memref_slice %arg4[%arg0, %add3A_27, %dma_start3A_30] : memref<2x16000x128xf32, #tpu.memory_space<hbm>> -> memref<1x200x128xf32, #tpu.memory_space<hbm>>
        %dma_start3A_32 = tpu.memref_squeeze %dma_start3A_31 : memref<1x200x128xf32, #tpu.memory_space<hbm>> -> memref<200x128xf32, #tpu.memory_space<hbm>>
        tpu.enqueue_dma source(%arg7 : memref<200x128xf32, #tpu.memory_space<vmem>>) target(%dma_start3A_32 : memref<200x128xf32, #tpu.memory_space<hbm>>) target_semaphore(%run_scoped3A : memref<!tpu.dma_semaphore, #tpu.memory_space<semaphore_mem>>)
        %dma_wait3A = arith.constant 0 : i32
        %dma_wait3A_33 = tpu.memref_slice %arg4[%arg0, %add3A_27, %dma_wait3A] : memref<2x16000x128xf32, #tpu.memory_space<hbm>> -> memref<1x200x128xf32, #tpu.memory_space<hbm>>
        %dma_wait3A_34 = tpu.memref_squeeze %dma_wait3A_33 : memref<1x200x128xf32, #tpu.memory_space<hbm>> -> memref<200x128xf32, #tpu.memory_space<hbm>>
        %dma_wait3A_35 = arith.constant 0 : i32
        %dma_wait3A_36 = tpu.memref_slice %arg4[%arg0, %add3A_27, %dma_wait3A_35] : memref<2x16000x128xf32, #tpu.memory_space<hbm>> -> memref<1x200x128xf32, #tpu.memory_space<hbm>>
        %dma_wait3A_37 = tpu.memref_squeeze %dma_wait3A_36 : memref<1x200x128xf32, #tpu.memory_space<hbm>> -> memref<200x128xf32, #tpu.memory_space<hbm>>
        tpu.wait_dma2 semaphore(%run_scoped3A : memref<!tpu.dma_semaphore, #tpu.memory_space<semaphore_mem>>) src(%arg7 : memref<200x128xf32, #tpu.memory_space<vmem>>) dst(%dma_wait3A_37 : memref<200x128xf32, #tpu.memory_space<hbm>>)
        tpu.yield
      }) : () -> ()
    }
    %scan3A_10 = arith.constant 5 : i32
    %mul3A_11 = arith.constant 320 : i32
    %mul3A_12 = arith.muli %add3A, %mul3A_11 : i32
    "tpu.region"() ({
      %run_scoped3A = tpu.sem_alloc : memref<!tpu.dma_semaphore, #tpu.memory_space<semaphore_mem>>
      %dma_start3A = arith.constant 0 : i32
      %dma_start3A_18 = tpu.memref_slice %arg2[%mul3A_12, %dma_start3A] : memref<10240x128xf32, #tpu.memory_space<hbm>> -> memref<320x128xf32, #tpu.memory_space<hbm>>
      %dma_start3A_19 = arith.constant 0 : i32
      %dma_start3A_20 = tpu.memref_slice %arg2[%mul3A_12, %dma_start3A_19] : memref<10240x128xf32, #tpu.memory_space<hbm>> -> memref<320x128xf32, #tpu.memory_space<hbm>>
      tpu.enqueue_dma source(%dma_start3A_20 : memref<320x128xf32, #tpu.memory_space<hbm>>) target(%arg6 : memref<320x128xf32, #tpu.memory_space<vmem>>) target_semaphore(%run_scoped3A : memref<!tpu.dma_semaphore, #tpu.memory_space<semaphore_mem>>)
      %dma_wait3A = arith.constant 0 : i32
      %dma_wait3A_21 = tpu.memref_slice %arg2[%mul3A_12, %dma_wait3A] : memref<10240x128xf32, #tpu.memory_space<hbm>> -> memref<320x128xf32, #tpu.memory_space<hbm>>
      %dma_wait3A_22 = arith.constant 0 : i32
      %dma_wait3A_23 = tpu.memref_slice %arg2[%mul3A_12, %dma_wait3A_22] : memref<10240x128xf32, #tpu.memory_space<hbm>> -> memref<320x128xf32, #tpu.memory_space<hbm>>
      tpu.wait_dma2 semaphore(%run_scoped3A : memref<!tpu.dma_semaphore, #tpu.memory_space<semaphore_mem>>) src(%dma_wait3A_23 : memref<320x128xf32, #tpu.memory_space<hbm>>) dst(%arg6 : memref<320x128xf32, #tpu.memory_space<vmem>>)
      tpu.yield
    }) : () -> ()
    "tpu.region"() ({
      %run_scoped3A = tpu.sem_alloc : memref<!tpu.dma_semaphore, #tpu.memory_space<semaphore_mem>>
      %dma_start3A = arith.constant 0 : i32
      %dma_start3A_18 = arith.constant 0 : i32
      %dma_start3A_19 = tpu.memref_slice %arg3[%add3A, %dma_start3A, %dma_start3A_18] : memref<32x4x80xi32, #tpu.memory_space<hbm>> -> memref<1x4x80xi32, #tpu.memory_space<hbm>>
      %dma_start3A_20 = tpu.memref_squeeze %dma_start3A_19 : memref<1x4x80xi32, #tpu.memory_space<hbm>> -> memref<4x80xi32, #tpu.memory_space<hbm>>
      %dma_start3A_21 = arith.constant 0 : i32
      %dma_start3A_22 = arith.constant 0 : i32
      %dma_start3A_23 = tpu.memref_slice %arg3[%add3A, %dma_start3A_21, %dma_start3A_22] : memref<32x4x80xi32, #tpu.memory_space<hbm>> -> memref<1x4x80xi32, #tpu.memory_space<hbm>>
      %dma_start3A_24 = tpu.memref_squeeze %dma_start3A_23 : memref<1x4x80xi32, #tpu.memory_space<hbm>> -> memref<4x80xi32, #tpu.memory_space<hbm>>
      tpu.enqueue_dma source(%dma_start3A_24 : memref<4x80xi32, #tpu.memory_space<hbm>>) target(%arg5 : memref<4x80xi32, #tpu.memory_space<vmem>>) target_semaphore(%run_scoped3A : memref<!tpu.dma_semaphore, #tpu.memory_space<semaphore_mem>>)
      %dma_wait3A = arith.constant 0 : i32
      %dma_wait3A_25 = arith.constant 0 : i32
      %dma_wait3A_26 = tpu.memref_slice %arg3[%add3A, %dma_wait3A, %dma_wait3A_25] : memref<32x4x80xi32, #tpu.memory_space<hbm>> -> memref<1x4x80xi32, #tpu.memory_space<hbm>>
      %dma_wait3A_27 = tpu.memref_squeeze %dma_wait3A_26 : memref<1x4x80xi32, #tpu.memory_space<hbm>> -> memref<4x80xi32, #tpu.memory_space<hbm>>
      %dma_wait3A_28 = arith.constant 0 : i32
      %dma_wait3A_29 = arith.constant 0 : i32
      %dma_wait3A_30 = tpu.memref_slice %arg3[%add3A, %dma_wait3A_28, %dma_wait3A_29] : memref<32x4x80xi32, #tpu.memory_space<hbm>> -> memref<1x4x80xi32, #tpu.memory_space<hbm>>
      %dma_wait3A_31 = tpu.memref_squeeze %dma_wait3A_30 : memref<1x4x80xi32, #tpu.memory_space<hbm>> -> memref<4x80xi32, #tpu.memory_space<hbm>>
      tpu.wait_dma2 semaphore(%run_scoped3A : memref<!tpu.dma_semaphore, #tpu.memory_space<semaphore_mem>>) src(%dma_wait3A_31 : memref<4x80xi32, #tpu.memory_space<hbm>>) dst(%arg5 : memref<4x80xi32, #tpu.memory_space<vmem>>)
      tpu.yield
    }) : () -> ()
    %barrier3A = arith.constant 0 : index
    tpu.barrier barrier_id(%barrier3A)
    %scan3A_13 = arith.constant 0 : i32
    %scan3A_14 = arith.constant 4 : i32
    %scan3A_15 = arith.addi %scan3A_13, %scan3A_14 : i32
    %scan3A_16 = arith.constant 1 : i32
    scf.for %scan3A_18 = %scan3A_13 to %scan3A_15 step %scan3A_16  : i32 {
      %mul3A_19 = arith.constant 1 : i32
      %mul3A_20 = arith.muli %scan3A_18, %mul3A_19 : i32
      %add3A_21 = arith.constant 0 : i32
      %add3A_22 = arith.addi %add3A_21, %mul3A_20 : i32
      %mul3A_23 = arith.constant 80 : i32
      %mul3A_24 = arith.muli %add3A_22, %mul3A_23 : i32
      "tpu.region"() ({
        %run_scoped3A = tpu.sem_alloc : memref<!tpu.dma_semaphore, #tpu.memory_space<semaphore_mem>>
        %dma_start3A = arith.constant 0 : i32
        %dma_start3A_25 = tpu.memref_slice %arg6[%mul3A_24, %dma_start3A] : memref<320x128xf32, #tpu.memory_space<vmem>> -> memref<80x128xf32, #tpu.memory_space<vmem>>
        %dma_start3A_26 = arith.constant 0 : i32
        %dma_start3A_27 = tpu.memref_slice %arg5[%add3A_22, %dma_start3A_26] : memref<4x80xi32, #tpu.memory_space<vmem>> -> memref<1x80xi32, #tpu.memory_space<vmem>>
        %dma_start3A_28 = tpu.memref_squeeze %dma_start3A_27 : memref<1x80xi32, #tpu.memory_space<vmem>> -> memref<80xi32, #tpu.memory_space<vmem>>
        %dma_start3A_29 = arith.constant 0 : i32
        %dma_start3A_30 = arith.constant 0 : i32
        %dma_start3A_31 = tpu.memref_slice %arg4[%arg0, %dma_start3A_29, %dma_start3A_30] : memref<2x16000x128xf32, #tpu.memory_space<hbm>> -> memref<1x16000x128xf32, #tpu.memory_space<hbm>>
        %dma_start3A_32 = tpu.memref_squeeze %dma_start3A_31 : memref<1x16000x128xf32, #tpu.memory_space<hbm>> -> memref<16000x128xf32, #tpu.memory_space<hbm>>
        %dma_start3A_33 = arith.constant 0 : i32
        %dma_start3A_34 = arith.constant 0 : i32
        %dma_start3A_35 = tpu.memref_slice %dma_start3A_32[%dma_start3A_33, %dma_start3A_34] : memref<16000x128xf32, #tpu.memory_space<hbm>> -> memref<16000x128xf32, #tpu.memory_space<hbm>>
        tpu.enqueue_indirect_dma source(%dma_start3A_25 : memref<80x128xf32, #tpu.memory_space<vmem>>) target(%dma_start3A_35 : memref<16000x128xf32, #tpu.memory_space<hbm>>) offsets(%dma_start3A_28 : memref<80xi32, #tpu.memory_space<vmem>>) semaphore(%run_scoped3A : memref<!tpu.dma_semaphore, #tpu.memory_space<semaphore_mem>>)
        %dma_wait3A = arith.constant 0 : i32
        %dma_wait3A_36 = tpu.memref_slice %arg6[%mul3A_24, %dma_wait3A] : memref<320x128xf32, #tpu.memory_space<vmem>> -> memref<80x128xf32, #tpu.memory_space<vmem>>
        %dma_wait3A_37 = arith.constant 0 : i32
        %dma_wait3A_38 = tpu.memref_slice %arg5[%add3A_22, %dma_wait3A_37] : memref<4x80xi32, #tpu.memory_space<vmem>> -> memref<1x80xi32, #tpu.memory_space<vmem>>
        %dma_wait3A_39 = tpu.memref_squeeze %dma_wait3A_38 : memref<1x80xi32, #tpu.memory_space<vmem>> -> memref<80xi32, #tpu.memory_space<vmem>>
        %dma_wait3A_40 = arith.constant 0 : i32
        %dma_wait3A_41 = arith.constant 0 : i32
        %dma_wait3A_42 = tpu.memref_slice %arg4[%arg0, %dma_wait3A_40, %dma_wait3A_41] : memref<2x16000x128xf32, #tpu.memory_space<hbm>> -> memref<1x16000x128xf32, #tpu.memory_space<hbm>>
        %dma_wait3A_43 = tpu.memref_squeeze %dma_wait3A_42 : memref<1x16000x128xf32, #tpu.memory_space<hbm>> -> memref<16000x128xf32, #tpu.memory_space<hbm>>
        %dma_wait3A_44 = arith.constant 0 : i32
        %dma_wait3A_45 = arith.constant 0 : i32
        %dma_wait3A_46 = tpu.memref_slice %dma_wait3A_43[%dma_wait3A_44, %dma_wait3A_45] : memref<16000x128xf32, #tpu.memory_space<hbm>> -> memref<16000x128xf32, #tpu.memory_space<hbm>>
        tpu.wait_indirect_dma semaphore(%run_scoped3A : memref<!tpu.dma_semaphore, #tpu.memory_space<semaphore_mem>>) src(%dma_wait3A_36 : memref<80x128xf32, #tpu.memory_space<vmem>>) dst(%dma_wait3A_46 : memref<16000x128xf32, #tpu.memory_space<hbm>>)
        tpu.yield
      }) : () -> ()
    }
    %scan3A_17 = arith.constant 4 : i32
    return
  }
}

module attributes {stable_mosaic.version = 14 : i64} {
  func.func @body(%arg0: i32, %arg1: memref<2x5000x16xf32, #tpu.memory_space<vmem>>, %arg2: memref<5000x128xf32, #tpu.memory_space<vmem>>, %arg3: memref<128x32xf32, #tpu.memory_space<vmem>>, %arg4: memref<5000x32xf32, #tpu.memory_space<vmem>>, %arg5: memref<5000x32xf32, #tpu.memory_space<vmem>>, %arg6: memref<5000x1xf32, #tpu.memory_space<vmem>>) attributes {dimension_semantics = [#tpu.dimension_semantics<arbitrary>], iteration_bounds = array<i64: 2>, scalar_prefetch = 0 : i64, scratch_operands = 0 : i64, tpu.core_type = #tpu.core_type<tc>, window_params = [{transform_indices = @transform_0, window_bounds = array<i64: 2, 5000, 16>}, {transform_indices = @transform_1, window_bounds = array<i64: 5000, 128>}, {pipeline_mode = #tpu.pipeline_mode<synchronous>, transform_indices = @transform_2, window_bounds = array<i64: 128, 32>}, {transform_indices = @transform_3, window_bounds = array<i64: 5000, 32>}, {transform_indices = @transform_4, window_bounds = array<i64: 5000, 32>}, {transform_indices = @transform_5, window_bounds = array<i64: 5000, 1>}]} {
    %get3A = arith.constant 0 : index
    %get3A_0 = arith.constant 0 : index
    %get3A_1 = arith.constant 0 : index
    %get3A_2 = vector.load %arg1[%get3A, %get3A_0, %get3A_1] : memref<2x5000x16xf32, #tpu.memory_space<vmem>>, vector<1x5000x1xf32>
    %get3A_3 = vector.shape_cast %get3A_2 : vector<1x5000x1xf32> to vector<5000x1xf32>
    %get3A_4 = arith.constant 1 : index
    %get3A_5 = arith.constant 0 : index
    %get3A_6 = arith.constant 0 : index
    %get3A_7 = vector.load %arg1[%get3A_4, %get3A_5, %get3A_6] : memref<2x5000x16xf32, #tpu.memory_space<vmem>>, vector<1x5000x1xf32>
    %get3A_8 = vector.shape_cast %get3A_7 : vector<1x5000x1xf32> to vector<5000x1xf32>
    %add3A = arith.addf %get3A_3, %get3A_8 : vector<5000x1xf32>
    %add3A_9 = arith.constant 1.000000e+00 : f32
    %add3A_10 = vector.broadcast %add3A_9 : f32 to vector<5000x1xf32>
    %add3A_11 = arith.addf %add3A, %add3A_10 : vector<5000x1xf32>
    %rsqrt3A = math.rsqrt %add3A_11 : vector<5000x1xf32>
    %get3A_12 = arith.constant 0 : index
    %get3A_13 = arith.constant 0 : index
    %get3A_14 = vector.load %arg2[%get3A_12, %get3A_13] : memref<5000x128xf32, #tpu.memory_space<vmem>>, vector<5000x128xf32>
    %get3A_15 = arith.constant 0 : index
    %get3A_16 = arith.constant 0 : index
    %get3A_17 = vector.load %arg3[%get3A_15, %get3A_16] : memref<128x32xf32, #tpu.memory_space<vmem>>, vector<128x32xf32>
    %dot_general3A = arith.constant dense<0.000000e+00> : vector<5000x32xf32>
    %dot_general3A_18 = tpu.matmul %get3A_14, %get3A_17, %dot_general3A {dimension_numbers = #tpu.dot_dimension_numbers<[1], [0], [0], [1], [0, 0, 1, 1], [], []>, transpose_lhs_hint = false} : vector<5000x128xf32>, vector<128x32xf32>, vector<5000x32xf32> -> vector<5000x32xf32>
    %swap3A = arith.constant 0 : index
    %swap3A_19 = arith.constant 0 : index
    %swap3A_20 = vector.load %arg4[%swap3A, %swap3A_19] : memref<5000x32xf32, #tpu.memory_space<vmem>>, vector<5000x32xf32>
    tpu.vector_store %arg4[%swap3A, %swap3A_19], %dot_general3A_18 {strides = array<i32>} : memref<5000x32xf32, #tpu.memory_space<vmem>>, vector<5000x32xf32>,
    %mul3A = vector.broadcast %rsqrt3A : vector<5000x1xf32> to vector<5000x32xf32>
    %mul3A_21 = arith.mulf %dot_general3A_18, %mul3A : vector<5000x32xf32>
    %swap3A_22 = arith.constant 0 : index
    %swap3A_23 = arith.constant 0 : index
    %swap3A_24 = vector.load %arg5[%swap3A_22, %swap3A_23] : memref<5000x32xf32, #tpu.memory_space<vmem>>, vector<5000x32xf32>
    tpu.vector_store %arg5[%swap3A_22, %swap3A_23], %mul3A_21 {strides = array<i32>} : memref<5000x32xf32, #tpu.memory_space<vmem>>, vector<5000x32xf32>,
    %swap3A_25 = arith.constant 0 : index
    %swap3A_26 = arith.constant 0 : index
    %swap3A_27 = vector.load %arg6[%swap3A_25, %swap3A_26] : memref<5000x1xf32, #tpu.memory_space<vmem>>, vector<5000x1xf32>
    tpu.vector_store %arg6[%swap3A_25, %swap3A_26], %rsqrt3A {strides = array<i32>} : memref<5000x1xf32, #tpu.memory_space<vmem>>, vector<5000x1xf32>,
    return
  }
  func.func @transform_0(%arg0: i32) -> (i32, i32, i32) {
    %c0_i32 = arith.constant 0 : i32
    %c0_i32_0 = arith.constant 0 : i32
    %c0_i32_1 = arith.constant 0 : i32
    return %c0_i32, %arg0, %c0_i32_0 : i32, i32, i32
  }
  func.func @transform_1(%arg0: i32) -> (i32, i32) {
    %c0_i32 = arith.constant 0 : i32
    %c0_i32_0 = arith.constant 0 : i32
    return %arg0, %c0_i32 : i32, i32
  }
  func.func @transform_2(%arg0: i32) -> (i32, i32) {
    %c0_i32 = arith.constant 0 : i32
    %c0_i32_0 = arith.constant 0 : i32
    %c0_i32_1 = arith.constant 0 : i32
    return %c0_i32, %c0_i32_0 : i32, i32
  }
  func.func @transform_3(%arg0: i32) -> (i32, i32) {
    %c0_i32 = arith.constant 0 : i32
    %c0_i32_0 = arith.constant 0 : i32
    return %arg0, %c0_i32 : i32, i32
  }
  func.func @transform_4(%arg0: i32) -> (i32, i32) {
    %c0_i32 = arith.constant 0 : i32
    %c0_i32_0 = arith.constant 0 : i32
    return %arg0, %c0_i32 : i32, i32
  }
  func.func @transform_5(%arg0: i32) -> (i32, i32) {
    %c0_i32 = arith.constant 0 : i32
    %c0_i32_0 = arith.constant 0 : i32
    return %arg0, %c0_i32 : i32, i32
  }
}

module attributes {stable_mosaic.version = 14 : i64} {
  func.func @body(%arg0: i32, %arg1: memref<2x5000x32xf32, #tpu.memory_space<vmem>>, %arg2: memref<5000x32xf32, #tpu.memory_space<vmem>>, %arg3: memref<5000x1xf32, #tpu.memory_space<vmem>>, %arg4: memref<1x32xf32, #tpu.memory_space<vmem>>, %arg5: memref<32x32xf32, #tpu.memory_space<vmem>>, %arg6: memref<5000x32xf32, #tpu.memory_space<vmem>>, %arg7: memref<5000x32xf32, #tpu.memory_space<vmem>>, %arg8: memref<5000x32xf32, #tpu.memory_space<vmem>>) attributes {dimension_semantics = [#tpu.dimension_semantics<arbitrary>], iteration_bounds = array<i64: 2>, scalar_prefetch = 0 : i64, scratch_operands = 0 : i64, tpu.core_type = #tpu.core_type<tc>, window_params = [{transform_indices = @transform_0, window_bounds = array<i64: 2, 5000, 32>}, {transform_indices = @transform_1, window_bounds = array<i64: 5000, 32>}, {transform_indices = @transform_2, window_bounds = array<i64: 5000, 1>}, {pipeline_mode = #tpu.pipeline_mode<synchronous>, transform_indices = @transform_3, window_bounds = array<i64: 1, 32>}, {pipeline_mode = #tpu.pipeline_mode<synchronous>, transform_indices = @transform_4, window_bounds = array<i64: 32, 32>}, {transform_indices = @transform_5, window_bounds = array<i64: 5000, 32>}, {transform_indices = @transform_6, window_bounds = array<i64: 5000, 32>}, {transform_indices = @transform_7, window_bounds = array<i64: 5000, 32>}]} {
    %get3A = arith.constant 0 : index
    %get3A_0 = arith.constant 0 : index
    %get3A_1 = vector.load %arg3[%get3A, %get3A_0] : memref<5000x1xf32, #tpu.memory_space<vmem>>, vector<5000x1xf32>
    %get3A_2 = arith.constant 0 : index
    %get3A_3 = arith.constant 0 : index
    %get3A_4 = vector.load %arg2[%get3A_2, %get3A_3] : memref<5000x32xf32, #tpu.memory_space<vmem>>, vector<5000x32xf32>
    %get3A_5 = arith.constant 0 : index
    %get3A_6 = arith.constant 0 : index
    %get3A_7 = arith.constant 0 : index
    %get3A_8 = vector.load %arg1[%get3A_5, %get3A_6, %get3A_7] : memref<2x5000x32xf32, #tpu.memory_space<vmem>>, vector<1x5000x32xf32>
    %get3A_9 = vector.shape_cast %get3A_8 : vector<1x5000x32xf32> to vector<5000x32xf32>
    %get3A_10 = arith.constant 1 : index
    %get3A_11 = arith.constant 0 : index
    %get3A_12 = arith.constant 0 : index
    %get3A_13 = vector.load %arg1[%get3A_10, %get3A_11, %get3A_12] : memref<2x5000x32xf32, #tpu.memory_space<vmem>>, vector<1x5000x32xf32>
    %get3A_14 = vector.shape_cast %get3A_13 : vector<1x5000x32xf32> to vector<5000x32xf32>
    %add3A = arith.addf %get3A_9, %get3A_14 : vector<5000x32xf32>
    %mul3A = vector.broadcast %get3A_1 : vector<5000x1xf32> to vector<5000x32xf32>
    %mul3A_15 = arith.mulf %mul3A, %add3A : vector<5000x32xf32>
    %mul3A_16 = arith.mulf %get3A_1, %get3A_1 : vector<5000x1xf32>
    %mul3A_17 = vector.broadcast %mul3A_16 : vector<5000x1xf32> to vector<5000x32xf32>
    %mul3A_18 = arith.mulf %mul3A_17, %get3A_4 : vector<5000x32xf32>
    %add3A_19 = arith.addf %mul3A_15, %mul3A_18 : vector<5000x32xf32>
    %get3A_20 = arith.constant 0 : index
    %get3A_21 = arith.constant 0 : index
    %get3A_22 = vector.load %arg4[%get3A_20, %get3A_21] : memref<1x32xf32, #tpu.memory_space<vmem>>, vector<1x32xf32>
    %add3A_23 = vector.broadcast %get3A_22 : vector<1x32xf32> to vector<5000x32xf32>
    %add3A_24 = arith.addf %add3A_19, %add3A_23 : vector<5000x32xf32>
    %tanh3A = math.tanh %add3A_24 : vector<5000x32xf32>
    %swap3A = arith.constant 0 : index
    %swap3A_25 = arith.constant 0 : index
    %swap3A_26 = vector.load %arg6[%swap3A, %swap3A_25] : memref<5000x32xf32, #tpu.memory_space<vmem>>, vector<5000x32xf32>
    tpu.vector_store %arg6[%swap3A, %swap3A_25], %tanh3A {strides = array<i32>} : memref<5000x32xf32, #tpu.memory_space<vmem>>, vector<5000x32xf32>,
    %get3A_27 = arith.constant 0 : index
    %get3A_28 = arith.constant 0 : index
    %get3A_29 = vector.load %arg5[%get3A_27, %get3A_28] : memref<32x32xf32, #tpu.memory_space<vmem>>, vector<32x32xf32>
    %dot_general3A = arith.constant dense<0.000000e+00> : vector<5000x32xf32>
    %dot_general3A_30 = tpu.matmul %tanh3A, %get3A_29, %dot_general3A {dimension_numbers = #tpu.dot_dimension_numbers<[1], [0], [0], [1], [0, 0, 1, 1], [], []>, transpose_lhs_hint = false} : vector<5000x32xf32>, vector<32x32xf32>, vector<5000x32xf32> -> vector<5000x32xf32>
    %swap3A_31 = arith.constant 0 : index
    %swap3A_32 = arith.constant 0 : index
    %swap3A_33 = vector.load %arg7[%swap3A_31, %swap3A_32] : memref<5000x32xf32, #tpu.memory_space<vmem>>, vector<5000x32xf32>
    tpu.vector_store %arg7[%swap3A_31, %swap3A_32], %dot_general3A_30 {strides = array<i32>} : memref<5000x32xf32, #tpu.memory_space<vmem>>, vector<5000x32xf32>,
    %mul3A_34 = vector.broadcast %get3A_1 : vector<5000x1xf32> to vector<5000x32xf32>
    %mul3A_35 = arith.mulf %dot_general3A_30, %mul3A_34 : vector<5000x32xf32>
    %swap3A_36 = arith.constant 0 : index
    %swap3A_37 = arith.constant 0 : index
    %swap3A_38 = vector.load %arg8[%swap3A_36, %swap3A_37] : memref<5000x32xf32, #tpu.memory_space<vmem>>, vector<5000x32xf32>
    tpu.vector_store %arg8[%swap3A_36, %swap3A_37], %mul3A_35 {strides = array<i32>} : memref<5000x32xf32, #tpu.memory_space<vmem>>, vector<5000x32xf32>,
    return
  }
  func.func @transform_0(%arg0: i32) -> (i32, i32, i32) {
    %c0_i32 = arith.constant 0 : i32
    %c0_i32_0 = arith.constant 0 : i32
    %c0_i32_1 = arith.constant 0 : i32
    return %c0_i32, %arg0, %c0_i32_0 : i32, i32, i32
  }
  func.func @transform_1(%arg0: i32) -> (i32, i32) {
    %c0_i32 = arith.constant 0 : i32
    %c0_i32_0 = arith.constant 0 : i32
    return %arg0, %c0_i32 : i32, i32
  }
  func.func @transform_2(%arg0: i32) -> (i32, i32) {
    %c0_i32 = arith.constant 0 : i32
    %c0_i32_0 = arith.constant 0 : i32
    return %arg0, %c0_i32 : i32, i32
  }
  func.func @transform_3(%arg0: i32) -> (i32, i32) {
    %c0_i32 = arith.constant 0 : i32
    %c0_i32_0 = arith.constant 0 : i32
    %c0_i32_1 = arith.constant 0 : i32
    return %c0_i32, %c0_i32_0 : i32, i32
  }
  func.func @transform_4(%arg0: i32) -> (i32, i32) {
    %c0_i32 = arith.constant 0 : i32
    %c0_i32_0 = arith.constant 0 : i32
    %c0_i32_1 = arith.constant 0 : i32
    return %c0_i32, %c0_i32_0 : i32, i32
  }
  func.func @transform_5(%arg0: i32) -> (i32, i32) {
    %c0_i32 = arith.constant 0 : i32
    %c0_i32_0 = arith.constant 0 : i32
    return %arg0, %c0_i32 : i32, i32
  }
  func.func @transform_6(%arg0: i32) -> (i32, i32) {
    %c0_i32 = arith.constant 0 : i32
    %c0_i32_0 = arith.constant 0 : i32
    return %arg0, %c0_i32 : i32, i32
  }
  func.func @transform_7(%arg0: i32) -> (i32, i32) {
    %c0_i32 = arith.constant 0 : i32
    %c0_i32_0 = arith.constant 0 : i32
    return %arg0, %c0_i32 : i32, i32
  }
}

module attributes {stable_mosaic.version = 14 : i64} {
  func.func @body(%arg0: i32, %arg1: memref<2x5000x32xf32, #tpu.memory_space<vmem>>, %arg2: memref<5000x32xf32, #tpu.memory_space<vmem>>, %arg3: memref<5000x1xf32, #tpu.memory_space<vmem>>, %arg4: memref<1x32xf32, #tpu.memory_space<vmem>>, %arg5: memref<32x1xf32, #tpu.memory_space<vmem>>, %arg6: memref<5000x32xf32, #tpu.memory_space<vmem>>, %arg7: memref<5000x1xf32, #tpu.memory_space<vmem>>, %arg8: memref<5000x16xf32, #tpu.memory_space<vmem>>) attributes {dimension_semantics = [#tpu.dimension_semantics<arbitrary>], iteration_bounds = array<i64: 2>, scalar_prefetch = 0 : i64, scratch_operands = 0 : i64, tpu.core_type = #tpu.core_type<tc>, window_params = [{transform_indices = @transform_0, window_bounds = array<i64: 2, 5000, 32>}, {transform_indices = @transform_1, window_bounds = array<i64: 5000, 32>}, {transform_indices = @transform_2, window_bounds = array<i64: 5000, 1>}, {pipeline_mode = #tpu.pipeline_mode<synchronous>, transform_indices = @transform_3, window_bounds = array<i64: 1, 32>}, {pipeline_mode = #tpu.pipeline_mode<synchronous>, transform_indices = @transform_4, window_bounds = array<i64: 32, 1>}, {transform_indices = @transform_5, window_bounds = array<i64: 5000, 32>}, {transform_indices = @transform_6, window_bounds = array<i64: 5000, 1>}, {transform_indices = @transform_7, window_bounds = array<i64: 5000, 16>}]} {
    %get3A = arith.constant 0 : index
    %get3A_0 = arith.constant 0 : index
    %get3A_1 = vector.load %arg3[%get3A, %get3A_0] : memref<5000x1xf32, #tpu.memory_space<vmem>>, vector<5000x1xf32>
    %get3A_2 = arith.constant 0 : index
    %get3A_3 = arith.constant 0 : index
    %get3A_4 = vector.load %arg2[%get3A_2, %get3A_3] : memref<5000x32xf32, #tpu.memory_space<vmem>>, vector<5000x32xf32>
    %get3A_5 = arith.constant 0 : index
    %get3A_6 = arith.constant 0 : index
    %get3A_7 = arith.constant 0 : index
    %get3A_8 = vector.load %arg1[%get3A_5, %get3A_6, %get3A_7] : memref<2x5000x32xf32, #tpu.memory_space<vmem>>, vector<1x5000x32xf32>
    %get3A_9 = vector.shape_cast %get3A_8 : vector<1x5000x32xf32> to vector<5000x32xf32>
    %get3A_10 = arith.constant 1 : index
    %get3A_11 = arith.constant 0 : index
    %get3A_12 = arith.constant 0 : index
    %get3A_13 = vector.load %arg1[%get3A_10, %get3A_11, %get3A_12] : memref<2x5000x32xf32, #tpu.memory_space<vmem>>, vector<1x5000x32xf32>
    %get3A_14 = vector.shape_cast %get3A_13 : vector<1x5000x32xf32> to vector<5000x32xf32>
    %add3A = arith.addf %get3A_9, %get3A_14 : vector<5000x32xf32>
    %mul3A = vector.broadcast %get3A_1 : vector<5000x1xf32> to vector<5000x32xf32>
    %mul3A_15 = arith.mulf %mul3A, %add3A : vector<5000x32xf32>
    %mul3A_16 = arith.mulf %get3A_1, %get3A_1 : vector<5000x1xf32>
    %mul3A_17 = vector.broadcast %mul3A_16 : vector<5000x1xf32> to vector<5000x32xf32>
    %mul3A_18 = arith.mulf %mul3A_17, %get3A_4 : vector<5000x32xf32>
    %add3A_19 = arith.addf %mul3A_15, %mul3A_18 : vector<5000x32xf32>
    %get3A_20 = arith.constant 0 : index
    %get3A_21 = arith.constant 0 : index
    %get3A_22 = vector.load %arg4[%get3A_20, %get3A_21] : memref<1x32xf32, #tpu.memory_space<vmem>>, vector<1x32xf32>
    %add3A_23 = vector.broadcast %get3A_22 : vector<1x32xf32> to vector<5000x32xf32>
    %add3A_24 = arith.addf %add3A_19, %add3A_23 : vector<5000x32xf32>
    %tanh3A = math.tanh %add3A_24 : vector<5000x32xf32>
    %swap3A = arith.constant 0 : index
    %swap3A_25 = arith.constant 0 : index
    %swap3A_26 = vector.load %arg6[%swap3A, %swap3A_25] : memref<5000x32xf32, #tpu.memory_space<vmem>>, vector<5000x32xf32>
    tpu.vector_store %arg6[%swap3A, %swap3A_25], %tanh3A {strides = array<i32>} : memref<5000x32xf32, #tpu.memory_space<vmem>>, vector<5000x32xf32>,
    %get3A_27 = arith.constant 0 : index
    %get3A_28 = arith.constant 0 : index
    %get3A_29 = vector.load %arg5[%get3A_27, %get3A_28] : memref<32x1xf32, #tpu.memory_space<vmem>>, vector<32x1xf32>
    %dot_general3A = arith.constant dense<0.000000e+00> : vector<5000x1xf32>
    %dot_general3A_30 = tpu.matmul %tanh3A, %get3A_29, %dot_general3A {dimension_numbers = #tpu.dot_dimension_numbers<[1], [0], [0], [1], [0, 0, 1, 1], [], []>, transpose_lhs_hint = false} : vector<5000x32xf32>, vector<32x1xf32>, vector<5000x1xf32> -> vector<5000x1xf32>
    %swap3A_31 = arith.constant 0 : index
    %swap3A_32 = arith.constant 0 : index
    %swap3A_33 = vector.load %arg7[%swap3A_31, %swap3A_32] : memref<5000x1xf32, #tpu.memory_space<vmem>>, vector<5000x1xf32>
    tpu.vector_store %arg7[%swap3A_31, %swap3A_32], %dot_general3A_30 {strides = array<i32>} : memref<5000x1xf32, #tpu.memory_space<vmem>>, vector<5000x1xf32>,
    %mul3A_34 = arith.mulf %dot_general3A_30, %get3A_1 : vector<5000x1xf32>
    %swap3A_35 = arith.constant 0 : index
    %swap3A_36 = arith.constant 0 : index
    %swap3A_37 = vector.load %arg8[%swap3A_35, %swap3A_36] : memref<5000x16xf32, #tpu.memory_space<vmem>>, vector<5000x1xf32>
    tpu.vector_store %arg8[%swap3A_35, %swap3A_36], %mul3A_34 {strides = array<i32>} : memref<5000x16xf32, #tpu.memory_space<vmem>>, vector<5000x1xf32>,
    %broadcast_in_dim3A = arith.constant 0.000000e+00 : f32
    %broadcast_in_dim3A_38 = vector.broadcast %broadcast_in_dim3A : f32 to vector<5000x15xf32>
    %swap3A_39 = arith.constant 0 : index
    %swap3A_40 = arith.constant 1 : index
    %swap3A_41 = vector.load %arg8[%swap3A_39, %swap3A_40] : memref<5000x16xf32, #tpu.memory_space<vmem>>, vector<5000x15xf32>
    tpu.vector_store %arg8[%swap3A_39, %swap3A_40], %broadcast_in_dim3A_38 {strides = array<i32>} : memref<5000x16xf32, #tpu.memory_space<vmem>>, vector<5000x15xf32>,
    return
  }
  func.func @transform_0(%arg0: i32) -> (i32, i32, i32) {
    %c0_i32 = arith.constant 0 : i32
    %c0_i32_0 = arith.constant 0 : i32
    %c0_i32_1 = arith.constant 0 : i32
    return %c0_i32, %arg0, %c0_i32_0 : i32, i32, i32
  }
  func.func @transform_1(%arg0: i32) -> (i32, i32) {
    %c0_i32 = arith.constant 0 : i32
    %c0_i32_0 = arith.constant 0 : i32
    return %arg0, %c0_i32 : i32, i32
  }
  func.func @transform_2(%arg0: i32) -> (i32, i32) {
    %c0_i32 = arith.constant 0 : i32
    %c0_i32_0 = arith.constant 0 : i32
    return %arg0, %c0_i32 : i32, i32
  }
  func.func @transform_3(%arg0: i32) -> (i32, i32) {
    %c0_i32 = arith.constant 0 : i32
    %c0_i32_0 = arith.constant 0 : i32
    %c0_i32_1 = arith.constant 0 : i32
    return %c0_i32, %c0_i32_0 : i32, i32
  }
  func.func @transform_4(%arg0: i32) -> (i32, i32) {
    %c0_i32 = arith.constant 0 : i32
    %c0_i32_0 = arith.constant 0 : i32
    %c0_i32_1 = arith.constant 0 : i32
    return %c0_i32, %c0_i32_0 : i32, i32
  }
  func.func @transform_5(%arg0: i32) -> (i32, i32) {
    %c0_i32 = arith.constant 0 : i32
    %c0_i32_0 = arith.constant 0 : i32
    return %arg0, %c0_i32 : i32, i32
  }
  func.func @transform_6(%arg0: i32) -> (i32, i32) {
    %c0_i32 = arith.constant 0 : i32
    %c0_i32_0 = arith.constant 0 : i32
    return %arg0, %c0_i32 : i32, i32
  }
  func.func @transform_7(%arg0: i32) -> (i32, i32) {
    %c0_i32 = arith.constant 0 : i32
    %c0_i32_0 = arith.constant 0 : i32
    return %arg0, %c0_i32 : i32, i32
  }
}

module attributes {stable_mosaic.version = 14 : i64} {
  func.func @body(%arg0: i32, %arg1: memref<1x10240xi32, #tpu.memory_space<vmem>>, %arg2: memref<40x1xi32, #tpu.memory_space<vmem>>, %arg3: memref<40x1xi32, #tpu.memory_space<vmem>>, %arg4: memref<40x1xi32, #tpu.memory_space<vmem>>, %arg5: memref<40x1xi32, #tpu.memory_space<vmem>>) attributes {dimension_semantics = [#tpu.dimension_semantics<arbitrary>], iteration_bounds = array<i64: 1>, scalar_prefetch = 0 : i64, scratch_operands = 0 : i64, tpu.core_type = #tpu.core_type<tc>, window_params = [{pipeline_mode = #tpu.pipeline_mode<synchronous>, transform_indices = @transform_0, window_bounds = array<i64: 1, 10240>}, {pipeline_mode = #tpu.pipeline_mode<synchronous>, transform_indices = @transform_1, window_bounds = array<i64: 40, 1>}, {pipeline_mode = #tpu.pipeline_mode<synchronous>, transform_indices = @transform_2, window_bounds = array<i64: 40, 1>}, {pipeline_mode = #tpu.pipeline_mode<synchronous>, transform_indices = @transform_3, window_bounds = array<i64: 40, 1>}, {pipeline_mode = #tpu.pipeline_mode<synchronous>, transform_indices = @transform_4, window_bounds = array<i64: 40, 1>}]} {
    %get3A = arith.constant 0 : index
    %get3A_0 = arith.constant 0 : index
    %get3A_1 = vector.load %arg1[%get3A, %get3A_0] : memref<1x10240xi32, #tpu.memory_space<vmem>>, vector<1x10240xi32>
    %get3A_2 = arith.constant 0 : index
    %get3A_3 = arith.constant 0 : index
    %get3A_4 = vector.load %arg2[%get3A_2, %get3A_3] : memref<40x1xi32, #tpu.memory_space<vmem>>, vector<40x1xi32>
    %lt3A = vector.broadcast %get3A_1 : vector<1x10240xi32> to vector<40x10240xi32>
    %lt3A_5 = vector.broadcast %get3A_4 : vector<40x1xi32> to vector<40x10240xi32>
    %lt3A_6 = arith.cmpi slt, %lt3A, %lt3A_5 : vector<40x10240xi32>
    %convert_element_type3A = arith.extui %lt3A_6 : vector<40x10240xi1> to vector<40x10240xi32>
    %reduce_sum3A = arith.constant dense<0> : vector<40xi32>
    %reduce_sum3A_7 = vector.multi_reduction <add>, %convert_element_type3A, %reduce_sum3A [1] : vector<40x10240xi32> to vector<40xi32>
    %broadcast_in_dim3A = vector.shape_cast %reduce_sum3A_7 : vector<40xi32> to vector<40x1xi32>
    %swap3A = arith.constant 0 : index
    %swap3A_8 = arith.constant 0 : index
    %swap3A_9 = vector.load %arg4[%swap3A, %swap3A_8] : memref<40x1xi32, #tpu.memory_space<vmem>>, vector<40x1xi32>
    tpu.vector_store %arg4[%swap3A, %swap3A_8], %broadcast_in_dim3A {strides = array<i32>} : memref<40x1xi32, #tpu.memory_space<vmem>>, vector<40x1xi32>,
    %get3A_10 = arith.constant 0 : index
    %get3A_11 = arith.constant 0 : index
    %get3A_12 = vector.load %arg3[%get3A_10, %get3A_11] : memref<40x1xi32, #tpu.memory_space<vmem>>, vector<40x1xi32>
    %le3A = vector.broadcast %get3A_1 : vector<1x10240xi32> to vector<40x10240xi32>
    %le3A_13 = vector.broadcast %get3A_12 : vector<40x1xi32> to vector<40x10240xi32>
    %le3A_14 = arith.cmpi sle, %le3A, %le3A_13 : vector<40x10240xi32>
    %convert_element_type3A_15 = arith.extui %le3A_14 : vector<40x10240xi1> to vector<40x10240xi32>
    %reduce_sum3A_16 = arith.constant dense<0> : vector<40xi32>
    %reduce_sum3A_17 = vector.multi_reduction <add>, %convert_element_type3A_15, %reduce_sum3A_16 [1] : vector<40x10240xi32> to vector<40xi32>
    %broadcast_in_dim3A_18 = vector.shape_cast %reduce_sum3A_17 : vector<40xi32> to vector<40x1xi32>
    %swap3A_19 = arith.constant 0 : index
    %swap3A_20 = arith.constant 0 : index
    %swap3A_21 = vector.load %arg5[%swap3A_19, %swap3A_20] : memref<40x1xi32, #tpu.memory_space<vmem>>, vector<40x1xi32>
    tpu.vector_store %arg5[%swap3A_19, %swap3A_20], %broadcast_in_dim3A_18 {strides = array<i32>} : memref<40x1xi32, #tpu.memory_space<vmem>>, vector<40x1xi32>,
    return
  }
  func.func @transform_0(%arg0: i32) -> (i32, i32) {
    %c0_i32 = arith.constant 0 : i32
    %c0_i32_0 = arith.constant 0 : i32
    %c0_i32_1 = arith.constant 0 : i32
    return %c0_i32, %c0_i32_0 : i32, i32
  }
  func.func @transform_1(%arg0: i32) -> (i32, i32) {
    %c0_i32 = arith.constant 0 : i32
    %c0_i32_0 = arith.constant 0 : i32
    %c0_i32_1 = arith.constant 0 : i32
    return %c0_i32, %c0_i32_0 : i32, i32
  }
  func.func @transform_2(%arg0: i32) -> (i32, i32) {
    %c0_i32 = arith.constant 0 : i32
    %c0_i32_0 = arith.constant 0 : i32
    %c0_i32_1 = arith.constant 0 : i32
    return %c0_i32, %c0_i32_0 : i32, i32
  }
  func.func @transform_3(%arg0: i32) -> (i32, i32) {
    %c0_i32 = arith.constant 0 : i32
    %c0_i32_0 = arith.constant 0 : i32
    %c0_i32_1 = arith.constant 0 : i32
    return %c0_i32, %c0_i32_0 : i32, i32
  }
  func.func @transform_4(%arg0: i32) -> (i32, i32) {
    %c0_i32 = arith.constant 0 : i32
    %c0_i32_0 = arith.constant 0 : i32
    %c0_i32_1 = arith.constant 0 : i32
    return %c0_i32, %c0_i32_0 : i32, i32
  }
}

module attributes {stable_mosaic.version = 14 : i64} {
  func.func @body(%arg0: i32, %arg1: memref<2x5000x16xf32, #tpu.memory_space<vmem>>, %arg2: memref<5000x32xf32, #tpu.memory_space<vmem>>, %arg3: memref<5000x32xf32, #tpu.memory_space<vmem>>, %arg4: memref<5000x32xf32, #tpu.memory_space<vmem>>, %arg5: memref<5000x1xf32, #tpu.memory_space<vmem>>, %arg6: memref<5000x1xf32, #tpu.memory_space<vmem>>, %arg7: memref<1x1xf32, #tpu.memory_space<vmem>>, %arg8: memref<5000x128xf32, #tpu.memory_space<vmem>>, %arg9: memref<5000x1xf32, #tpu.memory_space<vmem>>) attributes {dimension_semantics = [#tpu.dimension_semantics<arbitrary>], iteration_bounds = array<i64: 2>, scalar_prefetch = 0 : i64, scratch_operands = 0 : i64, tpu.core_type = #tpu.core_type<tc>, window_params = [{transform_indices = @transform_0, window_bounds = array<i64: 2, 5000, 16>}, {transform_indices = @transform_1, window_bounds = array<i64: 5000, 32>}, {transform_indices = @transform_2, window_bounds = array<i64: 5000, 32>}, {transform_indices = @transform_3, window_bounds = array<i64: 5000, 32>}, {transform_indices = @transform_4, window_bounds = array<i64: 5000, 1>}, {transform_indices = @transform_5, window_bounds = array<i64: 5000, 1>}, {pipeline_mode = #tpu.pipeline_mode<synchronous>, transform_indices = @transform_6, window_bounds = array<i64: 1, 1>}, {transform_indices = @transform_7, window_bounds = array<i64: 5000, 128>}, {transform_indices = @transform_8, window_bounds = array<i64: 5000, 1>}]} {
    %get3A = arith.constant 0 : index
    %get3A_0 = arith.constant 0 : index
    %get3A_1 = vector.load %arg6[%get3A, %get3A_0] : memref<5000x1xf32, #tpu.memory_space<vmem>>, vector<5000x1xf32>
    %get3A_2 = arith.constant 0 : index
    %get3A_3 = arith.constant 0 : index
    %get3A_4 = vector.load %arg5[%get3A_2, %get3A_3] : memref<5000x1xf32, #tpu.memory_space<vmem>>, vector<5000x1xf32>
    %get3A_5 = arith.constant 0 : index
    %get3A_6 = arith.constant 0 : index
    %get3A_7 = arith.constant 0 : index
    %get3A_8 = vector.load %arg1[%get3A_5, %get3A_6, %get3A_7] : memref<2x5000x16xf32, #tpu.memory_space<vmem>>, vector<1x5000x1xf32>
    %get3A_9 = vector.shape_cast %get3A_8 : vector<1x5000x1xf32> to vector<5000x1xf32>
    %get3A_10 = arith.constant 1 : index
    %get3A_11 = arith.constant 0 : index
    %get3A_12 = arith.constant 0 : index
    %get3A_13 = vector.load %arg1[%get3A_10, %get3A_11, %get3A_12] : memref<2x5000x16xf32, #tpu.memory_space<vmem>>, vector<1x5000x1xf32>
    %get3A_14 = vector.shape_cast %get3A_13 : vector<1x5000x1xf32> to vector<5000x1xf32>
    %add3A = arith.addf %get3A_9, %get3A_14 : vector<5000x1xf32>
    %mul3A = arith.mulf %get3A_1, %add3A : vector<5000x1xf32>
    %mul3A_15 = arith.mulf %get3A_1, %get3A_1 : vector<5000x1xf32>
    %mul3A_16 = arith.mulf %mul3A_15, %get3A_4 : vector<5000x1xf32>
    %add3A_17 = arith.addf %mul3A, %mul3A_16 : vector<5000x1xf32>
    %get3A_18 = arith.constant 0 : index
    %get3A_19 = arith.constant 0 : index
    %get3A_20 = vector.load %arg7[%get3A_18, %get3A_19] : memref<1x1xf32, #tpu.memory_space<vmem>>, vector<1x1xf32>
    %add3A_21 = vector.broadcast %get3A_20 : vector<1x1xf32> to vector<5000x1xf32>
    %add3A_22 = arith.addf %add3A_17, %add3A_21 : vector<5000x1xf32>
    %tanh3A = math.tanh %add3A_22 : vector<5000x1xf32>
    %get3A_23 = arith.constant 0 : index
    %get3A_24 = arith.constant 0 : index
    %get3A_25 = vector.load %arg2[%get3A_23, %get3A_24] : memref<5000x32xf32, #tpu.memory_space<vmem>>, vector<5000x32xf32>
    %swap3A = arith.constant 0 : index
    %swap3A_26 = arith.constant 0 : index
    %swap3A_27 = vector.load %arg8[%swap3A, %swap3A_26] : memref<5000x128xf32, #tpu.memory_space<vmem>>, vector<5000x32xf32>
    tpu.vector_store %arg8[%swap3A, %swap3A_26], %get3A_25 {strides = array<i32>} : memref<5000x128xf32, #tpu.memory_space<vmem>>, vector<5000x32xf32>,
    %get3A_28 = arith.constant 0 : index
    %get3A_29 = arith.constant 0 : index
    %get3A_30 = vector.load %arg3[%get3A_28, %get3A_29] : memref<5000x32xf32, #tpu.memory_space<vmem>>, vector<5000x32xf32>
    %swap3A_31 = arith.constant 0 : index
    %swap3A_32 = arith.constant 32 : index
    %swap3A_33 = vector.load %arg8[%swap3A_31, %swap3A_32] : memref<5000x128xf32, #tpu.memory_space<vmem>>, vector<5000x32xf32>
    tpu.vector_store %arg8[%swap3A_31, %swap3A_32], %get3A_30 {strides = array<i32>} : memref<5000x128xf32, #tpu.memory_space<vmem>>, vector<5000x32xf32>,
    %get3A_34 = arith.constant 0 : index
    %get3A_35 = arith.constant 0 : index
    %get3A_36 = vector.load %arg4[%get3A_34, %get3A_35] : memref<5000x32xf32, #tpu.memory_space<vmem>>, vector<5000x32xf32>
    %swap3A_37 = arith.constant 0 : index
    %swap3A_38 = arith.constant 64 : index
    %swap3A_39 = vector.load %arg8[%swap3A_37, %swap3A_38] : memref<5000x128xf32, #tpu.memory_space<vmem>>, vector<5000x32xf32>
    tpu.vector_store %arg8[%swap3A_37, %swap3A_38], %get3A_36 {strides = array<i32>} : memref<5000x128xf32, #tpu.memory_space<vmem>>, vector<5000x32xf32>,
    %swap3A_40 = arith.constant 0 : index
    %swap3A_41 = arith.constant 96 : index
    %swap3A_42 = vector.load %arg8[%swap3A_40, %swap3A_41] : memref<5000x128xf32, #tpu.memory_space<vmem>>, vector<5000x1xf32>
    tpu.vector_store %arg8[%swap3A_40, %swap3A_41], %tanh3A {strides = array<i32>} : memref<5000x128xf32, #tpu.memory_space<vmem>>, vector<5000x1xf32>,
    %broadcast_in_dim3A = arith.constant 0.000000e+00 : f32
    %broadcast_in_dim3A_43 = vector.broadcast %broadcast_in_dim3A : f32 to vector<5000x31xf32>
    %swap3A_44 = arith.constant 0 : index
    %swap3A_45 = arith.constant 97 : index
    %swap3A_46 = vector.load %arg8[%swap3A_44, %swap3A_45] : memref<5000x128xf32, #tpu.memory_space<vmem>>, vector<5000x31xf32>
    tpu.vector_store %arg8[%swap3A_44, %swap3A_45], %broadcast_in_dim3A_43 {strides = array<i32>} : memref<5000x128xf32, #tpu.memory_space<vmem>>, vector<5000x31xf32>,
    %swap3A_47 = arith.constant 0 : index
    %swap3A_48 = arith.constant 0 : index
    %swap3A_49 = vector.load %arg9[%swap3A_47, %swap3A_48] : memref<5000x1xf32, #tpu.memory_space<vmem>>, vector<5000x1xf32>
    tpu.vector_store %arg9[%swap3A_47, %swap3A_48], %tanh3A {strides = array<i32>} : memref<5000x1xf32, #tpu.memory_space<vmem>>, vector<5000x1xf32>,
    return
  }
  func.func @transform_0(%arg0: i32) -> (i32, i32, i32) {
    %c0_i32 = arith.constant 0 : i32
    %c0_i32_0 = arith.constant 0 : i32
    %c0_i32_1 = arith.constant 0 : i32
    return %c0_i32, %arg0, %c0_i32_0 : i32, i32, i32
  }
  func.func @transform_1(%arg0: i32) -> (i32, i32) {
    %c0_i32 = arith.constant 0 : i32
    %c0_i32_0 = arith.constant 0 : i32
    return %arg0, %c0_i32 : i32, i32
  }
  func.func @transform_2(%arg0: i32) -> (i32, i32) {
    %c0_i32 = arith.constant 0 : i32
    %c0_i32_0 = arith.constant 0 : i32
    return %arg0, %c0_i32 : i32, i32
  }
  func.func @transform_3(%arg0: i32) -> (i32, i32) {
    %c0_i32 = arith.constant 0 : i32
    %c0_i32_0 = arith.constant 0 : i32
    return %arg0, %c0_i32 : i32, i32
  }
  func.func @transform_4(%arg0: i32) -> (i32, i32) {
    %c0_i32 = arith.constant 0 : i32
    %c0_i32_0 = arith.constant 0 : i32
    return %arg0, %c0_i32 : i32, i32
  }
  func.func @transform_5(%arg0: i32) -> (i32, i32) {
    %c0_i32 = arith.constant 0 : i32
    %c0_i32_0 = arith.constant 0 : i32
    return %arg0, %c0_i32 : i32, i32
  }
  func.func @transform_6(%arg0: i32) -> (i32, i32) {
    %c0_i32 = arith.constant 0 : i32
    %c0_i32_0 = arith.constant 0 : i32
    %c0_i32_1 = arith.constant 0 : i32
    return %c0_i32, %c0_i32_0 : i32, i32
  }
  func.func @transform_7(%arg0: i32) -> (i32, i32) {
    %c0_i32 = arith.constant 0 : i32
    %c0_i32_0 = arith.constant 0 : i32
    return %arg0, %c0_i32 : i32, i32
  }
  func.func @transform_8(%arg0: i32) -> (i32, i32) {
    %c0_i32 = arith.constant 0 : i32
    %c0_i32_0 = arith.constant 0 : i32
    return %arg0, %c0_i32 : i32, i32
  }
}

module attributes {stable_mosaic.version = 14 : i64} {
  func.func @body(%arg0: i32, %arg1: memref<1x10240xf32, #tpu.memory_space<vmem>>, %arg2: memref<1x10240xi32, #tpu.memory_space<vmem>>, %arg3: memref<256x1xf32, #tpu.memory_space<vmem>>, %arg4: memref<256x1xi32, #tpu.memory_space<vmem>>, %arg5: memref<40x1xi32, #tpu.memory_space<smem>>, %arg6: memref<40x1xi32, #tpu.memory_space<smem>>, %arg7: memref<256x1xi32, #tpu.memory_space<vmem>>) attributes {dimension_semantics = [#tpu.dimension_semantics<arbitrary>], iteration_bounds = array<i64: 40>, scalar_prefetch = 0 : i64, scratch_operands = 0 : i64, tpu.core_type = #tpu.core_type<tc>, window_params = [{pipeline_mode = #tpu.pipeline_mode<synchronous>, transform_indices = @transform_0, window_bounds = array<i64: 1, 10240>}, {pipeline_mode = #tpu.pipeline_mode<synchronous>, transform_indices = @transform_1, window_bounds = array<i64: 1, 10240>}, {transform_indices = @transform_2, window_bounds = array<i64: 256, 1>}, {transform_indices = @transform_3, window_bounds = array<i64: 256, 1>}, {transform_indices = @transform_4, window_bounds = array<i64: 40, 1>}, {transform_indices = @transform_5, window_bounds = array<i64: 40, 1>}, {transform_indices = @transform_6, window_bounds = array<i64: 256, 1>}]} {
    %get3A = arith.index_cast %arg0 : i32 to index
    %get3A_0 = arith.constant 0 : index
    %get3A_1 = memref.load %arg5[%get3A, %get3A_0] : memref<40x1xi32, #tpu.memory_space<smem>>
    %get3A_2 = arith.index_cast %arg0 : i32 to index
    %get3A_3 = arith.constant 0 : index
    %get3A_4 = memref.load %arg6[%get3A_2, %get3A_3] : memref<40x1xi32, #tpu.memory_space<smem>>
    %get3A_5 = arith.constant 0 : index
    %get3A_6 = arith.constant 0 : index
    %get3A_7 = vector.load %arg3[%get3A_5, %get3A_6] : memref<256x1xf32, #tpu.memory_space<vmem>>, vector<256x1xf32>
    %get3A_8 = arith.constant 0 : index
    %get3A_9 = arith.constant 0 : index
    %get3A_10 = vector.load %arg4[%get3A_8, %get3A_9] : memref<256x1xi32, #tpu.memory_space<vmem>>, vector<256x1xi32>
    %mul3A = arith.constant 256 : i32
    %mul3A_11 = arith.muli %arg0, %mul3A : i32
    %iota3A = tpu.iota {dimensions = array<i32: 0>} : vector<256x1xi32>
    %add3A = vector.broadcast %mul3A_11 : i32 to vector<256x1xi32>
    %add3A_12 = arith.addi %add3A, %iota3A : vector<256x1xi32>
    %jit3A = arith.constant 512 : i32
    %div3A = arith.divsi %get3A_1, %jit3A : i32
    %sign3A = arith.constant 0 : i32
    %sign3A_13 = arith.cmpi sgt, %get3A_1, %sign3A : i32
    %sign3A_14 = arith.extui %sign3A_13 : i1 to i32
    %sign3A_15 = arith.constant 0 : i32
    %sign3A_16 = arith.cmpi slt, %get3A_1, %sign3A_15 : i32
    %sign3A_17 = arith.extui %sign3A_16 : i1 to i32
    %sign3A_18 = arith.subi %sign3A_14, %sign3A_17 : i32
    %sign3A_19 = arith.constant 0 : i32
    %sign3A_20 = arith.cmpi sgt, %jit3A, %sign3A_19 : i32
    %sign3A_21 = arith.extui %sign3A_20 : i1 to i32
    %sign3A_22 = arith.constant 0 : i32
    %sign3A_23 = arith.cmpi slt, %jit3A, %sign3A_22 : i32
    %sign3A_24 = arith.extui %sign3A_23 : i1 to i32
    %sign3A_25 = arith.subi %sign3A_21, %sign3A_24 : i32
    %ne3A = arith.cmpi ne, %sign3A_18, %sign3A_25 : i32
    %rem3A = arith.remsi %get3A_1, %jit3A : i32
    %ne3A_26 = arith.constant 0 : i32
    %ne3A_27 = arith.cmpi ne, %rem3A, %ne3A_26 : i32
    %and3A = arith.andi %ne3A, %ne3A_27 : i1
    %sub3A = arith.constant 1 : i32
    %sub3A_28 = arith.subi %div3A, %sub3A : i32
    %select_n3A = arith.select %and3A, %sub3A_28, %div3A : i32
    %add3A_29 = arith.constant 512 : i32
    %add3A_30 = arith.addi %get3A_4, %add3A_29 : i32
    %sub3A_31 = arith.constant 1 : i32
    %sub3A_32 = arith.subi %add3A_30, %sub3A_31 : i32
    %jit3A_33 = arith.constant 512 : i32
    %div3A_34 = arith.divsi %sub3A_32, %jit3A_33 : i32
    %sign3A_35 = arith.constant 0 : i32
    %sign3A_36 = arith.cmpi sgt, %sub3A_32, %sign3A_35 : i32
    %sign3A_37 = arith.extui %sign3A_36 : i1 to i32
    %sign3A_38 = arith.constant 0 : i32
    %sign3A_39 = arith.cmpi slt, %sub3A_32, %sign3A_38 : i32
    %sign3A_40 = arith.extui %sign3A_39 : i1 to i32
    %sign3A_41 = arith.subi %sign3A_37, %sign3A_40 : i32
    %sign3A_42 = arith.constant 0 : i32
    %sign3A_43 = arith.cmpi sgt, %jit3A_33, %sign3A_42 : i32
    %sign3A_44 = arith.extui %sign3A_43 : i1 to i32
    %sign3A_45 = arith.constant 0 : i32
    %sign3A_46 = arith.cmpi slt, %jit3A_33, %sign3A_45 : i32
    %sign3A_47 = arith.extui %sign3A_46 : i1 to i32
    %sign3A_48 = arith.subi %sign3A_44, %sign3A_47 : i32
    %ne3A_49 = arith.cmpi ne, %sign3A_41, %sign3A_48 : i32
    %rem3A_50 = arith.remsi %sub3A_32, %jit3A_33 : i32
    %ne3A_51 = arith.constant 0 : i32
    %ne3A_52 = arith.cmpi ne, %rem3A_50, %ne3A_51 : i32
    %and3A_53 = arith.andi %ne3A_49, %ne3A_52 : i1
    %sub3A_54 = arith.constant 1 : i32
    %sub3A_55 = arith.subi %div3A_34, %sub3A_54 : i32
    %select_n3A_56 = arith.select %and3A_53, %sub3A_55, %div3A_34 : i32
    %broadcast_in_dim3A = arith.constant 0 : i32
    %broadcast_in_dim3A_57 = vector.broadcast %broadcast_in_dim3A : i32 to vector<256x1xi32>
    %while3A = arith.subi %select_n3A_56, %select_n3A : i32
    %while3A_58 = arith.addi %select_n3A, %while3A : i32
    %while3A_59 = arith.constant 1 : i32
    %while3A_60 = arith.divsi %while3A, %while3A_59 : i32
    %while3A_61 = arith.muli %while3A_60, %while3A_59 : i32
    %while3A_62 = arith.addi %select_n3A, %while3A_61 : i32
    %while3A_63 = arith.constant 1 : i32
    %while3A_64 = scf.for %while3A_82 = %select_n3A to %while3A_62 step %while3A_63 iter_args(%while3A_83 = %broadcast_in_dim3A_57) -> (vector<256x1xi32>)  : i32 {
      %mul3A_84 = arith.constant 512 : i32
      %mul3A_85 = arith.muli %while3A_82, %mul3A_84 : i32
      %multiple_of3A = tpu.assume_multiple %mul3A_85, 512 : i32
      %get3A_86 = arith.constant 0 : index
      %get3A_87 = arith.index_cast %multiple_of3A : i32 to index
      %get3A_88 = vector.load %arg1[%get3A_86, %get3A_87] : memref<1x10240xf32, #tpu.memory_space<vmem>>, vector<1x512xf32>
      %get3A_89 = arith.constant 0 : index
      %get3A_90 = arith.index_cast %multiple_of3A : i32 to index
      %get3A_91 = vector.load %arg2[%get3A_89, %get3A_90] : memref<1x10240xi32, #tpu.memory_space<vmem>>, vector<1x512xi32>
      %iota3A_92 = tpu.iota {dimensions = array<i32: 1>} : vector<1x512xi32>
      %add3A_93 = vector.broadcast %multiple_of3A : i32 to vector<1x512xi32>
      %add3A_94 = arith.addi %add3A_93, %iota3A_92 : vector<1x512xi32>
      %eq3A = vector.broadcast %get3A_91 : vector<1x512xi32> to vector<256x512xi32>
      %eq3A_95 = vector.broadcast %get3A_10 : vector<256x1xi32> to vector<256x512xi32>
      %eq3A_96 = arith.cmpi eq, %eq3A, %eq3A_95 : vector<256x512xi32>
      %gt3A = vector.broadcast %get3A_88 : vector<1x512xf32> to vector<256x512xf32>
      %gt3A_97 = vector.broadcast %get3A_7 : vector<256x1xf32> to vector<256x512xf32>
      %gt3A_98 = arith.cmpf ogt, %gt3A, %gt3A_97 : vector<256x512xf32>
      %eq3A_99 = vector.broadcast %get3A_88 : vector<1x512xf32> to vector<256x512xf32>
      %eq3A_100 = vector.broadcast %get3A_7 : vector<256x1xf32> to vector<256x512xf32>
      %eq3A_101 = arith.cmpf oeq, %eq3A_99, %eq3A_100 : vector<256x512xf32>
      %lt3A_102 = vector.broadcast %add3A_94 : vector<1x512xi32> to vector<256x512xi32>
      %lt3A_103 = vector.broadcast %add3A_12 : vector<256x1xi32> to vector<256x512xi32>
      %lt3A_104 = arith.cmpi slt, %lt3A_102, %lt3A_103 : vector<256x512xi32>
      %and3A_105 = arith.andi %eq3A_101, %lt3A_104 : vector<256x512xi1>
      %or3A = arith.ori %gt3A_98, %and3A_105 : vector<256x512xi1>
      %and3A_106 = arith.andi %eq3A_96, %or3A : vector<256x512xi1>
      %convert_element_type3A = arith.extui %and3A_106 : vector<256x512xi1> to vector<256x512xi32>
      %reduce_sum3A = arith.constant dense<0> : vector<256xi32>
      %reduce_sum3A_107 = vector.multi_reduction <add>, %convert_element_type3A, %reduce_sum3A [1] : vector<256x512xi32> to vector<256xi32>
      %broadcast_in_dim3A_108 = vector.shape_cast %reduce_sum3A_107 : vector<256xi32> to vector<256x1xi32>
      %add3A_109 = arith.addi %while3A_83, %broadcast_in_dim3A_108 : vector<256x1xi32>
      scf.yield %add3A_109 : vector<256x1xi32>
    }
    %while3A_65 = arith.constant 1 : i32
    %while3A_66 = scf.for %while3A_82 = %while3A_62 to %while3A_58 step %while3A_65 iter_args(%while3A_83 = %while3A_64) -> (vector<256x1xi32>)  : i32 {
      %mul3A_84 = arith.constant 512 : i32
      %mul3A_85 = arith.muli %while3A_82, %mul3A_84 : i32
      %multiple_of3A = tpu.assume_multiple %mul3A_85, 512 : i32
      %get3A_86 = arith.constant 0 : index
      %get3A_87 = arith.index_cast %multiple_of3A : i32 to index
      %get3A_88 = vector.load %arg1[%get3A_86, %get3A_87] : memref<1x10240xf32, #tpu.memory_space<vmem>>, vector<1x512xf32>
      %get3A_89 = arith.constant 0 : index
      %get3A_90 = arith.index_cast %multiple_of3A : i32 to index
      %get3A_91 = vector.load %arg2[%get3A_89, %get3A_90] : memref<1x10240xi32, #tpu.memory_space<vmem>>, vector<1x512xi32>
      %iota3A_92 = tpu.iota {dimensions = array<i32: 1>} : vector<1x512xi32>
      %add3A_93 = vector.broadcast %multiple_of3A : i32 to vector<1x512xi32>
      %add3A_94 = arith.addi %add3A_93, %iota3A_92 : vector<1x512xi32>
      %eq3A = vector.broadcast %get3A_91 : vector<1x512xi32> to vector<256x512xi32>
      %eq3A_95 = vector.broadcast %get3A_10 : vector<256x1xi32> to vector<256x512xi32>
      %eq3A_96 = arith.cmpi eq, %eq3A, %eq3A_95 : vector<256x512xi32>
      %gt3A = vector.broadcast %get3A_88 : vector<1x512xf32> to vector<256x512xf32>
      %gt3A_97 = vector.broadcast %get3A_7 : vector<256x1xf32> to vector<256x512xf32>
      %gt3A_98 = arith.cmpf ogt, %gt3A, %gt3A_97 : vector<256x512xf32>
      %eq3A_99 = vector.broadcast %get3A_88 : vector<1x512xf32> to vector<256x512xf32>
      %eq3A_100 = vector.broadcast %get3A_7 : vector<256x1xf32> to vector<256x512xf32>
      %eq3A_101 = arith.cmpf oeq, %eq3A_99, %eq3A_100 : vector<256x512xf32>
      %lt3A_102 = vector.broadcast %add3A_94 : vector<1x512xi32> to vector<256x512xi32>
      %lt3A_103 = vector.broadcast %add3A_12 : vector<256x1xi32> to vector<256x512xi32>
      %lt3A_104 = arith.cmpi slt, %lt3A_102, %lt3A_103 : vector<256x512xi32>
      %and3A_105 = arith.andi %eq3A_101, %lt3A_104 : vector<256x512xi1>
      %or3A = arith.ori %gt3A_98, %and3A_105 : vector<256x512xi1>
      %and3A_106 = arith.andi %eq3A_96, %or3A : vector<256x512xi1>
      %convert_element_type3A = arith.extui %and3A_106 : vector<256x512xi1> to vector<256x512xi32>
      %reduce_sum3A = arith.constant dense<0> : vector<256xi32>
      %reduce_sum3A_107 = vector.multi_reduction <add>, %convert_element_type3A, %reduce_sum3A [1] : vector<256x512xi32> to vector<256xi32>
      %broadcast_in_dim3A_108 = vector.shape_cast %reduce_sum3A_107 : vector<256xi32> to vector<256x1xi32>
      %add3A_109 = arith.addi %while3A_83, %broadcast_in_dim3A_108 : vector<256x1xi32>
      scf.yield %add3A_109 : vector<256x1xi32>
    }
    %lt3A = arith.constant 60 : i32
    %lt3A_67 = vector.broadcast %lt3A : i32 to vector<256x1xi32>
    %lt3A_68 = arith.cmpi slt, %while3A_66, %lt3A_67 : vector<256x1xi32>
    %lt3A_69 = arith.constant 10000 : i32
    %lt3A_70 = vector.broadcast %lt3A_69 : i32 to vector<256x1xi32>
    %lt3A_71 = arith.cmpi slt, %add3A_12, %lt3A_70 : vector<256x1xi32>
    %and3A_72 = arith.andi %lt3A_68, %lt3A_71 : vector<256x1xi1>
    %mul3A_73 = arith.constant 60 : i32
    %mul3A_74 = vector.broadcast %mul3A_73 : i32 to vector<256x1xi32>
    %mul3A_75 = arith.muli %get3A_10, %mul3A_74 : vector<256x1xi32>
    %add3A_76 = arith.addi %mul3A_75, %while3A_66 : vector<256x1xi32>
    %jit3A_77 = arith.constant 15360 : i32
    %broadcast_in_dim3A_78 = vector.broadcast %jit3A_77 : i32 to vector<256x1xi32>
    %select_n3A_79 = arith.select %and3A_72, %add3A_76, %broadcast_in_dim3A_78 : vector<256x1xi1>, vector<256x1xi32>
    %swap3A = arith.constant 0 : index
    %swap3A_80 = arith.constant 0 : index
    %swap3A_81 = vector.load %arg7[%swap3A, %swap3A_80] : memref<256x1xi32, #tpu.memory_space<vmem>>, vector<256x1xi32>
    tpu.vector_store %arg7[%swap3A, %swap3A_80], %select_n3A_79 {strides = array<i32>} : memref<256x1xi32, #tpu.memory_space<vmem>>, vector<256x1xi32>,
    return
  }
  func.func @transform_0(%arg0: i32) -> (i32, i32) {
    %c0_i32 = arith.constant 0 : i32
    %c0_i32_0 = arith.constant 0 : i32
    %c0_i32_1 = arith.constant 0 : i32
    return %c0_i32, %c0_i32_0 : i32, i32
  }
  func.func @transform_1(%arg0: i32) -> (i32, i32) {
    %c0_i32 = arith.constant 0 : i32
    %c0_i32_0 = arith.constant 0 : i32
    %c0_i32_1 = arith.constant 0 : i32
    return %c0_i32, %c0_i32_0 : i32, i32
  }
  func.func @transform_2(%arg0: i32) -> (i32, i32) {
    %c0_i32 = arith.constant 0 : i32
    %c0_i32_0 = arith.constant 0 : i32
    return %arg0, %c0_i32 : i32, i32
  }
  func.func @transform_3(%arg0: i32) -> (i32, i32) {
    %c0_i32 = arith.constant 0 : i32
    %c0_i32_0 = arith.constant 0 : i32
    return %arg0, %c0_i32 : i32, i32
  }
  func.func @transform_4(%arg0: i32) -> (i32, i32) {
    %c0_i32 = arith.constant 0 : i32
    %c0_i32_0 = arith.constant 0 : i32
    %c0_i32_1 = arith.constant 0 : i32
    return %c0_i32, %c0_i32_0 : i32, i32
  }
  func.func @transform_5(%arg0: i32) -> (i32, i32) {
    %c0_i32 = arith.constant 0 : i32
    %c0_i32_0 = arith.constant 0 : i32
    %c0_i32_1 = arith.constant 0 : i32
    return %c0_i32, %c0_i32_0 : i32, i32
  }
  func.func @transform_6(%arg0: i32) -> (i32, i32) {
    %c0_i32 = arith.constant 0 : i32
    %c0_i32_0 = arith.constant 0 : i32
    return %arg0, %c0_i32 : i32, i32
  }
}

module attributes {stable_mosaic.version = 14 : i64} {
  func.func @body(%arg0: i32, %arg1: memref<2x3840x128xf32, #tpu.memory_space<vmem>>, %arg2: memref<97x16xf32, #tpu.memory_space<vmem>>, %arg3: memref<1x16xf32, #tpu.memory_space<vmem>>, %arg4: memref<80x32xf32, #tpu.memory_space<vmem>>, %arg5: memref<1x32xf32, #tpu.memory_space<vmem>>, %arg6: memref<832x128xf32, #tpu.memory_space<vmem>>, %arg7: memref<1x128xf32, #tpu.memory_space<vmem>>, %arg8: memref<128x4xf32, #tpu.memory_space<vmem>>, %arg9: memref<1x4xf32, #tpu.memory_space<vmem>>, %arg10: memref<64x4xf32, #tpu.memory_space<vmem>>) attributes {dimension_semantics = [#tpu.dimension_semantics<arbitrary>], iteration_bounds = array<i64: 4>, scalar_prefetch = 0 : i64, scratch_operands = 0 : i64, tpu.core_type = #tpu.core_type<tc>, window_params = [{transform_indices = @transform_0, window_bounds = array<i64: 2, 3840, 128>}, {pipeline_mode = #tpu.pipeline_mode<synchronous>, transform_indices = @transform_1, window_bounds = array<i64: 97, 16>}, {pipeline_mode = #tpu.pipeline_mode<synchronous>, transform_indices = @transform_2, window_bounds = array<i64: 1, 16>}, {pipeline_mode = #tpu.pipeline_mode<synchronous>, transform_indices = @transform_3, window_bounds = array<i64: 80, 32>}, {pipeline_mode = #tpu.pipeline_mode<synchronous>, transform_indices = @transform_4, window_bounds = array<i64: 1, 32>}, {pipeline_mode = #tpu.pipeline_mode<synchronous>, transform_indices = @transform_5, window_bounds = array<i64: 832, 128>}, {pipeline_mode = #tpu.pipeline_mode<synchronous>, transform_indices = @transform_6, window_bounds = array<i64: 1, 128>}, {pipeline_mode = #tpu.pipeline_mode<synchronous>, transform_indices = @transform_7, window_bounds = array<i64: 128, 4>}, {pipeline_mode = #tpu.pipeline_mode<synchronous>, transform_indices = @transform_8, window_bounds = array<i64: 1, 4>}, {transform_indices = @transform_9, window_bounds = array<i64: 64, 4>}]} {
    %get3A = arith.constant 0 : index
    %get3A_0 = arith.constant 0 : index
    %get3A_1 = arith.constant 0 : index
    %get3A_2 = vector.load %arg1[%get3A, %get3A_0, %get3A_1] : memref<2x3840x128xf32, #tpu.memory_space<vmem>>, vector<1x3840x128xf32>
    %get3A_3 = vector.shape_cast %get3A_2 : vector<1x3840x128xf32> to vector<3840x128xf32>
    %get3A_4 = arith.constant 1 : index
    %get3A_5 = arith.constant 0 : index
    %get3A_6 = arith.constant 0 : index
    %get3A_7 = vector.load %arg1[%get3A_4, %get3A_5, %get3A_6] : memref<2x3840x128xf32, #tpu.memory_space<vmem>>, vector<1x3840x128xf32>
    %get3A_8 = vector.shape_cast %get3A_7 : vector<1x3840x128xf32> to vector<3840x128xf32>
    %add3A = arith.addf %get3A_3, %get3A_8 : vector<3840x128xf32>
    %slice3A = vector.extract_strided_slice %add3A {offsets = [0, 0], sizes = [3840, 97], strides = [1, 1]} : vector<3840x128xf32> to vector<3840x97xf32>
    %get3A_9 = arith.constant 0 : index
    %get3A_10 = arith.constant 0 : index
    %get3A_11 = vector.load %arg2[%get3A_9, %get3A_10] : memref<97x16xf32, #tpu.memory_space<vmem>>, vector<97x16xf32>
    %dot_general3A = arith.constant dense<0.000000e+00> : vector<3840x16xf32>
    %dot_general3A_12 = tpu.matmul %slice3A, %get3A_11, %dot_general3A {dimension_numbers = #tpu.dot_dimension_numbers<[1], [0], [0], [1], [0, 0, 1, 1], [], []>, transpose_lhs_hint = false} : vector<3840x97xf32>, vector<97x16xf32>, vector<3840x16xf32> -> vector<3840x16xf32>
    %get3A_13 = arith.constant 0 : index
    %get3A_14 = arith.constant 0 : index
    %get3A_15 = vector.load %arg3[%get3A_13, %get3A_14] : memref<1x16xf32, #tpu.memory_space<vmem>>, vector<1x16xf32>
    %add3A_16 = vector.broadcast %get3A_15 : vector<1x16xf32> to vector<3840x16xf32>
    %add3A_17 = arith.addf %dot_general3A_12, %add3A_16 : vector<3840x16xf32>
    %max3A = arith.constant 0.000000e+00 : f32
    %max3A_18 = vector.broadcast %max3A : f32 to vector<3840x16xf32>
    %max3A_19 = arith.maximumf %add3A_17, %max3A_18 : vector<3840x16xf32>
    %reshape3A = vector.shape_cast %max3A_19 : vector<3840x16xf32> to vector<64x30x2x16xf32>
    %reduce_max3A = arith.constant dense<0xFF800000> : vector<64x30x16xf32>
    %reduce_max3A_20 = vector.multi_reduction <maximumf>, %reshape3A, %reduce_max3A [2] : vector<64x30x2x16xf32> to vector<64x30x16xf32>
    %broadcast_in_dim3A = arith.constant 0.000000e+00 : f32
    %broadcast_in_dim3A_21 = vector.broadcast %broadcast_in_dim3A : f32 to vector<1664x32xf32>
    %get3A_22 = arith.constant 0 : index
    %get3A_23 = arith.constant 0 : index
    %get3A_24 = vector.load %arg5[%get3A_22, %get3A_23] : memref<1x32xf32, #tpu.memory_space<vmem>>, vector<1x32xf32>
    %add3A_25 = vector.broadcast %get3A_24 : vector<1x32xf32> to vector<1664x32xf32>
    %add3A_26 = arith.addf %broadcast_in_dim3A_21, %add3A_25 : vector<1664x32xf32>
    %slice3A_27 = vector.extract_strided_slice %reduce_max3A_20 {offsets = [0, 0, 0], sizes = [64, 26, 16], strides = [1, 1, 1]} : vector<64x30x16xf32> to vector<64x26x16xf32>
    %reshape3A_28 = vector.shape_cast %slice3A_27 : vector<64x26x16xf32> to vector<1664x16xf32>
    %get3A_29 = arith.constant 0 : index
    %get3A_30 = arith.constant 0 : index
    %get3A_31 = vector.load %arg4[%get3A_29, %get3A_30] : memref<80x32xf32, #tpu.memory_space<vmem>>, vector<16x32xf32>
    %dot_general3A_32 = arith.constant dense<0.000000e+00> : vector<1664x32xf32>
    %dot_general3A_33 = tpu.matmul %reshape3A_28, %get3A_31, %dot_general3A_32 {dimension_numbers = #tpu.dot_dimension_numbers<[1], [0], [0], [1], [0, 0, 1, 1], [], []>, transpose_lhs_hint = false} : vector<1664x16xf32>, vector<16x32xf32>, vector<1664x32xf32> -> vector<1664x32xf32>
    %add3A_34 = arith.addf %add3A_26, %dot_general3A_33 : vector<1664x32xf32>
    %slice3A_35 = vector.extract_strided_slice %reduce_max3A_20 {offsets = [0, 1, 0], sizes = [64, 26, 16], strides = [1, 1, 1]} : vector<64x30x16xf32> to vector<64x26x16xf32>
    %reshape3A_36 = vector.shape_cast %slice3A_35 : vector<64x26x16xf32> to vector<1664x16xf32>
    %get3A_37 = arith.constant 16 : index
    %get3A_38 = arith.constant 0 : index
    %get3A_39 = vector.load %arg4[%get3A_37, %get3A_38] : memref<80x32xf32, #tpu.memory_space<vmem>>, vector<16x32xf32>
    %dot_general3A_40 = arith.constant dense<0.000000e+00> : vector<1664x32xf32>
    %dot_general3A_41 = tpu.matmul %reshape3A_36, %get3A_39, %dot_general3A_40 {dimension_numbers = #tpu.dot_dimension_numbers<[1], [0], [0], [1], [0, 0, 1, 1], [], []>, transpose_lhs_hint = false} : vector<1664x16xf32>, vector<16x32xf32>, vector<1664x32xf32> -> vector<1664x32xf32>
    %add3A_42 = arith.addf %add3A_34, %dot_general3A_41 : vector<1664x32xf32>
    %slice3A_43 = vector.extract_strided_slice %reduce_max3A_20 {offsets = [0, 2, 0], sizes = [64, 26, 16], strides = [1, 1, 1]} : vector<64x30x16xf32> to vector<64x26x16xf32>
    %reshape3A_44 = vector.shape_cast %slice3A_43 : vector<64x26x16xf32> to vector<1664x16xf32>
    %get3A_45 = arith.constant 32 : index
    %get3A_46 = arith.constant 0 : index
    %get3A_47 = vector.load %arg4[%get3A_45, %get3A_46] : memref<80x32xf32, #tpu.memory_space<vmem>>, vector<16x32xf32>
    %dot_general3A_48 = arith.constant dense<0.000000e+00> : vector<1664x32xf32>
    %dot_general3A_49 = tpu.matmul %reshape3A_44, %get3A_47, %dot_general3A_48 {dimension_numbers = #tpu.dot_dimension_numbers<[1], [0], [0], [1], [0, 0, 1, 1], [], []>, transpose_lhs_hint = false} : vector<1664x16xf32>, vector<16x32xf32>, vector<1664x32xf32> -> vector<1664x32xf32>
    %add3A_50 = arith.addf %add3A_42, %dot_general3A_49 : vector<1664x32xf32>
    %slice3A_51 = vector.extract_strided_slice %reduce_max3A_20 {offsets = [0, 3, 0], sizes = [64, 26, 16], strides = [1, 1, 1]} : vector<64x30x16xf32> to vector<64x26x16xf32>
    %reshape3A_52 = vector.shape_cast %slice3A_51 : vector<64x26x16xf32> to vector<1664x16xf32>
    %get3A_53 = arith.constant 48 : index
    %get3A_54 = arith.constant 0 : index
    %get3A_55 = vector.load %arg4[%get3A_53, %get3A_54] : memref<80x32xf32, #tpu.memory_space<vmem>>, vector<16x32xf32>
    %dot_general3A_56 = arith.constant dense<0.000000e+00> : vector<1664x32xf32>
    %dot_general3A_57 = tpu.matmul %reshape3A_52, %get3A_55, %dot_general3A_56 {dimension_numbers = #tpu.dot_dimension_numbers<[1], [0], [0], [1], [0, 0, 1, 1], [], []>, transpose_lhs_hint = false} : vector<1664x16xf32>, vector<16x32xf32>, vector<1664x32xf32> -> vector<1664x32xf32>
    %add3A_58 = arith.addf %add3A_50, %dot_general3A_57 : vector<1664x32xf32>
    %slice3A_59 = vector.extract_strided_slice %reduce_max3A_20 {offsets = [0, 4, 0], sizes = [64, 26, 16], strides = [1, 1, 1]} : vector<64x30x16xf32> to vector<64x26x16xf32>
    %reshape3A_60 = vector.shape_cast %slice3A_59 : vector<64x26x16xf32> to vector<1664x16xf32>
    %get3A_61 = arith.constant 64 : index
    %get3A_62 = arith.constant 0 : index
    %get3A_63 = vector.load %arg4[%get3A_61, %get3A_62] : memref<80x32xf32, #tpu.memory_space<vmem>>, vector<16x32xf32>
    %dot_general3A_64 = arith.constant dense<0.000000e+00> : vector<1664x32xf32>
    %dot_general3A_65 = tpu.matmul %reshape3A_60, %get3A_63, %dot_general3A_64 {dimension_numbers = #tpu.dot_dimension_numbers<[1], [0], [0], [1], [0, 0, 1, 1], [], []>, transpose_lhs_hint = false} : vector<1664x16xf32>, vector<16x32xf32>, vector<1664x32xf32> -> vector<1664x32xf32>
    %add3A_66 = arith.addf %add3A_58, %dot_general3A_65 : vector<1664x32xf32>
    %max3A_67 = arith.constant 0.000000e+00 : f32
    %max3A_68 = vector.broadcast %max3A_67 : f32 to vector<1664x32xf32>
    %max3A_69 = arith.maximumf %add3A_66, %max3A_68 : vector<1664x32xf32>
    %reshape3A_70 = vector.shape_cast %max3A_69 : vector<1664x32xf32> to vector<64x26x32xf32>
    %get3A_71 = arith.constant 0 : index
    %get3A_72 = arith.constant 0 : index
    %get3A_73 = vector.load %arg7[%get3A_71, %get3A_72] : memref<1x128xf32, #tpu.memory_space<vmem>>, vector<1x128xf32>
    %broadcast_in_dim3A_74 = arith.constant 0.000000e+00 : f32
    %broadcast_in_dim3A_75 = vector.broadcast %broadcast_in_dim3A_74 : f32 to vector<64x128xf32>
    %add3A_76 = vector.broadcast %get3A_73 : vector<1x128xf32> to vector<64x128xf32>
    %add3A_77 = arith.addf %add3A_76, %broadcast_in_dim3A_75 : vector<64x128xf32>
    %slice3A_78 = vector.extract_strided_slice %reshape3A_70 {offsets = [0, 0, 0], sizes = [64, 1, 32], strides = [1, 1, 1]} : vector<64x26x32xf32> to vector<64x1x32xf32>
    %squeeze3A = vector.shape_cast %slice3A_78 : vector<64x1x32xf32> to vector<64x32xf32>
    %get3A_79 = arith.constant 0 : index
    %get3A_80 = arith.constant 0 : index
    %get3A_81 = vector.load %arg6[%get3A_79, %get3A_80] : memref<832x128xf32, #tpu.memory_space<vmem>>, vector<32x128xf32>
    %dot_general3A_82 = arith.constant dense<0.000000e+00> : vector<64x128xf32>
    %dot_general3A_83 = tpu.matmul %squeeze3A, %get3A_81, %dot_general3A_82 {dimension_numbers = #tpu.dot_dimension_numbers<[1], [0], [0], [1], [0, 0, 1, 1], [], []>, transpose_lhs_hint = false} : vector<64x32xf32>, vector<32x128xf32>, vector<64x128xf32> -> vector<64x128xf32>
    %add3A_84 = arith.addf %add3A_77, %dot_general3A_83 : vector<64x128xf32>
    %slice3A_85 = vector.extract_strided_slice %reshape3A_70 {offsets = [0, 1, 0], sizes = [64, 1, 32], strides = [1, 1, 1]} : vector<64x26x32xf32> to vector<64x1x32xf32>
    %squeeze3A_86 = vector.shape_cast %slice3A_85 : vector<64x1x32xf32> to vector<64x32xf32>
    %get3A_87 = arith.constant 32 : index
    %get3A_88 = arith.constant 0 : index
    %get3A_89 = vector.load %arg6[%get3A_87, %get3A_88] : memref<832x128xf32, #tpu.memory_space<vmem>>, vector<32x128xf32>
    %dot_general3A_90 = arith.constant dense<0.000000e+00> : vector<64x128xf32>
    %dot_general3A_91 = tpu.matmul %squeeze3A_86, %get3A_89, %dot_general3A_90 {dimension_numbers = #tpu.dot_dimension_numbers<[1], [0], [0], [1], [0, 0, 1, 1], [], []>, transpose_lhs_hint = false} : vector<64x32xf32>, vector<32x128xf32>, vector<64x128xf32> -> vector<64x128xf32>
    %add3A_92 = arith.addf %add3A_84, %dot_general3A_91 : vector<64x128xf32>
    %slice3A_93 = vector.extract_strided_slice %reshape3A_70 {offsets = [0, 2, 0], sizes = [64, 1, 32], strides = [1, 1, 1]} : vector<64x26x32xf32> to vector<64x1x32xf32>
    %squeeze3A_94 = vector.shape_cast %slice3A_93 : vector<64x1x32xf32> to vector<64x32xf32>
    %get3A_95 = arith.constant 64 : index
    %get3A_96 = arith.constant 0 : index
    %get3A_97 = vector.load %arg6[%get3A_95, %get3A_96] : memref<832x128xf32, #tpu.memory_space<vmem>>, vector<32x128xf32>
    %dot_general3A_98 = arith.constant dense<0.000000e+00> : vector<64x128xf32>
    %dot_general3A_99 = tpu.matmul %squeeze3A_94, %get3A_97, %dot_general3A_98 {dimension_numbers = #tpu.dot_dimension_numbers<[1], [0], [0], [1], [0, 0, 1, 1], [], []>, transpose_lhs_hint = false} : vector<64x32xf32>, vector<32x128xf32>, vector<64x128xf32> -> vector<64x128xf32>
    %add3A_100 = arith.addf %add3A_92, %dot_general3A_99 : vector<64x128xf32>
    %slice3A_101 = vector.extract_strided_slice %reshape3A_70 {offsets = [0, 3, 0], sizes = [64, 1, 32], strides = [1, 1, 1]} : vector<64x26x32xf32> to vector<64x1x32xf32>
    %squeeze3A_102 = vector.shape_cast %slice3A_101 : vector<64x1x32xf32> to vector<64x32xf32>
    %get3A_103 = arith.constant 96 : index
    %get3A_104 = arith.constant 0 : index
    %get3A_105 = vector.load %arg6[%get3A_103, %get3A_104] : memref<832x128xf32, #tpu.memory_space<vmem>>, vector<32x128xf32>
    %dot_general3A_106 = arith.constant dense<0.000000e+00> : vector<64x128xf32>
    %dot_general3A_107 = tpu.matmul %squeeze3A_102, %get3A_105, %dot_general3A_106 {dimension_numbers = #tpu.dot_dimension_numbers<[1], [0], [0], [1], [0, 0, 1, 1], [], []>, transpose_lhs_hint = false} : vector<64x32xf32>, vector<32x128xf32>, vector<64x128xf32> -> vector<64x128xf32>
    %add3A_108 = arith.addf %add3A_100, %dot_general3A_107 : vector<64x128xf32>
    %slice3A_109 = vector.extract_strided_slice %reshape3A_70 {offsets = [0, 4, 0], sizes = [64, 1, 32], strides = [1, 1, 1]} : vector<64x26x32xf32> to vector<64x1x32xf32>
    %squeeze3A_110 = vector.shape_cast %slice3A_109 : vector<64x1x32xf32> to vector<64x32xf32>
    %get3A_111 = arith.constant 128 : index
    %get3A_112 = arith.constant 0 : index
    %get3A_113 = vector.load %arg6[%get3A_111, %get3A_112] : memref<832x128xf32, #tpu.memory_space<vmem>>, vector<32x128xf32>
    %dot_general3A_114 = arith.constant dense<0.000000e+00> : vector<64x128xf32>
    %dot_general3A_115 = tpu.matmul %squeeze3A_110, %get3A_113, %dot_general3A_114 {dimension_numbers = #tpu.dot_dimension_numbers<[1], [0], [0], [1], [0, 0, 1, 1], [], []>, transpose_lhs_hint = false} : vector<64x32xf32>, vector<32x128xf32>, vector<64x128xf32> -> vector<64x128xf32>
    %add3A_116 = arith.addf %add3A_108, %dot_general3A_115 : vector<64x128xf32>
    %slice3A_117 = vector.extract_strided_slice %reshape3A_70 {offsets = [0, 5, 0], sizes = [64, 1, 32], strides = [1, 1, 1]} : vector<64x26x32xf32> to vector<64x1x32xf32>
    %squeeze3A_118 = vector.shape_cast %slice3A_117 : vector<64x1x32xf32> to vector<64x32xf32>
    %get3A_119 = arith.constant 160 : index
    %get3A_120 = arith.constant 0 : index
    %get3A_121 = vector.load %arg6[%get3A_119, %get3A_120] : memref<832x128xf32, #tpu.memory_space<vmem>>, vector<32x128xf32>
    %dot_general3A_122 = arith.constant dense<0.000000e+00> : vector<64x128xf32>
    %dot_general3A_123 = tpu.matmul %squeeze3A_118, %get3A_121, %dot_general3A_122 {dimension_numbers = #tpu.dot_dimension_numbers<[1], [0], [0], [1], [0, 0, 1, 1], [], []>, transpose_lhs_hint = false} : vector<64x32xf32>, vector<32x128xf32>, vector<64x128xf32> -> vector<64x128xf32>
    %add3A_124 = arith.addf %add3A_116, %dot_general3A_123 : vector<64x128xf32>
    %slice3A_125 = vector.extract_strided_slice %reshape3A_70 {offsets = [0, 6, 0], sizes = [64, 1, 32], strides = [1, 1, 1]} : vector<64x26x32xf32> to vector<64x1x32xf32>
    %squeeze3A_126 = vector.shape_cast %slice3A_125 : vector<64x1x32xf32> to vector<64x32xf32>
    %get3A_127 = arith.constant 192 : index
    %get3A_128 = arith.constant 0 : index
    %get3A_129 = vector.load %arg6[%get3A_127, %get3A_128] : memref<832x128xf32, #tpu.memory_space<vmem>>, vector<32x128xf32>
    %dot_general3A_130 = arith.constant dense<0.000000e+00> : vector<64x128xf32>
    %dot_general3A_131 = tpu.matmul %squeeze3A_126, %get3A_129, %dot_general3A_130 {dimension_numbers = #tpu.dot_dimension_numbers<[1], [0], [0], [1], [0, 0, 1, 1], [], []>, transpose_lhs_hint = false} : vector<64x32xf32>, vector<32x128xf32>, vector<64x128xf32> -> vector<64x128xf32>
    %add3A_132 = arith.addf %add3A_124, %dot_general3A_131 : vector<64x128xf32>
    %slice3A_133 = vector.extract_strided_slice %reshape3A_70 {offsets = [0, 7, 0], sizes = [64, 1, 32], strides = [1, 1, 1]} : vector<64x26x32xf32> to vector<64x1x32xf32>
    %squeeze3A_134 = vector.shape_cast %slice3A_133 : vector<64x1x32xf32> to vector<64x32xf32>
    %get3A_135 = arith.constant 224 : index
    %get3A_136 = arith.constant 0 : index
    %get3A_137 = vector.load %arg6[%get3A_135, %get3A_136] : memref<832x128xf32, #tpu.memory_space<vmem>>, vector<32x128xf32>
    %dot_general3A_138 = arith.constant dense<0.000000e+00> : vector<64x128xf32>
    %dot_general3A_139 = tpu.matmul %squeeze3A_134, %get3A_137, %dot_general3A_138 {dimension_numbers = #tpu.dot_dimension_numbers<[1], [0], [0], [1], [0, 0, 1, 1], [], []>, transpose_lhs_hint = false} : vector<64x32xf32>, vector<32x128xf32>, vector<64x128xf32> -> vector<64x128xf32>
    %add3A_140 = arith.addf %add3A_132, %dot_general3A_139 : vector<64x128xf32>
    %slice3A_141 = vector.extract_strided_slice %reshape3A_70 {offsets = [0, 8, 0], sizes = [64, 1, 32], strides = [1, 1, 1]} : vector<64x26x32xf32> to vector<64x1x32xf32>
    %squeeze3A_142 = vector.shape_cast %slice3A_141 : vector<64x1x32xf32> to vector<64x32xf32>
    %get3A_143 = arith.constant 256 : index
    %get3A_144 = arith.constant 0 : index
    %get3A_145 = vector.load %arg6[%get3A_143, %get3A_144] : memref<832x128xf32, #tpu.memory_space<vmem>>, vector<32x128xf32>
    %dot_general3A_146 = arith.constant dense<0.000000e+00> : vector<64x128xf32>
    %dot_general3A_147 = tpu.matmul %squeeze3A_142, %get3A_145, %dot_general3A_146 {dimension_numbers = #tpu.dot_dimension_numbers<[1], [0], [0], [1], [0, 0, 1, 1], [], []>, transpose_lhs_hint = false} : vector<64x32xf32>, vector<32x128xf32>, vector<64x128xf32> -> vector<64x128xf32>
    %add3A_148 = arith.addf %add3A_140, %dot_general3A_147 : vector<64x128xf32>
    %slice3A_149 = vector.extract_strided_slice %reshape3A_70 {offsets = [0, 9, 0], sizes = [64, 1, 32], strides = [1, 1, 1]} : vector<64x26x32xf32> to vector<64x1x32xf32>
    %squeeze3A_150 = vector.shape_cast %slice3A_149 : vector<64x1x32xf32> to vector<64x32xf32>
    %get3A_151 = arith.constant 288 : index
    %get3A_152 = arith.constant 0 : index
    %get3A_153 = vector.load %arg6[%get3A_151, %get3A_152] : memref<832x128xf32, #tpu.memory_space<vmem>>, vector<32x128xf32>
    %dot_general3A_154 = arith.constant dense<0.000000e+00> : vector<64x128xf32>
    %dot_general3A_155 = tpu.matmul %squeeze3A_150, %get3A_153, %dot_general3A_154 {dimension_numbers = #tpu.dot_dimension_numbers<[1], [0], [0], [1], [0, 0, 1, 1], [], []>, transpose_lhs_hint = false} : vector<64x32xf32>, vector<32x128xf32>, vector<64x128xf32> -> vector<64x128xf32>
    %add3A_156 = arith.addf %add3A_148, %dot_general3A_155 : vector<64x128xf32>
    %slice3A_157 = vector.extract_strided_slice %reshape3A_70 {offsets = [0, 10, 0], sizes = [64, 1, 32], strides = [1, 1, 1]} : vector<64x26x32xf32> to vector<64x1x32xf32>
    %squeeze3A_158 = vector.shape_cast %slice3A_157 : vector<64x1x32xf32> to vector<64x32xf32>
    %get3A_159 = arith.constant 320 : index
    %get3A_160 = arith.constant 0 : index
    %get3A_161 = vector.load %arg6[%get3A_159, %get3A_160] : memref<832x128xf32, #tpu.memory_space<vmem>>, vector<32x128xf32>
    %dot_general3A_162 = arith.constant dense<0.000000e+00> : vector<64x128xf32>
    %dot_general3A_163 = tpu.matmul %squeeze3A_158, %get3A_161, %dot_general3A_162 {dimension_numbers = #tpu.dot_dimension_numbers<[1], [0], [0], [1], [0, 0, 1, 1], [], []>, transpose_lhs_hint = false} : vector<64x32xf32>, vector<32x128xf32>, vector<64x128xf32> -> vector<64x128xf32>
    %add3A_164 = arith.addf %add3A_156, %dot_general3A_163 : vector<64x128xf32>
    %slice3A_165 = vector.extract_strided_slice %reshape3A_70 {offsets = [0, 11, 0], sizes = [64, 1, 32], strides = [1, 1, 1]} : vector<64x26x32xf32> to vector<64x1x32xf32>
    %squeeze3A_166 = vector.shape_cast %slice3A_165 : vector<64x1x32xf32> to vector<64x32xf32>
    %get3A_167 = arith.constant 352 : index
    %get3A_168 = arith.constant 0 : index
    %get3A_169 = vector.load %arg6[%get3A_167, %get3A_168] : memref<832x128xf32, #tpu.memory_space<vmem>>, vector<32x128xf32>
    %dot_general3A_170 = arith.constant dense<0.000000e+00> : vector<64x128xf32>
    %dot_general3A_171 = tpu.matmul %squeeze3A_166, %get3A_169, %dot_general3A_170 {dimension_numbers = #tpu.dot_dimension_numbers<[1], [0], [0], [1], [0, 0, 1, 1], [], []>, transpose_lhs_hint = false} : vector<64x32xf32>, vector<32x128xf32>, vector<64x128xf32> -> vector<64x128xf32>
    %add3A_172 = arith.addf %add3A_164, %dot_general3A_171 : vector<64x128xf32>
    %slice3A_173 = vector.extract_strided_slice %reshape3A_70 {offsets = [0, 12, 0], sizes = [64, 1, 32], strides = [1, 1, 1]} : vector<64x26x32xf32> to vector<64x1x32xf32>
    %squeeze3A_174 = vector.shape_cast %slice3A_173 : vector<64x1x32xf32> to vector<64x32xf32>
    %get3A_175 = arith.constant 384 : index
    %get3A_176 = arith.constant 0 : index
    %get3A_177 = vector.load %arg6[%get3A_175, %get3A_176] : memref<832x128xf32, #tpu.memory_space<vmem>>, vector<32x128xf32>
    %dot_general3A_178 = arith.constant dense<0.000000e+00> : vector<64x128xf32>
    %dot_general3A_179 = tpu.matmul %squeeze3A_174, %get3A_177, %dot_general3A_178 {dimension_numbers = #tpu.dot_dimension_numbers<[1], [0], [0], [1], [0, 0, 1, 1], [], []>, transpose_lhs_hint = false} : vector<64x32xf32>, vector<32x128xf32>, vector<64x128xf32> -> vector<64x128xf32>
    %add3A_180 = arith.addf %add3A_172, %dot_general3A_179 : vector<64x128xf32>
    %slice3A_181 = vector.extract_strided_slice %reshape3A_70 {offsets = [0, 13, 0], sizes = [64, 1, 32], strides = [1, 1, 1]} : vector<64x26x32xf32> to vector<64x1x32xf32>
    %squeeze3A_182 = vector.shape_cast %slice3A_181 : vector<64x1x32xf32> to vector<64x32xf32>
    %get3A_183 = arith.constant 416 : index
    %get3A_184 = arith.constant 0 : index
    %get3A_185 = vector.load %arg6[%get3A_183, %get3A_184] : memref<832x128xf32, #tpu.memory_space<vmem>>, vector<32x128xf32>
    %dot_general3A_186 = arith.constant dense<0.000000e+00> : vector<64x128xf32>
    %dot_general3A_187 = tpu.matmul %squeeze3A_182, %get3A_185, %dot_general3A_186 {dimension_numbers = #tpu.dot_dimension_numbers<[1], [0], [0], [1], [0, 0, 1, 1], [], []>, transpose_lhs_hint = false} : vector<64x32xf32>, vector<32x128xf32>, vector<64x128xf32> -> vector<64x128xf32>
    %add3A_188 = arith.addf %add3A_180, %dot_general3A_187 : vector<64x128xf32>
    %slice3A_189 = vector.extract_strided_slice %reshape3A_70 {offsets = [0, 14, 0], sizes = [64, 1, 32], strides = [1, 1, 1]} : vector<64x26x32xf32> to vector<64x1x32xf32>
    %squeeze3A_190 = vector.shape_cast %slice3A_189 : vector<64x1x32xf32> to vector<64x32xf32>
    %get3A_191 = arith.constant 448 : index
    %get3A_192 = arith.constant 0 : index
    %get3A_193 = vector.load %arg6[%get3A_191, %get3A_192] : memref<832x128xf32, #tpu.memory_space<vmem>>, vector<32x128xf32>
    %dot_general3A_194 = arith.constant dense<0.000000e+00> : vector<64x128xf32>
    %dot_general3A_195 = tpu.matmul %squeeze3A_190, %get3A_193, %dot_general3A_194 {dimension_numbers = #tpu.dot_dimension_numbers<[1], [0], [0], [1], [0, 0, 1, 1], [], []>, transpose_lhs_hint = false} : vector<64x32xf32>, vector<32x128xf32>, vector<64x128xf32> -> vector<64x128xf32>
    %add3A_196 = arith.addf %add3A_188, %dot_general3A_195 : vector<64x128xf32>
    %slice3A_197 = vector.extract_strided_slice %reshape3A_70 {offsets = [0, 15, 0], sizes = [64, 1, 32], strides = [1, 1, 1]} : vector<64x26x32xf32> to vector<64x1x32xf32>
    %squeeze3A_198 = vector.shape_cast %slice3A_197 : vector<64x1x32xf32> to vector<64x32xf32>
    %get3A_199 = arith.constant 480 : index
    %get3A_200 = arith.constant 0 : index
    %get3A_201 = vector.load %arg6[%get3A_199, %get3A_200] : memref<832x128xf32, #tpu.memory_space<vmem>>, vector<32x128xf32>
    %dot_general3A_202 = arith.constant dense<0.000000e+00> : vector<64x128xf32>
    %dot_general3A_203 = tpu.matmul %squeeze3A_198, %get3A_201, %dot_general3A_202 {dimension_numbers = #tpu.dot_dimension_numbers<[1], [0], [0], [1], [0, 0, 1, 1], [], []>, transpose_lhs_hint = false} : vector<64x32xf32>, vector<32x128xf32>, vector<64x128xf32> -> vector<64x128xf32>
    %add3A_204 = arith.addf %add3A_196, %dot_general3A_203 : vector<64x128xf32>
    %slice3A_205 = vector.extract_strided_slice %reshape3A_70 {offsets = [0, 16, 0], sizes = [64, 1, 32], strides = [1, 1, 1]} : vector<64x26x32xf32> to vector<64x1x32xf32>
    %squeeze3A_206 = vector.shape_cast %slice3A_205 : vector<64x1x32xf32> to vector<64x32xf32>
    %get3A_207 = arith.constant 512 : index
    %get3A_208 = arith.constant 0 : index
    %get3A_209 = vector.load %arg6[%get3A_207, %get3A_208] : memref<832x128xf32, #tpu.memory_space<vmem>>, vector<32x128xf32>
    %dot_general3A_210 = arith.constant dense<0.000000e+00> : vector<64x128xf32>
    %dot_general3A_211 = tpu.matmul %squeeze3A_206, %get3A_209, %dot_general3A_210 {dimension_numbers = #tpu.dot_dimension_numbers<[1], [0], [0], [1], [0, 0, 1, 1], [], []>, transpose_lhs_hint = false} : vector<64x32xf32>, vector<32x128xf32>, vector<64x128xf32> -> vector<64x128xf32>
    %add3A_212 = arith.addf %add3A_204, %dot_general3A_211 : vector<64x128xf32>
    %slice3A_213 = vector.extract_strided_slice %reshape3A_70 {offsets = [0, 17, 0], sizes = [64, 1, 32], strides = [1, 1, 1]} : vector<64x26x32xf32> to vector<64x1x32xf32>
    %squeeze3A_214 = vector.shape_cast %slice3A_213 : vector<64x1x32xf32> to vector<64x32xf32>
    %get3A_215 = arith.constant 544 : index
    %get3A_216 = arith.constant 0 : index
    %get3A_217 = vector.load %arg6[%get3A_215, %get3A_216] : memref<832x128xf32, #tpu.memory_space<vmem>>, vector<32x128xf32>
    %dot_general3A_218 = arith.constant dense<0.000000e+00> : vector<64x128xf32>
    %dot_general3A_219 = tpu.matmul %squeeze3A_214, %get3A_217, %dot_general3A_218 {dimension_numbers = #tpu.dot_dimension_numbers<[1], [0], [0], [1], [0, 0, 1, 1], [], []>, transpose_lhs_hint = false} : vector<64x32xf32>, vector<32x128xf32>, vector<64x128xf32> -> vector<64x128xf32>
    %add3A_220 = arith.addf %add3A_212, %dot_general3A_219 : vector<64x128xf32>
    %slice3A_221 = vector.extract_strided_slice %reshape3A_70 {offsets = [0, 18, 0], sizes = [64, 1, 32], strides = [1, 1, 1]} : vector<64x26x32xf32> to vector<64x1x32xf32>
    %squeeze3A_222 = vector.shape_cast %slice3A_221 : vector<64x1x32xf32> to vector<64x32xf32>
    %get3A_223 = arith.constant 576 : index
    %get3A_224 = arith.constant 0 : index
    %get3A_225 = vector.load %arg6[%get3A_223, %get3A_224] : memref<832x128xf32, #tpu.memory_space<vmem>>, vector<32x128xf32>
    %dot_general3A_226 = arith.constant dense<0.000000e+00> : vector<64x128xf32>
    %dot_general3A_227 = tpu.matmul %squeeze3A_222, %get3A_225, %dot_general3A_226 {dimension_numbers = #tpu.dot_dimension_numbers<[1], [0], [0], [1], [0, 0, 1, 1], [], []>, transpose_lhs_hint = false} : vector<64x32xf32>, vector<32x128xf32>, vector<64x128xf32> -> vector<64x128xf32>
    %add3A_228 = arith.addf %add3A_220, %dot_general3A_227 : vector<64x128xf32>
    %slice3A_229 = vector.extract_strided_slice %reshape3A_70 {offsets = [0, 19, 0], sizes = [64, 1, 32], strides = [1, 1, 1]} : vector<64x26x32xf32> to vector<64x1x32xf32>
    %squeeze3A_230 = vector.shape_cast %slice3A_229 : vector<64x1x32xf32> to vector<64x32xf32>
    %get3A_231 = arith.constant 608 : index
    %get3A_232 = arith.constant 0 : index
    %get3A_233 = vector.load %arg6[%get3A_231, %get3A_232] : memref<832x128xf32, #tpu.memory_space<vmem>>, vector<32x128xf32>
    %dot_general3A_234 = arith.constant dense<0.000000e+00> : vector<64x128xf32>
    %dot_general3A_235 = tpu.matmul %squeeze3A_230, %get3A_233, %dot_general3A_234 {dimension_numbers = #tpu.dot_dimension_numbers<[1], [0], [0], [1], [0, 0, 1, 1], [], []>, transpose_lhs_hint = false} : vector<64x32xf32>, vector<32x128xf32>, vector<64x128xf32> -> vector<64x128xf32>
    %add3A_236 = arith.addf %add3A_228, %dot_general3A_235 : vector<64x128xf32>
    %slice3A_237 = vector.extract_strided_slice %reshape3A_70 {offsets = [0, 20, 0], sizes = [64, 1, 32], strides = [1, 1, 1]} : vector<64x26x32xf32> to vector<64x1x32xf32>
    %squeeze3A_238 = vector.shape_cast %slice3A_237 : vector<64x1x32xf32> to vector<64x32xf32>
    %get3A_239 = arith.constant 640 : index
    %get3A_240 = arith.constant 0 : index
    %get3A_241 = vector.load %arg6[%get3A_239, %get3A_240] : memref<832x128xf32, #tpu.memory_space<vmem>>, vector<32x128xf32>
    %dot_general3A_242 = arith.constant dense<0.000000e+00> : vector<64x128xf32>
    %dot_general3A_243 = tpu.matmul %squeeze3A_238, %get3A_241, %dot_general3A_242 {dimension_numbers = #tpu.dot_dimension_numbers<[1], [0], [0], [1], [0, 0, 1, 1], [], []>, transpose_lhs_hint = false} : vector<64x32xf32>, vector<32x128xf32>, vector<64x128xf32> -> vector<64x128xf32>
    %add3A_244 = arith.addf %add3A_236, %dot_general3A_243 : vector<64x128xf32>
    %slice3A_245 = vector.extract_strided_slice %reshape3A_70 {offsets = [0, 21, 0], sizes = [64, 1, 32], strides = [1, 1, 1]} : vector<64x26x32xf32> to vector<64x1x32xf32>
    %squeeze3A_246 = vector.shape_cast %slice3A_245 : vector<64x1x32xf32> to vector<64x32xf32>
    %get3A_247 = arith.constant 672 : index
    %get3A_248 = arith.constant 0 : index
    %get3A_249 = vector.load %arg6[%get3A_247, %get3A_248] : memref<832x128xf32, #tpu.memory_space<vmem>>, vector<32x128xf32>
    %dot_general3A_250 = arith.constant dense<0.000000e+00> : vector<64x128xf32>
    %dot_general3A_251 = tpu.matmul %squeeze3A_246, %get3A_249, %dot_general3A_250 {dimension_numbers = #tpu.dot_dimension_numbers<[1], [0], [0], [1], [0, 0, 1, 1], [], []>, transpose_lhs_hint = false} : vector<64x32xf32>, vector<32x128xf32>, vector<64x128xf32> -> vector<64x128xf32>
    %add3A_252 = arith.addf %add3A_244, %dot_general3A_251 : vector<64x128xf32>
    %slice3A_253 = vector.extract_strided_slice %reshape3A_70 {offsets = [0, 22, 0], sizes = [64, 1, 32], strides = [1, 1, 1]} : vector<64x26x32xf32> to vector<64x1x32xf32>
    %squeeze3A_254 = vector.shape_cast %slice3A_253 : vector<64x1x32xf32> to vector<64x32xf32>
    %get3A_255 = arith.constant 704 : index
    %get3A_256 = arith.constant 0 : index
    %get3A_257 = vector.load %arg6[%get3A_255, %get3A_256] : memref<832x128xf32, #tpu.memory_space<vmem>>, vector<32x128xf32>
    %dot_general3A_258 = arith.constant dense<0.000000e+00> : vector<64x128xf32>
    %dot_general3A_259 = tpu.matmul %squeeze3A_254, %get3A_257, %dot_general3A_258 {dimension_numbers = #tpu.dot_dimension_numbers<[1], [0], [0], [1], [0, 0, 1, 1], [], []>, transpose_lhs_hint = false} : vector<64x32xf32>, vector<32x128xf32>, vector<64x128xf32> -> vector<64x128xf32>
    %add3A_260 = arith.addf %add3A_252, %dot_general3A_259 : vector<64x128xf32>
    %slice3A_261 = vector.extract_strided_slice %reshape3A_70 {offsets = [0, 23, 0], sizes = [64, 1, 32], strides = [1, 1, 1]} : vector<64x26x32xf32> to vector<64x1x32xf32>
    %squeeze3A_262 = vector.shape_cast %slice3A_261 : vector<64x1x32xf32> to vector<64x32xf32>
    %get3A_263 = arith.constant 736 : index
    %get3A_264 = arith.constant 0 : index
    %get3A_265 = vector.load %arg6[%get3A_263, %get3A_264] : memref<832x128xf32, #tpu.memory_space<vmem>>, vector<32x128xf32>
    %dot_general3A_266 = arith.constant dense<0.000000e+00> : vector<64x128xf32>
    %dot_general3A_267 = tpu.matmul %squeeze3A_262, %get3A_265, %dot_general3A_266 {dimension_numbers = #tpu.dot_dimension_numbers<[1], [0], [0], [1], [0, 0, 1, 1], [], []>, transpose_lhs_hint = false} : vector<64x32xf32>, vector<32x128xf32>, vector<64x128xf32> -> vector<64x128xf32>
    %add3A_268 = arith.addf %add3A_260, %dot_general3A_267 : vector<64x128xf32>
    %slice3A_269 = vector.extract_strided_slice %reshape3A_70 {offsets = [0, 24, 0], sizes = [64, 1, 32], strides = [1, 1, 1]} : vector<64x26x32xf32> to vector<64x1x32xf32>
    %squeeze3A_270 = vector.shape_cast %slice3A_269 : vector<64x1x32xf32> to vector<64x32xf32>
    %get3A_271 = arith.constant 768 : index
    %get3A_272 = arith.constant 0 : index
    %get3A_273 = vector.load %arg6[%get3A_271, %get3A_272] : memref<832x128xf32, #tpu.memory_space<vmem>>, vector<32x128xf32>
    %dot_general3A_274 = arith.constant dense<0.000000e+00> : vector<64x128xf32>
    %dot_general3A_275 = tpu.matmul %squeeze3A_270, %get3A_273, %dot_general3A_274 {dimension_numbers = #tpu.dot_dimension_numbers<[1], [0], [0], [1], [0, 0, 1, 1], [], []>, transpose_lhs_hint = false} : vector<64x32xf32>, vector<32x128xf32>, vector<64x128xf32> -> vector<64x128xf32>
    %add3A_276 = arith.addf %add3A_268, %dot_general3A_275 : vector<64x128xf32>
    %slice3A_277 = vector.extract_strided_slice %reshape3A_70 {offsets = [0, 25, 0], sizes = [64, 1, 32], strides = [1, 1, 1]} : vector<64x26x32xf32> to vector<64x1x32xf32>
    %squeeze3A_278 = vector.shape_cast %slice3A_277 : vector<64x1x32xf32> to vector<64x32xf32>
    %get3A_279 = arith.constant 800 : index
    %get3A_280 = arith.constant 0 : index
    %get3A_281 = vector.load %arg6[%get3A_279, %get3A_280] : memref<832x128xf32, #tpu.memory_space<vmem>>, vector<32x128xf32>
    %dot_general3A_282 = arith.constant dense<0.000000e+00> : vector<64x128xf32>
    %dot_general3A_283 = tpu.matmul %squeeze3A_278, %get3A_281, %dot_general3A_282 {dimension_numbers = #tpu.dot_dimension_numbers<[1], [0], [0], [1], [0, 0, 1, 1], [], []>, transpose_lhs_hint = false} : vector<64x32xf32>, vector<32x128xf32>, vector<64x128xf32> -> vector<64x128xf32>
    %add3A_284 = arith.addf %add3A_276, %dot_general3A_283 : vector<64x128xf32>
    %max3A_285 = arith.constant 0.000000e+00 : f32
    %max3A_286 = vector.broadcast %max3A_285 : f32 to vector<64x128xf32>
    %max3A_287 = arith.maximumf %add3A_284, %max3A_286 : vector<64x128xf32>
    %get3A_288 = arith.constant 0 : index
    %get3A_289 = arith.constant 0 : index
    %get3A_290 = vector.load %arg8[%get3A_288, %get3A_289] : memref<128x4xf32, #tpu.memory_space<vmem>>, vector<128x4xf32>
    %dot_general3A_291 = arith.constant dense<0.000000e+00> : vector<64x4xf32>
    %dot_general3A_292 = tpu.matmul %max3A_287, %get3A_290, %dot_general3A_291 {dimension_numbers = #tpu.dot_dimension_numbers<[1], [0], [0], [1], [0, 0, 1, 1], [], []>, transpose_lhs_hint = false} : vector<64x128xf32>, vector<128x4xf32>, vector<64x4xf32> -> vector<64x4xf32>
    %get3A_293 = arith.constant 0 : index
    %get3A_294 = arith.constant 0 : index
    %get3A_295 = vector.load %arg9[%get3A_293, %get3A_294] : memref<1x4xf32, #tpu.memory_space<vmem>>, vector<1x4xf32>
    %add3A_296 = vector.broadcast %get3A_295 : vector<1x4xf32> to vector<64x4xf32>
    %add3A_297 = arith.addf %dot_general3A_292, %add3A_296 : vector<64x4xf32>
    %reduce_max3A_298 = arith.constant dense<0xFF800000> : vector<64xf32>
    %reduce_max3A_299 = vector.multi_reduction <maximumf>, %add3A_297, %reduce_max3A_298 [1] : vector<64x4xf32> to vector<64xf32>
    %broadcast_in_dim3A_300 = vector.shape_cast %reduce_max3A_299 : vector<64xf32> to vector<64x1xf32>
    %sub3A = vector.broadcast %broadcast_in_dim3A_300 : vector<64x1xf32> to vector<64x4xf32>
    %sub3A_301 = arith.subf %add3A_297, %sub3A : vector<64x4xf32>
    %exp3A = math.exp %sub3A_301 : vector<64x4xf32>
    %reduce_sum3A = arith.constant dense<0.000000e+00> : vector<64xf32>
    %reduce_sum3A_302 = vector.multi_reduction <add>, %exp3A, %reduce_sum3A [1] : vector<64x4xf32> to vector<64xf32>
    %broadcast_in_dim3A_303 = vector.shape_cast %reduce_sum3A_302 : vector<64xf32> to vector<64x1xf32>
    %div3A = vector.broadcast %broadcast_in_dim3A_303 : vector<64x1xf32> to vector<64x4xf32>
    %div3A_304 = arith.divf %exp3A, %div3A : vector<64x4xf32>
    %swap3A = arith.constant 0 : index
    %swap3A_305 = arith.constant 0 : index
    %swap3A_306 = vector.load %arg10[%swap3A, %swap3A_305] : memref<64x4xf32, #tpu.memory_space<vmem>>, vector<64x4xf32>
    tpu.vector_store %arg10[%swap3A, %swap3A_305], %div3A_304 {strides = array<i32>} : memref<64x4xf32, #tpu.memory_space<vmem>>, vector<64x4xf32>,
    return
  }
  func.func @transform_0(%arg0: i32) -> (i32, i32, i32) {
    %c0_i32 = arith.constant 0 : i32
    %c0_i32_0 = arith.constant 0 : i32
    %c0_i32_1 = arith.constant 0 : i32
    return %c0_i32, %arg0, %c0_i32_0 : i32, i32, i32
  }
  func.func @transform_1(%arg0: i32) -> (i32, i32) {
    %c0_i32 = arith.constant 0 : i32
    %c0_i32_0 = arith.constant 0 : i32
    %c0_i32_1 = arith.constant 0 : i32
    return %c0_i32, %c0_i32_0 : i32, i32
  }
  func.func @transform_2(%arg0: i32) -> (i32, i32) {
    %c0_i32 = arith.constant 0 : i32
    %c0_i32_0 = arith.constant 0 : i32
    %c0_i32_1 = arith.constant 0 : i32
    return %c0_i32, %c0_i32_0 : i32, i32
  }
  func.func @transform_3(%arg0: i32) -> (i32, i32) {
    %c0_i32 = arith.constant 0 : i32
    %c0_i32_0 = arith.constant 0 : i32
    %c0_i32_1 = arith.constant 0 : i32
    return %c0_i32, %c0_i32_0 : i32, i32
  }
  func.func @transform_4(%arg0: i32) -> (i32, i32) {
    %c0_i32 = arith.constant 0 : i32
    %c0_i32_0 = arith.constant 0 : i32
    %c0_i32_1 = arith.constant 0 : i32
    return %c0_i32, %c0_i32_0 : i32, i32
  }
  func.func @transform_5(%arg0: i32) -> (i32, i32) {
    %c0_i32 = arith.constant 0 : i32
    %c0_i32_0 = arith.constant 0 : i32
    %c0_i32_1 = arith.constant 0 : i32
    return %c0_i32, %c0_i32_0 : i32, i32
  }
  func.func @transform_6(%arg0: i32) -> (i32, i32) {
    %c0_i32 = arith.constant 0 : i32
    %c0_i32_0 = arith.constant 0 : i32
    %c0_i32_1 = arith.constant 0 : i32
    return %c0_i32, %c0_i32_0 : i32, i32
  }
  func.func @transform_7(%arg0: i32) -> (i32, i32) {
    %c0_i32 = arith.constant 0 : i32
    %c0_i32_0 = arith.constant 0 : i32
    %c0_i32_1 = arith.constant 0 : i32
    return %c0_i32, %c0_i32_0 : i32, i32
  }
  func.func @transform_8(%arg0: i32) -> (i32, i32) {
    %c0_i32 = arith.constant 0 : i32
    %c0_i32_0 = arith.constant 0 : i32
    %c0_i32_1 = arith.constant 0 : i32
    return %c0_i32, %c0_i32_0 : i32, i32
  }
  func.func @transform_9(%arg0: i32) -> (i32, i32) {
    %c0_i32 = arith.constant 0 : i32
    %c0_i32_0 = arith.constant 0 : i32
    return %arg0, %c0_i32 : i32, i32
  }
}

</mosaic_0001>

<sc_bundles>
// kernel: kernel.16.cloned.1.call-start
scs
__scs_entry_jumppad:
0x0: {  	(pc) =	sbr.rel $0x88, $3  }
0x1: {  	(tag) =	ssettag $0x0;
	lr =	simm.s32 $0x1  }
0x2: {  	[smem:$0x3F8E] =	sst lr;
	_ =	strace $0xD0000000  }
0x3: {  	_ = 	snop  }
0x4: {  	_ = 	snop  }
0x5: {  	_ = 	snop  }
0x6: {  	_ = 	snop  }
0x7: {  	_ = 	snop  }
__scs_overlays_trampoline_lowered:
0x8: {  	[smem:$0x3F9D] =	sst s0  }
0x9: {  	[smem:$0x3F9E] =	sst s1  }
0xa: {  	[smem:$0x3F9F] =	sst s2  }
0xb: {  	[smem:$0x3FA0] =	sst s3  }
0xc: {  	[smem:$0x3FA1] =	sst s4  }
0xd: {  	[smem:$0x3FA2] =	sst s5  }
0xe: {  	[smem:$0x3FA3] =	sst s6  }
0xf: {  	[smem:$0x3FA4] =	sst s7  }
0x10: {  	[smem:$0x3FA5] =	sst s8  }
0x11: {  	[smem:$0x3FA6] =	sst s9;
	s0 =	simm.s32 @!p0 $0x0  }
0x12: {  	s1 =	sld [smem:$0x3F8C];
	s0 =	simm.s32 @p0 $0x1  }
0x13: {  	[smem:$0x3FA7] =	sst s0;
	s0 =	simm.s32 @!p1 $0x0  }
0x14: {  	s2 =	sld [smem:$0x3F8B];
	s0 =	simm.s32 @p1 $0x1  }
0x15: {  	[smem:$0x3FA8] =	sst s0;
	s0 =	simm.s32 @!p2 $0x0  }
0x16: {  	s3 =	sld [smem:$0x3FDB];
	s0 =	simm.s32 @p2 $0x1  }
0x17: {  	s4 =	simm.s32 $0x1BF5;
	[smem:$0x3FAA] =	sst s0  }
0x18: {  	s0 =	sld [smem:$0x3F8D];
	_ =	swait.ge [sflag:s4], $0x0  }
0x19: {  	s7 =	sld [smem:$0x3F8E]  }
0x1a: {  	s8 =	sadd.s32 $0xFFFFE003, lr  }
0x1b: {  	s9 =	sadd.s32 $0xFFFFFEF7, lr;
	s5 =	simm.s32 $0xFFFFFFFF;
	p2 =	slt.u32 s8, $0xFFFFF086  }
0x1c: {  	p1 =	slt.u32 s9, $0xF7A;
	s5 =	simm.s32 @!p2 $0x0  }
0x1d: {  	s5 =	simm.s32 @p1 $0x1;
	p0 =	seq.s32 s7, s2  }
0x1e: {  	s7 =	smul.u32 @!p0 $0xF7A, s2;
	p2 =	seq.s32 @!p0 s5, $0x0  }
0x1f: {  	s9 =	smul.u32 $0xF7A, s1;
	s8 =	simm.s32 @!p0 $0x1BF5;
	p2 =	por !p2, p0  }
0x20: {  	[sflag:s8] =	ssyncset.s32 @!p0 $0xFFFFF086;
	s6 =	sadd.s32 @!p0 s3, s7;
	s7 =	simm.s32 @!p0 $0x108  }
0x21: {  	s3 =	sadd.s32 s3, s9;
	s6 =	sadd.s32 @!p0 $0x88, s6;
	s7 =	simm.s32 @p2 $0x1082  }
0x22: {  	[simem:s7], [sflag:s8] =	dma.local @!p0 [hbm:s6], $0xF7A  }
0x23: {  	s9 =	sor.u32 $0xD0000000, s2;
	s6 =	simm.s32 $0x108;
	_ =	swait.ge @!p0 [sflag:s8], $0x0  }
0x24: {  	s3 =	sadd.s32 $0x88, s3;
	s6 =	simm.s32 @!p1 $0x1082;
	[sflag:s4] =	ssyncset.s32 $0xFFFFF086  }
0x25: {  	[simem:s6], [sflag:s4] =	dma.local [hbm:s3], $0xF7A  }
0x26: {  	[smem:$0x3F8E] =	sst s1;
	(tag) =	ssettag s2;
	_ =	strace s9  }
0x27: {  	s1 =	sld [smem:$0x3F9E]  }
0x28: {  	s2 =	sld [smem:$0x3F9F]  }
0x29: {  	s4 =	sld [smem:$0x3FA1]  }
0x2a: {  	p0 =	seq.s32 s5, $0x0;
	s5 =	sld [smem:$0x3FA2]  }
0x2b: {  	s6 =	sld [smem:$0x3FA3]  }
0x2c: {  	s7 =	sld [smem:$0x3FA4]  }
0x2d: {  	s3 =	simm.s32 $0x108;
	s8 =	sld [smem:$0x3FA5]  }
0x2e: {  	s3 =	simm.s32 @!p0 $0x1082;
	s9 =	sld [smem:$0x3FA6]  }
0x2f: {  	lr =	sadd.s32 s0, s3;
	s0 =	sld [smem:$0x3F9D]  }
0x30: {  	s3 =	sld [smem:$0x3FA0]  }
0x31: {  	[smem:$0x3FA9] =	sst s10  }
0x32: {  	s10 =	sld [smem:$0x3FA7];
	_ =	sdelay $0x3  }
0x33: {  	p0 =	seq.s32 s10, $0x1;
	s10 =	sld [smem:$0x3FA9];
	_ =	sdelay $0x3  }
0x34: {  	[smem:$0x3FA9] =	sst s10  }
0x35: {  	s10 =	sld [smem:$0x3FA8];
	_ =	sdelay $0x3  }
0x36: {  	p1 =	seq.s32 s10, $0x1;
	s10 =	sld [smem:$0x3FA9];
	_ =	sdelay $0x3  }
0x37: {  	[smem:$0x3FA9] =	sst s10  }
0x38: {  	s10 =	sld [smem:$0x3FAA]  }
0x39: {  	_ = 	snop;
	(pc) =	sbr.ind lr, $3  }
0x3a: {  	_ = 	snop  }
0x3b: {  	_ = 	snop  }
0x3c: {  	p2 =	seq.s32 s10, $0x1;
	s10 =	sld [smem:$0x3FA9]  }
0x3d: {  	_ =	shalt  }
0x3e: {  	_ =	shalt  }
0x3f: {  	_ =	shalt  }
0x40: {  	_ =	shalt  }
0x41: {  	_ =	shalt  }
0x42: {  	_ =	shalt  }
0x43: {  	_ =	shalt  }
0x44: {  	_ =	shalt  }
0x45: {  	_ =	shalt  }
0x46: {  	_ =	shalt  }
0x47: {  	_ =	shalt  }
0x48: {  	_ =	shalt  }
0x49: {  	_ =	shalt  }
0x4a: {  	_ =	shalt  }
0x4b: {  	_ =	shalt  }
0x4c: {  	_ =	shalt  }
0x4d: {  	_ =	shalt  }
0x4e: {  	_ =	shalt  }
0x4f: {  	_ =	shalt  }
0x50: {  	_ =	shalt  }
0x51: {  	_ =	shalt  }
0x52: {  	_ =	shalt  }
0x53: {  	_ =	shalt  }
0x54: {  	_ =	shalt  }
0x55: {  	_ =	shalt  }
0x56: {  	_ =	shalt  }
0x57: {  	_ =	shalt  }
0x58: {  	_ =	shalt  }
0x59: {  	_ =	shalt  }
0x5a: {  	_ =	shalt  }
0x5b: {  	_ =	shalt  }
0x5c: {  	_ =	shalt  }
0x5d: {  	_ =	shalt  }
0x5e: {  	_ =	shalt  }
0x5f: {  	_ =	shalt  }
0x60: {  	_ =	shalt  }
0x61: {  	_ =	shalt  }
0x62: {  	_ =	shalt  }
0x63: {  	_ =	shalt  }
0x64: {  	_ =	shalt  }
0x65: {  	_ =	shalt  }
0x66: {  	_ =	shalt  }
0x67: {  	_ =	shalt  }
0x68: {  	_ =	shalt  }
0x69: {  	_ =	shalt  }
0x6a: {  	_ =	shalt  }
0x6b: {  	_ =	shalt  }
0x6c: {  	_ =	shalt  }
0x6d: {  	_ =	shalt  }
0x6e: {  	_ =	shalt  }
0x6f: {  	_ =	shalt  }
0x70: {  	_ =	shalt  }
0x71: {  	_ =	shalt  }
0x72: {  	_ =	shalt  }
0x73: {  	_ =	shalt  }
0x74: {  	_ =	shalt  }
0x75: {  	_ =	shalt  }
0x76: {  	_ =	shalt  }
0x77: {  	_ =	shalt  }
0x78: {  	_ =	shalt  }
0x79: {  	_ =	shalt  }
0x7a: {  	_ =	shalt  }
0x7b: {  	_ =	shalt  }
0x7c: {  	_ =	shalt  }
0x7d: {  	_ =	shalt  }
0x7e: {  	_ =	shalt  }
0x7f: {  	_ =	shalt  }
0x80: {  	_ =	shalt  }
0x81: {  	_ =	shalt  }
0x82: {  	_ =	shalt  }
0x83: {  	_ =	shalt  }
0x84: {  	_ =	shalt  }
0x85: {  	_ =	shalt  }
0x86: {  	_ =	shalt  }
0x87: {  	_ =	shalt  }
.Lfunc_end0:
.L_simem_size_0:
called_computation_lowered:
.L_overlay_start_0:
0x88: {  	s2 =	sld [smem:$0x3FD9]  }
0x89: {  	s3 =	sld [smem:$0x3FFE];
	_ =	sdelay $0x1  }
0x8a: {  	s1 =	srdreg.scid  }
0x8b: {  	s0 =	sand.u32 $0x1, s1  }
0x8c: {  	s16 =	sshll.u32 s0, $0xA;
	s2 =	sadd.s32 s3, s2  }
0x8d: {  	s2 =	sadd.s32 s2, s16  }
0x8e: {  	[smem:$0x3FB5] =	sst s2  }
0x8f: {  	_ = 	snop  }
0x90: {  	(tm) =	ssettm $0x1  }
0x91: {  	s17 =	sld [smem:$0x3FFB];
	_ =	sdelay $0x3  }
0x92: {  	_ =	strace s17  }
0x93: {  	s2 =	sld [smem:$0x3FFC];
	_ =	sdelay $0x3  }
0x94: {  	_ =	strace s2  }
0x95: {  	s2 =	sld [smem:$0x3FFD];
	_ =	sdelay $0x3  }
0x96: {  	_ =	strace s2  }
0x97: {  	_ =	strace $0x8FFFFFFF  }
0x98: {  	s18 =	sld [smem:$0x3FDB];
	_ =	sdelay $0x1  }
0x99: {  	s19 =	simm.s32 $_scs_section_size  }
0x9a: {  	s4 =	simm.s32 $_size__tile_overlayer_lowered;
	s5 =	simm.s32 $_tile_overlayer_lowered  }
0x9b: {  	s22 =	simm.s32 $0x1BFF;
	s21 =	sshll.u32 s5, $0x1;
	s2 =	sadd.s32 s19, s18  }
0x9c: {  	s6 =	simm.s32 $0x0;
	s20 =	sshll.u32 s4, $0x1;
	s4 =	sadd.s32 s21, s2  }
0x9d: {  	[timem:s6], [sflag:s22] =	dma.local [hbm:s4], s20  }
0x9e: {  	_ =	swait.ge [sflag:s22], s20  }
0x9f: {  	s3 =	ssub.s32 $0x0, s20;
	[sflag:s22] =	ssyncset.done $0x0  }
0xa0: {  	[sflag:s22] =	ssyncadd.s32 s3;
	_ =	sdelay $0x1  }
0xa1: {  	s23 =	simm.s32 $0x1B8B  }
0xa2: {  	_ =	swait.ge [sflag:s23], $0x1  }
0xa3: {  	[sflag:s23] =	ssyncset.done $0x0  }
0xa4: {  	s25 =	simm.s32 $0x1B8E;
	s24 =	sld [smem:$0x3FFE];
	[sflag:s23] =	ssyncadd.s32 $0xFFFFFFFF  }
0xa5: {  	s26 =	simm.s32 $execute0_lowered;
	[smem:$0x3FD2] =	sst s25  }
0xa6: {  	s4 =	sshll.u32 s26, $0x1;
	_ =	strace $0x80000046;
	[dreg:$0x1] =	wrdreg $0xFFFFFFFF  }
0xa7: {  	s28 =	simm.s32 $_size_execute0_lowered;
	s2 =	sadd.s32 s2, s4;
	[dreg:$0x0] =	wrdreg $0x0  }
0xa8: {  	s4 =	sshll.u32 s28, $0x1;
	[dreg:$0x2] =	wrdreg s2  }
0xa9: {  	[dreg:$0x3] =	wrdreg s4  }
0xaa: {  	[dreg:$0x4] =	wrdreg $0xC0  }
0xab: {  	_ =	task [dreg:s6], $0x5FFFF  }
0xac: {  	[dreg:$0x1] =	wrdreg $0xFFFFFFFF  }
0xad: {  	[dreg:$0x0] =	wrdreg $0x60  }
0xae: {  	[dreg:$0x2] =	wrdreg s24  }
0xaf: {  	[dreg:$0x3] =	wrdreg $0x54800  }
0xb0: {  	[dreg:$0x4] =	wrdreg $0x9  }
0xb1: {  	_ =	task.clear_ibuf [dreg:s6], $0x5FFFF;
	_ =	strace $0x90000046  }
0xb2: {  	s29 =	simm.s32 $0x9;
	_ =	strace $0x80000048  }
0xb3: {  	_ =	swait.ge [sflag:s29], $0x1  }
0xb4: {  	[sflag:s29] =	ssyncadd.s32 $0xFFFFFFFF  }
0xb5: {  	_ =	strace $0x90000048  }
0xb6: {  	_ =	sfence  }
0xb7: {  	s30 =	sld [smem:$0x0];
	_ =	sdelay $0x2  }
0xb8: {  	s31 =	sshll.u32 s1, $0xD;
	s1 =	sshrl.u32 s1, $0x2  }
0xb9: {  	s3 =	sand.u32 $0x4000, s31;
	s1 =	sadd.s32 s1, s30  }
0xba: {  	s0 =	sor.u32 s3, s0;
	s1 =	sshll.u32 s1, $0x11  }
0xbb: {  	s0 =	sor.u32 s1, s0  }
0xbc: {  	s0 =	sadd.s32 $0x8F2B, s0  }
0xbd: {  	[sflag:s0] =	ssyncadd.remote.s32 $0x1  }
0xbe: {  	_ =	sfence.sel $0xFFFF  }
0xbf: {  	[dreg:$0x0] =	wrdreg $0xFFFFFFFF;
	(pc) =	sbr.abs _section_cstart, $3  }
0xc0: {  	[dreg:$0x1] =	wrdreg $0xFFFFFFFF  }
0xc1: {  	_ =	task.clear_ibuf [dreg:s6], $0x2FFFF;
	_ =	strace $0x9FFFFFFF  }
0xc2: {  	(tm) =	ssettm $0x7FFFFFFF  }
0xc3: {  	_ =	shalt  }
tec
execute0_lowered:
.L_overlay_start_1:
0x0: {  	(tag) =	ssettag $0x1  }
0x1: {  	s4 =	rddreg [dreg:$0x0]  }
0x2: {  	s2 =	rddreg [dreg:$0x1];
	s3 =	srdreg.scid  }
0x3: {  	s1 =	stileid.u32;
	s0 =	rddreg [dreg:$0x2];
	s10 =	simm.s32 $0x50  }
0x4: {  	s11 =	simm.s32 $0x2800;
	s14 =	simm.s32 $0x0;
	s5 =	sand.u32 $0x1, s3  }
0x5: {  	s6 =	smul.u32 $0x2780, s1;
	s3 =	simm.s32 $0x0;
	s12 =	sshll.u32 s1, $0x6  }
0x6: {  	s7 =	sshll.u32 s5, $0x4;
	s8 =	smul.u32 $0x27800, s5;
	[smem:$0x7FF] =	sst s3  }
0x7: {  	s5 =	ssub.s32 $0x2, s5;
	s12 =	sor.u32 $0x1C01, s12;
	s7 =	sor.u32 s1, s7  }
0x8: {  	s9 =	sshrl.u32 s5, $0x1;
	s7 =	smul.u32 $0x500, s7;
	s8 =	sadd.s32 s6, s8  }
0x9: {  	_ =	strace $0x80000047;
	s9 =	ssub.s32 s5, s9;
	s8 =	sshrl.u32 s8, $0x3  }
0xa: {  	s5 =	sadd.s32 s6, s2;
	s7 =	sadd.s32 s7, s4;
	s8 =	sadd.s32 s8, s4  }
0xb: {  	s13 =	sshrl.u32 s5, $0x3;
	s4 =	sadd.s32 $0x4800, s7;
	s6 =	sadd.s32 $0xE800, s8  }
0xc: {  	v0 =	vimm.f32 $1.000000000e+00;
	v1 =	vimm.f32 $0.0e+00;
	s7 =	smax.u32 s9, $0x1;
	s8 =	simm.s32 $0x1;
	s9 =	simm.s32 $0x2D00  }
.LBB2_1:
0xd: {  	[tilespmem:s3], [sflag:$0x1] =	stream.linear.gather [hbm4b:s4+s3], $0x2800, $0x38;
	[tilespmem:$0x7C00] =	vst v63  }
0xe: {  	_ =	swait.ge [sflag:s8], $0x2800  }
0xf: {  	[sflag:s8] =	ssyncset.done $0x0  }
0x10: {  	s15 =	simm.s32 $0x0;
	[sflag:s8] =	ssyncadd.s32 $0xFFFFD800  }
.LBB2_2:
0x11: {  	p0 =	sne.s32 s15, $0x13C0  }
.Ltmp0:
0x12: {  	_ = 	snop;
	(pc) =	sbr.rel @p0 .LBB2_2-.Ltmp0, $3  }
0x13: {  	_ =	sdelay $0x1  }
0x14: {  	s16 =	sshra.s32 s15, $0x2  }
0x15: {  	s15 =	sadd.s32 $0x40, s15;
	[tilespmem:s16+$0x2800] =	vst v0  }
0x16: {  	s15 =	simm.s32 $0x40;
	s16 =	simm.s32 $0x0  }
.LBB2_4:
0x17: {  	p0 =	sne.s32 s15, $0x9DC0;
	[tilespmem:s16+$0x2D00] =	vst v1;
	s16 =	smov.u32 s15;
	s15 =	sadd.s32 $0x40, s15  }
.Ltmp1:
0x18: {  	(pc) =	sbr.rel @p0 .LBB2_4-.Ltmp1, $2  }
0x19: {  	_ =	sdelay $0x2  }
0x1a: {  	s16 =	sshra.s32 s16, $0x2  }
0x1b: {  	[tilespmem:s16+$0x2D00] =	vst v1  }
0x1c: {  	[spmem:s5] =	stream.linear.scatter [tilespmem:s9], [sflag:$0x1], $0x2780, $0x38;
	[tilespmem:$0x7C00] =	vst v63  }
0x1d: {  	_ =	swait.ge [sflag:s8], $0x2780  }
0x1e: {  	[sflag:s8] =	ssyncset.done $0x0  }
0x1f: {  	[sflag:s8] =	ssyncadd.s32 $0xFFFFD880  }
0x20: {  	s15 =	simm.s32 $0x0;
	[bflag:$0x0] =	sbarrier.arrive $0xFFFF  }
0x21: {  	[spmem:s2] =	stream.indirect.scatter.add.f32 [tilespmem:s11], [sflag:$0x1], $0x10, s15, s10, $0xb8;
	[tilespmem:$0x7C00] =	vst v63  }
0x22: {  	_ =	swait.ge [sflag:s8], $0x500  }
0x23: {  	s15 =	simm.s32 $0x140;
	[sflag:s8] =	ssyncset.done $0x0  }
.LBB2_6:
0x24: {  	s16 =	sshra.s32 s15, $0x2;
	[sflag:s8] =	ssyncadd.s32 $0xFFFFFB00;
	p0 =	sne.s32 s15, $0x9EC0  }
0x25: {  	[spmem:s2] =	stream.indirect.scatter.add.f32 [tilespmem:s11], [sflag:$0x1], $0x10, s16, s10, $0xb8;
	[tilespmem:$0x7C00] =	vst v63  }
.Ltmp2:
0x26: {  	_ = 	snop;
	(pc) =	sbr.rel @p0 .LBB2_6-.Ltmp2, $4  }
0x27: {  	_ = 	snop  }
0x28: {  	s15 =	sadd.s32 $0x140, s15  }
0x29: {  	_ =	swait.ge [sflag:s8], $0x500  }
0x2a: {  	[sflag:s8] =	ssyncset.done $0x0  }
0x2b: {  	s14 =	sadd.s32 $0x1, s14  }
0x2c: {  	[sflag:s8] =	ssyncadd.s32 $0xFFFFFB00;
	p0 =	sne.s32 s14, s7  }
.Ltmp3:
0x2d: {  	[bflag:$0x0] =	sbarrier.arrive $0xFFFF;
	(pc) =	sbr.rel @p0 .LBB2_1-.Ltmp3, $4  }
0x2e: {  	[hbm:s6], [sflag:s12] =	dma.local [spmem:s13], $0x4F0  }
0x2f: {  	_ =	swait.ge [sflag:s8], $0x4F0  }
0x30: {  	[sflag:s8] =	ssyncset.done $0x0  }
0x31: {  	[sflag:s8] =	ssyncadd.s32 $0xFFFFFB10  }
0x32: {  	_ =	sfence.sel $0x180000  }
0x33: {  	[bflag:$0x0] =	sbarrier.arrive $0xFFFF  }
0x34: {  	p0 =	sne.s32 s1, $0x0;
	_ =	strace $0x90000047  }
0x35: {  	s0 =	sadd.s32 @!p0 $0x100000, s0;
	[bflag:$0x2] =	sbarrier.arrive $0xFFFF  }
0x36: {  	[sflag:s0] =	ssyncadd.tile.s32 @!p0 $0x1;
	_ =	shalt  }
.Lfunc_end2:
_tile_overlayer_lowered:
.L_overlay_start_2:
0x37: {  	(tag) =	ssettag $0x2  }
0x38: {  	s0 =	rddreg [dreg:$0x0];
	s2 =	stileid.u32  }
0x39: {  	s1 =	rddreg [dreg:$0x1];
	p0 =	sne.s32 s2, $0x0  }
0x3a: {  	s3 =	rddreg [dreg:$0x2];
	[bflag:$0x3] =	sbarrier.arrive $0xFFFF;
	s2 =	simm.s32 @!p0 $0x1C01  }
0x3b: {  	[timem:s3], [sflag:s2] =	dma.local @!p0 [hbm:s0], s1  }
0x3c: {  	s0 =	simm.s32 @!p0 $0x1  }
0x3d: {  	_ =	swait.ge @!p0 [sflag:s0], s1  }
0x3e: {  	s1 =	ssub.s32 @!p0 $0x0, s1;
	[sflag:s0] =	ssyncset.done @!p0 $0x0  }
0x3f: {  	[sflag:s0] =	ssyncadd.s32 @!p0 s1  }
0x40: {  	[bflag:$0x3] =	sbarrier.arrive $0xFFFF  }
0x41: {  	_ =	shalt  }

// kernel: kernel.19.cloned.1.call-start
scs
__scs_entry_jumppad:
0x0: {  	(pc) =	sbr.rel $0x88, $3  }
0x1: {  	(tag) =	ssettag $0x0;
	lr =	simm.s32 $0x1  }
0x2: {  	[smem:$0x3F8E] =	sst lr;
	_ =	strace $0xD0000000  }
0x3: {  	_ = 	snop  }
0x4: {  	_ = 	snop  }
0x5: {  	_ = 	snop  }
0x6: {  	_ = 	snop  }
0x7: {  	_ = 	snop  }
__scs_overlays_trampoline_lowered:
0x8: {  	[smem:$0x3F9D] =	sst s0  }
0x9: {  	[smem:$0x3F9E] =	sst s1  }
0xa: {  	[smem:$0x3F9F] =	sst s2  }
0xb: {  	[smem:$0x3FA0] =	sst s3  }
0xc: {  	[smem:$0x3FA1] =	sst s4  }
0xd: {  	[smem:$0x3FA2] =	sst s5  }
0xe: {  	[smem:$0x3FA3] =	sst s6  }
0xf: {  	[smem:$0x3FA4] =	sst s7  }
0x10: {  	[smem:$0x3FA5] =	sst s8  }
0x11: {  	[smem:$0x3FA6] =	sst s9;
	s0 =	simm.s32 @!p0 $0x0  }
0x12: {  	s1 =	sld [smem:$0x3F8C];
	s0 =	simm.s32 @p0 $0x1  }
0x13: {  	[smem:$0x3FA7] =	sst s0;
	s0 =	simm.s32 @!p1 $0x0  }
0x14: {  	s2 =	sld [smem:$0x3F8B];
	s0 =	simm.s32 @p1 $0x1  }
0x15: {  	[smem:$0x3FA8] =	sst s0;
	s0 =	simm.s32 @!p2 $0x0  }
0x16: {  	s3 =	sld [smem:$0x3FDB];
	s0 =	simm.s32 @p2 $0x1  }
0x17: {  	s4 =	simm.s32 $0x1BF5;
	[smem:$0x3FAA] =	sst s0  }
0x18: {  	s0 =	sld [smem:$0x3F8D];
	_ =	swait.ge [sflag:s4], $0x0  }
0x19: {  	s7 =	sld [smem:$0x3F8E]  }
0x1a: {  	s8 =	sadd.s32 $0xFFFFE003, lr  }
0x1b: {  	s9 =	sadd.s32 $0xFFFFFEF7, lr;
	s5 =	simm.s32 $0xFFFFFFFF;
	p2 =	slt.u32 s8, $0xFFFFF086  }
0x1c: {  	p1 =	slt.u32 s9, $0xF7A;
	s5 =	simm.s32 @!p2 $0x0  }
0x1d: {  	s5 =	simm.s32 @p1 $0x1;
	p0 =	seq.s32 s7, s2  }
0x1e: {  	s7 =	smul.u32 @!p0 $0xF7A, s2;
	p2 =	seq.s32 @!p0 s5, $0x0  }
0x1f: {  	s9 =	smul.u32 $0xF7A, s1;
	s8 =	simm.s32 @!p0 $0x1BF5;
	p2 =	por !p2, p0  }
0x20: {  	[sflag:s8] =	ssyncset.s32 @!p0 $0xFFFFF086;
	s6 =	sadd.s32 @!p0 s3, s7;
	s7 =	simm.s32 @!p0 $0x108  }
0x21: {  	s3 =	sadd.s32 s3, s9;
	s6 =	sadd.s32 @!p0 $0x88, s6;
	s7 =	simm.s32 @p2 $0x1082  }
0x22: {  	[simem:s7], [sflag:s8] =	dma.local @!p0 [hbm:s6], $0xF7A  }
0x23: {  	s9 =	sor.u32 $0xD0000000, s2;
	s6 =	simm.s32 $0x108;
	_ =	swait.ge @!p0 [sflag:s8], $0x0  }
0x24: {  	s3 =	sadd.s32 $0x88, s3;
	s6 =	simm.s32 @!p1 $0x1082;
	[sflag:s4] =	ssyncset.s32 $0xFFFFF086  }
0x25: {  	[simem:s6], [sflag:s4] =	dma.local [hbm:s3], $0xF7A  }
0x26: {  	[smem:$0x3F8E] =	sst s1;
	(tag) =	ssettag s2;
	_ =	strace s9  }
0x27: {  	s1 =	sld [smem:$0x3F9E]  }
0x28: {  	s2 =	sld [smem:$0x3F9F]  }
0x29: {  	s4 =	sld [smem:$0x3FA1]  }
0x2a: {  	p0 =	seq.s32 s5, $0x0;
	s5 =	sld [smem:$0x3FA2]  }
0x2b: {  	s6 =	sld [smem:$0x3FA3]  }
0x2c: {  	s7 =	sld [smem:$0x3FA4]  }
0x2d: {  	s3 =	simm.s32 $0x108;
	s8 =	sld [smem:$0x3FA5]  }
0x2e: {  	s3 =	simm.s32 @!p0 $0x1082;
	s9 =	sld [smem:$0x3FA6]  }
0x2f: {  	lr =	sadd.s32 s0, s3;
	s0 =	sld [smem:$0x3F9D]  }
0x30: {  	s3 =	sld [smem:$0x3FA0]  }
0x31: {  	[smem:$0x3FA9] =	sst s10  }
0x32: {  	s10 =	sld [smem:$0x3FA7];
	_ =	sdelay $0x3  }
0x33: {  	p0 =	seq.s32 s10, $0x1;
	s10 =	sld [smem:$0x3FA9];
	_ =	sdelay $0x3  }
0x34: {  	[smem:$0x3FA9] =	sst s10  }
0x35: {  	s10 =	sld [smem:$0x3FA8];
	_ =	sdelay $0x3  }
0x36: {  	p1 =	seq.s32 s10, $0x1;
	s10 =	sld [smem:$0x3FA9];
	_ =	sdelay $0x3  }
0x37: {  	[smem:$0x3FA9] =	sst s10  }
0x38: {  	s10 =	sld [smem:$0x3FAA]  }
0x39: {  	_ = 	snop;
	(pc) =	sbr.ind lr, $3  }
0x3a: {  	_ = 	snop  }
0x3b: {  	_ = 	snop  }
0x3c: {  	p2 =	seq.s32 s10, $0x1;
	s10 =	sld [smem:$0x3FA9]  }
0x3d: {  	_ =	shalt  }
0x3e: {  	_ =	shalt  }
0x3f: {  	_ =	shalt  }
0x40: {  	_ =	shalt  }
0x41: {  	_ =	shalt  }
0x42: {  	_ =	shalt  }
0x43: {  	_ =	shalt  }
0x44: {  	_ =	shalt  }
0x45: {  	_ =	shalt  }
0x46: {  	_ =	shalt  }
0x47: {  	_ =	shalt  }
0x48: {  	_ =	shalt  }
0x49: {  	_ =	shalt  }
0x4a: {  	_ =	shalt  }
0x4b: {  	_ =	shalt  }
0x4c: {  	_ =	shalt  }
0x4d: {  	_ =	shalt  }
0x4e: {  	_ =	shalt  }
0x4f: {  	_ =	shalt  }
0x50: {  	_ =	shalt  }
0x51: {  	_ =	shalt  }
0x52: {  	_ =	shalt  }
0x53: {  	_ =	shalt  }
0x54: {  	_ =	shalt  }
0x55: {  	_ =	shalt  }
0x56: {  	_ =	shalt  }
0x57: {  	_ =	shalt  }
0x58: {  	_ =	shalt  }
0x59: {  	_ =	shalt  }
0x5a: {  	_ =	shalt  }
0x5b: {  	_ =	shalt  }
0x5c: {  	_ =	shalt  }
0x5d: {  	_ =	shalt  }
0x5e: {  	_ =	shalt  }
0x5f: {  	_ =	shalt  }
0x60: {  	_ =	shalt  }
0x61: {  	_ =	shalt  }
0x62: {  	_ =	shalt  }
0x63: {  	_ =	shalt  }
0x64: {  	_ =	shalt  }
0x65: {  	_ =	shalt  }
0x66: {  	_ =	shalt  }
0x67: {  	_ =	shalt  }
0x68: {  	_ =	shalt  }
0x69: {  	_ =	shalt  }
0x6a: {  	_ =	shalt  }
0x6b: {  	_ =	shalt  }
0x6c: {  	_ =	shalt  }
0x6d: {  	_ =	shalt  }
0x6e: {  	_ =	shalt  }
0x6f: {  	_ =	shalt  }
0x70: {  	_ =	shalt  }
0x71: {  	_ =	shalt  }
0x72: {  	_ =	shalt  }
0x73: {  	_ =	shalt  }
0x74: {  	_ =	shalt  }
0x75: {  	_ =	shalt  }
0x76: {  	_ =	shalt  }
0x77: {  	_ =	shalt  }
0x78: {  	_ =	shalt  }
0x79: {  	_ =	shalt  }
0x7a: {  	_ =	shalt  }
0x7b: {  	_ =	shalt  }
0x7c: {  	_ =	shalt  }
0x7d: {  	_ =	shalt  }
0x7e: {  	_ =	shalt  }
0x7f: {  	_ =	shalt  }
0x80: {  	_ =	shalt  }
0x81: {  	_ =	shalt  }
0x82: {  	_ =	shalt  }
0x83: {  	_ =	shalt  }
0x84: {  	_ =	shalt  }
0x85: {  	_ =	shalt  }
0x86: {  	_ =	shalt  }
0x87: {  	_ =	shalt  }
.Lfunc_end0:
.L_simem_size_0:
called_computation.1_lowered:
.L_overlay_start_0:
0x88: {  	s2 =	sld [smem:$0x3FD9]  }
0x89: {  	s3 =	sld [smem:$0x3FFE];
	_ =	sdelay $0x1  }
0x8a: {  	s1 =	srdreg.scid  }
0x8b: {  	s0 =	sand.u32 $0x1, s1  }
0x8c: {  	s16 =	sshll.u32 s0, $0xA;
	s2 =	sadd.s32 s3, s2  }
0x8d: {  	s2 =	sadd.s32 s2, s16  }
0x8e: {  	[smem:$0x3FB5] =	sst s2  }
0x8f: {  	_ = 	snop  }
0x90: {  	(tm) =	ssettm $0x1  }
0x91: {  	s17 =	sld [smem:$0x3FFB];
	_ =	sdelay $0x3  }
0x92: {  	_ =	strace s17  }
0x93: {  	s2 =	sld [smem:$0x3FFC];
	_ =	sdelay $0x3  }
0x94: {  	_ =	strace s2  }
0x95: {  	s2 =	sld [smem:$0x3FFD];
	_ =	sdelay $0x3  }
0x96: {  	_ =	strace s2  }
0x97: {  	_ =	strace $0x8FFFFFFF  }
0x98: {  	s18 =	sld [smem:$0x3FDB];
	_ =	sdelay $0x1  }
0x99: {  	s19 =	simm.s32 $_scs_section_size  }
0x9a: {  	s4 =	simm.s32 $_size__tile_overlayer_lowered;
	s5 =	simm.s32 $_tile_overlayer_lowered  }
0x9b: {  	s22 =	simm.s32 $0x1BFF;
	s21 =	sshll.u32 s5, $0x1;
	s2 =	sadd.s32 s19, s18  }
0x9c: {  	s6 =	simm.s32 $0x0;
	s20 =	sshll.u32 s4, $0x1;
	s4 =	sadd.s32 s21, s2  }
0x9d: {  	[timem:s6], [sflag:s22] =	dma.local [hbm:s4], s20  }
0x9e: {  	_ =	swait.ge [sflag:s22], s20  }
0x9f: {  	s3 =	ssub.s32 $0x0, s20;
	[sflag:s22] =	ssyncset.done $0x0  }
0xa0: {  	[sflag:s22] =	ssyncadd.s32 s3;
	_ =	sdelay $0x1  }
0xa1: {  	s23 =	simm.s32 $0x1B8B  }
0xa2: {  	_ =	swait.ge [sflag:s23], $0x1  }
0xa3: {  	[sflag:s23] =	ssyncset.done $0x0  }
0xa4: {  	s25 =	simm.s32 $0x1B8E;
	s24 =	sld [smem:$0x3FFE];
	[sflag:s23] =	ssyncadd.s32 $0xFFFFFFFF  }
0xa5: {  	s26 =	simm.s32 $execute0_lowered;
	[smem:$0x3FD2] =	sst s25  }
0xa6: {  	s4 =	sshll.u32 s26, $0x1;
	_ =	strace $0x80000049;
	[dreg:$0x1] =	wrdreg $0xFFFFFFFF  }
0xa7: {  	s28 =	simm.s32 $_size_execute0_lowered;
	s2 =	sadd.s32 s2, s4;
	[dreg:$0x0] =	wrdreg $0x0  }
0xa8: {  	s4 =	sshll.u32 s28, $0x1;
	[dreg:$0x2] =	wrdreg s2  }
0xa9: {  	[dreg:$0x3] =	wrdreg s4  }
0xaa: {  	[dreg:$0x4] =	wrdreg $0xC0  }
0xab: {  	_ =	task [dreg:s6], $0x5FFFF  }
0xac: {  	[dreg:$0x1] =	wrdreg $0xFFFFFFFF  }
0xad: {  	[dreg:$0x0] =	wrdreg $0x60  }
0xae: {  	[dreg:$0x2] =	wrdreg s24  }
0xaf: {  	[dreg:$0x3] =	wrdreg $0x116000  }
0xb0: {  	[dreg:$0x4] =	wrdreg $0xC7000  }
0xb1: {  	[dreg:$0x5] =	wrdreg $0x9  }
0xb2: {  	_ =	task.clear_ibuf [dreg:s6], $0x6FFFF;
	_ =	strace $0x90000049  }
0xb3: {  	s29 =	simm.s32 $0x9;
	_ =	strace $0x8000004B  }
0xb4: {  	_ =	swait.ge [sflag:s29], $0x1  }
0xb5: {  	[sflag:s29] =	ssyncadd.s32 $0xFFFFFFFF  }
0xb6: {  	_ =	strace $0x9000004B  }
0xb7: {  	_ =	sfence  }
0xb8: {  	s30 =	sld [smem:$0x0];
	_ =	sdelay $0x2  }
0xb9: {  	s31 =	sshll.u32 s1, $0xD;
	s1 =	sshrl.u32 s1, $0x2  }
0xba: {  	s3 =	sand.u32 $0x4000, s31;
	s1 =	sadd.s32 s1, s30  }
0xbb: {  	s0 =	sor.u32 s3, s0;
	s1 =	sshll.u32 s1, $0x11  }
0xbc: {  	s0 =	sor.u32 s1, s0  }
0xbd: {  	s0 =	sadd.s32 $0x8F2B, s0  }
0xbe: {  	[sflag:s0] =	ssyncadd.remote.s32 $0x1  }
0xbf: {  	_ =	sfence.sel $0xFFFF  }
0xc0: {  	[dreg:$0x0] =	wrdreg $0xFFFFFFFF;
	(pc) =	sbr.abs _section_cstart, $3  }
0xc1: {  	[dreg:$0x1] =	wrdreg $0xFFFFFFFF  }
0xc2: {  	_ =	task.clear_ibuf [dreg:s6], $0x2FFFF;
	_ =	strace $0x9FFFFFFF  }
0xc3: {  	(tm) =	ssettm $0x7FFFFFFF  }
tec
execute0_lowered:
.L_overlay_start_1:
0x0: {  	(tag) =	ssettag $0x1  }
0x1: {  	s0 =	rddreg [dreg:$0x0]  }
0x2: {  	s2 =	rddreg [dreg:$0x1]  }
0x3: {  	s3 =	rddreg [dreg:$0x2];
	s11 =	stileid.u32  }
0x4: {  	s5 =	srdreg.scid;
	s4 =	simm.s32 $0x0;
	s16 =	simm.s32 $0x50  }
0x5: {  	s17 =	simm.s32 $0x5000;
	s18 =	simm.s32 $0x5A00;
	s20 =	simm.s32 $0x6400  }
0x6: {  	s21 =	simm.s32 $0x6E00;
	s22 =	simm.s32 $0x1;
	s23 =	simm.s32 $0x2  }
0x7: {  	s24 =	simm.s32 $0x3;
	s28 =	simm.s32 $0x4EC0;
	s29 =	simm.s32 $0x4F10  }
0x8: {  	s30 =	simm.s32 $0x4F60;
	s31 =	simm.s32 $0x4FB0;
	s1 =	smul.u32 $0x4E20, s11  }
0x9: {  	s5 =	sand.u32 $0x1, s5;
	s8 =	smul.u32 $0x4F00, s11;
	[smem:$0x7FF] =	sst s4  }
0xa: {  	s26 =	sshll.u32 s11, $0x6;
	s6 =	sshll.u32 s5, $0x4;
	s7 =	smul.u32 $0x4F000, s5  }
0xb: {  	_ =	strace $0x8000004A;
	s5 =	ssub.s32 $0x2, s5;
	s13 =	sor.u32 $0x1C05, s26  }
0xc: {  	s6 =	sor.u32 s11, s6;
	s9 =	sshrl.u32 s1, $0x3;
	s25 =	sshrl.u32 s5, $0x1  }
0xd: {  	s1 =	sadd.s32 s1, s2;
	s11 =	simm.s32 $0x5;
	s6 =	smul.u32 $0x500, s6  }
0xe: {  	s7 =	sadd.s32 s8, s7;
	s9 =	sadd.s32 s9, s0;
	s10 =	ssub.s32 s5, s25  }
0xf: {  	s8 =	sadd.s32 s8, s3;
	s14 =	sshrl.u32 s1, $0x3;
	s25 =	simm.s32 $0x4  }
0x10: {  	s7 =	sshrl.u32 s7, $0x3;
	s10 =	smax.u32 s10, $0x1;
	s6 =	sadd.s32 s6, s0  }
0x11: {  	s0 =	sadd.s32 s7, s0;
	s7 =	sadd.s32 $0xE800, s9;
	s5 =	sadd.s32 $0x18600, s6  }
0x12: {  	v0 =	vimm.f32 $0.0e+00;
	s6 =	sadd.s32 $0x4800, s6;
	s9 =	sadd.s32 $0x49800, s0;
	s0 =	simm.s32 $0x0  }
.LBB2_1:
0x13: {  	[tilespmem:s4], [sflag:$0x5] =	stream.linear.gather [hbm4b:s5+s4], $0x2800, $0x38;
	[tilespmem:$0x16420] =	vst v63  }
0x14: {  	_ =	swait.ge [sflag:s11], $0x2800  }
0x15: {  	[sflag:s11] =	ssyncset.done $0x0  }
0x16: {  	s1 =	simm.s32 $0x2800;
	[sflag:s11] =	ssyncadd.s32 $0xFFFFD800  }
0x17: {  	[tilespmem:s1], [sflag:$0x5] =	stream.linear.gather [hbm4b:s6+s4], $0x2800, $0x38;
	[tilespmem:$0x16420] =	vst v63  }
0x18: {  	_ =	swait.ge [sflag:s11], $0x2800  }
0x19: {  	[sflag:s11] =	ssyncset.done $0x0  }
0x1a: {  	[sflag:s11] =	ssyncadd.s32 $0xFFFFD800  }
0x1b: {  	[spmem:s14], [sflag:s13] =	dma.local [hbm:s7], $0x9C4  }
0x1c: {  	_ =	swait.ge [sflag:s11], $0x9C4  }
0x1d: {  	[sflag:s11] =	ssyncset.done $0x0  }
0x1e: {  	s12 =	simm.s32 $0x0;
	s1 =	simm.s32 $0x80;
	[sflag:s11] =	ssyncadd.s32 $0xFFFFF63C  }
.LBB2_2:
0x1f: {  	p0 =	sne.s32 s1, $0x13B80;
	[tilespmem:s12+$0x7800] =	vst v0;
	s15 =	smov.u32 s1;
	s1 =	sadd.s32 $0x80, s1  }
.Ltmp0:
0x20: {  	[tilespmem:s12+$0x7810] =	vst v0;
	(pc) =	sbr.rel @p0 .LBB2_2-.Ltmp0, $2  }
0x21: {  	_ =	sdelay $0x2  }
0x22: {  	s12 =	sshra.s32 s15, $0x2  }
0x23: {  	[tilespmem:s12+$0x7800] =	vst v0  }
0x24: {  	[tilespmem:s12+$0x7810] =	vst v0;
	s1 =	simm.s32 $0x7800  }
0x25: {  	[spmem:s8] =	stream.linear.scatter [tilespmem:s1], [sflag:$0x5], $0x4F00, $0x38;
	[tilespmem:$0x16420] =	vst v63  }
0x26: {  	_ =	swait.ge [sflag:s11], $0x4F00  }
0x27: {  	[sflag:s11] =	ssyncset.done $0x0  }
0x28: {  	[sflag:s11] =	ssyncadd.s32 $0xFFFFB100  }
0x29: {  	s19 =	simm.s32 $0x0;
	[bflag:$0x0] =	sbarrier.arrive $0xFFFF  }
0x2a: {  	[tilespmem:s17], [sflag:$0x1] =	stream.indirect.gather [spmem:s2], $0x20, s19, s16, $0xb8;
	[tilespmem:$0x16420] =	vst v63  }
0x2b: {  	_ = 	snop  }
0x2c: {  	[tilespmem:s18], [sflag:$0x2] =	stream.indirect.gather [spmem:s2], $0x20, s16, s16, $0xb8;
	[tilespmem:$0x16420] =	vst v63  }
0x2d: {  	s26 =	simm.s32 $0xA0  }
0x2e: {  	[tilespmem:s20], [sflag:$0x3] =	stream.indirect.gather [spmem:s2], $0x20, s26, s16, $0xb8;
	[tilespmem:$0x16420] =	vst v63  }
0x2f: {  	s12 =	simm.s32 $0xF0  }
0x30: {  	[tilespmem:s21], [sflag:$0x4] =	stream.indirect.gather [spmem:s2], $0x20, s12, s16, $0xb8;
	[tilespmem:$0x16420] =	vst v63  }
0x31: {  	_ =	swait.ge [sflag:s22], $0xA00  }
0x32: {  	[sflag:s22] =	ssyncset.done $0x0  }
0x33: {  	s15 =	simm.s32 $0x2800;
	[sflag:s22] =	ssyncadd.s32 $0xFFFFF600  }
0x34: {  	[spmem:s3] =	stream.indirect.scatter.add.f32 [tilespmem:s17], [sflag:$0x5], $0x20, s15, s16, $0xb8;
	[tilespmem:$0x16420] =	vst v63  }
0x35: {  	_ =	swait.ge [sflag:s11], $0xA00  }
0x36: {  	[sflag:s11] =	ssyncset.done $0x0  }
0x37: {  	s19 =	simm.s32 $0x140;
	[sflag:s11] =	ssyncadd.s32 $0xFFFFF600  }
0x38: {  	[tilespmem:s17], [sflag:$0x1] =	stream.indirect.gather [spmem:s2], $0x20, s19, s16, $0xb8;
	[tilespmem:$0x16420] =	vst v63  }
0x39: {  	_ =	swait.ge [sflag:s23], $0xA00  }
0x3a: {  	[sflag:s23] =	ssyncset.done $0x0  }
0x3b: {  	s26 =	simm.s32 $0x2850;
	[sflag:s23] =	ssyncadd.s32 $0xFFFFF600  }
0x3c: {  	[spmem:s3] =	stream.indirect.scatter.add.f32 [tilespmem:s18], [sflag:$0x5], $0x20, s26, s16, $0xb8;
	[tilespmem:$0x16420] =	vst v63  }
0x3d: {  	_ =	swait.ge [sflag:s11], $0xA00  }
0x3e: {  	[sflag:s11] =	ssyncset.done $0x0  }
0x3f: {  	s12 =	simm.s32 $0x190;
	[sflag:s11] =	ssyncadd.s32 $0xFFFFF600  }
0x40: {  	[tilespmem:s18], [sflag:$0x2] =	stream.indirect.gather [spmem:s2], $0x20, s12, s16, $0xb8;
	[tilespmem:$0x16420] =	vst v63  }
0x41: {  	_ =	swait.ge [sflag:s24], $0xA00  }
0x42: {  	[sflag:s24] =	ssyncset.done $0x0  }
0x43: {  	s15 =	simm.s32 $0x28A0;
	[sflag:s24] =	ssyncadd.s32 $0xFFFFF600  }
0x44: {  	[spmem:s3] =	stream.indirect.scatter.add.f32 [tilespmem:s20], [sflag:$0x5], $0x20, s15, s16, $0xb8;
	[tilespmem:$0x16420] =	vst v63  }
0x45: {  	_ =	swait.ge [sflag:s11], $0xA00  }
0x46: {  	[sflag:s11] =	ssyncset.done $0x0  }
0x47: {  	s19 =	simm.s32 $0x1E0;
	[sflag:s11] =	ssyncadd.s32 $0xFFFFF600  }
0x48: {  	[tilespmem:s20], [sflag:$0x3] =	stream.indirect.gather [spmem:s2], $0x20, s19, s16, $0xb8;
	[tilespmem:$0x16420] =	vst v63  }
0x49: {  	_ =	swait.ge [sflag:s25], $0xA00  }
0x4a: {  	[sflag:s25] =	ssyncset.done $0x0  }
0x4b: {  	s26 =	simm.s32 $0x28F0;
	[sflag:s25] =	ssyncadd.s32 $0xFFFFF600  }
0x4c: {  	[spmem:s3] =	stream.indirect.scatter.add.f32 [tilespmem:s21], [sflag:$0x5], $0x20, s26, s16, $0xb8;
	[tilespmem:$0x16420] =	vst v63  }
0x4d: {  	_ =	swait.ge [sflag:s11], $0xA00  }
0x4e: {  	s1 =	simm.s32 $0x140;
	[sflag:s11] =	ssyncset.done $0x0  }
0x4f: {  	s12 =	simm.s32 $0xA00;
	s26 =	simm.s32 $0x230;
	[sflag:s11] =	ssyncadd.s32 $0xFFFFF600  }
.LBB2_4:
0x50: {  	[tilespmem:s21], [sflag:$0x4] =	stream.indirect.gather [spmem:s2], $0x20, s26, s16, $0xb8;
	[tilespmem:$0x16420] =	vst v63  }
0x51: {  	s15 =	smov.u32 s12  }
0x52: {  	s19 =	sadd.s32 $0x500, s12;
	s26 =	sadd.s32 $0xF0, s1;
	s15 =	sshra.s32 s15, $0x2  }
0x53: {  	[tilespmem:s21], [sflag:$0x4] =	stream.indirect.gather [spmem:s2], $0x20, s26, s16, $0xb8;
	[tilespmem:$0x16420] =	vst v63  }
0x54: {  	p0 =	sne.s32 s12, $0x9600;
	_ =	swait.ge [sflag:s22], $0xA00  }
0x55: {  	[sflag:s22] =	ssyncset.done $0x0  }
0x56: {  	s12 =	sadd.s32 $0x2800, s1;
	[sflag:s22] =	ssyncadd.s32 $0xFFFFF600  }
0x57: {  	[spmem:s3] =	stream.indirect.scatter.add.f32 [tilespmem:s17], [sflag:$0x5], $0x20, s12, s16, $0xb8;
	[tilespmem:$0x16420] =	vst v63  }
0x58: {  	_ =	swait.ge [sflag:s11], $0xA00  }
0x59: {  	[sflag:s11] =	ssyncset.done $0x0  }
0x5a: {  	s12 =	sadd.s32 $0x140, s1;
	[sflag:s11] =	ssyncadd.s32 $0xFFFFF600  }
0x5b: {  	[tilespmem:s17], [sflag:$0x1] =	stream.indirect.gather [spmem:s2], $0x20, s12, s16, $0xb8;
	[tilespmem:$0x16420] =	vst v63  }
0x5c: {  	_ =	swait.ge [sflag:s23], $0xA00  }
0x5d: {  	[sflag:s23] =	ssyncset.done $0x0  }
0x5e: {  	s12 =	sadd.s32 $0x2850, s1;
	[sflag:s23] =	ssyncadd.s32 $0xFFFFF600  }
0x5f: {  	[spmem:s3] =	stream.indirect.scatter.add.f32 [tilespmem:s18], [sflag:$0x5], $0x20, s12, s16, $0xb8;
	[tilespmem:$0x16420] =	vst v63  }
0x60: {  	_ =	swait.ge [sflag:s11], $0xA00  }
0x61: {  	[sflag:s11] =	ssyncset.done $0x0  }
0x62: {  	s12 =	sadd.s32 $0x190, s1;
	[sflag:s11] =	ssyncadd.s32 $0xFFFFF600  }
0x63: {  	[tilespmem:s18], [sflag:$0x2] =	stream.indirect.gather [spmem:s2], $0x20, s12, s16, $0xb8;
	[tilespmem:$0x16420] =	vst v63  }
0x64: {  	_ =	swait.ge [sflag:s24], $0xA00  }
0x65: {  	[sflag:s24] =	ssyncset.done $0x0  }
0x66: {  	s12 =	sadd.s32 $0x28A0, s1;
	[sflag:s24] =	ssyncadd.s32 $0xFFFFF600  }
0x67: {  	[spmem:s3] =	stream.indirect.scatter.add.f32 [tilespmem:s20], [sflag:$0x5], $0x20, s12, s16, $0xb8;
	[tilespmem:$0x16420] =	vst v63  }
0x68: {  	_ =	swait.ge [sflag:s11], $0xA00  }
0x69: {  	[sflag:s11] =	ssyncset.done $0x0  }
0x6a: {  	s12 =	sadd.s32 $0x1E0, s1;
	[sflag:s11] =	ssyncadd.s32 $0xFFFFF600  }
0x6b: {  	[tilespmem:s20], [sflag:$0x3] =	stream.indirect.gather [spmem:s2], $0x20, s12, s16, $0xb8;
	[tilespmem:$0x16420] =	vst v63  }
0x6c: {  	_ =	swait.ge [sflag:s25], $0xA00  }
0x6d: {  	[sflag:s25] =	ssyncset.done $0x0  }
.Ltmp1:
0x6e: {  	s12 =	sadd.s32 $0x28F0, s1;
	[sflag:s25] =	ssyncadd.s32 $0xFFFFF600;
	(pc) =	sbr.rel @p0 .LBB2_4-.Ltmp1, $4  }
0x6f: {  	[spmem:s3] =	stream.indirect.scatter.add.f32 [tilespmem:s21], [sflag:$0x5], $0x20, s12, s16, $0xb8;
	[tilespmem:$0x16420] =	vst v63  }
0x70: {  	_ =	swait.ge [sflag:s11], $0xA00  }
0x71: {  	s26 =	sadd.s32 $0x230, s1;
	[sflag:s11] =	ssyncset.done $0x0  }
0x72: {  	s1 =	smov.u32 s15;
	s12 =	smov.u32 s19;
	[sflag:s11] =	ssyncadd.s32 $0xFFFFF600  }
0x73: {  	[tilespmem:s21], [sflag:$0x4] =	stream.indirect.gather [spmem:s2], $0x20, s26, s16, $0xb8;
	[tilespmem:$0x16420] =	vst v63  }
0x74: {  	s12 =	sadd.s32 $0xF0, s1  }
0x75: {  	[tilespmem:s21], [sflag:$0x4] =	stream.indirect.gather [spmem:s2], $0x20, s12, s16, $0xb8;
	[tilespmem:$0x16420] =	vst v63  }
0x76: {  	_ =	swait.ge [sflag:s22], $0xA00  }
0x77: {  	[sflag:s22] =	ssyncset.done $0x0  }
0x78: {  	s26 =	sadd.s32 $0x2800, s1;
	[sflag:s22] =	ssyncadd.s32 $0xFFFFF600  }
0x79: {  	[spmem:s3] =	stream.indirect.scatter.add.f32 [tilespmem:s17], [sflag:$0x5], $0x20, s26, s16, $0xb8;
	[tilespmem:$0x16420] =	vst v63  }
0x7a: {  	_ =	swait.ge [sflag:s11], $0xA00  }
0x7b: {  	[sflag:s11] =	ssyncset.done $0x0  }
0x7c: {  	s15 =	sadd.s32 $0x140, s1;
	[sflag:s11] =	ssyncadd.s32 $0xFFFFF600  }
0x7d: {  	[tilespmem:s17], [sflag:$0x1] =	stream.indirect.gather [spmem:s2], $0x20, s15, s16, $0xb8;
	[tilespmem:$0x16420] =	vst v63  }
0x7e: {  	_ =	swait.ge [sflag:s23], $0xA00  }
0x7f: {  	[sflag:s23] =	ssyncset.done $0x0  }
0x80: {  	s19 =	sadd.s32 $0x2850, s1;
	[sflag:s23] =	ssyncadd.s32 $0xFFFFF600  }
0x81: {  	[spmem:s3] =	stream.indirect.scatter.add.f32 [tilespmem:s18], [sflag:$0x5], $0x20, s19, s16, $0xb8;
	[tilespmem:$0x16420] =	vst v63  }
0x82: {  	_ =	swait.ge [sflag:s11], $0xA00  }
0x83: {  	[sflag:s11] =	ssyncset.done $0x0  }
0x84: {  	s26 =	sadd.s32 $0x190, s1;
	[sflag:s11] =	ssyncadd.s32 $0xFFFFF600  }
0x85: {  	[tilespmem:s18], [sflag:$0x2] =	stream.indirect.gather [spmem:s2], $0x20, s26, s16, $0xb8;
	[tilespmem:$0x16420] =	vst v63  }
0x86: {  	_ =	swait.ge [sflag:s24], $0xA00  }
0x87: {  	[sflag:s24] =	ssyncset.done $0x0  }
0x88: {  	s15 =	sadd.s32 $0x28A0, s1;
	[sflag:s24] =	ssyncadd.s32 $0xFFFFF600  }
0x89: {  	[spmem:s3] =	stream.indirect.scatter.add.f32 [tilespmem:s20], [sflag:$0x5], $0x20, s15, s16, $0xb8;
	[tilespmem:$0x16420] =	vst v63  }
0x8a: {  	_ =	swait.ge [sflag:s11], $0xA00  }
0x8b: {  	[sflag:s11] =	ssyncset.done $0x0  }
0x8c: {  	s19 =	sadd.s32 $0x1E0, s1;
	[sflag:s11] =	ssyncadd.s32 $0xFFFFF600  }
0x8d: {  	[tilespmem:s20], [sflag:$0x3] =	stream.indirect.gather [spmem:s2], $0x20, s19, s16, $0xb8;
	[tilespmem:$0x16420] =	vst v63  }
0x8e: {  	_ =	swait.ge [sflag:s25], $0xA00  }
0x8f: {  	[sflag:s25] =	ssyncset.done $0x0  }
0x90: {  	s26 =	sadd.s32 $0x28F0, s1;
	[sflag:s25] =	ssyncadd.s32 $0xFFFFF600  }
0x91: {  	[spmem:s3] =	stream.indirect.scatter.add.f32 [tilespmem:s21], [sflag:$0x5], $0x20, s26, s16, $0xb8;
	[tilespmem:$0x16420] =	vst v63  }
0x92: {  	_ =	swait.ge [sflag:s11], $0xA00  }
0x93: {  	[sflag:s11] =	ssyncset.done $0x0  }
0x94: {  	s15 =	sadd.s32 $0x230, s1;
	[sflag:s11] =	ssyncadd.s32 $0xFFFFF600  }
0x95: {  	[tilespmem:s21], [sflag:$0x4] =	stream.indirect.gather [spmem:s2], $0x20, s15, s16, $0xb8;
	[tilespmem:$0x16420] =	vst v63  }
0x96: {  	s19 =	simm.s32 $0x27B0  }
0x97: {  	[tilespmem:s21], [sflag:$0x4] =	stream.indirect.gather [spmem:s2], $0x20, s19, s16, $0xb8;
	[tilespmem:$0x16420] =	vst v63  }
0x98: {  	_ =	swait.ge [sflag:s22], $0xA00  }
0x99: {  	[sflag:s22] =	ssyncset.done $0x0  }
0x9a: {  	[sflag:s22] =	ssyncadd.s32 $0xFFFFF600  }
0x9b: {  	[spmem:s3] =	stream.indirect.scatter.add.f32 [tilespmem:s17], [sflag:$0x5], $0x20, s28, s16, $0xb8;
	[tilespmem:$0x16420] =	vst v63  }
0x9c: {  	_ =	swait.ge [sflag:s11], $0xA00  }
0x9d: {  	[sflag:s11] =	ssyncset.done $0x0  }
0x9e: {  	[sflag:s11] =	ssyncadd.s32 $0xFFFFF600  }
0x9f: {  	_ =	swait.ge [sflag:s23], $0xA00  }
0xa0: {  	[sflag:s23] =	ssyncset.done $0x0  }
0xa1: {  	[sflag:s23] =	ssyncadd.s32 $0xFFFFF600  }
0xa2: {  	[spmem:s3] =	stream.indirect.scatter.add.f32 [tilespmem:s18], [sflag:$0x5], $0x20, s29, s16, $0xb8;
	[tilespmem:$0x16420] =	vst v63  }
0xa3: {  	_ =	swait.ge [sflag:s11], $0xA00  }
0xa4: {  	[sflag:s11] =	ssyncset.done $0x0  }
0xa5: {  	[sflag:s11] =	ssyncadd.s32 $0xFFFFF600  }
0xa6: {  	_ =	swait.ge [sflag:s24], $0xA00  }
0xa7: {  	[sflag:s24] =	ssyncset.done $0x0  }
0xa8: {  	[sflag:s24] =	ssyncadd.s32 $0xFFFFF600  }
0xa9: {  	[spmem:s3] =	stream.indirect.scatter.add.f32 [tilespmem:s20], [sflag:$0x5], $0x20, s30, s16, $0xb8;
	[tilespmem:$0x16420] =	vst v63  }
0xaa: {  	_ =	swait.ge [sflag:s11], $0xA00  }
0xab: {  	[sflag:s11] =	ssyncset.done $0x0  }
0xac: {  	[sflag:s11] =	ssyncadd.s32 $0xFFFFF600  }
0xad: {  	_ =	swait.ge [sflag:s25], $0xA00  }
0xae: {  	[sflag:s25] =	ssyncset.done $0x0  }
0xaf: {  	[sflag:s25] =	ssyncadd.s32 $0xFFFFF600  }
0xb0: {  	[spmem:s3] =	stream.indirect.scatter.add.f32 [tilespmem:s21], [sflag:$0x5], $0x20, s31, s16, $0xb8;
	[tilespmem:$0x16420] =	vst v63  }
0xb1: {  	_ =	swait.ge [sflag:s11], $0xA00  }
0xb2: {  	s0 =	sadd.s32 $0x1, s0;
	[sflag:s11] =	ssyncset.done $0x0  }
0xb3: {  	p0 =	sne.s32 s0, s10;
	[sflag:s11] =	ssyncadd.s32 $0xFFFFF600  }
.Ltmp2:
0xb4: {  	s26 =	sshrl.u32 s8, $0x3;
	[bflag:$0x0] =	sbarrier.arrive $0xFFFF;
	(pc) =	sbr.rel @p0 .LBB2_1-.Ltmp2, $4  }
0xb5: {  	[hbm:s9], [sflag:s13] =	dma.local [spmem:s26], $0x9E0  }
0xb6: {  	_ =	swait.ge [sflag:s11], $0x9E0  }
0xb7: {  	[sflag:s11] =	ssyncset.done $0x0  }
0xb8: {  	[sflag:s11] =	ssyncadd.s32 $0xFFFFF620  }
0xb9: {  	_ =	sfence.sel $0x180000  }
0xba: {  	[bflag:$0x0] =	sbarrier.arrive $0xFFFF  }
0xbb: {  	_ =	strace $0x9000004A  }
0xbc: {  	s0 =	stileid.u32;
	[bflag:$0x2] =	sbarrier.arrive $0xFFFF  }
0xbd: {  	p0 =	sne.s32 s0, $0x0;
	s0 =	rddreg [dreg:$0x3]  }
0xbe: {  	s0 =	sadd.s32 @!p0 $0x100000, s0  }
0xbf: {  	[sflag:s0] =	ssyncadd.tile.s32 @!p0 $0x1;
	_ =	shalt  }
.Lfunc_end2:
_tile_overlayer_lowered:
.L_overlay_start_2:
0xc0: {  	(tag) =	ssettag $0x2  }
0xc1: {  	s0 =	rddreg [dreg:$0x0];
	s2 =	stileid.u32  }
0xc2: {  	s1 =	rddreg [dreg:$0x1];
	p0 =	sne.s32 s2, $0x0  }
0xc3: {  	s3 =	rddreg [dreg:$0x2];
	[bflag:$0x3] =	sbarrier.arrive $0xFFFF;
	s2 =	simm.s32 @!p0 $0x1C05  }
0xc4: {  	[timem:s3], [sflag:s2] =	dma.local @!p0 [hbm:s0], s1  }
0xc5: {  	s0 =	simm.s32 @!p0 $0x5  }
0xc6: {  	_ =	swait.ge @!p0 [sflag:s0], s1  }
0xc7: {  	s1 =	ssub.s32 @!p0 $0x0, s1;
	[sflag:s0] =	ssyncset.done @!p0 $0x0  }
0xc8: {  	[sflag:s0] =	ssyncadd.s32 @!p0 s1  }
0xc9: {  	[bflag:$0x3] =	sbarrier.arrive $0xFFFF  }
0xca: {  	_ =	shalt  }

// kernel: kernel.22.cloned.1.call-start
scs
__scs_entry_jumppad:
0x0: {  	(pc) =	sbr.rel $0x88, $3  }
0x1: {  	(tag) =	ssettag $0x0;
	lr =	simm.s32 $0x1  }
0x2: {  	[smem:$0x3F8E] =	sst lr;
	_ =	strace $0xD0000000  }
0x3: {  	_ = 	snop  }
0x4: {  	_ = 	snop  }
0x5: {  	_ = 	snop  }
0x6: {  	_ = 	snop  }
0x7: {  	_ = 	snop  }
__scs_overlays_trampoline_lowered:
0x8: {  	[smem:$0x3F9D] =	sst s0  }
0x9: {  	[smem:$0x3F9E] =	sst s1  }
0xa: {  	[smem:$0x3F9F] =	sst s2  }
0xb: {  	[smem:$0x3FA0] =	sst s3  }
0xc: {  	[smem:$0x3FA1] =	sst s4  }
0xd: {  	[smem:$0x3FA2] =	sst s5  }
0xe: {  	[smem:$0x3FA3] =	sst s6  }
0xf: {  	[smem:$0x3FA4] =	sst s7  }
0x10: {  	[smem:$0x3FA5] =	sst s8  }
0x11: {  	[smem:$0x3FA6] =	sst s9;
	s0 =	simm.s32 @!p0 $0x0  }
0x12: {  	s1 =	sld [smem:$0x3F8C];
	s0 =	simm.s32 @p0 $0x1  }
0x13: {  	[smem:$0x3FA7] =	sst s0;
	s0 =	simm.s32 @!p1 $0x0  }
0x14: {  	s2 =	sld [smem:$0x3F8B];
	s0 =	simm.s32 @p1 $0x1  }
0x15: {  	[smem:$0x3FA8] =	sst s0;
	s0 =	simm.s32 @!p2 $0x0  }
0x16: {  	s3 =	sld [smem:$0x3FDB];
	s0 =	simm.s32 @p2 $0x1  }
0x17: {  	s4 =	simm.s32 $0x1BF5;
	[smem:$0x3FAA] =	sst s0  }
0x18: {  	s0 =	sld [smem:$0x3F8D];
	_ =	swait.ge [sflag:s4], $0x0  }
0x19: {  	s7 =	sld [smem:$0x3F8E]  }
0x1a: {  	s8 =	sadd.s32 $0xFFFFE003, lr  }
0x1b: {  	s9 =	sadd.s32 $0xFFFFFEF7, lr;
	s5 =	simm.s32 $0xFFFFFFFF;
	p2 =	slt.u32 s8, $0xFFFFF086  }
0x1c: {  	p1 =	slt.u32 s9, $0xF7A;
	s5 =	simm.s32 @!p2 $0x0  }
0x1d: {  	s5 =	simm.s32 @p1 $0x1;
	p0 =	seq.s32 s7, s2  }
0x1e: {  	s7 =	smul.u32 @!p0 $0xF7A, s2;
	p2 =	seq.s32 @!p0 s5, $0x0  }
0x1f: {  	s9 =	smul.u32 $0xF7A, s1;
	s8 =	simm.s32 @!p0 $0x1BF5;
	p2 =	por !p2, p0  }
0x20: {  	[sflag:s8] =	ssyncset.s32 @!p0 $0xFFFFF086;
	s6 =	sadd.s32 @!p0 s3, s7;
	s7 =	simm.s32 @!p0 $0x108  }
0x21: {  	s3 =	sadd.s32 s3, s9;
	s6 =	sadd.s32 @!p0 $0x88, s6;
	s7 =	simm.s32 @p2 $0x1082  }
0x22: {  	[simem:s7], [sflag:s8] =	dma.local @!p0 [hbm:s6], $0xF7A  }
0x23: {  	s9 =	sor.u32 $0xD0000000, s2;
	s6 =	simm.s32 $0x108;
	_ =	swait.ge @!p0 [sflag:s8], $0x0  }
0x24: {  	s3 =	sadd.s32 $0x88, s3;
	s6 =	simm.s32 @!p1 $0x1082;
	[sflag:s4] =	ssyncset.s32 $0xFFFFF086  }
0x25: {  	[simem:s6], [sflag:s4] =	dma.local [hbm:s3], $0xF7A  }
0x26: {  	[smem:$0x3F8E] =	sst s1;
	(tag) =	ssettag s2;
	_ =	strace s9  }
0x27: {  	s1 =	sld [smem:$0x3F9E]  }
0x28: {  	s2 =	sld [smem:$0x3F9F]  }
0x29: {  	s4 =	sld [smem:$0x3FA1]  }
0x2a: {  	p0 =	seq.s32 s5, $0x0;
	s5 =	sld [smem:$0x3FA2]  }
0x2b: {  	s6 =	sld [smem:$0x3FA3]  }
0x2c: {  	s7 =	sld [smem:$0x3FA4]  }
0x2d: {  	s3 =	simm.s32 $0x108;
	s8 =	sld [smem:$0x3FA5]  }
0x2e: {  	s3 =	simm.s32 @!p0 $0x1082;
	s9 =	sld [smem:$0x3FA6]  }
0x2f: {  	lr =	sadd.s32 s0, s3;
	s0 =	sld [smem:$0x3F9D]  }
0x30: {  	s3 =	sld [smem:$0x3FA0]  }
0x31: {  	[smem:$0x3FA9] =	sst s10  }
0x32: {  	s10 =	sld [smem:$0x3FA7];
	_ =	sdelay $0x3  }
0x33: {  	p0 =	seq.s32 s10, $0x1;
	s10 =	sld [smem:$0x3FA9];
	_ =	sdelay $0x3  }
0x34: {  	[smem:$0x3FA9] =	sst s10  }
0x35: {  	s10 =	sld [smem:$0x3FA8];
	_ =	sdelay $0x3  }
0x36: {  	p1 =	seq.s32 s10, $0x1;
	s10 =	sld [smem:$0x3FA9];
	_ =	sdelay $0x3  }
0x37: {  	[smem:$0x3FA9] =	sst s10  }
0x38: {  	s10 =	sld [smem:$0x3FAA]  }
0x39: {  	_ = 	snop;
	(pc) =	sbr.ind lr, $3  }
0x3a: {  	_ = 	snop  }
0x3b: {  	_ = 	snop  }
0x3c: {  	p2 =	seq.s32 s10, $0x1;
	s10 =	sld [smem:$0x3FA9]  }
0x3d: {  	_ =	shalt  }
0x3e: {  	_ =	shalt  }
0x3f: {  	_ =	shalt  }
0x40: {  	_ =	shalt  }
0x41: {  	_ =	shalt  }
0x42: {  	_ =	shalt  }
0x43: {  	_ =	shalt  }
0x44: {  	_ =	shalt  }
0x45: {  	_ =	shalt  }
0x46: {  	_ =	shalt  }
0x47: {  	_ =	shalt  }
0x48: {  	_ =	shalt  }
0x49: {  	_ =	shalt  }
0x4a: {  	_ =	shalt  }
0x4b: {  	_ =	shalt  }
0x4c: {  	_ =	shalt  }
0x4d: {  	_ =	shalt  }
0x4e: {  	_ =	shalt  }
0x4f: {  	_ =	shalt  }
0x50: {  	_ =	shalt  }
0x51: {  	_ =	shalt  }
0x52: {  	_ =	shalt  }
0x53: {  	_ =	shalt  }
0x54: {  	_ =	shalt  }
0x55: {  	_ =	shalt  }
0x56: {  	_ =	shalt  }
0x57: {  	_ =	shalt  }
0x58: {  	_ =	shalt  }
0x59: {  	_ =	shalt  }
0x5a: {  	_ =	shalt  }
0x5b: {  	_ =	shalt  }
0x5c: {  	_ =	shalt  }
0x5d: {  	_ =	shalt  }
0x5e: {  	_ =	shalt  }
0x5f: {  	_ =	shalt  }
0x60: {  	_ =	shalt  }
0x61: {  	_ =	shalt  }
0x62: {  	_ =	shalt  }
0x63: {  	_ =	shalt  }
0x64: {  	_ =	shalt  }
0x65: {  	_ =	shalt  }
0x66: {  	_ =	shalt  }
0x67: {  	_ =	shalt  }
0x68: {  	_ =	shalt  }
0x69: {  	_ =	shalt  }
0x6a: {  	_ =	shalt  }
0x6b: {  	_ =	shalt  }
0x6c: {  	_ =	shalt  }
0x6d: {  	_ =	shalt  }
0x6e: {  	_ =	shalt  }
0x6f: {  	_ =	shalt  }
0x70: {  	_ =	shalt  }
0x71: {  	_ =	shalt  }
0x72: {  	_ =	shalt  }
0x73: {  	_ =	shalt  }
0x74: {  	_ =	shalt  }
0x75: {  	_ =	shalt  }
0x76: {  	_ =	shalt  }
0x77: {  	_ =	shalt  }
0x78: {  	_ =	shalt  }
0x79: {  	_ =	shalt  }
0x7a: {  	_ =	shalt  }
0x7b: {  	_ =	shalt  }
0x7c: {  	_ =	shalt  }
0x7d: {  	_ =	shalt  }
0x7e: {  	_ =	shalt  }
0x7f: {  	_ =	shalt  }
0x80: {  	_ =	shalt  }
0x81: {  	_ =	shalt  }
0x82: {  	_ =	shalt  }
0x83: {  	_ =	shalt  }
0x84: {  	_ =	shalt  }
0x85: {  	_ =	shalt  }
0x86: {  	_ =	shalt  }
0x87: {  	_ =	shalt  }
.Lfunc_end0:
.L_simem_size_0:
called_computation.2_lowered:
.L_overlay_start_0:
0x88: {  	s2 =	sld [smem:$0x3FD9]  }
0x89: {  	s3 =	sld [smem:$0x3FFE];
	_ =	sdelay $0x1  }
0x8a: {  	s1 =	srdreg.scid  }
0x8b: {  	s0 =	sand.u32 $0x1, s1  }
0x8c: {  	s16 =	sshll.u32 s0, $0xA;
	s2 =	sadd.s32 s3, s2  }
0x8d: {  	s2 =	sadd.s32 s2, s16  }
0x8e: {  	[smem:$0x3FB5] =	sst s2  }
0x8f: {  	_ = 	snop  }
0x90: {  	(tm) =	ssettm $0x1  }
0x91: {  	s17 =	sld [smem:$0x3FFB];
	_ =	sdelay $0x3  }
0x92: {  	_ =	strace s17  }
0x93: {  	s2 =	sld [smem:$0x3FFC];
	_ =	sdelay $0x3  }
0x94: {  	_ =	strace s2  }
0x95: {  	s2 =	sld [smem:$0x3FFD];
	_ =	sdelay $0x3  }
0x96: {  	_ =	strace s2  }
0x97: {  	_ =	strace $0x8FFFFFFF  }
0x98: {  	s18 =	sld [smem:$0x3FDB];
	_ =	sdelay $0x1  }
0x99: {  	s19 =	simm.s32 $_scs_section_size  }
0x9a: {  	s4 =	simm.s32 $_size__tile_overlayer_lowered;
	s5 =	simm.s32 $_tile_overlayer_lowered  }
0x9b: {  	s22 =	simm.s32 $0x1BFF;
	s21 =	sshll.u32 s5, $0x1;
	s2 =	sadd.s32 s19, s18  }
0x9c: {  	s6 =	simm.s32 $0x0;
	s20 =	sshll.u32 s4, $0x1;
	s4 =	sadd.s32 s21, s2  }
0x9d: {  	[timem:s6], [sflag:s22] =	dma.local [hbm:s4], s20  }
0x9e: {  	_ =	swait.ge [sflag:s22], s20  }
0x9f: {  	s3 =	ssub.s32 $0x0, s20;
	[sflag:s22] =	ssyncset.done $0x0  }
0xa0: {  	[sflag:s22] =	ssyncadd.s32 s3;
	_ =	sdelay $0x1  }
0xa1: {  	s23 =	simm.s32 $0x1B8B  }
0xa2: {  	_ =	swait.ge [sflag:s23], $0x1  }
0xa3: {  	[sflag:s23] =	ssyncset.done $0x0  }
0xa4: {  	s25 =	simm.s32 $0x1B8E;
	s24 =	sld [smem:$0x3FFE];
	[sflag:s23] =	ssyncadd.s32 $0xFFFFFFFF  }
0xa5: {  	s26 =	simm.s32 $execute0_lowered;
	[smem:$0x3FD2] =	sst s25  }
0xa6: {  	s4 =	sshll.u32 s26, $0x1;
	_ =	strace $0x8000004C;
	[dreg:$0x1] =	wrdreg $0xFFFFFFFF  }
0xa7: {  	s28 =	simm.s32 $_size_execute0_lowered;
	s2 =	sadd.s32 s2, s4;
	[dreg:$0x0] =	wrdreg $0x0  }
0xa8: {  	s4 =	sshll.u32 s28, $0x1;
	[dreg:$0x2] =	wrdreg s2  }
0xa9: {  	[dreg:$0x3] =	wrdreg s4  }
0xaa: {  	[dreg:$0x4] =	wrdreg $0xC0  }
0xab: {  	_ =	task [dreg:s6], $0x5FFFF  }
0xac: {  	[dreg:$0x1] =	wrdreg $0xFFFFFFFF  }
0xad: {  	[dreg:$0x0] =	wrdreg $0x60  }
0xae: {  	[dreg:$0x2] =	wrdreg s24  }
0xaf: {  	[dreg:$0x3] =	wrdreg $0x116000  }
0xb0: {  	[dreg:$0x4] =	wrdreg $0xC7000  }
0xb1: {  	[dreg:$0x5] =	wrdreg $0x9  }
0xb2: {  	_ =	task.clear_ibuf [dreg:s6], $0x6FFFF;
	_ =	strace $0x9000004C  }
0xb3: {  	s29 =	simm.s32 $0x9;
	_ =	strace $0x8000004E  }
0xb4: {  	_ =	swait.ge [sflag:s29], $0x1  }
0xb5: {  	[sflag:s29] =	ssyncadd.s32 $0xFFFFFFFF  }
0xb6: {  	_ =	strace $0x9000004E  }
0xb7: {  	_ =	sfence  }
0xb8: {  	s30 =	sld [smem:$0x0];
	_ =	sdelay $0x2  }
0xb9: {  	s31 =	sshll.u32 s1, $0xD;
	s1 =	sshrl.u32 s1, $0x2  }
0xba: {  	s3 =	sand.u32 $0x4000, s31;
	s1 =	sadd.s32 s1, s30  }
0xbb: {  	s0 =	sor.u32 s3, s0;
	s1 =	sshll.u32 s1, $0x11  }
0xbc: {  	s0 =	sor.u32 s1, s0  }
0xbd: {  	s0 =	sadd.s32 $0x8F2B, s0  }
0xbe: {  	[sflag:s0] =	ssyncadd.remote.s32 $0x1  }
0xbf: {  	_ =	sfence.sel $0xFFFF  }
0xc0: {  	[dreg:$0x0] =	wrdreg $0xFFFFFFFF;
	(pc) =	sbr.abs _section_cstart, $3  }
0xc1: {  	[dreg:$0x1] =	wrdreg $0xFFFFFFFF  }
0xc2: {  	_ =	task.clear_ibuf [dreg:s6], $0x2FFFF;
	_ =	strace $0x9FFFFFFF  }
0xc3: {  	(tm) =	ssettm $0x7FFFFFFF  }
tec
execute0_lowered:
.L_overlay_start_1:
0x0: {  	(tag) =	ssettag $0x1  }
0x1: {  	s0 =	rddreg [dreg:$0x0]  }
0x2: {  	s2 =	rddreg [dreg:$0x1]  }
0x3: {  	s3 =	rddreg [dreg:$0x2];
	s11 =	stileid.u32  }
0x4: {  	s5 =	srdreg.scid;
	s4 =	simm.s32 $0x0;
	s16 =	simm.s32 $0x50  }
0x5: {  	s17 =	simm.s32 $0x5000;
	s18 =	simm.s32 $0x5A00;
	s20 =	simm.s32 $0x6400  }
0x6: {  	s21 =	simm.s32 $0x6E00;
	s22 =	simm.s32 $0x1;
	s23 =	simm.s32 $0x2  }
0x7: {  	s24 =	simm.s32 $0x3;
	s28 =	simm.s32 $0x4EC0;
	s29 =	simm.s32 $0x4F10  }
0x8: {  	s30 =	simm.s32 $0x4F60;
	s31 =	simm.s32 $0x4FB0;
	s1 =	smul.u32 $0x4E20, s11  }
0x9: {  	s5 =	sand.u32 $0x1, s5;
	s8 =	smul.u32 $0x4F00, s11;
	[smem:$0x7FF] =	sst s4  }
0xa: {  	s26 =	sshll.u32 s11, $0x6;
	s6 =	sshll.u32 s5, $0x4;
	s7 =	smul.u32 $0x4F000, s5  }
0xb: {  	_ =	strace $0x8000004D;
	s5 =	ssub.s32 $0x2, s5;
	s13 =	sor.u32 $0x1C05, s26  }
0xc: {  	s6 =	sor.u32 s11, s6;
	s9 =	sshrl.u32 s1, $0x3;
	s25 =	sshrl.u32 s5, $0x1  }
0xd: {  	s1 =	sadd.s32 s1, s2;
	s11 =	simm.s32 $0x5;
	s6 =	smul.u32 $0x500, s6  }
0xe: {  	s7 =	sadd.s32 s8, s7;
	s9 =	sadd.s32 s9, s0;
	s10 =	ssub.s32 s5, s25  }
0xf: {  	s8 =	sadd.s32 s8, s3;
	s14 =	sshrl.u32 s1, $0x3;
	s25 =	simm.s32 $0x4  }
0x10: {  	s7 =	sshrl.u32 s7, $0x3;
	s10 =	smax.u32 s10, $0x1;
	s6 =	sadd.s32 s6, s0  }
0x11: {  	s0 =	sadd.s32 s7, s0;
	s7 =	sadd.s32 $0xE800, s9;
	s5 =	sadd.s32 $0x18600, s6  }
0x12: {  	v0 =	vimm.f32 $0.0e+00;
	s6 =	sadd.s32 $0x4800, s6;
	s9 =	sadd.s32 $0x49800, s0;
	s0 =	simm.s32 $0x0  }
.LBB2_1:
0x13: {  	[tilespmem:s4], [sflag:$0x5] =	stream.linear.gather [hbm4b:s5+s4], $0x2800, $0x38;
	[tilespmem:$0x16420] =	vst v63  }
0x14: {  	_ =	swait.ge [sflag:s11], $0x2800  }
0x15: {  	[sflag:s11] =	ssyncset.done $0x0  }
0x16: {  	s1 =	simm.s32 $0x2800;
	[sflag:s11] =	ssyncadd.s32 $0xFFFFD800  }
0x17: {  	[tilespmem:s1], [sflag:$0x5] =	stream.linear.gather [hbm4b:s6+s4], $0x2800, $0x38;
	[tilespmem:$0x16420] =	vst v63  }
0x18: {  	_ =	swait.ge [sflag:s11], $0x2800  }
0x19: {  	[sflag:s11] =	ssyncset.done $0x0  }
0x1a: {  	[sflag:s11] =	ssyncadd.s32 $0xFFFFD800  }
0x1b: {  	[spmem:s14], [sflag:s13] =	dma.local [hbm:s7], $0x9C4  }
0x1c: {  	_ =	swait.ge [sflag:s11], $0x9C4  }
0x1d: {  	[sflag:s11] =	ssyncset.done $0x0  }
0x1e: {  	s12 =	simm.s32 $0x0;
	s1 =	simm.s32 $0x80;
	[sflag:s11] =	ssyncadd.s32 $0xFFFFF63C  }
.LBB2_2:
0x1f: {  	p0 =	sne.s32 s1, $0x13B80;
	[tilespmem:s12+$0x7800] =	vst v0;
	s15 =	smov.u32 s1;
	s1 =	sadd.s32 $0x80, s1  }
.Ltmp0:
0x20: {  	[tilespmem:s12+$0x7810] =	vst v0;
	(pc) =	sbr.rel @p0 .LBB2_2-.Ltmp0, $2  }
0x21: {  	_ =	sdelay $0x2  }
0x22: {  	s12 =	sshra.s32 s15, $0x2  }
0x23: {  	[tilespmem:s12+$0x7800] =	vst v0  }
0x24: {  	[tilespmem:s12+$0x7810] =	vst v0;
	s1 =	simm.s32 $0x7800  }
0x25: {  	[spmem:s8] =	stream.linear.scatter [tilespmem:s1], [sflag:$0x5], $0x4F00, $0x38;
	[tilespmem:$0x16420] =	vst v63  }
0x26: {  	_ =	swait.ge [sflag:s11], $0x4F00  }
0x27: {  	[sflag:s11] =	ssyncset.done $0x0  }
0x28: {  	[sflag:s11] =	ssyncadd.s32 $0xFFFFB100  }
0x29: {  	s19 =	simm.s32 $0x0;
	[bflag:$0x0] =	sbarrier.arrive $0xFFFF  }
0x2a: {  	[tilespmem:s17], [sflag:$0x1] =	stream.indirect.gather [spmem:s2], $0x20, s19, s16, $0xb8;
	[tilespmem:$0x16420] =	vst v63  }
0x2b: {  	_ = 	snop  }
0x2c: {  	[tilespmem:s18], [sflag:$0x2] =	stream.indirect.gather [spmem:s2], $0x20, s16, s16, $0xb8;
	[tilespmem:$0x16420] =	vst v63  }
0x2d: {  	s26 =	simm.s32 $0xA0  }
0x2e: {  	[tilespmem:s20], [sflag:$0x3] =	stream.indirect.gather [spmem:s2], $0x20, s26, s16, $0xb8;
	[tilespmem:$0x16420] =	vst v63  }
0x2f: {  	s12 =	simm.s32 $0xF0  }
0x30: {  	[tilespmem:s21], [sflag:$0x4] =	stream.indirect.gather [spmem:s2], $0x20, s12, s16, $0xb8;
	[tilespmem:$0x16420] =	vst v63  }
0x31: {  	_ =	swait.ge [sflag:s22], $0xA00  }
0x32: {  	[sflag:s22] =	ssyncset.done $0x0  }
0x33: {  	s15 =	simm.s32 $0x2800;
	[sflag:s22] =	ssyncadd.s32 $0xFFFFF600  }
0x34: {  	[spmem:s3] =	stream.indirect.scatter.add.f32 [tilespmem:s17], [sflag:$0x5], $0x20, s15, s16, $0xb8;
	[tilespmem:$0x16420] =	vst v63  }
0x35: {  	_ =	swait.ge [sflag:s11], $0xA00  }
0x36: {  	[sflag:s11] =	ssyncset.done $0x0  }
0x37: {  	s19 =	simm.s32 $0x140;
	[sflag:s11] =	ssyncadd.s32 $0xFFFFF600  }
0x38: {  	[tilespmem:s17], [sflag:$0x1] =	stream.indirect.gather [spmem:s2], $0x20, s19, s16, $0xb8;
	[tilespmem:$0x16420] =	vst v63  }
0x39: {  	_ =	swait.ge [sflag:s23], $0xA00  }
0x3a: {  	[sflag:s23] =	ssyncset.done $0x0  }
0x3b: {  	s26 =	simm.s32 $0x2850;
	[sflag:s23] =	ssyncadd.s32 $0xFFFFF600  }
0x3c: {  	[spmem:s3] =	stream.indirect.scatter.add.f32 [tilespmem:s18], [sflag:$0x5], $0x20, s26, s16, $0xb8;
	[tilespmem:$0x16420] =	vst v63  }
0x3d: {  	_ =	swait.ge [sflag:s11], $0xA00  }
0x3e: {  	[sflag:s11] =	ssyncset.done $0x0  }
0x3f: {  	s12 =	simm.s32 $0x190;
	[sflag:s11] =	ssyncadd.s32 $0xFFFFF600  }
0x40: {  	[tilespmem:s18], [sflag:$0x2] =	stream.indirect.gather [spmem:s2], $0x20, s12, s16, $0xb8;
	[tilespmem:$0x16420] =	vst v63  }
0x41: {  	_ =	swait.ge [sflag:s24], $0xA00  }
0x42: {  	[sflag:s24] =	ssyncset.done $0x0  }
0x43: {  	s15 =	simm.s32 $0x28A0;
	[sflag:s24] =	ssyncadd.s32 $0xFFFFF600  }
0x44: {  	[spmem:s3] =	stream.indirect.scatter.add.f32 [tilespmem:s20], [sflag:$0x5], $0x20, s15, s16, $0xb8;
	[tilespmem:$0x16420] =	vst v63  }
0x45: {  	_ =	swait.ge [sflag:s11], $0xA00  }
0x46: {  	[sflag:s11] =	ssyncset.done $0x0  }
0x47: {  	s19 =	simm.s32 $0x1E0;
	[sflag:s11] =	ssyncadd.s32 $0xFFFFF600  }
0x48: {  	[tilespmem:s20], [sflag:$0x3] =	stream.indirect.gather [spmem:s2], $0x20, s19, s16, $0xb8;
	[tilespmem:$0x16420] =	vst v63  }
0x49: {  	_ =	swait.ge [sflag:s25], $0xA00  }
0x4a: {  	[sflag:s25] =	ssyncset.done $0x0  }
0x4b: {  	s26 =	simm.s32 $0x28F0;
	[sflag:s25] =	ssyncadd.s32 $0xFFFFF600  }
0x4c: {  	[spmem:s3] =	stream.indirect.scatter.add.f32 [tilespmem:s21], [sflag:$0x5], $0x20, s26, s16, $0xb8;
	[tilespmem:$0x16420] =	vst v63  }
0x4d: {  	_ =	swait.ge [sflag:s11], $0xA00  }
0x4e: {  	s1 =	simm.s32 $0x140;
	[sflag:s11] =	ssyncset.done $0x0  }
0x4f: {  	s12 =	simm.s32 $0xA00;
	s26 =	simm.s32 $0x230;
	[sflag:s11] =	ssyncadd.s32 $0xFFFFF600  }
.LBB2_4:
0x50: {  	[tilespmem:s21], [sflag:$0x4] =	stream.indirect.gather [spmem:s2], $0x20, s26, s16, $0xb8;
	[tilespmem:$0x16420] =	vst v63  }
0x51: {  	s15 =	smov.u32 s12  }
0x52: {  	s19 =	sadd.s32 $0x500, s12;
	s26 =	sadd.s32 $0xF0, s1;
	s15 =	sshra.s32 s15, $0x2  }
0x53: {  	[tilespmem:s21], [sflag:$0x4] =	stream.indirect.gather [spmem:s2], $0x20, s26, s16, $0xb8;
	[tilespmem:$0x16420] =	vst v63  }
0x54: {  	p0 =	sne.s32 s12, $0x9600;
	_ =	swait.ge [sflag:s22], $0xA00  }
0x55: {  	[sflag:s22] =	ssyncset.done $0x0  }
0x56: {  	s12 =	sadd.s32 $0x2800, s1;
	[sflag:s22] =	ssyncadd.s32 $0xFFFFF600  }
0x57: {  	[spmem:s3] =	stream.indirect.scatter.add.f32 [tilespmem:s17], [sflag:$0x5], $0x20, s12, s16, $0xb8;
	[tilespmem:$0x16420] =	vst v63  }
0x58: {  	_ =	swait.ge [sflag:s11], $0xA00  }
0x59: {  	[sflag:s11] =	ssyncset.done $0x0  }
0x5a: {  	s12 =	sadd.s32 $0x140, s1;
	[sflag:s11] =	ssyncadd.s32 $0xFFFFF600  }
0x5b: {  	[tilespmem:s17], [sflag:$0x1] =	stream.indirect.gather [spmem:s2], $0x20, s12, s16, $0xb8;
	[tilespmem:$0x16420] =	vst v63  }
0x5c: {  	_ =	swait.ge [sflag:s23], $0xA00  }
0x5d: {  	[sflag:s23] =	ssyncset.done $0x0  }
0x5e: {  	s12 =	sadd.s32 $0x2850, s1;
	[sflag:s23] =	ssyncadd.s32 $0xFFFFF600  }
0x5f: {  	[spmem:s3] =	stream.indirect.scatter.add.f32 [tilespmem:s18], [sflag:$0x5], $0x20, s12, s16, $0xb8;
	[tilespmem:$0x16420] =	vst v63  }
0x60: {  	_ =	swait.ge [sflag:s11], $0xA00  }
0x61: {  	[sflag:s11] =	ssyncset.done $0x0  }
0x62: {  	s12 =	sadd.s32 $0x190, s1;
	[sflag:s11] =	ssyncadd.s32 $0xFFFFF600  }
0x63: {  	[tilespmem:s18], [sflag:$0x2] =	stream.indirect.gather [spmem:s2], $0x20, s12, s16, $0xb8;
	[tilespmem:$0x16420] =	vst v63  }
0x64: {  	_ =	swait.ge [sflag:s24], $0xA00  }
0x65: {  	[sflag:s24] =	ssyncset.done $0x0  }
0x66: {  	s12 =	sadd.s32 $0x28A0, s1;
	[sflag:s24] =	ssyncadd.s32 $0xFFFFF600  }
0x67: {  	[spmem:s3] =	stream.indirect.scatter.add.f32 [tilespmem:s20], [sflag:$0x5], $0x20, s12, s16, $0xb8;
	[tilespmem:$0x16420] =	vst v63  }
0x68: {  	_ =	swait.ge [sflag:s11], $0xA00  }
0x69: {  	[sflag:s11] =	ssyncset.done $0x0  }
0x6a: {  	s12 =	sadd.s32 $0x1E0, s1;
	[sflag:s11] =	ssyncadd.s32 $0xFFFFF600  }
0x6b: {  	[tilespmem:s20], [sflag:$0x3] =	stream.indirect.gather [spmem:s2], $0x20, s12, s16, $0xb8;
	[tilespmem:$0x16420] =	vst v63  }
0x6c: {  	_ =	swait.ge [sflag:s25], $0xA00  }
0x6d: {  	[sflag:s25] =	ssyncset.done $0x0  }
.Ltmp1:
0x6e: {  	s12 =	sadd.s32 $0x28F0, s1;
	[sflag:s25] =	ssyncadd.s32 $0xFFFFF600;
	(pc) =	sbr.rel @p0 .LBB2_4-.Ltmp1, $4  }
0x6f: {  	[spmem:s3] =	stream.indirect.scatter.add.f32 [tilespmem:s21], [sflag:$0x5], $0x20, s12, s16, $0xb8;
	[tilespmem:$0x16420] =	vst v63  }
0x70: {  	_ =	swait.ge [sflag:s11], $0xA00  }
0x71: {  	s26 =	sadd.s32 $0x230, s1;
	[sflag:s11] =	ssyncset.done $0x0  }
0x72: {  	s1 =	smov.u32 s15;
	s12 =	smov.u32 s19;
	[sflag:s11] =	ssyncadd.s32 $0xFFFFF600  }
0x73: {  	[tilespmem:s21], [sflag:$0x4] =	stream.indirect.gather [spmem:s2], $0x20, s26, s16, $0xb8;
	[tilespmem:$0x16420] =	vst v63  }
0x74: {  	s12 =	sadd.s32 $0xF0, s1  }
0x75: {  	[tilespmem:s21], [sflag:$0x4] =	stream.indirect.gather [spmem:s2], $0x20, s12, s16, $0xb8;
	[tilespmem:$0x16420] =	vst v63  }
0x76: {  	_ =	swait.ge [sflag:s22], $0xA00  }
0x77: {  	[sflag:s22] =	ssyncset.done $0x0  }
0x78: {  	s26 =	sadd.s32 $0x2800, s1;
	[sflag:s22] =	ssyncadd.s32 $0xFFFFF600  }
0x79: {  	[spmem:s3] =	stream.indirect.scatter.add.f32 [tilespmem:s17], [sflag:$0x5], $0x20, s26, s16, $0xb8;
	[tilespmem:$0x16420] =	vst v63  }
0x7a: {  	_ =	swait.ge [sflag:s11], $0xA00  }
0x7b: {  	[sflag:s11] =	ssyncset.done $0x0  }
0x7c: {  	s15 =	sadd.s32 $0x140, s1;
	[sflag:s11] =	ssyncadd.s32 $0xFFFFF600  }
0x7d: {  	[tilespmem:s17], [sflag:$0x1] =	stream.indirect.gather [spmem:s2], $0x20, s15, s16, $0xb8;
	[tilespmem:$0x16420] =	vst v63  }
0x7e: {  	_ =	swait.ge [sflag:s23], $0xA00  }
0x7f: {  	[sflag:s23] =	ssyncset.done $0x0  }
0x80: {  	s19 =	sadd.s32 $0x2850, s1;
	[sflag:s23] =	ssyncadd.s32 $0xFFFFF600  }
0x81: {  	[spmem:s3] =	stream.indirect.scatter.add.f32 [tilespmem:s18], [sflag:$0x5], $0x20, s19, s16, $0xb8;
	[tilespmem:$0x16420] =	vst v63  }
0x82: {  	_ =	swait.ge [sflag:s11], $0xA00  }
0x83: {  	[sflag:s11] =	ssyncset.done $0x0  }
0x84: {  	s26 =	sadd.s32 $0x190, s1;
	[sflag:s11] =	ssyncadd.s32 $0xFFFFF600  }
0x85: {  	[tilespmem:s18], [sflag:$0x2] =	stream.indirect.gather [spmem:s2], $0x20, s26, s16, $0xb8;
	[tilespmem:$0x16420] =	vst v63  }
0x86: {  	_ =	swait.ge [sflag:s24], $0xA00  }
0x87: {  	[sflag:s24] =	ssyncset.done $0x0  }
0x88: {  	s15 =	sadd.s32 $0x28A0, s1;
	[sflag:s24] =	ssyncadd.s32 $0xFFFFF600  }
0x89: {  	[spmem:s3] =	stream.indirect.scatter.add.f32 [tilespmem:s20], [sflag:$0x5], $0x20, s15, s16, $0xb8;
	[tilespmem:$0x16420] =	vst v63  }
0x8a: {  	_ =	swait.ge [sflag:s11], $0xA00  }
0x8b: {  	[sflag:s11] =	ssyncset.done $0x0  }
0x8c: {  	s19 =	sadd.s32 $0x1E0, s1;
	[sflag:s11] =	ssyncadd.s32 $0xFFFFF600  }
0x8d: {  	[tilespmem:s20], [sflag:$0x3] =	stream.indirect.gather [spmem:s2], $0x20, s19, s16, $0xb8;
	[tilespmem:$0x16420] =	vst v63  }
0x8e: {  	_ =	swait.ge [sflag:s25], $0xA00  }
0x8f: {  	[sflag:s25] =	ssyncset.done $0x0  }
0x90: {  	s26 =	sadd.s32 $0x28F0, s1;
	[sflag:s25] =	ssyncadd.s32 $0xFFFFF600  }
0x91: {  	[spmem:s3] =	stream.indirect.scatter.add.f32 [tilespmem:s21], [sflag:$0x5], $0x20, s26, s16, $0xb8;
	[tilespmem:$0x16420] =	vst v63  }
0x92: {  	_ =	swait.ge [sflag:s11], $0xA00  }
0x93: {  	[sflag:s11] =	ssyncset.done $0x0  }
0x94: {  	s15 =	sadd.s32 $0x230, s1;
	[sflag:s11] =	ssyncadd.s32 $0xFFFFF600  }
0x95: {  	[tilespmem:s21], [sflag:$0x4] =	stream.indirect.gather [spmem:s2], $0x20, s15, s16, $0xb8;
	[tilespmem:$0x16420] =	vst v63  }
0x96: {  	s19 =	simm.s32 $0x27B0  }
0x97: {  	[tilespmem:s21], [sflag:$0x4] =	stream.indirect.gather [spmem:s2], $0x20, s19, s16, $0xb8;
	[tilespmem:$0x16420] =	vst v63  }
0x98: {  	_ =	swait.ge [sflag:s22], $0xA00  }
0x99: {  	[sflag:s22] =	ssyncset.done $0x0  }
0x9a: {  	[sflag:s22] =	ssyncadd.s32 $0xFFFFF600  }
0x9b: {  	[spmem:s3] =	stream.indirect.scatter.add.f32 [tilespmem:s17], [sflag:$0x5], $0x20, s28, s16, $0xb8;
	[tilespmem:$0x16420] =	vst v63  }
0x9c: {  	_ =	swait.ge [sflag:s11], $0xA00  }
0x9d: {  	[sflag:s11] =	ssyncset.done $0x0  }
0x9e: {  	[sflag:s11] =	ssyncadd.s32 $0xFFFFF600  }
0x9f: {  	_ =	swait.ge [sflag:s23], $0xA00  }
0xa0: {  	[sflag:s23] =	ssyncset.done $0x0  }
0xa1: {  	[sflag:s23] =	ssyncadd.s32 $0xFFFFF600  }
0xa2: {  	[spmem:s3] =	stream.indirect.scatter.add.f32 [tilespmem:s18], [sflag:$0x5], $0x20, s29, s16, $0xb8;
	[tilespmem:$0x16420] =	vst v63  }
0xa3: {  	_ =	swait.ge [sflag:s11], $0xA00  }
0xa4: {  	[sflag:s11] =	ssyncset.done $0x0  }
0xa5: {  	[sflag:s11] =	ssyncadd.s32 $0xFFFFF600  }
0xa6: {  	_ =	swait.ge [sflag:s24], $0xA00  }
0xa7: {  	[sflag:s24] =	ssyncset.done $0x0  }
0xa8: {  	[sflag:s24] =	ssyncadd.s32 $0xFFFFF600  }
0xa9: {  	[spmem:s3] =	stream.indirect.scatter.add.f32 [tilespmem:s20], [sflag:$0x5], $0x20, s30, s16, $0xb8;
	[tilespmem:$0x16420] =	vst v63  }
0xaa: {  	_ =	swait.ge [sflag:s11], $0xA00  }
0xab: {  	[sflag:s11] =	ssyncset.done $0x0  }
0xac: {  	[sflag:s11] =	ssyncadd.s32 $0xFFFFF600  }
0xad: {  	_ =	swait.ge [sflag:s25], $0xA00  }
0xae: {  	[sflag:s25] =	ssyncset.done $0x0  }
0xaf: {  	[sflag:s25] =	ssyncadd.s32 $0xFFFFF600  }
0xb0: {  	[spmem:s3] =	stream.indirect.scatter.add.f32 [tilespmem:s21], [sflag:$0x5], $0x20, s31, s16, $0xb8;
	[tilespmem:$0x16420] =	vst v63  }
0xb1: {  	_ =	swait.ge [sflag:s11], $0xA00  }
0xb2: {  	s0 =	sadd.s32 $0x1, s0;
	[sflag:s11] =	ssyncset.done $0x0  }
0xb3: {  	p0 =	sne.s32 s0, s10;
	[sflag:s11] =	ssyncadd.s32 $0xFFFFF600  }
.Ltmp2:
0xb4: {  	s26 =	sshrl.u32 s8, $0x3;
	[bflag:$0x0] =	sbarrier.arrive $0xFFFF;
	(pc) =	sbr.rel @p0 .LBB2_1-.Ltmp2, $4  }
0xb5: {  	[hbm:s9], [sflag:s13] =	dma.local [spmem:s26], $0x9E0  }
0xb6: {  	_ =	swait.ge [sflag:s11], $0x9E0  }
0xb7: {  	[sflag:s11] =	ssyncset.done $0x0  }
0xb8: {  	[sflag:s11] =	ssyncadd.s32 $0xFFFFF620  }
0xb9: {  	_ =	sfence.sel $0x180000  }
0xba: {  	[bflag:$0x0] =	sbarrier.arrive $0xFFFF  }
0xbb: {  	_ =	strace $0x9000004D  }
0xbc: {  	s0 =	stileid.u32;
	[bflag:$0x2] =	sbarrier.arrive $0xFFFF  }
0xbd: {  	p0 =	sne.s32 s0, $0x0;
	s0 =	rddreg [dreg:$0x3]  }
0xbe: {  	s0 =	sadd.s32 @!p0 $0x100000, s0  }
0xbf: {  	[sflag:s0] =	ssyncadd.tile.s32 @!p0 $0x1;
	_ =	shalt  }
.Lfunc_end2:
_tile_overlayer_lowered:
.L_overlay_start_2:
0xc0: {  	(tag) =	ssettag $0x2  }
0xc1: {  	s0 =	rddreg [dreg:$0x0];
	s2 =	stileid.u32  }
0xc2: {  	s1 =	rddreg [dreg:$0x1];
	p0 =	sne.s32 s2, $0x0  }
0xc3: {  	s3 =	rddreg [dreg:$0x2];
	[bflag:$0x3] =	sbarrier.arrive $0xFFFF;
	s2 =	simm.s32 @!p0 $0x1C05  }
0xc4: {  	[timem:s3], [sflag:s2] =	dma.local @!p0 [hbm:s0], s1  }
0xc5: {  	s0 =	simm.s32 @!p0 $0x5  }
0xc6: {  	_ =	swait.ge @!p0 [sflag:s0], s1  }
0xc7: {  	s1 =	ssub.s32 @!p0 $0x0, s1;
	[sflag:s0] =	ssyncset.done @!p0 $0x0  }
0xc8: {  	[sflag:s0] =	ssyncadd.s32 @!p0 s1  }
0xc9: {  	[bflag:$0x3] =	sbarrier.arrive $0xFFFF  }
0xca: {  	_ =	shalt  }

// kernel: kernel.25.cloned.1.call-start
scs
__scs_entry_jumppad:
0x0: {  	(pc) =	sbr.rel $0x88, $3  }
0x1: {  	(tag) =	ssettag $0x0;
	lr =	simm.s32 $0x1  }
0x2: {  	[smem:$0x3F8E] =	sst lr;
	_ =	strace $0xD0000000  }
0x3: {  	_ = 	snop  }
0x4: {  	_ = 	snop  }
0x5: {  	_ = 	snop  }
0x6: {  	_ = 	snop  }
0x7: {  	_ = 	snop  }
__scs_overlays_trampoline_lowered:
0x8: {  	[smem:$0x3F9D] =	sst s0  }
0x9: {  	[smem:$0x3F9E] =	sst s1  }
0xa: {  	[smem:$0x3F9F] =	sst s2  }
0xb: {  	[smem:$0x3FA0] =	sst s3  }
0xc: {  	[smem:$0x3FA1] =	sst s4  }
0xd: {  	[smem:$0x3FA2] =	sst s5  }
0xe: {  	[smem:$0x3FA3] =	sst s6  }
0xf: {  	[smem:$0x3FA4] =	sst s7  }
0x10: {  	[smem:$0x3FA5] =	sst s8  }
0x11: {  	[smem:$0x3FA6] =	sst s9;
	s0 =	simm.s32 @!p0 $0x0  }
0x12: {  	s1 =	sld [smem:$0x3F8C];
	s0 =	simm.s32 @p0 $0x1  }
0x13: {  	[smem:$0x3FA7] =	sst s0;
	s0 =	simm.s32 @!p1 $0x0  }
0x14: {  	s2 =	sld [smem:$0x3F8B];
	s0 =	simm.s32 @p1 $0x1  }
0x15: {  	[smem:$0x3FA8] =	sst s0;
	s0 =	simm.s32 @!p2 $0x0  }
0x16: {  	s3 =	sld [smem:$0x3FDB];
	s0 =	simm.s32 @p2 $0x1  }
0x17: {  	s4 =	simm.s32 $0x1BF5;
	[smem:$0x3FAA] =	sst s0  }
0x18: {  	s0 =	sld [smem:$0x3F8D];
	_ =	swait.ge [sflag:s4], $0x0  }
0x19: {  	s7 =	sld [smem:$0x3F8E]  }
0x1a: {  	s8 =	sadd.s32 $0xFFFFE003, lr  }
0x1b: {  	s9 =	sadd.s32 $0xFFFFFEF7, lr;
	s5 =	simm.s32 $0xFFFFFFFF;
	p2 =	slt.u32 s8, $0xFFFFF086  }
0x1c: {  	p1 =	slt.u32 s9, $0xF7A;
	s5 =	simm.s32 @!p2 $0x0  }
0x1d: {  	s5 =	simm.s32 @p1 $0x1;
	p0 =	seq.s32 s7, s2  }
0x1e: {  	s7 =	smul.u32 @!p0 $0xF7A, s2;
	p2 =	seq.s32 @!p0 s5, $0x0  }
0x1f: {  	s9 =	smul.u32 $0xF7A, s1;
	s8 =	simm.s32 @!p0 $0x1BF5;
	p2 =	por !p2, p0  }
0x20: {  	[sflag:s8] =	ssyncset.s32 @!p0 $0xFFFFF086;
	s6 =	sadd.s32 @!p0 s3, s7;
	s7 =	simm.s32 @!p0 $0x108  }
0x21: {  	s3 =	sadd.s32 s3, s9;
	s6 =	sadd.s32 @!p0 $0x88, s6;
	s7 =	simm.s32 @p2 $0x1082  }
0x22: {  	[simem:s7], [sflag:s8] =	dma.local @!p0 [hbm:s6], $0xF7A  }
0x23: {  	s9 =	sor.u32 $0xD0000000, s2;
	s6 =	simm.s32 $0x108;
	_ =	swait.ge @!p0 [sflag:s8], $0x0  }
0x24: {  	s3 =	sadd.s32 $0x88, s3;
	s6 =	simm.s32 @!p1 $0x1082;
	[sflag:s4] =	ssyncset.s32 $0xFFFFF086  }
0x25: {  	[simem:s6], [sflag:s4] =	dma.local [hbm:s3], $0xF7A  }
0x26: {  	[smem:$0x3F8E] =	sst s1;
	(tag) =	ssettag s2;
	_ =	strace s9  }
0x27: {  	s1 =	sld [smem:$0x3F9E]  }
0x28: {  	s2 =	sld [smem:$0x3F9F]  }
0x29: {  	s4 =	sld [smem:$0x3FA1]  }
0x2a: {  	p0 =	seq.s32 s5, $0x0;
	s5 =	sld [smem:$0x3FA2]  }
0x2b: {  	s6 =	sld [smem:$0x3FA3]  }
0x2c: {  	s7 =	sld [smem:$0x3FA4]  }
0x2d: {  	s3 =	simm.s32 $0x108;
	s8 =	sld [smem:$0x3FA5]  }
0x2e: {  	s3 =	simm.s32 @!p0 $0x1082;
	s9 =	sld [smem:$0x3FA6]  }
0x2f: {  	lr =	sadd.s32 s0, s3;
	s0 =	sld [smem:$0x3F9D]  }
0x30: {  	s3 =	sld [smem:$0x3FA0]  }
0x31: {  	[smem:$0x3FA9] =	sst s10  }
0x32: {  	s10 =	sld [smem:$0x3FA7];
	_ =	sdelay $0x3  }
0x33: {  	p0 =	seq.s32 s10, $0x1;
	s10 =	sld [smem:$0x3FA9];
	_ =	sdelay $0x3  }
0x34: {  	[smem:$0x3FA9] =	sst s10  }
0x35: {  	s10 =	sld [smem:$0x3FA8];
	_ =	sdelay $0x3  }
0x36: {  	p1 =	seq.s32 s10, $0x1;
	s10 =	sld [smem:$0x3FA9];
	_ =	sdelay $0x3  }
0x37: {  	[smem:$0x3FA9] =	sst s10  }
0x38: {  	s10 =	sld [smem:$0x3FAA]  }
0x39: {  	_ = 	snop;
	(pc) =	sbr.ind lr, $3  }
0x3a: {  	_ = 	snop  }
0x3b: {  	_ = 	snop  }
0x3c: {  	p2 =	seq.s32 s10, $0x1;
	s10 =	sld [smem:$0x3FA9]  }
0x3d: {  	_ =	shalt  }
0x3e: {  	_ =	shalt  }
0x3f: {  	_ =	shalt  }
0x40: {  	_ =	shalt  }
0x41: {  	_ =	shalt  }
0x42: {  	_ =	shalt  }
0x43: {  	_ =	shalt  }
0x44: {  	_ =	shalt  }
0x45: {  	_ =	shalt  }
0x46: {  	_ =	shalt  }
0x47: {  	_ =	shalt  }
0x48: {  	_ =	shalt  }
0x49: {  	_ =	shalt  }
0x4a: {  	_ =	shalt  }
0x4b: {  	_ =	shalt  }
0x4c: {  	_ =	shalt  }
0x4d: {  	_ =	shalt  }
0x4e: {  	_ =	shalt  }
0x4f: {  	_ =	shalt  }
0x50: {  	_ =	shalt  }
0x51: {  	_ =	shalt  }
0x52: {  	_ =	shalt  }
0x53: {  	_ =	shalt  }
0x54: {  	_ =	shalt  }
0x55: {  	_ =	shalt  }
0x56: {  	_ =	shalt  }
0x57: {  	_ =	shalt  }
0x58: {  	_ =	shalt  }
0x59: {  	_ =	shalt  }
0x5a: {  	_ =	shalt  }
0x5b: {  	_ =	shalt  }
0x5c: {  	_ =	shalt  }
0x5d: {  	_ =	shalt  }
0x5e: {  	_ =	shalt  }
0x5f: {  	_ =	shalt  }
0x60: {  	_ =	shalt  }
0x61: {  	_ =	shalt  }
0x62: {  	_ =	shalt  }
0x63: {  	_ =	shalt  }
0x64: {  	_ =	shalt  }
0x65: {  	_ =	shalt  }
0x66: {  	_ =	shalt  }
0x67: {  	_ =	shalt  }
0x68: {  	_ =	shalt  }
0x69: {  	_ =	shalt  }
0x6a: {  	_ =	shalt  }
0x6b: {  	_ =	shalt  }
0x6c: {  	_ =	shalt  }
0x6d: {  	_ =	shalt  }
0x6e: {  	_ =	shalt  }
0x6f: {  	_ =	shalt  }
0x70: {  	_ =	shalt  }
0x71: {  	_ =	shalt  }
0x72: {  	_ =	shalt  }
0x73: {  	_ =	shalt  }
0x74: {  	_ =	shalt  }
0x75: {  	_ =	shalt  }
0x76: {  	_ =	shalt  }
0x77: {  	_ =	shalt  }
0x78: {  	_ =	shalt  }
0x79: {  	_ =	shalt  }
0x7a: {  	_ =	shalt  }
0x7b: {  	_ =	shalt  }
0x7c: {  	_ =	shalt  }
0x7d: {  	_ =	shalt  }
0x7e: {  	_ =	shalt  }
0x7f: {  	_ =	shalt  }
0x80: {  	_ =	shalt  }
0x81: {  	_ =	shalt  }
0x82: {  	_ =	shalt  }
0x83: {  	_ =	shalt  }
0x84: {  	_ =	shalt  }
0x85: {  	_ =	shalt  }
0x86: {  	_ =	shalt  }
0x87: {  	_ =	shalt  }
.Lfunc_end0:
.L_simem_size_0:
called_computation.3_lowered:
.L_overlay_start_0:
0x88: {  	s2 =	sld [smem:$0x3FD9]  }
0x89: {  	s3 =	sld [smem:$0x3FFE];
	_ =	sdelay $0x1  }
0x8a: {  	s1 =	srdreg.scid  }
0x8b: {  	s0 =	sand.u32 $0x1, s1  }
0x8c: {  	s16 =	sshll.u32 s0, $0xA;
	s2 =	sadd.s32 s3, s2  }
0x8d: {  	s2 =	sadd.s32 s2, s16  }
0x8e: {  	[smem:$0x3FB5] =	sst s2  }
0x8f: {  	_ = 	snop  }
0x90: {  	(tm) =	ssettm $0x1  }
0x91: {  	s17 =	sld [smem:$0x3FFB];
	_ =	sdelay $0x3  }
0x92: {  	_ =	strace s17  }
0x93: {  	s2 =	sld [smem:$0x3FFC];
	_ =	sdelay $0x3  }
0x94: {  	_ =	strace s2  }
0x95: {  	s2 =	sld [smem:$0x3FFD];
	_ =	sdelay $0x3  }
0x96: {  	_ =	strace s2  }
0x97: {  	_ =	strace $0x8FFFFFFF  }
0x98: {  	s18 =	sld [smem:$0x3FDB];
	_ =	sdelay $0x1  }
0x99: {  	s19 =	simm.s32 $_scs_section_size  }
0x9a: {  	s4 =	simm.s32 $_size__tile_overlayer_lowered;
	s5 =	simm.s32 $_tile_overlayer_lowered  }
0x9b: {  	s22 =	simm.s32 $0x1BFF;
	s21 =	sshll.u32 s5, $0x1;
	s2 =	sadd.s32 s19, s18  }
0x9c: {  	s6 =	simm.s32 $0x0;
	s20 =	sshll.u32 s4, $0x1;
	s4 =	sadd.s32 s21, s2  }
0x9d: {  	[timem:s6], [sflag:s22] =	dma.local [hbm:s4], s20  }
0x9e: {  	_ =	swait.ge [sflag:s22], s20  }
0x9f: {  	s3 =	ssub.s32 $0x0, s20;
	[sflag:s22] =	ssyncset.done $0x0  }
0xa0: {  	[sflag:s22] =	ssyncadd.s32 s3;
	_ =	sdelay $0x1  }
0xa1: {  	s23 =	simm.s32 $0x1B8B  }
0xa2: {  	_ =	swait.ge [sflag:s23], $0x1  }
0xa3: {  	[sflag:s23] =	ssyncset.done $0x0  }
0xa4: {  	s25 =	simm.s32 $0x1B8E;
	s24 =	sld [smem:$0x3FFE];
	[sflag:s23] =	ssyncadd.s32 $0xFFFFFFFF  }
0xa5: {  	s26 =	simm.s32 $execute0_lowered;
	[smem:$0x3FD2] =	sst s25  }
0xa6: {  	s4 =	sshll.u32 s26, $0x1;
	_ =	strace $0x8000004F;
	[dreg:$0x1] =	wrdreg $0xFFFFFFFF  }
0xa7: {  	s28 =	simm.s32 $_size_execute0_lowered;
	s2 =	sadd.s32 s2, s4;
	[dreg:$0x0] =	wrdreg $0x0  }
0xa8: {  	s4 =	sshll.u32 s28, $0x1;
	[dreg:$0x2] =	wrdreg s2  }
0xa9: {  	[dreg:$0x3] =	wrdreg s4  }
0xaa: {  	[dreg:$0x4] =	wrdreg $0xC0  }
0xab: {  	_ =	task [dreg:s6], $0x5FFFF  }
0xac: {  	[dreg:$0x1] =	wrdreg $0xFFFFFFFF  }
0xad: {  	[dreg:$0x0] =	wrdreg $0x60  }
0xae: {  	[dreg:$0x2] =	wrdreg s24  }
0xaf: {  	[dreg:$0x3] =	wrdreg $0x116000  }
0xb0: {  	[dreg:$0x4] =	wrdreg $0xC7000  }
0xb1: {  	[dreg:$0x5] =	wrdreg $0x9  }
0xb2: {  	_ =	task.clear_ibuf [dreg:s6], $0x6FFFF;
	_ =	strace $0x9000004F  }
0xb3: {  	s29 =	simm.s32 $0x9;
	_ =	strace $0x80000051  }
0xb4: {  	_ =	swait.ge [sflag:s29], $0x1  }
0xb5: {  	[sflag:s29] =	ssyncadd.s32 $0xFFFFFFFF  }
0xb6: {  	_ =	strace $0x90000051  }
0xb7: {  	_ =	sfence  }
0xb8: {  	s30 =	sld [smem:$0x0];
	_ =	sdelay $0x2  }
0xb9: {  	s31 =	sshll.u32 s1, $0xD;
	s1 =	sshrl.u32 s1, $0x2  }
0xba: {  	s3 =	sand.u32 $0x4000, s31;
	s1 =	sadd.s32 s1, s30  }
0xbb: {  	s0 =	sor.u32 s3, s0;
	s1 =	sshll.u32 s1, $0x11  }
0xbc: {  	s0 =	sor.u32 s1, s0  }
0xbd: {  	s0 =	sadd.s32 $0x8F2B, s0  }
0xbe: {  	[sflag:s0] =	ssyncadd.remote.s32 $0x1  }
0xbf: {  	_ =	sfence.sel $0xFFFF  }
0xc0: {  	[dreg:$0x0] =	wrdreg $0xFFFFFFFF;
	(pc) =	sbr.abs _section_cstart, $3  }
0xc1: {  	[dreg:$0x1] =	wrdreg $0xFFFFFFFF  }
0xc2: {  	_ =	task.clear_ibuf [dreg:s6], $0x2FFFF;
	_ =	strace $0x9FFFFFFF  }
0xc3: {  	(tm) =	ssettm $0x7FFFFFFF  }
tec
execute0_lowered:
.L_overlay_start_1:
0x0: {  	(tag) =	ssettag $0x1  }
0x1: {  	s0 =	rddreg [dreg:$0x0]  }
0x2: {  	s2 =	rddreg [dreg:$0x1]  }
0x3: {  	s3 =	rddreg [dreg:$0x2];
	s11 =	stileid.u32  }
0x4: {  	s5 =	srdreg.scid;
	s4 =	simm.s32 $0x0;
	s16 =	simm.s32 $0x50  }
0x5: {  	s17 =	simm.s32 $0x5000;
	s18 =	simm.s32 $0x5A00;
	s20 =	simm.s32 $0x6400  }
0x6: {  	s21 =	simm.s32 $0x6E00;
	s22 =	simm.s32 $0x1;
	s23 =	simm.s32 $0x2  }
0x7: {  	s24 =	simm.s32 $0x3;
	s28 =	simm.s32 $0x4EC0;
	s29 =	simm.s32 $0x4F10  }
0x8: {  	s30 =	simm.s32 $0x4F60;
	s31 =	simm.s32 $0x4FB0;
	s1 =	smul.u32 $0x4E20, s11  }
0x9: {  	s5 =	sand.u32 $0x1, s5;
	s8 =	smul.u32 $0x4F00, s11;
	[smem:$0x7FF] =	sst s4  }
0xa: {  	s26 =	sshll.u32 s11, $0x6;
	s6 =	sshll.u32 s5, $0x4;
	s7 =	smul.u32 $0x4F000, s5  }
0xb: {  	_ =	strace $0x80000050;
	s5 =	ssub.s32 $0x2, s5;
	s13 =	sor.u32 $0x1C05, s26  }
0xc: {  	s6 =	sor.u32 s11, s6;
	s9 =	sshrl.u32 s1, $0x3;
	s25 =	sshrl.u32 s5, $0x1  }
0xd: {  	s1 =	sadd.s32 s1, s2;
	s11 =	simm.s32 $0x5;
	s6 =	smul.u32 $0x500, s6  }
0xe: {  	s7 =	sadd.s32 s8, s7;
	s9 =	sadd.s32 s9, s0;
	s10 =	ssub.s32 s5, s25  }
0xf: {  	s8 =	sadd.s32 s8, s3;
	s14 =	sshrl.u32 s1, $0x3;
	s25 =	simm.s32 $0x4  }
0x10: {  	s7 =	sshrl.u32 s7, $0x3;
	s10 =	smax.u32 s10, $0x1;
	s6 =	sadd.s32 s6, s0  }
0x11: {  	s0 =	sadd.s32 s7, s0;
	s7 =	sadd.s32 $0xE800, s9;
	s5 =	sadd.s32 $0x18600, s6  }
0x12: {  	v0 =	vimm.f32 $0.0e+00;
	s6 =	sadd.s32 $0x4800, s6;
	s9 =	sadd.s32 $0x70A00, s0;
	s0 =	simm.s32 $0x0  }
.LBB2_1:
0x13: {  	[tilespmem:s4], [sflag:$0x5] =	stream.linear.gather [hbm4b:s5+s4], $0x2800, $0x38;
	[tilespmem:$0x16420] =	vst v63  }
0x14: {  	_ =	swait.ge [sflag:s11], $0x2800  }
0x15: {  	[sflag:s11] =	ssyncset.done $0x0  }
0x16: {  	s1 =	simm.s32 $0x2800;
	[sflag:s11] =	ssyncadd.s32 $0xFFFFD800  }
0x17: {  	[tilespmem:s1], [sflag:$0x5] =	stream.linear.gather [hbm4b:s6+s4], $0x2800, $0x38;
	[tilespmem:$0x16420] =	vst v63  }
0x18: {  	_ =	swait.ge [sflag:s11], $0x2800  }
0x19: {  	[sflag:s11] =	ssyncset.done $0x0  }
0x1a: {  	[sflag:s11] =	ssyncadd.s32 $0xFFFFD800  }
0x1b: {  	[spmem:s14], [sflag:s13] =	dma.local [hbm:s7], $0x9C4  }
0x1c: {  	_ =	swait.ge [sflag:s11], $0x9C4  }
0x1d: {  	[sflag:s11] =	ssyncset.done $0x0  }
0x1e: {  	s12 =	simm.s32 $0x0;
	s1 =	simm.s32 $0x80;
	[sflag:s11] =	ssyncadd.s32 $0xFFFFF63C  }
.LBB2_2:
0x1f: {  	p0 =	sne.s32 s1, $0x13B80;
	[tilespmem:s12+$0x7800] =	vst v0;
	s15 =	smov.u32 s1;
	s1 =	sadd.s32 $0x80, s1  }
.Ltmp0:
0x20: {  	[tilespmem:s12+$0x7810] =	vst v0;
	(pc) =	sbr.rel @p0 .LBB2_2-.Ltmp0, $2  }
0x21: {  	_ =	sdelay $0x2  }
0x22: {  	s12 =	sshra.s32 s15, $0x2  }
0x23: {  	[tilespmem:s12+$0x7800] =	vst v0  }
0x24: {  	[tilespmem:s12+$0x7810] =	vst v0;
	s1 =	simm.s32 $0x7800  }
0x25: {  	[spmem:s8] =	stream.linear.scatter [tilespmem:s1], [sflag:$0x5], $0x4F00, $0x38;
	[tilespmem:$0x16420] =	vst v63  }
0x26: {  	_ =	swait.ge [sflag:s11], $0x4F00  }
0x27: {  	[sflag:s11] =	ssyncset.done $0x0  }
0x28: {  	[sflag:s11] =	ssyncadd.s32 $0xFFFFB100  }
0x29: {  	s19 =	simm.s32 $0x0;
	[bflag:$0x0] =	sbarrier.arrive $0xFFFF  }
0x2a: {  	[tilespmem:s17], [sflag:$0x1] =	stream.indirect.gather [spmem:s2], $0x20, s19, s16, $0xb8;
	[tilespmem:$0x16420] =	vst v63  }
0x2b: {  	_ = 	snop  }
0x2c: {  	[tilespmem:s18], [sflag:$0x2] =	stream.indirect.gather [spmem:s2], $0x20, s16, s16, $0xb8;
	[tilespmem:$0x16420] =	vst v63  }
0x2d: {  	s26 =	simm.s32 $0xA0  }
0x2e: {  	[tilespmem:s20], [sflag:$0x3] =	stream.indirect.gather [spmem:s2], $0x20, s26, s16, $0xb8;
	[tilespmem:$0x16420] =	vst v63  }
0x2f: {  	s12 =	simm.s32 $0xF0  }
0x30: {  	[tilespmem:s21], [sflag:$0x4] =	stream.indirect.gather [spmem:s2], $0x20, s12, s16, $0xb8;
	[tilespmem:$0x16420] =	vst v63  }
0x31: {  	_ =	swait.ge [sflag:s22], $0xA00  }
0x32: {  	[sflag:s22] =	ssyncset.done $0x0  }
0x33: {  	s15 =	simm.s32 $0x2800;
	[sflag:s22] =	ssyncadd.s32 $0xFFFFF600  }
0x34: {  	[spmem:s3] =	stream.indirect.scatter.add.f32 [tilespmem:s17], [sflag:$0x5], $0x20, s15, s16, $0xb8;
	[tilespmem:$0x16420] =	vst v63  }
0x35: {  	_ =	swait.ge [sflag:s11], $0xA00  }
0x36: {  	[sflag:s11] =	ssyncset.done $0x0  }
0x37: {  	s19 =	simm.s32 $0x140;
	[sflag:s11] =	ssyncadd.s32 $0xFFFFF600  }
0x38: {  	[tilespmem:s17], [sflag:$0x1] =	stream.indirect.gather [spmem:s2], $0x20, s19, s16, $0xb8;
	[tilespmem:$0x16420] =	vst v63  }
0x39: {  	_ =	swait.ge [sflag:s23], $0xA00  }
0x3a: {  	[sflag:s23] =	ssyncset.done $0x0  }
0x3b: {  	s26 =	simm.s32 $0x2850;
	[sflag:s23] =	ssyncadd.s32 $0xFFFFF600  }
0x3c: {  	[spmem:s3] =	stream.indirect.scatter.add.f32 [tilespmem:s18], [sflag:$0x5], $0x20, s26, s16, $0xb8;
	[tilespmem:$0x16420] =	vst v63  }
0x3d: {  	_ =	swait.ge [sflag:s11], $0xA00  }
0x3e: {  	[sflag:s11] =	ssyncset.done $0x0  }
0x3f: {  	s12 =	simm.s32 $0x190;
	[sflag:s11] =	ssyncadd.s32 $0xFFFFF600  }
0x40: {  	[tilespmem:s18], [sflag:$0x2] =	stream.indirect.gather [spmem:s2], $0x20, s12, s16, $0xb8;
	[tilespmem:$0x16420] =	vst v63  }
0x41: {  	_ =	swait.ge [sflag:s24], $0xA00  }
0x42: {  	[sflag:s24] =	ssyncset.done $0x0  }
0x43: {  	s15 =	simm.s32 $0x28A0;
	[sflag:s24] =	ssyncadd.s32 $0xFFFFF600  }
0x44: {  	[spmem:s3] =	stream.indirect.scatter.add.f32 [tilespmem:s20], [sflag:$0x5], $0x20, s15, s16, $0xb8;
	[tilespmem:$0x16420] =	vst v63  }
0x45: {  	_ =	swait.ge [sflag:s11], $0xA00  }
0x46: {  	[sflag:s11] =	ssyncset.done $0x0  }
0x47: {  	s19 =	simm.s32 $0x1E0;
	[sflag:s11] =	ssyncadd.s32 $0xFFFFF600  }
0x48: {  	[tilespmem:s20], [sflag:$0x3] =	stream.indirect.gather [spmem:s2], $0x20, s19, s16, $0xb8;
	[tilespmem:$0x16420] =	vst v63  }
0x49: {  	_ =	swait.ge [sflag:s25], $0xA00  }
0x4a: {  	[sflag:s25] =	ssyncset.done $0x0  }
0x4b: {  	s26 =	simm.s32 $0x28F0;
	[sflag:s25] =	ssyncadd.s32 $0xFFFFF600  }
0x4c: {  	[spmem:s3] =	stream.indirect.scatter.add.f32 [tilespmem:s21], [sflag:$0x5], $0x20, s26, s16, $0xb8;
	[tilespmem:$0x16420] =	vst v63  }
0x4d: {  	_ =	swait.ge [sflag:s11], $0xA00  }
0x4e: {  	s1 =	simm.s32 $0x140;
	[sflag:s11] =	ssyncset.done $0x0  }
0x4f: {  	s12 =	simm.s32 $0xA00;
	s26 =	simm.s32 $0x230;
	[sflag:s11] =	ssyncadd.s32 $0xFFFFF600  }
.LBB2_4:
0x50: {  	[tilespmem:s21], [sflag:$0x4] =	stream.indirect.gather [spmem:s2], $0x20, s26, s16, $0xb8;
	[tilespmem:$0x16420] =	vst v63  }
0x51: {  	s15 =	smov.u32 s12  }
0x52: {  	s19 =	sadd.s32 $0x500, s12;
	s26 =	sadd.s32 $0xF0, s1;
	s15 =	sshra.s32 s15, $0x2  }
0x53: {  	[tilespmem:s21], [sflag:$0x4] =	stream.indirect.gather [spmem:s2], $0x20, s26, s16, $0xb8;
	[tilespmem:$0x16420] =	vst v63  }
0x54: {  	p0 =	sne.s32 s12, $0x9600;
	_ =	swait.ge [sflag:s22], $0xA00  }
0x55: {  	[sflag:s22] =	ssyncset.done $0x0  }
0x56: {  	s12 =	sadd.s32 $0x2800, s1;
	[sflag:s22] =	ssyncadd.s32 $0xFFFFF600  }
0x57: {  	[spmem:s3] =	stream.indirect.scatter.add.f32 [tilespmem:s17], [sflag:$0x5], $0x20, s12, s16, $0xb8;
	[tilespmem:$0x16420] =	vst v63  }
0x58: {  	_ =	swait.ge [sflag:s11], $0xA00  }
0x59: {  	[sflag:s11] =	ssyncset.done $0x0  }
0x5a: {  	s12 =	sadd.s32 $0x140, s1;
	[sflag:s11] =	ssyncadd.s32 $0xFFFFF600  }
0x5b: {  	[tilespmem:s17], [sflag:$0x1] =	stream.indirect.gather [spmem:s2], $0x20, s12, s16, $0xb8;
	[tilespmem:$0x16420] =	vst v63  }
0x5c: {  	_ =	swait.ge [sflag:s23], $0xA00  }
0x5d: {  	[sflag:s23] =	ssyncset.done $0x0  }
0x5e: {  	s12 =	sadd.s32 $0x2850, s1;
	[sflag:s23] =	ssyncadd.s32 $0xFFFFF600  }
0x5f: {  	[spmem:s3] =	stream.indirect.scatter.add.f32 [tilespmem:s18], [sflag:$0x5], $0x20, s12, s16, $0xb8;
	[tilespmem:$0x16420] =	vst v63  }
0x60: {  	_ =	swait.ge [sflag:s11], $0xA00  }
0x61: {  	[sflag:s11] =	ssyncset.done $0x0  }
0x62: {  	s12 =	sadd.s32 $0x190, s1;
	[sflag:s11] =	ssyncadd.s32 $0xFFFFF600  }
0x63: {  	[tilespmem:s18], [sflag:$0x2] =	stream.indirect.gather [spmem:s2], $0x20, s12, s16, $0xb8;
	[tilespmem:$0x16420] =	vst v63  }
0x64: {  	_ =	swait.ge [sflag:s24], $0xA00  }
0x65: {  	[sflag:s24] =	ssyncset.done $0x0  }
0x66: {  	s12 =	sadd.s32 $0x28A0, s1;
	[sflag:s24] =	ssyncadd.s32 $0xFFFFF600  }
0x67: {  	[spmem:s3] =	stream.indirect.scatter.add.f32 [tilespmem:s20], [sflag:$0x5], $0x20, s12, s16, $0xb8;
	[tilespmem:$0x16420] =	vst v63  }
0x68: {  	_ =	swait.ge [sflag:s11], $0xA00  }
0x69: {  	[sflag:s11] =	ssyncset.done $0x0  }
0x6a: {  	s12 =	sadd.s32 $0x1E0, s1;
	[sflag:s11] =	ssyncadd.s32 $0xFFFFF600  }
0x6b: {  	[tilespmem:s20], [sflag:$0x3] =	stream.indirect.gather [spmem:s2], $0x20, s12, s16, $0xb8;
	[tilespmem:$0x16420] =	vst v63  }
0x6c: {  	_ =	swait.ge [sflag:s25], $0xA00  }
0x6d: {  	[sflag:s25] =	ssyncset.done $0x0  }
.Ltmp1:
0x6e: {  	s12 =	sadd.s32 $0x28F0, s1;
	[sflag:s25] =	ssyncadd.s32 $0xFFFFF600;
	(pc) =	sbr.rel @p0 .LBB2_4-.Ltmp1, $4  }
0x6f: {  	[spmem:s3] =	stream.indirect.scatter.add.f32 [tilespmem:s21], [sflag:$0x5], $0x20, s12, s16, $0xb8;
	[tilespmem:$0x16420] =	vst v63  }
0x70: {  	_ =	swait.ge [sflag:s11], $0xA00  }
0x71: {  	s26 =	sadd.s32 $0x230, s1;
	[sflag:s11] =	ssyncset.done $0x0  }
0x72: {  	s1 =	smov.u32 s15;
	s12 =	smov.u32 s19;
	[sflag:s11] =	ssyncadd.s32 $0xFFFFF600  }
0x73: {  	[tilespmem:s21], [sflag:$0x4] =	stream.indirect.gather [spmem:s2], $0x20, s26, s16, $0xb8;
	[tilespmem:$0x16420] =	vst v63  }
0x74: {  	s12 =	sadd.s32 $0xF0, s1  }
0x75: {  	[tilespmem:s21], [sflag:$0x4] =	stream.indirect.gather [spmem:s2], $0x20, s12, s16, $0xb8;
	[tilespmem:$0x16420] =	vst v63  }
0x76: {  	_ =	swait.ge [sflag:s22], $0xA00  }
0x77: {  	[sflag:s22] =	ssyncset.done $0x0  }
0x78: {  	s26 =	sadd.s32 $0x2800, s1;
	[sflag:s22] =	ssyncadd.s32 $0xFFFFF600  }
0x79: {  	[spmem:s3] =	stream.indirect.scatter.add.f32 [tilespmem:s17], [sflag:$0x5], $0x20, s26, s16, $0xb8;
	[tilespmem:$0x16420] =	vst v63  }
0x7a: {  	_ =	swait.ge [sflag:s11], $0xA00  }
0x7b: {  	[sflag:s11] =	ssyncset.done $0x0  }
0x7c: {  	s15 =	sadd.s32 $0x140, s1;
	[sflag:s11] =	ssyncadd.s32 $0xFFFFF600  }
0x7d: {  	[tilespmem:s17], [sflag:$0x1] =	stream.indirect.gather [spmem:s2], $0x20, s15, s16, $0xb8;
	[tilespmem:$0x16420] =	vst v63  }
0x7e: {  	_ =	swait.ge [sflag:s23], $0xA00  }
0x7f: {  	[sflag:s23] =	ssyncset.done $0x0  }
0x80: {  	s19 =	sadd.s32 $0x2850, s1;
	[sflag:s23] =	ssyncadd.s32 $0xFFFFF600  }
0x81: {  	[spmem:s3] =	stream.indirect.scatter.add.f32 [tilespmem:s18], [sflag:$0x5], $0x20, s19, s16, $0xb8;
	[tilespmem:$0x16420] =	vst v63  }
0x82: {  	_ =	swait.ge [sflag:s11], $0xA00  }
0x83: {  	[sflag:s11] =	ssyncset.done $0x0  }
0x84: {  	s26 =	sadd.s32 $0x190, s1;
	[sflag:s11] =	ssyncadd.s32 $0xFFFFF600  }
0x85: {  	[tilespmem:s18], [sflag:$0x2] =	stream.indirect.gather [spmem:s2], $0x20, s26, s16, $0xb8;
	[tilespmem:$0x16420] =	vst v63  }
0x86: {  	_ =	swait.ge [sflag:s24], $0xA00  }
0x87: {  	[sflag:s24] =	ssyncset.done $0x0  }
0x88: {  	s15 =	sadd.s32 $0x28A0, s1;
	[sflag:s24] =	ssyncadd.s32 $0xFFFFF600  }
0x89: {  	[spmem:s3] =	stream.indirect.scatter.add.f32 [tilespmem:s20], [sflag:$0x5], $0x20, s15, s16, $0xb8;
	[tilespmem:$0x16420] =	vst v63  }
0x8a: {  	_ =	swait.ge [sflag:s11], $0xA00  }
0x8b: {  	[sflag:s11] =	ssyncset.done $0x0  }
0x8c: {  	s19 =	sadd.s32 $0x1E0, s1;
	[sflag:s11] =	ssyncadd.s32 $0xFFFFF600  }
0x8d: {  	[tilespmem:s20], [sflag:$0x3] =	stream.indirect.gather [spmem:s2], $0x20, s19, s16, $0xb8;
	[tilespmem:$0x16420] =	vst v63  }
0x8e: {  	_ =	swait.ge [sflag:s25], $0xA00  }
0x8f: {  	[sflag:s25] =	ssyncset.done $0x0  }
0x90: {  	s26 =	sadd.s32 $0x28F0, s1;
	[sflag:s25] =	ssyncadd.s32 $0xFFFFF600  }
0x91: {  	[spmem:s3] =	stream.indirect.scatter.add.f32 [tilespmem:s21], [sflag:$0x5], $0x20, s26, s16, $0xb8;
	[tilespmem:$0x16420] =	vst v63  }
0x92: {  	_ =	swait.ge [sflag:s11], $0xA00  }
0x93: {  	[sflag:s11] =	ssyncset.done $0x0  }
0x94: {  	s15 =	sadd.s32 $0x230, s1;
	[sflag:s11] =	ssyncadd.s32 $0xFFFFF600  }
0x95: {  	[tilespmem:s21], [sflag:$0x4] =	stream.indirect.gather [spmem:s2], $0x20, s15, s16, $0xb8;
	[tilespmem:$0x16420] =	vst v63  }
0x96: {  	s19 =	simm.s32 $0x27B0  }
0x97: {  	[tilespmem:s21], [sflag:$0x4] =	stream.indirect.gather [spmem:s2], $0x20, s19, s16, $0xb8;
	[tilespmem:$0x16420] =	vst v63  }
0x98: {  	_ =	swait.ge [sflag:s22], $0xA00  }
0x99: {  	[sflag:s22] =	ssyncset.done $0x0  }
0x9a: {  	[sflag:s22] =	ssyncadd.s32 $0xFFFFF600  }
0x9b: {  	[spmem:s3] =	stream.indirect.scatter.add.f32 [tilespmem:s17], [sflag:$0x5], $0x20, s28, s16, $0xb8;
	[tilespmem:$0x16420] =	vst v63  }
0x9c: {  	_ =	swait.ge [sflag:s11], $0xA00  }
0x9d: {  	[sflag:s11] =	ssyncset.done $0x0  }
0x9e: {  	[sflag:s11] =	ssyncadd.s32 $0xFFFFF600  }
0x9f: {  	_ =	swait.ge [sflag:s23], $0xA00  }
0xa0: {  	[sflag:s23] =	ssyncset.done $0x0  }
0xa1: {  	[sflag:s23] =	ssyncadd.s32 $0xFFFFF600  }
0xa2: {  	[spmem:s3] =	stream.indirect.scatter.add.f32 [tilespmem:s18], [sflag:$0x5], $0x20, s29, s16, $0xb8;
	[tilespmem:$0x16420] =	vst v63  }
0xa3: {  	_ =	swait.ge [sflag:s11], $0xA00  }
0xa4: {  	[sflag:s11] =	ssyncset.done $0x0  }
0xa5: {  	[sflag:s11] =	ssyncadd.s32 $0xFFFFF600  }
0xa6: {  	_ =	swait.ge [sflag:s24], $0xA00  }
0xa7: {  	[sflag:s24] =	ssyncset.done $0x0  }
0xa8: {  	[sflag:s24] =	ssyncadd.s32 $0xFFFFF600  }
0xa9: {  	[spmem:s3] =	stream.indirect.scatter.add.f32 [tilespmem:s20], [sflag:$0x5], $0x20, s30, s16, $0xb8;
	[tilespmem:$0x16420] =	vst v63  }
0xaa: {  	_ =	swait.ge [sflag:s11], $0xA00  }
0xab: {  	[sflag:s11] =	ssyncset.done $0x0  }
0xac: {  	[sflag:s11] =	ssyncadd.s32 $0xFFFFF600  }
0xad: {  	_ =	swait.ge [sflag:s25], $0xA00  }
0xae: {  	[sflag:s25] =	ssyncset.done $0x0  }
0xaf: {  	[sflag:s25] =	ssyncadd.s32 $0xFFFFF600  }
0xb0: {  	[spmem:s3] =	stream.indirect.scatter.add.f32 [tilespmem:s21], [sflag:$0x5], $0x20, s31, s16, $0xb8;
	[tilespmem:$0x16420] =	vst v63  }
0xb1: {  	_ =	swait.ge [sflag:s11], $0xA00  }
0xb2: {  	s0 =	sadd.s32 $0x1, s0;
	[sflag:s11] =	ssyncset.done $0x0  }
0xb3: {  	p0 =	sne.s32 s0, s10;
	[sflag:s11] =	ssyncadd.s32 $0xFFFFF600  }
.Ltmp2:
0xb4: {  	s26 =	sshrl.u32 s8, $0x3;
	[bflag:$0x0] =	sbarrier.arrive $0xFFFF;
	(pc) =	sbr.rel @p0 .LBB2_1-.Ltmp2, $4  }
0xb5: {  	[hbm:s9], [sflag:s13] =	dma.local [spmem:s26], $0x9E0  }
0xb6: {  	_ =	swait.ge [sflag:s11], $0x9E0  }
0xb7: {  	[sflag:s11] =	ssyncset.done $0x0  }
0xb8: {  	[sflag:s11] =	ssyncadd.s32 $0xFFFFF620  }
0xb9: {  	_ =	sfence.sel $0x180000  }
0xba: {  	[bflag:$0x0] =	sbarrier.arrive $0xFFFF  }
0xbb: {  	_ =	strace $0x90000050  }
0xbc: {  	s0 =	stileid.u32;
	[bflag:$0x2] =	sbarrier.arrive $0xFFFF  }
0xbd: {  	p0 =	sne.s32 s0, $0x0;
	s0 =	rddreg [dreg:$0x3]  }
0xbe: {  	s0 =	sadd.s32 @!p0 $0x100000, s0  }
0xbf: {  	[sflag:s0] =	ssyncadd.tile.s32 @!p0 $0x1;
	_ =	shalt  }
.Lfunc_end2:
_tile_overlayer_lowered:
.L_overlay_start_2:
0xc0: {  	(tag) =	ssettag $0x2  }
0xc1: {  	s0 =	rddreg [dreg:$0x0];
	s2 =	stileid.u32  }
0xc2: {  	s1 =	rddreg [dreg:$0x1];
	p0 =	sne.s32 s2, $0x0  }
0xc3: {  	s3 =	rddreg [dreg:$0x2];
	[bflag:$0x3] =	sbarrier.arrive $0xFFFF;
	s2 =	simm.s32 @!p0 $0x1C05  }
0xc4: {  	[timem:s3], [sflag:s2] =	dma.local @!p0 [hbm:s0], s1  }
0xc5: {  	s0 =	simm.s32 @!p0 $0x5  }
0xc6: {  	_ =	swait.ge @!p0 [sflag:s0], s1  }
0xc7: {  	s1 =	ssub.s32 @!p0 $0x0, s1;
	[sflag:s0] =	ssyncset.done @!p0 $0x0  }
0xc8: {  	[sflag:s0] =	ssyncadd.s32 @!p0 s1  }
0xc9: {  	[bflag:$0x3] =	sbarrier.arrive $0xFFFF  }
0xca: {  	_ =	shalt  }

// kernel: kernel.28.cloned.1.call-start
scs
__scs_entry_jumppad:
0x0: {  	(pc) =	sbr.rel $0x88, $3  }
0x1: {  	(tag) =	ssettag $0x0;
	lr =	simm.s32 $0x1  }
0x2: {  	[smem:$0x3F8E] =	sst lr;
	_ =	strace $0xD0000000  }
0x3: {  	_ = 	snop  }
0x4: {  	_ = 	snop  }
0x5: {  	_ = 	snop  }
0x6: {  	_ = 	snop  }
0x7: {  	_ = 	snop  }
__scs_overlays_trampoline_lowered:
0x8: {  	[smem:$0x3F9D] =	sst s0  }
0x9: {  	[smem:$0x3F9E] =	sst s1  }
0xa: {  	[smem:$0x3F9F] =	sst s2  }
0xb: {  	[smem:$0x3FA0] =	sst s3  }
0xc: {  	[smem:$0x3FA1] =	sst s4  }
0xd: {  	[smem:$0x3FA2] =	sst s5  }
0xe: {  	[smem:$0x3FA3] =	sst s6  }
0xf: {  	[smem:$0x3FA4] =	sst s7  }
0x10: {  	[smem:$0x3FA5] =	sst s8  }
0x11: {  	[smem:$0x3FA6] =	sst s9;
	s0 =	simm.s32 @!p0 $0x0  }
0x12: {  	s1 =	sld [smem:$0x3F8C];
	s0 =	simm.s32 @p0 $0x1  }
0x13: {  	[smem:$0x3FA7] =	sst s0;
	s0 =	simm.s32 @!p1 $0x0  }
0x14: {  	s2 =	sld [smem:$0x3F8B];
	s0 =	simm.s32 @p1 $0x1  }
0x15: {  	[smem:$0x3FA8] =	sst s0;
	s0 =	simm.s32 @!p2 $0x0  }
0x16: {  	s3 =	sld [smem:$0x3FDB];
	s0 =	simm.s32 @p2 $0x1  }
0x17: {  	s4 =	simm.s32 $0x1BF5;
	[smem:$0x3FAA] =	sst s0  }
0x18: {  	s0 =	sld [smem:$0x3F8D];
	_ =	swait.ge [sflag:s4], $0x0  }
0x19: {  	s7 =	sld [smem:$0x3F8E]  }
0x1a: {  	s8 =	sadd.s32 $0xFFFFE003, lr  }
0x1b: {  	s9 =	sadd.s32 $0xFFFFFEF7, lr;
	s5 =	simm.s32 $0xFFFFFFFF;
	p2 =	slt.u32 s8, $0xFFFFF086  }
0x1c: {  	p1 =	slt.u32 s9, $0xF7A;
	s5 =	simm.s32 @!p2 $0x0  }
0x1d: {  	s5 =	simm.s32 @p1 $0x1;
	p0 =	seq.s32 s7, s2  }
0x1e: {  	s7 =	smul.u32 @!p0 $0xF7A, s2;
	p2 =	seq.s32 @!p0 s5, $0x0  }
0x1f: {  	s9 =	smul.u32 $0xF7A, s1;
	s8 =	simm.s32 @!p0 $0x1BF5;
	p2 =	por !p2, p0  }
0x20: {  	[sflag:s8] =	ssyncset.s32 @!p0 $0xFFFFF086;
	s6 =	sadd.s32 @!p0 s3, s7;
	s7 =	simm.s32 @!p0 $0x108  }
0x21: {  	s3 =	sadd.s32 s3, s9;
	s6 =	sadd.s32 @!p0 $0x88, s6;
	s7 =	simm.s32 @p2 $0x1082  }
0x22: {  	[simem:s7], [sflag:s8] =	dma.local @!p0 [hbm:s6], $0xF7A  }
0x23: {  	s9 =	sor.u32 $0xD0000000, s2;
	s6 =	simm.s32 $0x108;
	_ =	swait.ge @!p0 [sflag:s8], $0x0  }
0x24: {  	s3 =	sadd.s32 $0x88, s3;
	s6 =	simm.s32 @!p1 $0x1082;
	[sflag:s4] =	ssyncset.s32 $0xFFFFF086  }
0x25: {  	[simem:s6], [sflag:s4] =	dma.local [hbm:s3], $0xF7A  }
0x26: {  	[smem:$0x3F8E] =	sst s1;
	(tag) =	ssettag s2;
	_ =	strace s9  }
0x27: {  	s1 =	sld [smem:$0x3F9E]  }
0x28: {  	s2 =	sld [smem:$0x3F9F]  }
0x29: {  	s4 =	sld [smem:$0x3FA1]  }
0x2a: {  	p0 =	seq.s32 s5, $0x0;
	s5 =	sld [smem:$0x3FA2]  }
0x2b: {  	s6 =	sld [smem:$0x3FA3]  }
0x2c: {  	s7 =	sld [smem:$0x3FA4]  }
0x2d: {  	s3 =	simm.s32 $0x108;
	s8 =	sld [smem:$0x3FA5]  }
0x2e: {  	s3 =	simm.s32 @!p0 $0x1082;
	s9 =	sld [smem:$0x3FA6]  }
0x2f: {  	lr =	sadd.s32 s0, s3;
	s0 =	sld [smem:$0x3F9D]  }
0x30: {  	s3 =	sld [smem:$0x3FA0]  }
0x31: {  	[smem:$0x3FA9] =	sst s10  }
0x32: {  	s10 =	sld [smem:$0x3FA7];
	_ =	sdelay $0x3  }
0x33: {  	p0 =	seq.s32 s10, $0x1;
	s10 =	sld [smem:$0x3FA9];
	_ =	sdelay $0x3  }
0x34: {  	[smem:$0x3FA9] =	sst s10  }
0x35: {  	s10 =	sld [smem:$0x3FA8];
	_ =	sdelay $0x3  }
0x36: {  	p1 =	seq.s32 s10, $0x1;
	s10 =	sld [smem:$0x3FA9];
	_ =	sdelay $0x3  }
0x37: {  	[smem:$0x3FA9] =	sst s10  }
0x38: {  	s10 =	sld [smem:$0x3FAA]  }
0x39: {  	_ = 	snop;
	(pc) =	sbr.ind lr, $3  }
0x3a: {  	_ = 	snop  }
0x3b: {  	_ = 	snop  }
0x3c: {  	p2 =	seq.s32 s10, $0x1;
	s10 =	sld [smem:$0x3FA9]  }
0x3d: {  	_ =	shalt  }
0x3e: {  	_ =	shalt  }
0x3f: {  	_ =	shalt  }
0x40: {  	_ =	shalt  }
0x41: {  	_ =	shalt  }
0x42: {  	_ =	shalt  }
0x43: {  	_ =	shalt  }
0x44: {  	_ =	shalt  }
0x45: {  	_ =	shalt  }
0x46: {  	_ =	shalt  }
0x47: {  	_ =	shalt  }
0x48: {  	_ =	shalt  }
0x49: {  	_ =	shalt  }
0x4a: {  	_ =	shalt  }
0x4b: {  	_ =	shalt  }
0x4c: {  	_ =	shalt  }
0x4d: {  	_ =	shalt  }
0x4e: {  	_ =	shalt  }
0x4f: {  	_ =	shalt  }
0x50: {  	_ =	shalt  }
0x51: {  	_ =	shalt  }
0x52: {  	_ =	shalt  }
0x53: {  	_ =	shalt  }
0x54: {  	_ =	shalt  }
0x55: {  	_ =	shalt  }
0x56: {  	_ =	shalt  }
0x57: {  	_ =	shalt  }
0x58: {  	_ =	shalt  }
0x59: {  	_ =	shalt  }
0x5a: {  	_ =	shalt  }
0x5b: {  	_ =	shalt  }
0x5c: {  	_ =	shalt  }
0x5d: {  	_ =	shalt  }
0x5e: {  	_ =	shalt  }
0x5f: {  	_ =	shalt  }
0x60: {  	_ =	shalt  }
0x61: {  	_ =	shalt  }
0x62: {  	_ =	shalt  }
0x63: {  	_ =	shalt  }
0x64: {  	_ =	shalt  }
0x65: {  	_ =	shalt  }
0x66: {  	_ =	shalt  }
0x67: {  	_ =	shalt  }
0x68: {  	_ =	shalt  }
0x69: {  	_ =	shalt  }
0x6a: {  	_ =	shalt  }
0x6b: {  	_ =	shalt  }
0x6c: {  	_ =	shalt  }
0x6d: {  	_ =	shalt  }
0x6e: {  	_ =	shalt  }
0x6f: {  	_ =	shalt  }
0x70: {  	_ =	shalt  }
0x71: {  	_ =	shalt  }
0x72: {  	_ =	shalt  }
0x73: {  	_ =	shalt  }
0x74: {  	_ =	shalt  }
0x75: {  	_ =	shalt  }
0x76: {  	_ =	shalt  }
0x77: {  	_ =	shalt  }
0x78: {  	_ =	shalt  }
0x79: {  	_ =	shalt  }
0x7a: {  	_ =	shalt  }
0x7b: {  	_ =	shalt  }
0x7c: {  	_ =	shalt  }
0x7d: {  	_ =	shalt  }
0x7e: {  	_ =	shalt  }
0x7f: {  	_ =	shalt  }
0x80: {  	_ =	shalt  }
0x81: {  	_ =	shalt  }
0x82: {  	_ =	shalt  }
0x83: {  	_ =	shalt  }
0x84: {  	_ =	shalt  }
0x85: {  	_ =	shalt  }
0x86: {  	_ =	shalt  }
0x87: {  	_ =	shalt  }
.Lfunc_end0:
.L_simem_size_0:
called_computation.4_lowered:
.L_overlay_start_0:
0x88: {  	s2 =	sld [smem:$0x3FD9]  }
0x89: {  	s3 =	sld [smem:$0x3FFE];
	_ =	sdelay $0x1  }
0x8a: {  	s1 =	srdreg.scid  }
0x8b: {  	s0 =	sand.u32 $0x1, s1  }
0x8c: {  	s16 =	sshll.u32 s0, $0xA;
	s2 =	sadd.s32 s3, s2  }
0x8d: {  	s2 =	sadd.s32 s2, s16  }
0x8e: {  	[smem:$0x3FB5] =	sst s2  }
0x8f: {  	_ = 	snop  }
0x90: {  	(tm) =	ssettm $0x1  }
0x91: {  	s17 =	sld [smem:$0x3FFB];
	_ =	sdelay $0x3  }
0x92: {  	_ =	strace s17  }
0x93: {  	s2 =	sld [smem:$0x3FFC];
	_ =	sdelay $0x3  }
0x94: {  	_ =	strace s2  }
0x95: {  	s2 =	sld [smem:$0x3FFD];
	_ =	sdelay $0x3  }
0x96: {  	_ =	strace s2  }
0x97: {  	_ =	strace $0x8FFFFFFF  }
0x98: {  	s18 =	sld [smem:$0x3FDB];
	_ =	sdelay $0x1  }
0x99: {  	s19 =	simm.s32 $_scs_section_size  }
0x9a: {  	s4 =	simm.s32 $_size__tile_overlayer_lowered;
	s5 =	simm.s32 $_tile_overlayer_lowered  }
0x9b: {  	s22 =	simm.s32 $0x1BFF;
	s21 =	sshll.u32 s5, $0x1;
	s2 =	sadd.s32 s19, s18  }
0x9c: {  	s6 =	simm.s32 $0x0;
	s20 =	sshll.u32 s4, $0x1;
	s4 =	sadd.s32 s21, s2  }
0x9d: {  	[timem:s6], [sflag:s22] =	dma.local [hbm:s4], s20  }
0x9e: {  	_ =	swait.ge [sflag:s22], s20  }
0x9f: {  	s3 =	ssub.s32 $0x0, s20;
	[sflag:s22] =	ssyncset.done $0x0  }
0xa0: {  	[sflag:s22] =	ssyncadd.s32 s3;
	_ =	sdelay $0x1  }
0xa1: {  	s23 =	simm.s32 $0x1B8B  }
0xa2: {  	_ =	swait.ge [sflag:s23], $0x1  }
0xa3: {  	[sflag:s23] =	ssyncset.done $0x0  }
0xa4: {  	s25 =	simm.s32 $0x1B8E;
	s24 =	sld [smem:$0x3FFE];
	[sflag:s23] =	ssyncadd.s32 $0xFFFFFFFF  }
0xa5: {  	s26 =	simm.s32 $execute0_lowered;
	[smem:$0x3FD2] =	sst s25  }
0xa6: {  	s4 =	sshll.u32 s26, $0x1;
	_ =	strace $0x80000052;
	[dreg:$0x1] =	wrdreg $0xFFFFFFFF  }
0xa7: {  	s28 =	simm.s32 $_size_execute0_lowered;
	s2 =	sadd.s32 s2, s4;
	[dreg:$0x0] =	wrdreg $0x0  }
0xa8: {  	s4 =	sshll.u32 s28, $0x1;
	[dreg:$0x2] =	wrdreg s2  }
0xa9: {  	[dreg:$0x3] =	wrdreg s4  }
0xaa: {  	[dreg:$0x4] =	wrdreg $0xC0  }
0xab: {  	_ =	task [dreg:s6], $0x5FFFF  }
0xac: {  	[dreg:$0x1] =	wrdreg $0xFFFFFFFF  }
0xad: {  	[dreg:$0x0] =	wrdreg $0x60  }
0xae: {  	[dreg:$0x2] =	wrdreg s24  }
0xaf: {  	[dreg:$0x3] =	wrdreg $0xB3000  }
0xb0: {  	[dreg:$0x4] =	wrdreg $0x8B800  }
0xb1: {  	[dreg:$0x5] =	wrdreg $0x9  }
0xb2: {  	_ =	task.clear_ibuf [dreg:s6], $0x6FFFF;
	_ =	strace $0x90000052  }
0xb3: {  	s29 =	simm.s32 $0x9;
	_ =	strace $0x80000054  }
0xb4: {  	_ =	swait.ge [sflag:s29], $0x1  }
0xb5: {  	[sflag:s29] =	ssyncadd.s32 $0xFFFFFFFF  }
0xb6: {  	_ =	strace $0x90000054  }
0xb7: {  	_ =	sfence  }
0xb8: {  	s30 =	sld [smem:$0x0];
	_ =	sdelay $0x2  }
0xb9: {  	s31 =	sshll.u32 s1, $0xD;
	s1 =	sshrl.u32 s1, $0x2  }
0xba: {  	s3 =	sand.u32 $0x4000, s31;
	s1 =	sadd.s32 s1, s30  }
0xbb: {  	s0 =	sor.u32 s3, s0;
	s1 =	sshll.u32 s1, $0x11  }
0xbc: {  	s0 =	sor.u32 s1, s0  }
0xbd: {  	s0 =	sadd.s32 $0x8F2B, s0  }
0xbe: {  	[sflag:s0] =	ssyncadd.remote.s32 $0x1  }
0xbf: {  	_ =	sfence.sel $0xFFFF  }
0xc0: {  	[dreg:$0x0] =	wrdreg $0xFFFFFFFF;
	(pc) =	sbr.abs _section_cstart, $3  }
0xc1: {  	[dreg:$0x1] =	wrdreg $0xFFFFFFFF  }
0xc2: {  	_ =	task.clear_ibuf [dreg:s6], $0x2FFFF;
	_ =	strace $0x9FFFFFFF  }
0xc3: {  	(tm) =	ssettm $0x7FFFFFFF  }
tec
execute0_lowered:
.L_overlay_start_1:
0x0: {  	(tag) =	ssettag $0x1  }
0x1: {  	s0 =	rddreg [dreg:$0x0]  }
0x2: {  	s2 =	rddreg [dreg:$0x1]  }
0x3: {  	s3 =	rddreg [dreg:$0x2];
	s11 =	stileid.u32  }
0x4: {  	s5 =	srdreg.scid;
	s4 =	simm.s32 $0x0;
	s16 =	simm.s32 $0x50  }
0x5: {  	s17 =	simm.s32 $0x5000;
	s18 =	simm.s32 $0x5500;
	s20 =	simm.s32 $0x5A00  }
0x6: {  	s21 =	simm.s32 $0x5F00;
	s22 =	simm.s32 $0x1;
	s23 =	simm.s32 $0x2  }
0x7: {  	s24 =	simm.s32 $0x3;
	s28 =	simm.s32 $0x4EC0;
	s29 =	simm.s32 $0x4F10  }
0x8: {  	s30 =	simm.s32 $0x4F60;
	s31 =	simm.s32 $0x4FB0;
	s1 =	smul.u32 $0x2710, s11  }
0x9: {  	s5 =	sand.u32 $0x1, s5;
	s8 =	smul.u32 $0x2780, s11;
	[smem:$0x7FF] =	sst s4  }
0xa: {  	s26 =	sshll.u32 s11, $0x6;
	s6 =	sshll.u32 s5, $0x4;
	s7 =	smul.u32 $0x27800, s5  }
0xb: {  	_ =	strace $0x80000053;
	s5 =	ssub.s32 $0x2, s5;
	s13 =	sor.u32 $0x1C05, s26  }
0xc: {  	s6 =	sor.u32 s11, s6;
	s9 =	sshrl.u32 s1, $0x3;
	s25 =	sshrl.u32 s5, $0x1  }
0xd: {  	s1 =	sadd.s32 s1, s2;
	s11 =	simm.s32 $0x5;
	s6 =	smul.u32 $0x500, s6  }
0xe: {  	s7 =	sadd.s32 s8, s7;
	s9 =	sadd.s32 s9, s0;
	s10 =	ssub.s32 s5, s25  }
0xf: {  	s8 =	sadd.s32 s8, s3;
	s14 =	sshrl.u32 s1, $0x3;
	s25 =	simm.s32 $0x4  }
0x10: {  	s7 =	sshrl.u32 s7, $0x3;
	s10 =	smax.u32 s10, $0x1;
	s6 =	sadd.s32 s6, s0  }
0x11: {  	s0 =	sadd.s32 s7, s0;
	s7 =	sadd.s32 $0xE800, s9;
	s5 =	sadd.s32 $0x18600, s6  }
0x12: {  	v0 =	vimm.f32 $0.0e+00;
	s6 =	sadd.s32 $0x4800, s6;
	s9 =	sadd.s32 $0x97C00, s0;
	s0 =	simm.s32 $0x0  }
.LBB2_1:
0x13: {  	[tilespmem:s4], [sflag:$0x5] =	stream.linear.gather [hbm4b:s5+s4], $0x2800, $0x38;
	[tilespmem:$0xDA10] =	vst v63  }
0x14: {  	_ =	swait.ge [sflag:s11], $0x2800  }
0x15: {  	[sflag:s11] =	ssyncset.done $0x0  }
0x16: {  	s1 =	simm.s32 $0x2800;
	[sflag:s11] =	ssyncadd.s32 $0xFFFFD800  }
0x17: {  	[tilespmem:s1], [sflag:$0x5] =	stream.linear.gather [hbm4b:s6+s4], $0x2800, $0x38;
	[tilespmem:$0xDA10] =	vst v63  }
0x18: {  	_ =	swait.ge [sflag:s11], $0x2800  }
0x19: {  	[sflag:s11] =	ssyncset.done $0x0  }
0x1a: {  	[sflag:s11] =	ssyncadd.s32 $0xFFFFD800  }
0x1b: {  	[spmem:s14], [sflag:s13] =	dma.local [hbm:s7], $0x4E2  }
0x1c: {  	_ =	swait.ge [sflag:s11], $0x4E2  }
0x1d: {  	[sflag:s11] =	ssyncset.done $0x0  }
0x1e: {  	s12 =	simm.s32 $0x0;
	s1 =	simm.s32 $0x40;
	[sflag:s11] =	ssyncadd.s32 $0xFFFFFB1E  }
.LBB2_2:
0x1f: {  	p0 =	sne.s32 s1, $0x9DC0;
	[tilespmem:s12+$0x6400] =	vst v0;
	s12 =	smov.u32 s1;
	s1 =	sadd.s32 $0x40, s1  }
.Ltmp0:
0x20: {  	(pc) =	sbr.rel @p0 .LBB2_2-.Ltmp0, $2  }
0x21: {  	_ =	sdelay $0x2  }
0x22: {  	s12 =	sshra.s32 s12, $0x2  }
0x23: {  	[tilespmem:s12+$0x6400] =	vst v0;
	s1 =	simm.s32 $0x6400  }
0x24: {  	[spmem:s8] =	stream.linear.scatter [tilespmem:s1], [sflag:$0x5], $0x2780, $0x38;
	[tilespmem:$0xDA10] =	vst v63  }
0x25: {  	_ =	swait.ge [sflag:s11], $0x2780  }
0x26: {  	[sflag:s11] =	ssyncset.done $0x0  }
0x27: {  	[sflag:s11] =	ssyncadd.s32 $0xFFFFD880  }
0x28: {  	s19 =	simm.s32 $0x0;
	[bflag:$0x0] =	sbarrier.arrive $0xFFFF  }
0x29: {  	[tilespmem:s17], [sflag:$0x1] =	stream.indirect.gather [spmem:s2], $0x10, s19, s16, $0xb8;
	[tilespmem:$0xDA10] =	vst v63  }
0x2a: {  	_ = 	snop  }
0x2b: {  	[tilespmem:s18], [sflag:$0x2] =	stream.indirect.gather [spmem:s2], $0x10, s16, s16, $0xb8;
	[tilespmem:$0xDA10] =	vst v63  }
0x2c: {  	s26 =	simm.s32 $0xA0  }
0x2d: {  	[tilespmem:s20], [sflag:$0x3] =	stream.indirect.gather [spmem:s2], $0x10, s26, s16, $0xb8;
	[tilespmem:$0xDA10] =	vst v63  }
0x2e: {  	s12 =	simm.s32 $0xF0  }
0x2f: {  	[tilespmem:s21], [sflag:$0x4] =	stream.indirect.gather [spmem:s2], $0x10, s12, s16, $0xb8;
	[tilespmem:$0xDA10] =	vst v63  }
0x30: {  	_ =	swait.ge [sflag:s22], $0x500  }
0x31: {  	[sflag:s22] =	ssyncset.done $0x0  }
0x32: {  	s15 =	simm.s32 $0x2800;
	[sflag:s22] =	ssyncadd.s32 $0xFFFFFB00  }
0x33: {  	[spmem:s3] =	stream.indirect.scatter.add.f32 [tilespmem:s17], [sflag:$0x5], $0x10, s15, s16, $0xb8;
	[tilespmem:$0xDA10] =	vst v63  }
0x34: {  	_ =	swait.ge [sflag:s11], $0x500  }
0x35: {  	[sflag:s11] =	ssyncset.done $0x0  }
0x36: {  	s19 =	simm.s32 $0x140;
	[sflag:s11] =	ssyncadd.s32 $0xFFFFFB00  }
0x37: {  	[tilespmem:s17], [sflag:$0x1] =	stream.indirect.gather [spmem:s2], $0x10, s19, s16, $0xb8;
	[tilespmem:$0xDA10] =	vst v63  }
0x38: {  	_ =	swait.ge [sflag:s23], $0x500  }
0x39: {  	[sflag:s23] =	ssyncset.done $0x0  }
0x3a: {  	s26 =	simm.s32 $0x2850;
	[sflag:s23] =	ssyncadd.s32 $0xFFFFFB00  }
0x3b: {  	[spmem:s3] =	stream.indirect.scatter.add.f32 [tilespmem:s18], [sflag:$0x5], $0x10, s26, s16, $0xb8;
	[tilespmem:$0xDA10] =	vst v63  }
0x3c: {  	_ =	swait.ge [sflag:s11], $0x500  }
0x3d: {  	[sflag:s11] =	ssyncset.done $0x0  }
0x3e: {  	s12 =	simm.s32 $0x190;
	[sflag:s11] =	ssyncadd.s32 $0xFFFFFB00  }
0x3f: {  	[tilespmem:s18], [sflag:$0x2] =	stream.indirect.gather [spmem:s2], $0x10, s12, s16, $0xb8;
	[tilespmem:$0xDA10] =	vst v63  }
0x40: {  	_ =	swait.ge [sflag:s24], $0x500  }
0x41: {  	[sflag:s24] =	ssyncset.done $0x0  }
0x42: {  	s15 =	simm.s32 $0x28A0;
	[sflag:s24] =	ssyncadd.s32 $0xFFFFFB00  }
0x43: {  	[spmem:s3] =	stream.indirect.scatter.add.f32 [tilespmem:s20], [sflag:$0x5], $0x10, s15, s16, $0xb8;
	[tilespmem:$0xDA10] =	vst v63  }
0x44: {  	_ =	swait.ge [sflag:s11], $0x500  }
0x45: {  	[sflag:s11] =	ssyncset.done $0x0  }
0x46: {  	s19 =	simm.s32 $0x1E0;
	[sflag:s11] =	ssyncadd.s32 $0xFFFFFB00  }
0x47: {  	[tilespmem:s20], [sflag:$0x3] =	stream.indirect.gather [spmem:s2], $0x10, s19, s16, $0xb8;
	[tilespmem:$0xDA10] =	vst v63  }
0x48: {  	_ =	swait.ge [sflag:s25], $0x500  }
0x49: {  	[sflag:s25] =	ssyncset.done $0x0  }
0x4a: {  	s26 =	simm.s32 $0x28F0;
	[sflag:s25] =	ssyncadd.s32 $0xFFFFFB00  }
0x4b: {  	[spmem:s3] =	stream.indirect.scatter.add.f32 [tilespmem:s21], [sflag:$0x5], $0x10, s26, s16, $0xb8;
	[tilespmem:$0xDA10] =	vst v63  }
0x4c: {  	_ =	swait.ge [sflag:s11], $0x500  }
0x4d: {  	s1 =	simm.s32 $0x140;
	[sflag:s11] =	ssyncset.done $0x0  }
0x4e: {  	s12 =	simm.s32 $0xA00;
	s26 =	simm.s32 $0x230;
	[sflag:s11] =	ssyncadd.s32 $0xFFFFFB00  }
.LBB2_4:
0x4f: {  	[tilespmem:s21], [sflag:$0x4] =	stream.indirect.gather [spmem:s2], $0x10, s26, s16, $0xb8;
	[tilespmem:$0xDA10] =	vst v63  }
0x50: {  	s15 =	smov.u32 s12  }
0x51: {  	s19 =	sadd.s32 $0x500, s12;
	s26 =	sadd.s32 $0xF0, s1;
	s15 =	sshra.s32 s15, $0x2  }
0x52: {  	[tilespmem:s21], [sflag:$0x4] =	stream.indirect.gather [spmem:s2], $0x10, s26, s16, $0xb8;
	[tilespmem:$0xDA10] =	vst v63  }
0x53: {  	p0 =	sne.s32 s12, $0x9600;
	_ =	swait.ge [sflag:s22], $0x500  }
0x54: {  	[sflag:s22] =	ssyncset.done $0x0  }
0x55: {  	s12 =	sadd.s32 $0x2800, s1;
	[sflag:s22] =	ssyncadd.s32 $0xFFFFFB00  }
0x56: {  	[spmem:s3] =	stream.indirect.scatter.add.f32 [tilespmem:s17], [sflag:$0x5], $0x10, s12, s16, $0xb8;
	[tilespmem:$0xDA10] =	vst v63  }
0x57: {  	_ =	swait.ge [sflag:s11], $0x500  }
0x58: {  	[sflag:s11] =	ssyncset.done $0x0  }
0x59: {  	s12 =	sadd.s32 $0x140, s1;
	[sflag:s11] =	ssyncadd.s32 $0xFFFFFB00  }
0x5a: {  	[tilespmem:s17], [sflag:$0x1] =	stream.indirect.gather [spmem:s2], $0x10, s12, s16, $0xb8;
	[tilespmem:$0xDA10] =	vst v63  }
0x5b: {  	_ =	swait.ge [sflag:s23], $0x500  }
0x5c: {  	[sflag:s23] =	ssyncset.done $0x0  }
0x5d: {  	s12 =	sadd.s32 $0x2850, s1;
	[sflag:s23] =	ssyncadd.s32 $0xFFFFFB00  }
0x5e: {  	[spmem:s3] =	stream.indirect.scatter.add.f32 [tilespmem:s18], [sflag:$0x5], $0x10, s12, s16, $0xb8;
	[tilespmem:$0xDA10] =	vst v63  }
0x5f: {  	_ =	swait.ge [sflag:s11], $0x500  }
0x60: {  	[sflag:s11] =	ssyncset.done $0x0  }
0x61: {  	s12 =	sadd.s32 $0x190, s1;
	[sflag:s11] =	ssyncadd.s32 $0xFFFFFB00  }
0x62: {  	[tilespmem:s18], [sflag:$0x2] =	stream.indirect.gather [spmem:s2], $0x10, s12, s16, $0xb8;
	[tilespmem:$0xDA10] =	vst v63  }
0x63: {  	_ =	swait.ge [sflag:s24], $0x500  }
0x64: {  	[sflag:s24] =	ssyncset.done $0x0  }
0x65: {  	s12 =	sadd.s32 $0x28A0, s1;
	[sflag:s24] =	ssyncadd.s32 $0xFFFFFB00  }
0x66: {  	[spmem:s3] =	stream.indirect.scatter.add.f32 [tilespmem:s20], [sflag:$0x5], $0x10, s12, s16, $0xb8;
	[tilespmem:$0xDA10] =	vst v63  }
0x67: {  	_ =	swait.ge [sflag:s11], $0x500  }
0x68: {  	[sflag:s11] =	ssyncset.done $0x0  }
0x69: {  	s12 =	sadd.s32 $0x1E0, s1;
	[sflag:s11] =	ssyncadd.s32 $0xFFFFFB00  }
0x6a: {  	[tilespmem:s20], [sflag:$0x3] =	stream.indirect.gather [spmem:s2], $0x10, s12, s16, $0xb8;
	[tilespmem:$0xDA10] =	vst v63  }
0x6b: {  	_ =	swait.ge [sflag:s25], $0x500  }
0x6c: {  	[sflag:s25] =	ssyncset.done $0x0  }
.Ltmp1:
0x6d: {  	s12 =	sadd.s32 $0x28F0, s1;
	[sflag:s25] =	ssyncadd.s32 $0xFFFFFB00;
	(pc) =	sbr.rel @p0 .LBB2_4-.Ltmp1, $4  }
0x6e: {  	[spmem:s3] =	stream.indirect.scatter.add.f32 [tilespmem:s21], [sflag:$0x5], $0x10, s12, s16, $0xb8;
	[tilespmem:$0xDA10] =	vst v63  }
0x6f: {  	_ =	swait.ge [sflag:s11], $0x500  }
0x70: {  	s26 =	sadd.s32 $0x230, s1;
	[sflag:s11] =	ssyncset.done $0x0  }
0x71: {  	s1 =	smov.u32 s15;
	s12 =	smov.u32 s19;
	[sflag:s11] =	ssyncadd.s32 $0xFFFFFB00  }
0x72: {  	[tilespmem:s21], [sflag:$0x4] =	stream.indirect.gather [spmem:s2], $0x10, s26, s16, $0xb8;
	[tilespmem:$0xDA10] =	vst v63  }
0x73: {  	s12 =	sadd.s32 $0xF0, s1  }
0x74: {  	[tilespmem:s21], [sflag:$0x4] =	stream.indirect.gather [spmem:s2], $0x10, s12, s16, $0xb8;
	[tilespmem:$0xDA10] =	vst v63  }
0x75: {  	_ =	swait.ge [sflag:s22], $0x500  }
0x76: {  	[sflag:s22] =	ssyncset.done $0x0  }
0x77: {  	s26 =	sadd.s32 $0x2800, s1;
	[sflag:s22] =	ssyncadd.s32 $0xFFFFFB00  }
0x78: {  	[spmem:s3] =	stream.indirect.scatter.add.f32 [tilespmem:s17], [sflag:$0x5], $0x10, s26, s16, $0xb8;
	[tilespmem:$0xDA10] =	vst v63  }
0x79: {  	_ =	swait.ge [sflag:s11], $0x500  }
0x7a: {  	[sflag:s11] =	ssyncset.done $0x0  }
0x7b: {  	s15 =	sadd.s32 $0x140, s1;
	[sflag:s11] =	ssyncadd.s32 $0xFFFFFB00  }
0x7c: {  	[tilespmem:s17], [sflag:$0x1] =	stream.indirect.gather [spmem:s2], $0x10, s15, s16, $0xb8;
	[tilespmem:$0xDA10] =	vst v63  }
0x7d: {  	_ =	swait.ge [sflag:s23], $0x500  }
0x7e: {  	[sflag:s23] =	ssyncset.done $0x0  }
0x7f: {  	s19 =	sadd.s32 $0x2850, s1;
	[sflag:s23] =	ssyncadd.s32 $0xFFFFFB00  }
0x80: {  	[spmem:s3] =	stream.indirect.scatter.add.f32 [tilespmem:s18], [sflag:$0x5], $0x10, s19, s16, $0xb8;
	[tilespmem:$0xDA10] =	vst v63  }
0x81: {  	_ =	swait.ge [sflag:s11], $0x500  }
0x82: {  	[sflag:s11] =	ssyncset.done $0x0  }
0x83: {  	s26 =	sadd.s32 $0x190, s1;
	[sflag:s11] =	ssyncadd.s32 $0xFFFFFB00  }
0x84: {  	[tilespmem:s18], [sflag:$0x2] =	stream.indirect.gather [spmem:s2], $0x10, s26, s16, $0xb8;
	[tilespmem:$0xDA10] =	vst v63  }
0x85: {  	_ =	swait.ge [sflag:s24], $0x500  }
0x86: {  	[sflag:s24] =	ssyncset.done $0x0  }
0x87: {  	s15 =	sadd.s32 $0x28A0, s1;
	[sflag:s24] =	ssyncadd.s32 $0xFFFFFB00  }
0x88: {  	[spmem:s3] =	stream.indirect.scatter.add.f32 [tilespmem:s20], [sflag:$0x5], $0x10, s15, s16, $0xb8;
	[tilespmem:$0xDA10] =	vst v63  }
0x89: {  	_ =	swait.ge [sflag:s11], $0x500  }
0x8a: {  	[sflag:s11] =	ssyncset.done $0x0  }
0x8b: {  	s19 =	sadd.s32 $0x1E0, s1;
	[sflag:s11] =	ssyncadd.s32 $0xFFFFFB00  }
0x8c: {  	[tilespmem:s20], [sflag:$0x3] =	stream.indirect.gather [spmem:s2], $0x10, s19, s16, $0xb8;
	[tilespmem:$0xDA10] =	vst v63  }
0x8d: {  	_ =	swait.ge [sflag:s25], $0x500  }
0x8e: {  	[sflag:s25] =	ssyncset.done $0x0  }
0x8f: {  	s26 =	sadd.s32 $0x28F0, s1;
	[sflag:s25] =	ssyncadd.s32 $0xFFFFFB00  }
0x90: {  	[spmem:s3] =	stream.indirect.scatter.add.f32 [tilespmem:s21], [sflag:$0x5], $0x10, s26, s16, $0xb8;
	[tilespmem:$0xDA10] =	vst v63  }
0x91: {  	_ =	swait.ge [sflag:s11], $0x500  }
0x92: {  	[sflag:s11] =	ssyncset.done $0x0  }
0x93: {  	s15 =	sadd.s32 $0x230, s1;
	[sflag:s11] =	ssyncadd.s32 $0xFFFFFB00  }
0x94: {  	[tilespmem:s21], [sflag:$0x4] =	stream.indirect.gather [spmem:s2], $0x10, s15, s16, $0xb8;
	[tilespmem:$0xDA10] =	vst v63  }
0x95: {  	s19 =	simm.s32 $0x27B0  }
0x96: {  	[tilespmem:s21], [sflag:$0x4] =	stream.indirect.gather [spmem:s2], $0x10, s19, s16, $0xb8;
	[tilespmem:$0xDA10] =	vst v63  }
0x97: {  	_ =	swait.ge [sflag:s22], $0x500  }
0x98: {  	[sflag:s22] =	ssyncset.done $0x0  }
0x99: {  	[sflag:s22] =	ssyncadd.s32 $0xFFFFFB00  }
0x9a: {  	[spmem:s3] =	stream.indirect.scatter.add.f32 [tilespmem:s17], [sflag:$0x5], $0x10, s28, s16, $0xb8;
	[tilespmem:$0xDA10] =	vst v63  }
0x9b: {  	_ =	swait.ge [sflag:s11], $0x500  }
0x9c: {  	[sflag:s11] =	ssyncset.done $0x0  }
0x9d: {  	[sflag:s11] =	ssyncadd.s32 $0xFFFFFB00  }
0x9e: {  	_ =	swait.ge [sflag:s23], $0x500  }
0x9f: {  	[sflag:s23] =	ssyncset.done $0x0  }
0xa0: {  	[sflag:s23] =	ssyncadd.s32 $0xFFFFFB00  }
0xa1: {  	[spmem:s3] =	stream.indirect.scatter.add.f32 [tilespmem:s18], [sflag:$0x5], $0x10, s29, s16, $0xb8;
	[tilespmem:$0xDA10] =	vst v63  }
0xa2: {  	_ =	swait.ge [sflag:s11], $0x500  }
0xa3: {  	[sflag:s11] =	ssyncset.done $0x0  }
0xa4: {  	[sflag:s11] =	ssyncadd.s32 $0xFFFFFB00  }
0xa5: {  	_ =	swait.ge [sflag:s24], $0x500  }
0xa6: {  	[sflag:s24] =	ssyncset.done $0x0  }
0xa7: {  	[sflag:s24] =	ssyncadd.s32 $0xFFFFFB00  }
0xa8: {  	[spmem:s3] =	stream.indirect.scatter.add.f32 [tilespmem:s20], [sflag:$0x5], $0x10, s30, s16, $0xb8;
	[tilespmem:$0xDA10] =	vst v63  }
0xa9: {  	_ =	swait.ge [sflag:s11], $0x500  }
0xaa: {  	[sflag:s11] =	ssyncset.done $0x0  }
0xab: {  	[sflag:s11] =	ssyncadd.s32 $0xFFFFFB00  }
0xac: {  	_ =	swait.ge [sflag:s25], $0x500  }
0xad: {  	[sflag:s25] =	ssyncset.done $0x0  }
0xae: {  	[sflag:s25] =	ssyncadd.s32 $0xFFFFFB00  }
0xaf: {  	[spmem:s3] =	stream.indirect.scatter.add.f32 [tilespmem:s21], [sflag:$0x5], $0x10, s31, s16, $0xb8;
	[tilespmem:$0xDA10] =	vst v63  }
0xb0: {  	_ =	swait.ge [sflag:s11], $0x500  }
0xb1: {  	s0 =	sadd.s32 $0x1, s0;
	[sflag:s11] =	ssyncset.done $0x0  }
0xb2: {  	p0 =	sne.s32 s0, s10;
	[sflag:s11] =	ssyncadd.s32 $0xFFFFFB00  }
.Ltmp2:
0xb3: {  	s26 =	sshrl.u32 s8, $0x3;
	[bflag:$0x0] =	sbarrier.arrive $0xFFFF;
	(pc) =	sbr.rel @p0 .LBB2_1-.Ltmp2, $4  }
0xb4: {  	[hbm:s9], [sflag:s13] =	dma.local [spmem:s26], $0x4F0  }
0xb5: {  	_ =	swait.ge [sflag:s11], $0x4F0  }
0xb6: {  	[sflag:s11] =	ssyncset.done $0x0  }
0xb7: {  	[sflag:s11] =	ssyncadd.s32 $0xFFFFFB10  }
0xb8: {  	_ =	sfence.sel $0x180000  }
0xb9: {  	[bflag:$0x0] =	sbarrier.arrive $0xFFFF  }
0xba: {  	_ =	strace $0x90000053  }
0xbb: {  	s0 =	stileid.u32;
	[bflag:$0x2] =	sbarrier.arrive $0xFFFF  }
0xbc: {  	p0 =	sne.s32 s0, $0x0;
	s0 =	rddreg [dreg:$0x3]  }
0xbd: {  	s0 =	sadd.s32 @!p0 $0x100000, s0  }
0xbe: {  	[sflag:s0] =	ssyncadd.tile.s32 @!p0 $0x1;
	_ =	shalt  }
.Lfunc_end2:
_tile_overlayer_lowered:
.L_overlay_start_2:
0xbf: {  	(tag) =	ssettag $0x2  }
0xc0: {  	s0 =	rddreg [dreg:$0x0];
	s2 =	stileid.u32  }
0xc1: {  	s1 =	rddreg [dreg:$0x1];
	p0 =	sne.s32 s2, $0x0  }
0xc2: {  	s3 =	rddreg [dreg:$0x2];
	[bflag:$0x3] =	sbarrier.arrive $0xFFFF;
	s2 =	simm.s32 @!p0 $0x1C05  }
0xc3: {  	[timem:s3], [sflag:s2] =	dma.local @!p0 [hbm:s0], s1  }
0xc4: {  	s0 =	simm.s32 @!p0 $0x5  }
0xc5: {  	_ =	swait.ge @!p0 [sflag:s0], s1  }
0xc6: {  	s1 =	ssub.s32 @!p0 $0x0, s1;
	[sflag:s0] =	ssyncset.done @!p0 $0x0  }
0xc7: {  	[sflag:s0] =	ssyncadd.s32 @!p0 s1  }
0xc8: {  	[bflag:$0x3] =	sbarrier.arrive $0xFFFF  }
0xc9: {  	_ =	shalt  }

// kernel: kernel.31.cloned.1.call-start
scs
__scs_entry_jumppad:
0x0: {  	(pc) =	sbr.rel $0x88, $3  }
0x1: {  	(tag) =	ssettag $0x0;
	lr =	simm.s32 $0x1  }
0x2: {  	[smem:$0x3F8E] =	sst lr;
	_ =	strace $0xD0000000  }
0x3: {  	_ = 	snop  }
0x4: {  	_ = 	snop  }
0x5: {  	_ = 	snop  }
0x6: {  	_ = 	snop  }
0x7: {  	_ = 	snop  }
__scs_overlays_trampoline_lowered:
0x8: {  	[smem:$0x3F9D] =	sst s0  }
0x9: {  	[smem:$0x3F9E] =	sst s1  }
0xa: {  	[smem:$0x3F9F] =	sst s2  }
0xb: {  	[smem:$0x3FA0] =	sst s3  }
0xc: {  	[smem:$0x3FA1] =	sst s4  }
0xd: {  	[smem:$0x3FA2] =	sst s5  }
0xe: {  	[smem:$0x3FA3] =	sst s6  }
0xf: {  	[smem:$0x3FA4] =	sst s7  }
0x10: {  	[smem:$0x3FA5] =	sst s8  }
0x11: {  	[smem:$0x3FA6] =	sst s9;
	s0 =	simm.s32 @!p0 $0x0  }
0x12: {  	s1 =	sld [smem:$0x3F8C];
	s0 =	simm.s32 @p0 $0x1  }
0x13: {  	[smem:$0x3FA7] =	sst s0;
	s0 =	simm.s32 @!p1 $0x0  }
0x14: {  	s2 =	sld [smem:$0x3F8B];
	s0 =	simm.s32 @p1 $0x1  }
0x15: {  	[smem:$0x3FA8] =	sst s0;
	s0 =	simm.s32 @!p2 $0x0  }
0x16: {  	s3 =	sld [smem:$0x3FDB];
	s0 =	simm.s32 @p2 $0x1  }
0x17: {  	s4 =	simm.s32 $0x1BF5;
	[smem:$0x3FAA] =	sst s0  }
0x18: {  	s0 =	sld [smem:$0x3F8D];
	_ =	swait.ge [sflag:s4], $0x0  }
0x19: {  	s7 =	sld [smem:$0x3F8E]  }
0x1a: {  	s8 =	sadd.s32 $0xFFFFE003, lr  }
0x1b: {  	s9 =	sadd.s32 $0xFFFFFEF7, lr;
	s5 =	simm.s32 $0xFFFFFFFF;
	p2 =	slt.u32 s8, $0xFFFFF086  }
0x1c: {  	p1 =	slt.u32 s9, $0xF7A;
	s5 =	simm.s32 @!p2 $0x0  }
0x1d: {  	s5 =	simm.s32 @p1 $0x1;
	p0 =	seq.s32 s7, s2  }
0x1e: {  	s7 =	smul.u32 @!p0 $0xF7A, s2;
	p2 =	seq.s32 @!p0 s5, $0x0  }
0x1f: {  	s9 =	smul.u32 $0xF7A, s1;
	s8 =	simm.s32 @!p0 $0x1BF5;
	p2 =	por !p2, p0  }
0x20: {  	[sflag:s8] =	ssyncset.s32 @!p0 $0xFFFFF086;
	s6 =	sadd.s32 @!p0 s3, s7;
	s7 =	simm.s32 @!p0 $0x108  }
0x21: {  	s3 =	sadd.s32 s3, s9;
	s6 =	sadd.s32 @!p0 $0x88, s6;
	s7 =	simm.s32 @p2 $0x1082  }
0x22: {  	[simem:s7], [sflag:s8] =	dma.local @!p0 [hbm:s6], $0xF7A  }
0x23: {  	s9 =	sor.u32 $0xD0000000, s2;
	s6 =	simm.s32 $0x108;
	_ =	swait.ge @!p0 [sflag:s8], $0x0  }
0x24: {  	s3 =	sadd.s32 $0x88, s3;
	s6 =	simm.s32 @!p1 $0x1082;
	[sflag:s4] =	ssyncset.s32 $0xFFFFF086  }
0x25: {  	[simem:s6], [sflag:s4] =	dma.local [hbm:s3], $0xF7A  }
0x26: {  	[smem:$0x3F8E] =	sst s1;
	(tag) =	ssettag s2;
	_ =	strace s9  }
0x27: {  	s1 =	sld [smem:$0x3F9E]  }
0x28: {  	s2 =	sld [smem:$0x3F9F]  }
0x29: {  	s4 =	sld [smem:$0x3FA1]  }
0x2a: {  	p0 =	seq.s32 s5, $0x0;
	s5 =	sld [smem:$0x3FA2]  }
0x2b: {  	s6 =	sld [smem:$0x3FA3]  }
0x2c: {  	s7 =	sld [smem:$0x3FA4]  }
0x2d: {  	s3 =	simm.s32 $0x108;
	s8 =	sld [smem:$0x3FA5]  }
0x2e: {  	s3 =	simm.s32 @!p0 $0x1082;
	s9 =	sld [smem:$0x3FA6]  }
0x2f: {  	lr =	sadd.s32 s0, s3;
	s0 =	sld [smem:$0x3F9D]  }
0x30: {  	s3 =	sld [smem:$0x3FA0]  }
0x31: {  	[smem:$0x3FA9] =	sst s10  }
0x32: {  	s10 =	sld [smem:$0x3FA7];
	_ =	sdelay $0x3  }
0x33: {  	p0 =	seq.s32 s10, $0x1;
	s10 =	sld [smem:$0x3FA9];
	_ =	sdelay $0x3  }
0x34: {  	[smem:$0x3FA9] =	sst s10  }
0x35: {  	s10 =	sld [smem:$0x3FA8];
	_ =	sdelay $0x3  }
0x36: {  	p1 =	seq.s32 s10, $0x1;
	s10 =	sld [smem:$0x3FA9];
	_ =	sdelay $0x3  }
0x37: {  	[smem:$0x3FA9] =	sst s10  }
0x38: {  	s10 =	sld [smem:$0x3FAA]  }
0x39: {  	_ = 	snop;
	(pc) =	sbr.ind lr, $3  }
0x3a: {  	_ = 	snop  }
0x3b: {  	_ = 	snop  }
0x3c: {  	p2 =	seq.s32 s10, $0x1;
	s10 =	sld [smem:$0x3FA9]  }
0x3d: {  	_ =	shalt  }
0x3e: {  	_ =	shalt  }
0x3f: {  	_ =	shalt  }
0x40: {  	_ =	shalt  }
0x41: {  	_ =	shalt  }
0x42: {  	_ =	shalt  }
0x43: {  	_ =	shalt  }
0x44: {  	_ =	shalt  }
0x45: {  	_ =	shalt  }
0x46: {  	_ =	shalt  }
0x47: {  	_ =	shalt  }
0x48: {  	_ =	shalt  }
0x49: {  	_ =	shalt  }
0x4a: {  	_ =	shalt  }
0x4b: {  	_ =	shalt  }
0x4c: {  	_ =	shalt  }
0x4d: {  	_ =	shalt  }
0x4e: {  	_ =	shalt  }
0x4f: {  	_ =	shalt  }
0x50: {  	_ =	shalt  }
0x51: {  	_ =	shalt  }
0x52: {  	_ =	shalt  }
0x53: {  	_ =	shalt  }
0x54: {  	_ =	shalt  }
0x55: {  	_ =	shalt  }
0x56: {  	_ =	shalt  }
0x57: {  	_ =	shalt  }
0x58: {  	_ =	shalt  }
0x59: {  	_ =	shalt  }
0x5a: {  	_ =	shalt  }
0x5b: {  	_ =	shalt  }
0x5c: {  	_ =	shalt  }
0x5d: {  	_ =	shalt  }
0x5e: {  	_ =	shalt  }
0x5f: {  	_ =	shalt  }
0x60: {  	_ =	shalt  }
0x61: {  	_ =	shalt  }
0x62: {  	_ =	shalt  }
0x63: {  	_ =	shalt  }
0x64: {  	_ =	shalt  }
0x65: {  	_ =	shalt  }
0x66: {  	_ =	shalt  }
0x67: {  	_ =	shalt  }
0x68: {  	_ =	shalt  }
0x69: {  	_ =	shalt  }
0x6a: {  	_ =	shalt  }
0x6b: {  	_ =	shalt  }
0x6c: {  	_ =	shalt  }
0x6d: {  	_ =	shalt  }
0x6e: {  	_ =	shalt  }
0x6f: {  	_ =	shalt  }
0x70: {  	_ =	shalt  }
0x71: {  	_ =	shalt  }
0x72: {  	_ =	shalt  }
0x73: {  	_ =	shalt  }
0x74: {  	_ =	shalt  }
0x75: {  	_ =	shalt  }
0x76: {  	_ =	shalt  }
0x77: {  	_ =	shalt  }
0x78: {  	_ =	shalt  }
0x79: {  	_ =	shalt  }
0x7a: {  	_ =	shalt  }
0x7b: {  	_ =	shalt  }
0x7c: {  	_ =	shalt  }
0x7d: {  	_ =	shalt  }
0x7e: {  	_ =	shalt  }
0x7f: {  	_ =	shalt  }
0x80: {  	_ =	shalt  }
0x81: {  	_ =	shalt  }
0x82: {  	_ =	shalt  }
0x83: {  	_ =	shalt  }
0x84: {  	_ =	shalt  }
0x85: {  	_ =	shalt  }
0x86: {  	_ =	shalt  }
0x87: {  	_ =	shalt  }
.Lfunc_end0:
.L_simem_size_0:
called_computation.5_lowered:
.L_overlay_start_0:
0x88: {  	s2 =	sld [smem:$0x3FD9]  }
0x89: {  	s3 =	sld [smem:$0x3FFE];
	_ =	sdelay $0x1  }
0x8a: {  	s1 =	srdreg.scid  }
0x8b: {  	s0 =	sand.u32 $0x1, s1  }
0x8c: {  	s16 =	sshll.u32 s0, $0xA;
	s2 =	sadd.s32 s3, s2  }
0x8d: {  	s2 =	sadd.s32 s2, s16  }
0x8e: {  	[smem:$0x3FB5] =	sst s2  }
0x8f: {  	_ = 	snop  }
0x90: {  	(tm) =	ssettm $0x1  }
0x91: {  	s17 =	sld [smem:$0x3FFB];
	_ =	sdelay $0x3  }
0x92: {  	_ =	strace s17  }
0x93: {  	s2 =	sld [smem:$0x3FFC];
	_ =	sdelay $0x3  }
0x94: {  	_ =	strace s2  }
0x95: {  	s2 =	sld [smem:$0x3FFD];
	_ =	sdelay $0x3  }
0x96: {  	_ =	strace s2  }
0x97: {  	_ =	strace $0x8FFFFFFF  }
0x98: {  	s18 =	sld [smem:$0x3FDB];
	_ =	sdelay $0x1  }
0x99: {  	s19 =	simm.s32 $_scs_section_size  }
0x9a: {  	s4 =	simm.s32 $_size__tile_overlayer_lowered;
	s5 =	simm.s32 $_tile_overlayer_lowered  }
0x9b: {  	s22 =	simm.s32 $0x1BFF;
	s21 =	sshll.u32 s5, $0x1;
	s2 =	sadd.s32 s19, s18  }
0x9c: {  	s6 =	simm.s32 $0x0;
	s20 =	sshll.u32 s4, $0x1;
	s4 =	sadd.s32 s21, s2  }
0x9d: {  	[timem:s6], [sflag:s22] =	dma.local [hbm:s4], s20  }
0x9e: {  	_ =	swait.ge [sflag:s22], s20  }
0x9f: {  	s3 =	ssub.s32 $0x0, s20;
	[sflag:s22] =	ssyncset.done $0x0  }
0xa0: {  	[sflag:s22] =	ssyncadd.s32 s3;
	_ =	sdelay $0x1  }
0xa1: {  	s23 =	simm.s32 $0x1B8B  }
0xa2: {  	_ =	swait.ge [sflag:s23], $0x1  }
0xa3: {  	[sflag:s23] =	ssyncset.done $0x0  }
0xa4: {  	s25 =	simm.s32 $0x1B8E;
	s24 =	sld [smem:$0x3FFE];
	[sflag:s23] =	ssyncadd.s32 $0xFFFFFFFF  }
0xa5: {  	s26 =	simm.s32 $execute0_lowered;
	[smem:$0x3FD2] =	sst s25  }
0xa6: {  	s4 =	sshll.u32 s26, $0x1;
	_ =	strace $0x80000055;
	[dreg:$0x1] =	wrdreg $0xFFFFFFFF  }
0xa7: {  	s28 =	simm.s32 $_size_execute0_lowered;
	s2 =	sadd.s32 s2, s4;
	[dreg:$0x0] =	wrdreg $0x0  }
0xa8: {  	s4 =	sshll.u32 s28, $0x1;
	[dreg:$0x2] =	wrdreg s2  }
0xa9: {  	[dreg:$0x3] =	wrdreg s4  }
0xaa: {  	[dreg:$0x4] =	wrdreg $0xC0  }
0xab: {  	_ =	task [dreg:s6], $0x5FFFF  }
0xac: {  	[dreg:$0x1] =	wrdreg $0xFFFFFFFF  }
0xad: {  	[dreg:$0x0] =	wrdreg $0x60  }
0xae: {  	[dreg:$0x2] =	wrdreg s24  }
0xaf: {  	[dreg:$0x3] =	wrdreg $0x9  }
0xb0: {  	_ =	task.clear_ibuf [dreg:s6], $0x4FFFF;
	_ =	strace $0x90000055  }
0xb1: {  	s29 =	simm.s32 $0x9;
	_ =	strace $0x80000057  }
0xb2: {  	_ =	swait.ge [sflag:s29], $0x1  }
0xb3: {  	[sflag:s29] =	ssyncadd.s32 $0xFFFFFFFF  }
0xb4: {  	_ =	strace $0x90000057  }
0xb5: {  	_ =	sfence  }
0xb6: {  	s30 =	sld [smem:$0x0];
	_ =	sdelay $0x2  }
0xb7: {  	s31 =	sshll.u32 s1, $0xD;
	s1 =	sshrl.u32 s1, $0x2  }
0xb8: {  	s3 =	sand.u32 $0x4000, s31;
	s1 =	sadd.s32 s1, s30  }
0xb9: {  	s0 =	sor.u32 s3, s0;
	s1 =	sshll.u32 s1, $0x11  }
0xba: {  	s0 =	sor.u32 s1, s0  }
0xbb: {  	s0 =	sadd.s32 $0x8F2B, s0  }
0xbc: {  	[sflag:s0] =	ssyncadd.remote.s32 $0x1  }
0xbd: {  	_ =	sfence.sel $0xFFFF  }
0xbe: {  	[dreg:$0x0] =	wrdreg $0xFFFFFFFF;
	(pc) =	sbr.abs _section_cstart, $3  }
0xbf: {  	[dreg:$0x1] =	wrdreg $0xFFFFFFFF  }
0xc0: {  	_ =	task.clear_ibuf [dreg:s6], $0x2FFFF;
	_ =	strace $0x9FFFFFFF  }
0xc1: {  	(tm) =	ssettm $0x7FFFFFFF  }
tec
execute0_lowered:
.L_overlay_start_1:
0x0: {  	(tag) =	ssettag $0x1  }
0x1: {  	s0 =	srdreg.scid;
	s5 =	rddreg [dreg:$0x0];
	s2 =	simm.s32 $0x0  }
0x2: {  	s12 =	simm.s32 $0xA140;
	s13 =	simm.s32 $0x1;
	s14 =	simm.s32 $0x140  }
0x3: {  	s15 =	simm.s32 $0x50;
	s16 =	simm.s32 $0x2940;
	s17 =	simm.s32 $0xA0  }
0x4: {  	s18 =	simm.s32 $0x5140;
	s19 =	simm.s32 $0xF0;
	s20 =	simm.s32 $0x7940  }
0x5: {  	s21 =	simm.s32 $0x0;
	s3 =	sand.u32 $0x1, s0;
	s0 =	stileid.u32  }
0x6: {  	[smem:$0x7FF] =	sst s2;
	s9 =	sadd.s32 $0x4E00, s5;
	s7 =	smul.u32 $0x1F4000, s3  }
0x7: {  	s1 =	sshll.u32 s3, $0x4;
	s8 =	smul.u32 $0x1F400, s0;
	s29 =	ssub.s32 $0x2, s3  }
0x8: {  	s11 =	smul.u32 $0x3E800, s3;
	s4 =	sor.u32 s0, s1;
	s1 =	rddreg [dreg:$0x1]  }
0x9: {  	_ =	strace $0x80000056;
	s10 =	sshrl.u32 s29, $0x1;
	s6 =	smul.u32 $0x1400, s4  }
0xa: {  	s4 =	smul.u32 $0x28, s4;
	s7 =	sadd.s32 s7, s8;
	s30 =	ssub.s32 s29, s10  }
0xb: {  	s31 =	sshrl.u32 s7, $0x3;
	s7 =	smax.u32 s30, $0x1;
	s6 =	sadd.s32 s6, s5  }
0xc: {  	s4 =	sadd.s32 s4, s5;
	s3 =	sadd.s32 $0xF0A00, s6;
	s6 =	sadd.s32 s9, s31  }
0xd: {  	s5 =	sadd.s32 s9, s11;
	s4 =	sadd.s32 $0x4800, s4;
	s8 =	sadd.s32 $0xC80, s6  }
0xe: {  	v0 =	vimm.f32 $0.0e+00;
	s9 =	sadd.s32 $0x1900, s6;
	s10 =	sadd.s32 $0x2580, s6;
	s11 =	sadd.s32 $0x3200, s6  }
.LBB2_1:
0xf: {  	s22 =	simm.s32 $0x70;
	s23 =	simm.s32 $0x3C0  }
.LBB2_2:
0x10: {  	p0 =	sne.s32 s23, $0x18FC0;
	[tilespmem:s22+$0xA140] =	vst v0  }
0x11: {  	[tilespmem:s22+$0xA0D0] =	vst v0  }
0x12: {  	[tilespmem:s22+$0xA0E0] =	vst v0  }
.Ltmp0:
0x13: {  	[tilespmem:s22+$0xA0F0] =	vst v0;
	(pc) =	sbr.rel @p0 .LBB2_2-.Ltmp0, $4  }
0x14: {  	[tilespmem:s22+$0xA100] =	vst v0  }
0x15: {  	[tilespmem:s22+$0xA110] =	vst v0  }
0x16: {  	[tilespmem:s22+$0xA120] =	vst v0  }
0x17: {  	[tilespmem:s22+$0xA130] =	vst v0;
	s22 =	sshra.s32 s23, $0x2;
	s23 =	sadd.s32 $0x200, s23  }
0x18: {  	[tilespmem:s22+$0xA140] =	vst v0  }
0x19: {  	[tilespmem:s22+$0xA0D0] =	vst v0  }
0x1a: {  	[tilespmem:s22+$0xA0E0] =	vst v0  }
0x1b: {  	[tilespmem:s22+$0xA0F0] =	vst v0  }
0x1c: {  	[tilespmem:s22+$0xA100] =	vst v0  }
0x1d: {  	[tilespmem:s22+$0xA110] =	vst v0  }
0x1e: {  	[tilespmem:s22+$0xA120] =	vst v0  }
0x1f: {  	[tilespmem:s22+$0xA130] =	vst v0  }
0x20: {  	[hbm4b:s6+s2] =	stream.linear.scatter [tilespmem:s12], [sflag:$0x1], $0x6400, $0x38;
	[tilespmem:$0x10540] =	vst v63  }
0x21: {  	_ =	swait.ge [sflag:s13], $0x6400  }
0x22: {  	[sflag:s13] =	ssyncset.done $0x0  }
0x23: {  	[sflag:s13] =	ssyncadd.s32 $0xFFFF9C00  }
0x24: {  	[hbm4b:s8+s2] =	stream.linear.scatter [tilespmem:s12], [sflag:$0x1], $0x6400, $0x38;
	[tilespmem:$0x10540] =	vst v63  }
0x25: {  	_ =	swait.ge [sflag:s13], $0x6400  }
0x26: {  	[sflag:s13] =	ssyncset.done $0x0  }
0x27: {  	[sflag:s13] =	ssyncadd.s32 $0xFFFF9C00  }
0x28: {  	[hbm4b:s9+s2] =	stream.linear.scatter [tilespmem:s12], [sflag:$0x1], $0x6400, $0x38;
	[tilespmem:$0x10540] =	vst v63  }
0x29: {  	_ =	swait.ge [sflag:s13], $0x6400  }
0x2a: {  	[sflag:s13] =	ssyncset.done $0x0  }
0x2b: {  	[sflag:s13] =	ssyncadd.s32 $0xFFFF9C00  }
0x2c: {  	[hbm4b:s10+s2] =	stream.linear.scatter [tilespmem:s12], [sflag:$0x1], $0x6400, $0x38;
	[tilespmem:$0x10540] =	vst v63  }
0x2d: {  	_ =	swait.ge [sflag:s13], $0x6400  }
0x2e: {  	[sflag:s13] =	ssyncset.done $0x0  }
0x2f: {  	[sflag:s13] =	ssyncadd.s32 $0xFFFF9C00  }
0x30: {  	[hbm4b:s11+s2] =	stream.linear.scatter [tilespmem:s12], [sflag:$0x1], $0x6400, $0x38;
	[tilespmem:$0x10540] =	vst v63  }
0x31: {  	_ =	swait.ge [sflag:s13], $0x6400  }
0x32: {  	[sflag:s13] =	ssyncset.done $0x0  }
0x33: {  	[sflag:s13] =	ssyncadd.s32 $0xFFFF9C00  }
0x34: {  	[tilespmem:s14], [sflag:$0x1] =	stream.linear.gather [hbm4b:s3+s2], $0xA000, $0x38;
	[tilespmem:$0x10540] =	vst v63  }
0x35: {  	_ =	swait.ge [sflag:s13], $0xA000  }
0x36: {  	[sflag:s13] =	ssyncset.done $0x0  }
0x37: {  	[sflag:s13] =	ssyncadd.s32 $0xFFFF6000  }
0x38: {  	[tilespmem:s2], [sflag:$0x1] =	stream.linear.gather [hbm4b:s4+s2], $0x140, $0x38;
	[tilespmem:$0x10540] =	vst v63  }
0x39: {  	_ =	swait.ge [sflag:s13], $0x140  }
0x3a: {  	[sflag:s13] =	ssyncset.done $0x0  }
0x3b: {  	[sflag:s13] =	ssyncadd.s32 $0xFFFFFEC0  }
0x3c: {  	[bflag:$0x0] =	sbarrier.arrive $0xFFFF  }
0x3d: {  	[hbm4b:s5+s15] =	stream.indirect.scatter [tilespmem:s14], [sflag:$0x1], $0x80, s2, s15, $0xb8;
	[tilespmem:$0x10540] =	vst v63  }
0x3e: {  	_ =	swait.ge [sflag:s13], $0x2800  }
0x3f: {  	[sflag:s13] =	ssyncset.done $0x0  }
0x40: {  	[sflag:s13] =	ssyncadd.s32 $0xFFFFD800  }
0x41: {  	[hbm4b:s5+s15] =	stream.indirect.scatter [tilespmem:s16], [sflag:$0x1], $0x80, s15, s15, $0xb8;
	[tilespmem:$0x10540] =	vst v63  }
0x42: {  	_ =	swait.ge [sflag:s13], $0x2800  }
0x43: {  	[sflag:s13] =	ssyncset.done $0x0  }
0x44: {  	[sflag:s13] =	ssyncadd.s32 $0xFFFFD800  }
0x45: {  	[hbm4b:s5+s15] =	stream.indirect.scatter [tilespmem:s18], [sflag:$0x1], $0x80, s17, s15, $0xb8;
	[tilespmem:$0x10540] =	vst v63  }
0x46: {  	s21 =	sadd.s32 $0x1, s21;
	_ =	swait.ge [sflag:s13], $0x2800  }
0x47: {  	p0 =	sne.s32 s21, s7;
	[sflag:s13] =	ssyncset.done $0x0  }
.Ltmp1:
0x48: {  	[sflag:s13] =	ssyncadd.s32 $0xFFFFD800;
	(pc) =	sbr.rel @p0 .LBB2_1-.Ltmp1, $4  }
0x49: {  	[hbm4b:s5+s15] =	stream.indirect.scatter [tilespmem:s20], [sflag:$0x1], $0x80, s19, s15, $0xb8;
	[tilespmem:$0x10540] =	vst v63  }
0x4a: {  	_ =	swait.ge [sflag:s13], $0x2800  }
0x4b: {  	[sflag:s13] =	ssyncset.done $0x0  }
0x4c: {  	[sflag:s13] =	ssyncadd.s32 $0xFFFFD800  }
0x4d: {  	_ =	sfence.sel $0x180000  }
0x4e: {  	[bflag:$0x0] =	sbarrier.arrive $0xFFFF  }
0x4f: {  	p0 =	sne.s32 s0, $0x0;
	_ =	strace $0x90000056  }
0x50: {  	s0 =	sadd.s32 @!p0 $0x100000, s1;
	[bflag:$0x2] =	sbarrier.arrive $0xFFFF  }
0x51: {  	[sflag:s0] =	ssyncadd.tile.s32 @!p0 $0x1;
	_ =	shalt  }
.Lfunc_end2:
_tile_overlayer_lowered:
.L_overlay_start_2:
0x52: {  	(tag) =	ssettag $0x2  }
0x53: {  	s0 =	rddreg [dreg:$0x0];
	s2 =	stileid.u32  }
0x54: {  	s1 =	rddreg [dreg:$0x1];
	p0 =	sne.s32 s2, $0x0  }
0x55: {  	s3 =	rddreg [dreg:$0x2];
	[bflag:$0x3] =	sbarrier.arrive $0xFFFF;
	s2 =	simm.s32 @!p0 $0x1C01  }
0x56: {  	[timem:s3], [sflag:s2] =	dma.local @!p0 [hbm:s0], s1  }
0x57: {  	s0 =	simm.s32 @!p0 $0x1  }
0x58: {  	_ =	swait.ge @!p0 [sflag:s0], s1  }
0x59: {  	s1 =	ssub.s32 @!p0 $0x0, s1;
	[sflag:s0] =	ssyncset.done @!p0 $0x0  }
0x5a: {  	[sflag:s0] =	ssyncadd.s32 @!p0 s1  }
0x5b: {  	[bflag:$0x3] =	sbarrier.arrive $0xFFFF  }
0x5c: {  	_ =	shalt  }

</sc_bundles>
